<compile_context>
chip_gen: v7x
topology: tpu7x:2x2x1
jax: 0.10.2.dev20260603
libtpu: 0.0.44.dev20260713+nightly
codegen_flags: <defaults>
</compile_context>

<pallas_src>
import functools
import math

import jax
import jax.numpy as jnp
from jax import lax
from jax.experimental import pallas as pl
from jax.experimental.pallas import tpu as pltpu
from jax.experimental.pallas import tpu_sc as plsc

D_MODEL = 128
BATCH = 4096
SEQ = 50
COEFF = math.sqrt(float(D_MODEL))

NUM_CORES = 2
NUM_SUBCORES = 16
NW = NUM_CORES * NUM_SUBCORES
BPW = BATCH // NW
EPC = 2
ROWS = EPC * SEQ
NCHUNK = BPW // EPC
NBUF = 8
K = 6

@functools.lru_cache
def _make_emb_lookup():
    mesh = plsc.VectorSubcoreMesh(core_axis_name="c", subcore_axis_name="s")
    return functools.partial(
        pl.kernel,
        mesh=mesh,
        out_type=jax.ShapeDtypeStruct((BATCH, SEQ, D_MODEL), jnp.float32),
        scratch_types=(
            [pltpu.VMEM((NCHUNK, ROWS), jnp.int32)]
            + [pltpu.VMEM((ROWS, D_MODEL), jnp.float32)] * NBUF
            + [pltpu.SemaphoreType.DMA] * (2 * NBUF)
        ),
    )(_emb_lookup_body)


def _emb_lookup_body(idx_hbm, table_hbm, out_hbm, idx_v, *rest):
    bufs = rest[:NBUF]
    gsems = rest[NBUF:2 * NBUF]
    ssems = rest[2 * NBUF:]

    cid = lax.axis_index("c")
    sid = lax.axis_index("s")
    wid = sid * NUM_CORES + cid
    base = wid * BPW

    pltpu.sync_copy(idx_hbm.at[wid], idx_v)

    def gather_start(g, b):
        pltpu.make_async_copy(
            table_hbm.at[idx_v.at[g]], bufs[b], gsems[b]).start()

    def gather_wait(b):
        pltpu.make_async_copy(
            table_hbm.at[idx_v.at[0]], bufs[b], gsems[b]).wait()

    def store_start(g, b):
        for h in range(EPC):
            pltpu.make_async_copy(
                bufs[b].at[pl.ds(h * SEQ, SEQ)],
                out_hbm.at[base + g * EPC + h], ssems[b]).start()

    def store_wait(b):
        for h in range(EPC):
            pltpu.make_async_copy(
                bufs[b].at[pl.ds(h * SEQ, SEQ)],
                out_hbm.at[base], ssems[b]).wait()

    def scale(buf):
        @plsc.parallel_loop(0, ROWS, step=2, unroll=2)
        def _rows(r):
            for rr in range(2):
                for c in range(D_MODEL // 16):
                    sl = pl.ds(c * 16, 16)
                    buf[r + rr, sl] = buf[r + rr, sl] * COEFF

    for c in range(K):
        gather_start(c, c)

    def outer(gg, carry):
        for b in range(NBUF):
            g = gg * NBUF + b
            tb = (b + K) % NBUF

            @pl.when(g >= NBUF - K)
            def _():
                store_wait(tb)

            @pl.when(g + K < NCHUNK)
            def _():
                gather_start(g + K, tb)

            gather_wait(b)
            scale(bufs[b])
            store_start(g, b)
        return carry

    lax.fori_loop(0, NCHUNK // NBUF, outer, 0)
    for c in range(NCHUNK - NBUF + K, NCHUNK):
        store_wait(c % NBUF)


def kernel(x, table):
    idx = x.reshape(NW, NCHUNK, ROWS).astype(jnp.int32)
    return _make_emb_lookup()(idx, table.astype(jnp.float32))

# --- scband reference (transcript-rebuilt; emitter-appended) ---
"""Pipeline reference for scband-embeddings-16484084483406 (READ-ONLY COPY).

The authoritative reference and input builder live on the scoring server;
editing this copy changes nothing except your own understanding.
"""

import jax, jax.numpy as jnp
import numpy as np
import math

VOCAB_SIZE = 100000
D_MODEL = 128
BATCH = 4096
SEQ = 50

def setup_inputs(seed: int = 0) -> dict:
    key = jax.random.key(seed)
    k1, k2 = jax.random.split(key)
    x = jax.random.randint(k1, (BATCH, SEQ), 0, VOCAB_SIZE, dtype=jnp.int64 if jax.config.jax_enable_x64 else jnp.int32)
    table = jax.random.normal(k2, (VOCAB_SIZE, D_MODEL), dtype=jnp.float32)
    return {"x": x, "table": table}

def reference(x, table):
    coeff = math.sqrt(D_MODEL)
    emb = jnp.take(table, x, axis=0)
    return emb * coeff

if __name__ == "__main__":
    import jax
    _d = setup_inputs()
    print(jax.jit(kernel)(*tuple(_d.values())))

</pallas_src>

<mosaic_0001>
#map = affine_map<(d0, d1) -> (0, 0, 0)>
#map1 = affine_map<(d0, d1) -> (0, 0)>
module attributes {stable_mosaic.version = 14 : i64} {
  func.func @_emb_lookup_body(%arg0: i32, %arg1: i32, %arg2: memref<32x64x100xi32, #tpu.memory_space<hbm>>, %arg3: memref<100000x128xf32, #tpu.memory_space<hbm>>, %arg4: memref<4096x50x128xf32, #tpu.memory_space<hbm>>, %arg5: memref<64x100xi32, #tpu.memory_space<vmem>>, %arg6: memref<100x128xf32, #tpu.memory_space<vmem>>, %arg7: memref<100x128xf32, #tpu.memory_space<vmem>>, %arg8: memref<100x128xf32, #tpu.memory_space<vmem>>, %arg9: memref<100x128xf32, #tpu.memory_space<vmem>>, %arg10: memref<100x128xf32, #tpu.memory_space<vmem>>, %arg11: memref<100x128xf32, #tpu.memory_space<vmem>>, %arg12: memref<100x128xf32, #tpu.memory_space<vmem>>, %arg13: memref<100x128xf32, #tpu.memory_space<vmem>>, %arg14: memref<!tpu.dma_semaphore, #tpu.memory_space<semaphore_mem>>, %arg15: memref<!tpu.dma_semaphore, #tpu.memory_space<semaphore_mem>>, %arg16: memref<!tpu.dma_semaphore, #tpu.memory_space<semaphore_mem>>, %arg17: memref<!tpu.dma_semaphore, #tpu.memory_space<semaphore_mem>>, %arg18: memref<!tpu.dma_semaphore, #tpu.memory_space<semaphore_mem>>, %arg19: memref<!tpu.dma_semaphore, #tpu.memory_space<semaphore_mem>>, %arg20: memref<!tpu.dma_semaphore, #tpu.memory_space<semaphore_mem>>, %arg21: memref<!tpu.dma_semaphore, #tpu.memory_space<semaphore_mem>>, %arg22: memref<!tpu.dma_semaphore, #tpu.memory_space<semaphore_mem>>, %arg23: memref<!tpu.dma_semaphore, #tpu.memory_space<semaphore_mem>>, %arg24: memref<!tpu.dma_semaphore, #tpu.memory_space<semaphore_mem>>, %arg25: memref<!tpu.dma_semaphore, #tpu.memory_space<semaphore_mem>>, %arg26: memref<!tpu.dma_semaphore, #tpu.memory_space<semaphore_mem>>, %arg27: memref<!tpu.dma_semaphore, #tpu.memory_space<semaphore_mem>>, %arg28: memref<!tpu.dma_semaphore, #tpu.memory_space<semaphore_mem>>, %arg29: memref<!tpu.dma_semaphore, #tpu.memory_space<semaphore_mem>>) attributes {dimension_semantics = [#tpu.dimension_semantics<core_parallel>, #tpu.dimension_semantics<subcore_parallel>], iteration_bounds = array<i64: 2, 16>, scalar_prefetch = 0 : i64, scratch_operands = 25 : i64, tpu.core_type = #tpu.core_type<sc_vector_subcore>, window_params = [{transform_indices = #map}, {transform_indices = #map1}, {transform_indices = #map}]} {
    %mul3A = arith.constant 2 : i32
    %mul3A_0 = arith.muli %arg1, %mul3A : i32
    %add3A = arith.addi %mul3A_0, %arg0 : i32
    %mul3A_1 = arith.constant 128 : i32
    %mul3A_2 = arith.muli %add3A, %mul3A_1 : i32
    "tpu.region"() ({
      %run_scoped3A = tpu.sem_alloc : memref<!tpu.dma_semaphore, #tpu.memory_space<semaphore_mem>>
      %dma_start3A_104 = arith.constant 0 : i32
      %dma_start3A_105 = arith.constant 0 : i32
      %dma_start3A_106 = tpu.memref_slice %arg2[%add3A, %dma_start3A_104, %dma_start3A_105] : memref<32x64x100xi32, #tpu.memory_space<hbm>> -> memref<1x64x100xi32, #tpu.memory_space<hbm>>
      %dma_start3A_107 = tpu.memref_squeeze %dma_start3A_106 : memref<1x64x100xi32, #tpu.memory_space<hbm>> -> memref<64x100xi32, #tpu.memory_space<hbm>>
      %dma_start3A_108 = arith.constant 0 : i32
      %dma_start3A_109 = arith.constant 0 : i32
      %dma_start3A_110 = tpu.memref_slice %arg2[%add3A, %dma_start3A_108, %dma_start3A_109] : memref<32x64x100xi32, #tpu.memory_space<hbm>> -> memref<1x64x100xi32, #tpu.memory_space<hbm>>
      %dma_start3A_111 = tpu.memref_squeeze %dma_start3A_110 : memref<1x64x100xi32, #tpu.memory_space<hbm>> -> memref<64x100xi32, #tpu.memory_space<hbm>>
      tpu.enqueue_dma source(%dma_start3A_111 : memref<64x100xi32, #tpu.memory_space<hbm>>) target(%arg5 : memref<64x100xi32, #tpu.memory_space<vmem>>) target_semaphore(%run_scoped3A : memref<!tpu.dma_semaphore, #tpu.memory_space<semaphore_mem>>)
      %dma_wait3A_112 = arith.constant 0 : i32
      %dma_wait3A_113 = arith.constant 0 : i32
      %dma_wait3A_114 = tpu.memref_slice %arg2[%add3A, %dma_wait3A_112, %dma_wait3A_113] : memref<32x64x100xi32, #tpu.memory_space<hbm>> -> memref<1x64x100xi32, #tpu.memory_space<hbm>>
      %dma_wait3A_115 = tpu.memref_squeeze %dma_wait3A_114 : memref<1x64x100xi32, #tpu.memory_space<hbm>> -> memref<64x100xi32, #tpu.memory_space<hbm>>
      %dma_wait3A_116 = arith.constant 0 : i32
      %dma_wait3A_117 = arith.constant 0 : i32
      %dma_wait3A_118 = tpu.memref_slice %arg2[%add3A, %dma_wait3A_116, %dma_wait3A_117] : memref<32x64x100xi32, #tpu.memory_space<hbm>> -> memref<1x64x100xi32, #tpu.memory_space<hbm>>
      %dma_wait3A_119 = tpu.memref_squeeze %dma_wait3A_118 : memref<1x64x100xi32, #tpu.memory_space<hbm>> -> memref<64x100xi32, #tpu.memory_space<hbm>>
      tpu.wait_dma2 semaphore(%run_scoped3A : memref<!tpu.dma_semaphore, #tpu.memory_space<semaphore_mem>>) src(%dma_wait3A_119 : memref<64x100xi32, #tpu.memory_space<hbm>>) dst(%arg5 : memref<64x100xi32, #tpu.memory_space<vmem>>)
      tpu.yield
    }) : () -> ()
    %dma_start3A = arith.constant 0 : i32
    %dma_start3A_3 = arith.constant 0 : i32
    %dma_start3A_4 = tpu.memref_slice %arg5[%dma_start3A, %dma_start3A_3] : memref<64x100xi32, #tpu.memory_space<vmem>> -> memref<1x100xi32, #tpu.memory_space<vmem>>
    %dma_start3A_5 = tpu.memref_squeeze %dma_start3A_4 : memref<1x100xi32, #tpu.memory_space<vmem>> -> memref<100xi32, #tpu.memory_space<vmem>>
    %dma_start3A_6 = arith.constant 0 : i32
    %dma_start3A_7 = arith.constant 0 : i32
    %dma_start3A_8 = tpu.memref_slice %arg3[%dma_start3A_6, %dma_start3A_7] : memref<100000x128xf32, #tpu.memory_space<hbm>> -> memref<100000x128xf32, #tpu.memory_space<hbm>>
    tpu.enqueue_indirect_dma source(%dma_start3A_8 : memref<100000x128xf32, #tpu.memory_space<hbm>>) target(%arg6 : memref<100x128xf32, #tpu.memory_space<vmem>>) offsets(%dma_start3A_5 : memref<100xi32, #tpu.memory_space<vmem>>) semaphore(%arg14 : memref<!tpu.dma_semaphore, #tpu.memory_space<semaphore_mem>>)
    %dma_start3A_9 = arith.constant 1 : i32
    %dma_start3A_10 = arith.constant 0 : i32
    %dma_start3A_11 = tpu.memref_slice %arg5[%dma_start3A_9, %dma_start3A_10] : memref<64x100xi32, #tpu.memory_space<vmem>> -> memref<1x100xi32, #tpu.memory_space<vmem>>
    %dma_start3A_12 = tpu.memref_squeeze %dma_start3A_11 : memref<1x100xi32, #tpu.memory_space<vmem>> -> memref<100xi32, #tpu.memory_space<vmem>>
    %dma_start3A_13 = arith.constant 0 : i32
    %dma_start3A_14 = arith.constant 0 : i32
    %dma_start3A_15 = tpu.memref_slice %arg3[%dma_start3A_13, %dma_start3A_14] : memref<100000x128xf32, #tpu.memory_space<hbm>> -> memref<100000x128xf32, #tpu.memory_space<hbm>>
    tpu.enqueue_indirect_dma source(%dma_start3A_15 : memref<100000x128xf32, #tpu.memory_space<hbm>>) target(%arg7 : memref<100x128xf32, #tpu.memory_space<vmem>>) offsets(%dma_start3A_12 : memref<100xi32, #tpu.memory_space<vmem>>) semaphore(%arg15 : memref<!tpu.dma_semaphore, #tpu.memory_space<semaphore_mem>>)
    %dma_start3A_16 = arith.constant 2 : i32
    %dma_start3A_17 = arith.constant 0 : i32
    %dma_start3A_18 = tpu.memref_slice %arg5[%dma_start3A_16, %dma_start3A_17] : memref<64x100xi32, #tpu.memory_space<vmem>> -> memref<1x100xi32, #tpu.memory_space<vmem>>
    %dma_start3A_19 = tpu.memref_squeeze %dma_start3A_18 : memref<1x100xi32, #tpu.memory_space<vmem>> -> memref<100xi32, #tpu.memory_space<vmem>>
    %dma_start3A_20 = arith.constant 0 : i32
    %dma_start3A_21 = arith.constant 0 : i32
    %dma_start3A_22 = tpu.memref_slice %arg3[%dma_start3A_20, %dma_start3A_21] : memref<100000x128xf32, #tpu.memory_space<hbm>> -> memref<100000x128xf32, #tpu.memory_space<hbm>>
    tpu.enqueue_indirect_dma source(%dma_start3A_22 : memref<100000x128xf32, #tpu.memory_space<hbm>>) target(%arg8 : memref<100x128xf32, #tpu.memory_space<vmem>>) offsets(%dma_start3A_19 : memref<100xi32, #tpu.memory_space<vmem>>) semaphore(%arg16 : memref<!tpu.dma_semaphore, #tpu.memory_space<semaphore_mem>>)
    %dma_start3A_23 = arith.constant 3 : i32
    %dma_start3A_24 = arith.constant 0 : i32
    %dma_start3A_25 = tpu.memref_slice %arg5[%dma_start3A_23, %dma_start3A_24] : memref<64x100xi32, #tpu.memory_space<vmem>> -> memref<1x100xi32, #tpu.memory_space<vmem>>
    %dma_start3A_26 = tpu.memref_squeeze %dma_start3A_25 : memref<1x100xi32, #tpu.memory_space<vmem>> -> memref<100xi32, #tpu.memory_space<vmem>>
    %dma_start3A_27 = arith.constant 0 : i32
    %dma_start3A_28 = arith.constant 0 : i32
    %dma_start3A_29 = tpu.memref_slice %arg3[%dma_start3A_27, %dma_start3A_28] : memref<100000x128xf32, #tpu.memory_space<hbm>> -> memref<100000x128xf32, #tpu.memory_space<hbm>>
    tpu.enqueue_indirect_dma source(%dma_start3A_29 : memref<100000x128xf32, #tpu.memory_space<hbm>>) target(%arg9 : memref<100x128xf32, #tpu.memory_space<vmem>>) offsets(%dma_start3A_26 : memref<100xi32, #tpu.memory_space<vmem>>) semaphore(%arg17 : memref<!tpu.dma_semaphore, #tpu.memory_space<semaphore_mem>>)
    %dma_start3A_30 = arith.constant 4 : i32
    %dma_start3A_31 = arith.constant 0 : i32
    %dma_start3A_32 = tpu.memref_slice %arg5[%dma_start3A_30, %dma_start3A_31] : memref<64x100xi32, #tpu.memory_space<vmem>> -> memref<1x100xi32, #tpu.memory_space<vmem>>
    %dma_start3A_33 = tpu.memref_squeeze %dma_start3A_32 : memref<1x100xi32, #tpu.memory_space<vmem>> -> memref<100xi32, #tpu.memory_space<vmem>>
    %dma_start3A_34 = arith.constant 0 : i32
    %dma_start3A_35 = arith.constant 0 : i32
    %dma_start3A_36 = tpu.memref_slice %arg3[%dma_start3A_34, %dma_start3A_35] : memref<100000x128xf32, #tpu.memory_space<hbm>> -> memref<100000x128xf32, #tpu.memory_space<hbm>>
    tpu.enqueue_indirect_dma source(%dma_start3A_36 : memref<100000x128xf32, #tpu.memory_space<hbm>>) target(%arg10 : memref<100x128xf32, #tpu.memory_space<vmem>>) offsets(%dma_start3A_33 : memref<100xi32, #tpu.memory_space<vmem>>) semaphore(%arg18 : memref<!tpu.dma_semaphore, #tpu.memory_space<semaphore_mem>>)
    %dma_start3A_37 = arith.constant 5 : i32
    %dma_start3A_38 = arith.constant 0 : i32
    %dma_start3A_39 = tpu.memref_slice %arg5[%dma_start3A_37, %dma_start3A_38] : memref<64x100xi32, #tpu.memory_space<vmem>> -> memref<1x100xi32, #tpu.memory_space<vmem>>
    %dma_start3A_40 = tpu.memref_squeeze %dma_start3A_39 : memref<1x100xi32, #tpu.memory_space<vmem>> -> memref<100xi32, #tpu.memory_space<vmem>>
    %dma_start3A_41 = arith.constant 0 : i32
    %dma_start3A_42 = arith.constant 0 : i32
    %dma_start3A_43 = tpu.memref_slice %arg3[%dma_start3A_41, %dma_start3A_42] : memref<100000x128xf32, #tpu.memory_space<hbm>> -> memref<100000x128xf32, #tpu.memory_space<hbm>>
    tpu.enqueue_indirect_dma source(%dma_start3A_43 : memref<100000x128xf32, #tpu.memory_space<hbm>>) target(%arg11 : memref<100x128xf32, #tpu.memory_space<vmem>>) offsets(%dma_start3A_40 : memref<100xi32, #tpu.memory_space<vmem>>) semaphore(%arg19 : memref<!tpu.dma_semaphore, #tpu.memory_space<semaphore_mem>>)
    %scan3A = arith.constant 0 : i32
    %scan3A_44 = arith.constant 0 : i32
    %scan3A_45 = arith.constant 8 : i32
    %scan3A_46 = arith.addi %scan3A_44, %scan3A_45 : i32
    %scan3A_47 = arith.constant 1 : i32
    scf.for %scan3A_104 = %scan3A_44 to %scan3A_46 step %scan3A_47  : i32 {
      %mul3A_105 = arith.constant 8 : i32
      %mul3A_106 = arith.muli %scan3A_104, %mul3A_105 : i32
      %add3A_107 = arith.constant 0 : i32
      %add3A_108 = arith.addi %mul3A_106, %add3A_107 : i32
      %ge3A = arith.constant 2 : i32
      %ge3A_109 = arith.cmpi sge, %add3A_108, %ge3A : i32
      %convert_element_type3A = arith.extui %ge3A_109 : i1 to i32
      %cond3A = arith.constant 0 : i32
      %cond3A_110 = arith.cmpi ne, %convert_element_type3A, %cond3A : i32
      scf.if %cond3A_110 {
        %dma_wait3A_612 = arith.constant 0 : i32
        %dma_wait3A_613 = arith.constant 0 : i32
        %dma_wait3A_614 = tpu.memref_slice %arg12[%dma_wait3A_612, %dma_wait3A_613] : memref<100x128xf32, #tpu.memory_space<vmem>> -> memref<50x128xf32, #tpu.memory_space<vmem>>
        %dma_wait3A_615 = arith.constant 0 : i32
        %dma_wait3A_616 = arith.constant 0 : i32
        %dma_wait3A_617 = tpu.memref_slice %arg4[%mul3A_2, %dma_wait3A_615, %dma_wait3A_616] : memref<4096x50x128xf32, #tpu.memory_space<hbm>> -> memref<1x50x128xf32, #tpu.memory_space<hbm>>
        %dma_wait3A_618 = tpu.memref_squeeze %dma_wait3A_617 : memref<1x50x128xf32, #tpu.memory_space<hbm>> -> memref<50x128xf32, #tpu.memory_space<hbm>>
        %dma_wait3A_619 = arith.constant 0 : i32
        %dma_wait3A_620 = arith.constant 0 : i32
        %dma_wait3A_621 = tpu.memref_slice %arg4[%mul3A_2, %dma_wait3A_619, %dma_wait3A_620] : memref<4096x50x128xf32, #tpu.memory_space<hbm>> -> memref<1x50x128xf32, #tpu.memory_space<hbm>>
        %dma_wait3A_622 = tpu.memref_squeeze %dma_wait3A_621 : memref<1x50x128xf32, #tpu.memory_space<hbm>> -> memref<50x128xf32, #tpu.memory_space<hbm>>
        %dma_wait3A_623 = arith.constant 0 : i32
        %dma_wait3A_624 = arith.constant 0 : i32
        %dma_wait3A_625 = tpu.memref_slice %arg12[%dma_wait3A_623, %dma_wait3A_624] : memref<100x128xf32, #tpu.memory_space<vmem>> -> memref<50x128xf32, #tpu.memory_space<vmem>>
        tpu.wait_dma2 semaphore(%arg28 : memref<!tpu.dma_semaphore, #tpu.memory_space<semaphore_mem>>) src(%dma_wait3A_625 : memref<50x128xf32, #tpu.memory_space<vmem>>) dst(%dma_wait3A_622 : memref<50x128xf32, #tpu.memory_space<hbm>>)
        %dma_wait3A_626 = arith.constant 50 : i32
        %dma_wait3A_627 = arith.constant 0 : i32
        %dma_wait3A_628 = tpu.memref_slice %arg12[%dma_wait3A_626, %dma_wait3A_627] : memref<100x128xf32, #tpu.memory_space<vmem>> -> memref<50x128xf32, #tpu.memory_space<vmem>>
        %dma_wait3A_629 = arith.constant 0 : i32
        %dma_wait3A_630 = arith.constant 0 : i32
        %dma_wait3A_631 = tpu.memref_slice %arg4[%mul3A_2, %dma_wait3A_629, %dma_wait3A_630] : memref<4096x50x128xf32, #tpu.memory_space<hbm>> -> memref<1x50x128xf32, #tpu.memory_space<hbm>>
        %dma_wait3A_632 = tpu.memref_squeeze %dma_wait3A_631 : memref<1x50x128xf32, #tpu.memory_space<hbm>> -> memref<50x128xf32, #tpu.memory_space<hbm>>
        %dma_wait3A_633 = arith.constant 0 : i32
        %dma_wait3A_634 = arith.constant 0 : i32
        %dma_wait3A_635 = tpu.memref_slice %arg4[%mul3A_2, %dma_wait3A_633, %dma_wait3A_634] : memref<4096x50x128xf32, #tpu.memory_space<hbm>> -> memref<1x50x128xf32, #tpu.memory_space<hbm>>
        %dma_wait3A_636 = tpu.memref_squeeze %dma_wait3A_635 : memref<1x50x128xf32, #tpu.memory_space<hbm>> -> memref<50x128xf32, #tpu.memory_space<hbm>>
        %dma_wait3A_637 = arith.constant 50 : i32
        %dma_wait3A_638 = arith.constant 0 : i32
        %dma_wait3A_639 = tpu.memref_slice %arg12[%dma_wait3A_637, %dma_wait3A_638] : memref<100x128xf32, #tpu.memory_space<vmem>> -> memref<50x128xf32, #tpu.memory_space<vmem>>
        tpu.wait_dma2 semaphore(%arg28 : memref<!tpu.dma_semaphore, #tpu.memory_space<semaphore_mem>>) src(%dma_wait3A_639 : memref<50x128xf32, #tpu.memory_space<vmem>>) dst(%dma_wait3A_636 : memref<50x128xf32, #tpu.memory_space<hbm>>)
      } else {
      }
      %add3A_111 = arith.constant 6 : i32
      %add3A_112 = arith.addi %add3A_108, %add3A_111 : i32
      %lt3A = arith.constant 64 : i32
      %lt3A_113 = arith.cmpi slt, %add3A_112, %lt3A : i32
      %convert_element_type3A_114 = arith.extui %lt3A_113 : i1 to i32
      %cond3A_115 = arith.constant 0 : i32
      %cond3A_116 = arith.cmpi ne, %convert_element_type3A_114, %cond3A_115 : i32
      scf.if %cond3A_116 {
        %add3A_612 = arith.constant 6 : i32
        %add3A_613 = arith.addi %add3A_108, %add3A_612 : i32
        %dma_start3A_614 = arith.constant 0 : i32
        %dma_start3A_615 = tpu.memref_slice %arg5[%add3A_613, %dma_start3A_614] : memref<64x100xi32, #tpu.memory_space<vmem>> -> memref<1x100xi32, #tpu.memory_space<vmem>>
        %dma_start3A_616 = tpu.memref_squeeze %dma_start3A_615 : memref<1x100xi32, #tpu.memory_space<vmem>> -> memref<100xi32, #tpu.memory_space<vmem>>
        %dma_start3A_617 = arith.constant 0 : i32
        %dma_start3A_618 = arith.constant 0 : i32
        %dma_start3A_619 = tpu.memref_slice %arg3[%dma_start3A_617, %dma_start3A_618] : memref<100000x128xf32, #tpu.memory_space<hbm>> -> memref<100000x128xf32, #tpu.memory_space<hbm>>
        tpu.enqueue_indirect_dma source(%dma_start3A_619 : memref<100000x128xf32, #tpu.memory_space<hbm>>) target(%arg12 : memref<100x128xf32, #tpu.memory_space<vmem>>) offsets(%dma_start3A_616 : memref<100xi32, #tpu.memory_space<vmem>>) semaphore(%arg20 : memref<!tpu.dma_semaphore, #tpu.memory_space<semaphore_mem>>)
      } else {
      }
      %dma_wait3A_117 = arith.constant 0 : i32
      %dma_wait3A_118 = arith.constant 0 : i32
      %dma_wait3A_119 = tpu.memref_slice %arg5[%dma_wait3A_117, %dma_wait3A_118] : memref<64x100xi32, #tpu.memory_space<vmem>> -> memref<1x100xi32, #tpu.memory_space<vmem>>
      %dma_wait3A_120 = tpu.memref_squeeze %dma_wait3A_119 : memref<1x100xi32, #tpu.memory_space<vmem>> -> memref<100xi32, #tpu.memory_space<vmem>>
      %dma_wait3A_121 = arith.constant 0 : i32
      %dma_wait3A_122 = arith.constant 0 : i32
      %dma_wait3A_123 = tpu.memref_slice %arg3[%dma_wait3A_121, %dma_wait3A_122] : memref<100000x128xf32, #tpu.memory_space<hbm>> -> memref<100000x128xf32, #tpu.memory_space<hbm>>
      tpu.wait_indirect_dma semaphore(%arg14 : memref<!tpu.dma_semaphore, #tpu.memory_space<semaphore_mem>>) src(%dma_wait3A_123 : memref<100000x128xf32, #tpu.memory_space<hbm>>) dst(%arg6 : memref<100x128xf32, #tpu.memory_space<vmem>>)
      %parallel_loop3A = arith.constant 0 : i32
      %parallel_loop3A_124 = arith.constant 100 : i32
      %parallel_loop3A_125 = arith.constant 2 : i32
      scf.for %parallel_loop3A_612 = %parallel_loop3A to %parallel_loop3A_124 step %parallel_loop3A_125  : i32 {
        %parallel_loop3A_613 = arith.constant 0 : i32
        %parallel_loop3A_614 = arith.addi %parallel_loop3A_612, %parallel_loop3A_613 : i32
        %parallel_loop3A_615 = arith.index_cast %parallel_loop3A_614 : i32 to index
        %parallel_loop3A_616 = arith.constant 0 : index
        %parallel_loop3A_617 = tpu.vector_load %arg6[%parallel_loop3A_615, %parallel_loop3A_616] {strides = array<i32>} : memref<100x128xf32, #tpu.memory_space<vmem>>, vector<1x16xf32>,
        %parallel_loop3A_618 = vector.shape_cast %parallel_loop3A_617 : vector<1x16xf32> to vector<16xf32>
        %parallel_loop3A_619 = arith.constant 11.3137083 : f32
        %parallel_loop3A_620 = vector.broadcast %parallel_loop3A_619 : f32 to vector<16xf32>
        %parallel_loop3A_621 = arith.mulf %parallel_loop3A_618, %parallel_loop3A_620 : vector<16xf32>
        %parallel_loop3A_622 = arith.constant 0 : i32
        %parallel_loop3A_623 = arith.addi %parallel_loop3A_612, %parallel_loop3A_622 : i32
        %parallel_loop3A_624 = arith.index_cast %parallel_loop3A_623 : i32 to index
        %parallel_loop3A_625 = arith.constant 0 : index
        %parallel_loop3A_626 = tpu.vector_load %arg6[%parallel_loop3A_624, %parallel_loop3A_625] {strides = array<i32>} : memref<100x128xf32, #tpu.memory_space<vmem>>, vector<1x16xf32>,
        %parallel_loop3A_627 = vector.shape_cast %parallel_loop3A_626 : vector<1x16xf32> to vector<16xf32>
        %parallel_loop3A_628 = vector.shape_cast %parallel_loop3A_621 : vector<16xf32> to vector<1x16xf32>
        tpu.vector_store %arg6[%parallel_loop3A_624, %parallel_loop3A_625], %parallel_loop3A_628 {strides = array<i32>} : memref<100x128xf32, #tpu.memory_space<vmem>>, vector<1x16xf32>,
        %parallel_loop3A_629 = arith.constant 0 : i32
        %parallel_loop3A_630 = arith.addi %parallel_loop3A_612, %parallel_loop3A_629 : i32
        %parallel_loop3A_631 = arith.index_cast %parallel_loop3A_630 : i32 to index
        %parallel_loop3A_632 = arith.constant 16 : index
        %parallel_loop3A_633 = tpu.vector_load %arg6[%parallel_loop3A_631, %parallel_loop3A_632] {strides = array<i32>} : memref<100x128xf32, #tpu.memory_space<vmem>>, vector<1x16xf32>,
        %parallel_loop3A_634 = vector.shape_cast %parallel_loop3A_633 : vector<1x16xf32> to vector<16xf32>
        %parallel_loop3A_635 = arith.constant 11.3137083 : f32
        %parallel_loop3A_636 = vector.broadcast %parallel_loop3A_635 : f32 to vector<16xf32>
        %parallel_loop3A_637 = arith.mulf %parallel_loop3A_634, %parallel_loop3A_636 : vector<16xf32>
        %parallel_loop3A_638 = arith.constant 0 : i32
        %parallel_loop3A_639 = arith.addi %parallel_loop3A_612, %parallel_loop3A_638 : i32
        %parallel_loop3A_640 = arith.index_cast %parallel_loop3A_639 : i32 to index
        %parallel_loop3A_641 = arith.constant 16 : index
        %parallel_loop3A_642 = tpu.vector_load %arg6[%parallel_loop3A_640, %parallel_loop3A_641] {strides = array<i32>} : memref<100x128xf32, #tpu.memory_space<vmem>>, vector<1x16xf32>,
        %parallel_loop3A_643 = vector.shape_cast %parallel_loop3A_642 : vector<1x16xf32> to vector<16xf32>
        %parallel_loop3A_644 = vector.shape_cast %parallel_loop3A_637 : vector<16xf32> to vector<1x16xf32>
        tpu.vector_store %arg6[%parallel_loop3A_640, %parallel_loop3A_641], %parallel_loop3A_644 {strides = array<i32>} : memref<100x128xf32, #tpu.memory_space<vmem>>, vector<1x16xf32>,
        %parallel_loop3A_645 = arith.constant 0 : i32
        %parallel_loop3A_646 = arith.addi %parallel_loop3A_612, %parallel_loop3A_645 : i32
        %parallel_loop3A_647 = arith.index_cast %parallel_loop3A_646 : i32 to index
        %parallel_loop3A_648 = arith.constant 32 : index
        %parallel_loop3A_649 = tpu.vector_load %arg6[%parallel_loop3A_647, %parallel_loop3A_648] {strides = array<i32>} : memref<100x128xf32, #tpu.memory_space<vmem>>, vector<1x16xf32>,
        %parallel_loop3A_650 = vector.shape_cast %parallel_loop3A_649 : vector<1x16xf32> to vector<16xf32>
        %parallel_loop3A_651 = arith.constant 11.3137083 : f32
        %parallel_loop3A_652 = vector.broadcast %parallel_loop3A_651 : f32 to vector<16xf32>
        %parallel_loop3A_653 = arith.mulf %parallel_loop3A_650, %parallel_loop3A_652 : vector<16xf32>
        %parallel_loop3A_654 = arith.constant 0 : i32
        %parallel_loop3A_655 = arith.addi %parallel_loop3A_612, %parallel_loop3A_654 : i32
        %parallel_loop3A_656 = arith.index_cast %parallel_loop3A_655 : i32 to index
        %parallel_loop3A_657 = arith.constant 32 : index
        %parallel_loop3A_658 = tpu.vector_load %arg6[%parallel_loop3A_656, %parallel_loop3A_657] {strides = array<i32>} : memref<100x128xf32, #tpu.memory_space<vmem>>, vector<1x16xf32>,
        %parallel_loop3A_659 = vector.shape_cast %parallel_loop3A_658 : vector<1x16xf32> to vector<16xf32>
        %parallel_loop3A_660 = vector.shape_cast %parallel_loop3A_653 : vector<16xf32> to vector<1x16xf32>
        tpu.vector_store %arg6[%parallel_loop3A_656, %parallel_loop3A_657], %parallel_loop3A_660 {strides = array<i32>} : memref<100x128xf32, #tpu.memory_space<vmem>>, vector<1x16xf32>,
        %parallel_loop3A_661 = arith.constant 0 : i32
        %parallel_loop3A_662 = arith.addi %parallel_loop3A_612, %parallel_loop3A_661 : i32
        %parallel_loop3A_663 = arith.index_cast %parallel_loop3A_662 : i32 to index
        %parallel_loop3A_664 = arith.constant 48 : index
        %parallel_loop3A_665 = tpu.vector_load %arg6[%parallel_loop3A_663, %parallel_loop3A_664] {strides = array<i32>} : memref<100x128xf32, #tpu.memory_space<vmem>>, vector<1x16xf32>,
        %parallel_loop3A_666 = vector.shape_cast %parallel_loop3A_665 : vector<1x16xf32> to vector<16xf32>
        %parallel_loop3A_667 = arith.constant 11.3137083 : f32
        %parallel_loop3A_668 = vector.broadcast %parallel_loop3A_667 : f32 to vector<16xf32>
        %parallel_loop3A_669 = arith.mulf %parallel_loop3A_666, %parallel_loop3A_668 : vector<16xf32>
        %parallel_loop3A_670 = arith.constant 0 : i32
        %parallel_loop3A_671 = arith.addi %parallel_loop3A_612, %parallel_loop3A_670 : i32
        %parallel_loop3A_672 = arith.index_cast %parallel_loop3A_671 : i32 to index
        %parallel_loop3A_673 = arith.constant 48 : index
        %parallel_loop3A_674 = tpu.vector_load %arg6[%parallel_loop3A_672, %parallel_loop3A_673] {strides = array<i32>} : memref<100x128xf32, #tpu.memory_space<vmem>>, vector<1x16xf32>,
        %parallel_loop3A_675 = vector.shape_cast %parallel_loop3A_674 : vector<1x16xf32> to vector<16xf32>
        %parallel_loop3A_676 = vector.shape_cast %parallel_loop3A_669 : vector<16xf32> to vector<1x16xf32>
        tpu.vector_store %arg6[%parallel_loop3A_672, %parallel_loop3A_673], %parallel_loop3A_676 {strides = array<i32>} : memref<100x128xf32, #tpu.memory_space<vmem>>, vector<1x16xf32>,
        %parallel_loop3A_677 = arith.constant 0 : i32
        %parallel_loop3A_678 = arith.addi %parallel_loop3A_612, %parallel_loop3A_677 : i32
        %parallel_loop3A_679 = arith.index_cast %parallel_loop3A_678 : i32 to index
        %parallel_loop3A_680 = arith.constant 64 : index
        %parallel_loop3A_681 = tpu.vector_load %arg6[%parallel_loop3A_679, %parallel_loop3A_680] {strides = array<i32>} : memref<100x128xf32, #tpu.memory_space<vmem>>, vector<1x16xf32>,
        %parallel_loop3A_682 = vector.shape_cast %parallel_loop3A_681 : vector<1x16xf32> to vector<16xf32>
        %parallel_loop3A_683 = arith.constant 11.3137083 : f32
        %parallel_loop3A_684 = vector.broadcast %parallel_loop3A_683 : f32 to vector<16xf32>
        %parallel_loop3A_685 = arith.mulf %parallel_loop3A_682, %parallel_loop3A_684 : vector<16xf32>
        %parallel_loop3A_686 = arith.constant 0 : i32
        %parallel_loop3A_687 = arith.addi %parallel_loop3A_612, %parallel_loop3A_686 : i32
        %parallel_loop3A_688 = arith.index_cast %parallel_loop3A_687 : i32 to index
        %parallel_loop3A_689 = arith.constant 64 : index
        %parallel_loop3A_690 = tpu.vector_load %arg6[%parallel_loop3A_688, %parallel_loop3A_689] {strides = array<i32>} : memref<100x128xf32, #tpu.memory_space<vmem>>, vector<1x16xf32>,
        %parallel_loop3A_691 = vector.shape_cast %parallel_loop3A_690 : vector<1x16xf32> to vector<16xf32>
        %parallel_loop3A_692 = vector.shape_cast %parallel_loop3A_685 : vector<16xf32> to vector<1x16xf32>
        tpu.vector_store %arg6[%parallel_loop3A_688, %parallel_loop3A_689], %parallel_loop3A_692 {strides = array<i32>} : memref<100x128xf32, #tpu.memory_space<vmem>>, vector<1x16xf32>,
        %parallel_loop3A_693 = arith.constant 0 : i32
        %parallel_loop3A_694 = arith.addi %parallel_loop3A_612, %parallel_loop3A_693 : i32
        %parallel_loop3A_695 = arith.index_cast %parallel_loop3A_694 : i32 to index
        %parallel_loop3A_696 = arith.constant 80 : index
        %parallel_loop3A_697 = tpu.vector_load %arg6[%parallel_loop3A_695, %parallel_loop3A_696] {strides = array<i32>} : memref<100x128xf32, #tpu.memory_space<vmem>>, vector<1x16xf32>,
        %parallel_loop3A_698 = vector.shape_cast %parallel_loop3A_697 : vector<1x16xf32> to vector<16xf32>
        %parallel_loop3A_699 = arith.constant 11.3137083 : f32
        %parallel_loop3A_700 = vector.broadcast %parallel_loop3A_699 : f32 to vector<16xf32>
        %parallel_loop3A_701 = arith.mulf %parallel_loop3A_698, %parallel_loop3A_700 : vector<16xf32>
        %parallel_loop3A_702 = arith.constant 0 : i32
        %parallel_loop3A_703 = arith.addi %parallel_loop3A_612, %parallel_loop3A_702 : i32
        %parallel_loop3A_704 = arith.index_cast %parallel_loop3A_703 : i32 to index
        %parallel_loop3A_705 = arith.constant 80 : index
        %parallel_loop3A_706 = tpu.vector_load %arg6[%parallel_loop3A_704, %parallel_loop3A_705] {strides = array<i32>} : memref<100x128xf32, #tpu.memory_space<vmem>>, vector<1x16xf32>,
        %parallel_loop3A_707 = vector.shape_cast %parallel_loop3A_706 : vector<1x16xf32> to vector<16xf32>
        %parallel_loop3A_708 = vector.shape_cast %parallel_loop3A_701 : vector<16xf32> to vector<1x16xf32>
        tpu.vector_store %arg6[%parallel_loop3A_704, %parallel_loop3A_705], %parallel_loop3A_708 {strides = array<i32>} : memref<100x128xf32, #tpu.memory_space<vmem>>, vector<1x16xf32>,
        %parallel_loop3A_709 = arith.constant 0 : i32
        %parallel_loop3A_710 = arith.addi %parallel_loop3A_612, %parallel_loop3A_709 : i32
        %parallel_loop3A_711 = arith.index_cast %parallel_loop3A_710 : i32 to index
        %parallel_loop3A_712 = arith.constant 96 : index
        %parallel_loop3A_713 = tpu.vector_load %arg6[%parallel_loop3A_711, %parallel_loop3A_712] {strides = array<i32>} : memref<100x128xf32, #tpu.memory_space<vmem>>, vector<1x16xf32>,
        %parallel_loop3A_714 = vector.shape_cast %parallel_loop3A_713 : vector<1x16xf32> to vector<16xf32>
        %parallel_loop3A_715 = arith.constant 11.3137083 : f32
        %parallel_loop3A_716 = vector.broadcast %parallel_loop3A_715 : f32 to vector<16xf32>
        %parallel_loop3A_717 = arith.mulf %parallel_loop3A_714, %parallel_loop3A_716 : vector<16xf32>
        %parallel_loop3A_718 = arith.constant 0 : i32
        %parallel_loop3A_719 = arith.addi %parallel_loop3A_612, %parallel_loop3A_718 : i32
        %parallel_loop3A_720 = arith.index_cast %parallel_loop3A_719 : i32 to index
        %parallel_loop3A_721 = arith.constant 96 : index
        %parallel_loop3A_722 = tpu.vector_load %arg6[%parallel_loop3A_720, %parallel_loop3A_721] {strides = array<i32>} : memref<100x128xf32, #tpu.memory_space<vmem>>, vector<1x16xf32>,
        %parallel_loop3A_723 = vector.shape_cast %parallel_loop3A_722 : vector<1x16xf32> to vector<16xf32>
        %parallel_loop3A_724 = vector.shape_cast %parallel_loop3A_717 : vector<16xf32> to vector<1x16xf32>
        tpu.vector_store %arg6[%parallel_loop3A_720, %parallel_loop3A_721], %parallel_loop3A_724 {strides = array<i32>} : memref<100x128xf32, #tpu.memory_space<vmem>>, vector<1x16xf32>,
        %parallel_loop3A_725 = arith.constant 0 : i32
        %parallel_loop3A_726 = arith.addi %parallel_loop3A_612, %parallel_loop3A_725 : i32
        %parallel_loop3A_727 = arith.index_cast %parallel_loop3A_726 : i32 to index
        %parallel_loop3A_728 = arith.constant 112 : index
        %parallel_loop3A_729 = tpu.vector_load %arg6[%parallel_loop3A_727, %parallel_loop3A_728] {strides = array<i32>} : memref<100x128xf32, #tpu.memory_space<vmem>>, vector<1x16xf32>,
        %parallel_loop3A_730 = vector.shape_cast %parallel_loop3A_729 : vector<1x16xf32> to vector<16xf32>
        %parallel_loop3A_731 = arith.constant 11.3137083 : f32
        %parallel_loop3A_732 = vector.broadcast %parallel_loop3A_731 : f32 to vector<16xf32>
        %parallel_loop3A_733 = arith.mulf %parallel_loop3A_730, %parallel_loop3A_732 : vector<16xf32>
        %parallel_loop3A_734 = arith.constant 0 : i32
        %parallel_loop3A_735 = arith.addi %parallel_loop3A_612, %parallel_loop3A_734 : i32
        %parallel_loop3A_736 = arith.index_cast %parallel_loop3A_735 : i32 to index
        %parallel_loop3A_737 = arith.constant 112 : index
        %parallel_loop3A_738 = tpu.vector_load %arg6[%parallel_loop3A_736, %parallel_loop3A_737] {strides = array<i32>} : memref<100x128xf32, #tpu.memory_space<vmem>>, vector<1x16xf32>,
        %parallel_loop3A_739 = vector.shape_cast %parallel_loop3A_738 : vector<1x16xf32> to vector<16xf32>
        %parallel_loop3A_740 = vector.shape_cast %parallel_loop3A_733 : vector<16xf32> to vector<1x16xf32>
        tpu.vector_store %arg6[%parallel_loop3A_736, %parallel_loop3A_737], %parallel_loop3A_740 {strides = array<i32>} : memref<100x128xf32, #tpu.memory_space<vmem>>, vector<1x16xf32>,
        %parallel_loop3A_741 = arith.constant 1 : i32
        %parallel_loop3A_742 = arith.addi %parallel_loop3A_612, %parallel_loop3A_741 : i32
        %parallel_loop3A_743 = arith.index_cast %parallel_loop3A_742 : i32 to index
        %parallel_loop3A_744 = arith.constant 0 : index
        %parallel_loop3A_745 = tpu.vector_load %arg6[%parallel_loop3A_743, %parallel_loop3A_744] {strides = array<i32>} : memref<100x128xf32, #tpu.memory_space<vmem>>, vector<1x16xf32>,
        %parallel_loop3A_746 = vector.shape_cast %parallel_loop3A_745 : vector<1x16xf32> to vector<16xf32>
        %parallel_loop3A_747 = arith.constant 11.3137083 : f32
        %parallel_loop3A_748 = vector.broadcast %parallel_loop3A_747 : f32 to vector<16xf32>
        %parallel_loop3A_749 = arith.mulf %parallel_loop3A_746, %parallel_loop3A_748 : vector<16xf32>
        %parallel_loop3A_750 = arith.constant 1 : i32
        %parallel_loop3A_751 = arith.addi %parallel_loop3A_612, %parallel_loop3A_750 : i32
        %parallel_loop3A_752 = arith.index_cast %parallel_loop3A_751 : i32 to index
        %parallel_loop3A_753 = arith.constant 0 : index
        %parallel_loop3A_754 = tpu.vector_load %arg6[%parallel_loop3A_752, %parallel_loop3A_753] {strides = array<i32>} : memref<100x128xf32, #tpu.memory_space<vmem>>, vector<1x16xf32>,
        %parallel_loop3A_755 = vector.shape_cast %parallel_loop3A_754 : vector<1x16xf32> to vector<16xf32>
        %parallel_loop3A_756 = vector.shape_cast %parallel_loop3A_749 : vector<16xf32> to vector<1x16xf32>
        tpu.vector_store %arg6[%parallel_loop3A_752, %parallel_loop3A_753], %parallel_loop3A_756 {strides = array<i32>} : memref<100x128xf32, #tpu.memory_space<vmem>>, vector<1x16xf32>,
        %parallel_loop3A_757 = arith.constant 1 : i32
        %parallel_loop3A_758 = arith.addi %parallel_loop3A_612, %parallel_loop3A_757 : i32
        %parallel_loop3A_759 = arith.index_cast %parallel_loop3A_758 : i32 to index
        %parallel_loop3A_760 = arith.constant 16 : index
        %parallel_loop3A_761 = tpu.vector_load %arg6[%parallel_loop3A_759, %parallel_loop3A_760] {strides = array<i32>} : memref<100x128xf32, #tpu.memory_space<vmem>>, vector<1x16xf32>,
        %parallel_loop3A_762 = vector.shape_cast %parallel_loop3A_761 : vector<1x16xf32> to vector<16xf32>
        %parallel_loop3A_763 = arith.constant 11.3137083 : f32
        %parallel_loop3A_764 = vector.broadcast %parallel_loop3A_763 : f32 to vector<16xf32>
        %parallel_loop3A_765 = arith.mulf %parallel_loop3A_762, %parallel_loop3A_764 : vector<16xf32>
        %parallel_loop3A_766 = arith.constant 1 : i32
        %parallel_loop3A_767 = arith.addi %parallel_loop3A_612, %parallel_loop3A_766 : i32
        %parallel_loop3A_768 = arith.index_cast %parallel_loop3A_767 : i32 to index
        %parallel_loop3A_769 = arith.constant 16 : index
        %parallel_loop3A_770 = tpu.vector_load %arg6[%parallel_loop3A_768, %parallel_loop3A_769] {strides = array<i32>} : memref<100x128xf32, #tpu.memory_space<vmem>>, vector<1x16xf32>,
        %parallel_loop3A_771 = vector.shape_cast %parallel_loop3A_770 : vector<1x16xf32> to vector<16xf32>
        %parallel_loop3A_772 = vector.shape_cast %parallel_loop3A_765 : vector<16xf32> to vector<1x16xf32>
        tpu.vector_store %arg6[%parallel_loop3A_768, %parallel_loop3A_769], %parallel_loop3A_772 {strides = array<i32>} : memref<100x128xf32, #tpu.memory_space<vmem>>, vector<1x16xf32>,
        %parallel_loop3A_773 = arith.constant 1 : i32
        %parallel_loop3A_774 = arith.addi %parallel_loop3A_612, %parallel_loop3A_773 : i32
        %parallel_loop3A_775 = arith.index_cast %parallel_loop3A_774 : i32 to index
        %parallel_loop3A_776 = arith.constant 32 : index
        %parallel_loop3A_777 = tpu.vector_load %arg6[%parallel_loop3A_775, %parallel_loop3A_776] {strides = array<i32>} : memref<100x128xf32, #tpu.memory_space<vmem>>, vector<1x16xf32>,
        %parallel_loop3A_778 = vector.shape_cast %parallel_loop3A_777 : vector<1x16xf32> to vector<16xf32>
        %parallel_loop3A_779 = arith.constant 11.3137083 : f32
        %parallel_loop3A_780 = vector.broadcast %parallel_loop3A_779 : f32 to vector<16xf32>
        %parallel_loop3A_781 = arith.mulf %parallel_loop3A_778, %parallel_loop3A_780 : vector<16xf32>
        %parallel_loop3A_782 = arith.constant 1 : i32
        %parallel_loop3A_783 = arith.addi %parallel_loop3A_612, %parallel_loop3A_782 : i32
        %parallel_loop3A_784 = arith.index_cast %parallel_loop3A_783 : i32 to index
        %parallel_loop3A_785 = arith.constant 32 : index
        %parallel_loop3A_786 = tpu.vector_load %arg6[%parallel_loop3A_784, %parallel_loop3A_785] {strides = array<i32>} : memref<100x128xf32, #tpu.memory_space<vmem>>, vector<1x16xf32>,
        %parallel_loop3A_787 = vector.shape_cast %parallel_loop3A_786 : vector<1x16xf32> to vector<16xf32>
        %parallel_loop3A_788 = vector.shape_cast %parallel_loop3A_781 : vector<16xf32> to vector<1x16xf32>
        tpu.vector_store %arg6[%parallel_loop3A_784, %parallel_loop3A_785], %parallel_loop3A_788 {strides = array<i32>} : memref<100x128xf32, #tpu.memory_space<vmem>>, vector<1x16xf32>,
        %parallel_loop3A_789 = arith.constant 1 : i32
        %parallel_loop3A_790 = arith.addi %parallel_loop3A_612, %parallel_loop3A_789 : i32
        %parallel_loop3A_791 = arith.index_cast %parallel_loop3A_790 : i32 to index
        %parallel_loop3A_792 = arith.constant 48 : index
        %parallel_loop3A_793 = tpu.vector_load %arg6[%parallel_loop3A_791, %parallel_loop3A_792] {strides = array<i32>} : memref<100x128xf32, #tpu.memory_space<vmem>>, vector<1x16xf32>,
        %parallel_loop3A_794 = vector.shape_cast %parallel_loop3A_793 : vector<1x16xf32> to vector<16xf32>
        %parallel_loop3A_795 = arith.constant 11.3137083 : f32
        %parallel_loop3A_796 = vector.broadcast %parallel_loop3A_795 : f32 to vector<16xf32>
        %parallel_loop3A_797 = arith.mulf %parallel_loop3A_794, %parallel_loop3A_796 : vector<16xf32>
        %parallel_loop3A_798 = arith.constant 1 : i32
        %parallel_loop3A_799 = arith.addi %parallel_loop3A_612, %parallel_loop3A_798 : i32
        %parallel_loop3A_800 = arith.index_cast %parallel_loop3A_799 : i32 to index
        %parallel_loop3A_801 = arith.constant 48 : index
        %parallel_loop3A_802 = tpu.vector_load %arg6[%parallel_loop3A_800, %parallel_loop3A_801] {strides = array<i32>} : memref<100x128xf32, #tpu.memory_space<vmem>>, vector<1x16xf32>,
        %parallel_loop3A_803 = vector.shape_cast %parallel_loop3A_802 : vector<1x16xf32> to vector<16xf32>
        %parallel_loop3A_804 = vector.shape_cast %parallel_loop3A_797 : vector<16xf32> to vector<1x16xf32>
        tpu.vector_store %arg6[%parallel_loop3A_800, %parallel_loop3A_801], %parallel_loop3A_804 {strides = array<i32>} : memref<100x128xf32, #tpu.memory_space<vmem>>, vector<1x16xf32>,
        %parallel_loop3A_805 = arith.constant 1 : i32
        %parallel_loop3A_806 = arith.addi %parallel_loop3A_612, %parallel_loop3A_805 : i32
        %parallel_loop3A_807 = arith.index_cast %parallel_loop3A_806 : i32 to index
        %parallel_loop3A_808 = arith.constant 64 : index
        %parallel_loop3A_809 = tpu.vector_load %arg6[%parallel_loop3A_807, %parallel_loop3A_808] {strides = array<i32>} : memref<100x128xf32, #tpu.memory_space<vmem>>, vector<1x16xf32>,
        %parallel_loop3A_810 = vector.shape_cast %parallel_loop3A_809 : vector<1x16xf32> to vector<16xf32>
        %parallel_loop3A_811 = arith.constant 11.3137083 : f32
        %parallel_loop3A_812 = vector.broadcast %parallel_loop3A_811 : f32 to vector<16xf32>
        %parallel_loop3A_813 = arith.mulf %parallel_loop3A_810, %parallel_loop3A_812 : vector<16xf32>
        %parallel_loop3A_814 = arith.constant 1 : i32
        %parallel_loop3A_815 = arith.addi %parallel_loop3A_612, %parallel_loop3A_814 : i32
        %parallel_loop3A_816 = arith.index_cast %parallel_loop3A_815 : i32 to index
        %parallel_loop3A_817 = arith.constant 64 : index
        %parallel_loop3A_818 = tpu.vector_load %arg6[%parallel_loop3A_816, %parallel_loop3A_817] {strides = array<i32>} : memref<100x128xf32, #tpu.memory_space<vmem>>, vector<1x16xf32>,
        %parallel_loop3A_819 = vector.shape_cast %parallel_loop3A_818 : vector<1x16xf32> to vector<16xf32>
        %parallel_loop3A_820 = vector.shape_cast %parallel_loop3A_813 : vector<16xf32> to vector<1x16xf32>
        tpu.vector_store %arg6[%parallel_loop3A_816, %parallel_loop3A_817], %parallel_loop3A_820 {strides = array<i32>} : memref<100x128xf32, #tpu.memory_space<vmem>>, vector<1x16xf32>,
        %parallel_loop3A_821 = arith.constant 1 : i32
        %parallel_loop3A_822 = arith.addi %parallel_loop3A_612, %parallel_loop3A_821 : i32
        %parallel_loop3A_823 = arith.index_cast %parallel_loop3A_822 : i32 to index
        %parallel_loop3A_824 = arith.constant 80 : index
        %parallel_loop3A_825 = tpu.vector_load %arg6[%parallel_loop3A_823, %parallel_loop3A_824] {strides = array<i32>} : memref<100x128xf32, #tpu.memory_space<vmem>>, vector<1x16xf32>,
        %parallel_loop3A_826 = vector.shape_cast %parallel_loop3A_825 : vector<1x16xf32> to vector<16xf32>
        %parallel_loop3A_827 = arith.constant 11.3137083 : f32
        %parallel_loop3A_828 = vector.broadcast %parallel_loop3A_827 : f32 to vector<16xf32>
        %parallel_loop3A_829 = arith.mulf %parallel_loop3A_826, %parallel_loop3A_828 : vector<16xf32>
        %parallel_loop3A_830 = arith.constant 1 : i32
        %parallel_loop3A_831 = arith.addi %parallel_loop3A_612, %parallel_loop3A_830 : i32
        %parallel_loop3A_832 = arith.index_cast %parallel_loop3A_831 : i32 to index
        %parallel_loop3A_833 = arith.constant 80 : index
        %parallel_loop3A_834 = tpu.vector_load %arg6[%parallel_loop3A_832, %parallel_loop3A_833] {strides = array<i32>} : memref<100x128xf32, #tpu.memory_space<vmem>>, vector<1x16xf32>,
        %parallel_loop3A_835 = vector.shape_cast %parallel_loop3A_834 : vector<1x16xf32> to vector<16xf32>
        %parallel_loop3A_836 = vector.shape_cast %parallel_loop3A_829 : vector<16xf32> to vector<1x16xf32>
        tpu.vector_store %arg6[%parallel_loop3A_832, %parallel_loop3A_833], %parallel_loop3A_836 {strides = array<i32>} : memref<100x128xf32, #tpu.memory_space<vmem>>, vector<1x16xf32>,
        %parallel_loop3A_837 = arith.constant 1 : i32
        %parallel_loop3A_838 = arith.addi %parallel_loop3A_612, %parallel_loop3A_837 : i32
        %parallel_loop3A_839 = arith.index_cast %parallel_loop3A_838 : i32 to index
        %parallel_loop3A_840 = arith.constant 96 : index
        %parallel_loop3A_841 = tpu.vector_load %arg6[%parallel_loop3A_839, %parallel_loop3A_840] {strides = array<i32>} : memref<100x128xf32, #tpu.memory_space<vmem>>, vector<1x16xf32>,
        %parallel_loop3A_842 = vector.shape_cast %parallel_loop3A_841 : vector<1x16xf32> to vector<16xf32>
        %parallel_loop3A_843 = arith.constant 11.3137083 : f32
        %parallel_loop3A_844 = vector.broadcast %parallel_loop3A_843 : f32 to vector<16xf32>
        %parallel_loop3A_845 = arith.mulf %parallel_loop3A_842, %parallel_loop3A_844 : vector<16xf32>
        %parallel_loop3A_846 = arith.constant 1 : i32
        %parallel_loop3A_847 = arith.addi %parallel_loop3A_612, %parallel_loop3A_846 : i32
        %parallel_loop3A_848 = arith.index_cast %parallel_loop3A_847 : i32 to index
        %parallel_loop3A_849 = arith.constant 96 : index
        %parallel_loop3A_850 = tpu.vector_load %arg6[%parallel_loop3A_848, %parallel_loop3A_849] {strides = array<i32>} : memref<100x128xf32, #tpu.memory_space<vmem>>, vector<1x16xf32>,
        %parallel_loop3A_851 = vector.shape_cast %parallel_loop3A_850 : vector<1x16xf32> to vector<16xf32>
        %parallel_loop3A_852 = vector.shape_cast %parallel_loop3A_845 : vector<16xf32> to vector<1x16xf32>
        tpu.vector_store %arg6[%parallel_loop3A_848, %parallel_loop3A_849], %parallel_loop3A_852 {strides = array<i32>} : memref<100x128xf32, #tpu.memory_space<vmem>>, vector<1x16xf32>,
        %parallel_loop3A_853 = arith.constant 1 : i32
        %parallel_loop3A_854 = arith.addi %parallel_loop3A_612, %parallel_loop3A_853 : i32
        %parallel_loop3A_855 = arith.index_cast %parallel_loop3A_854 : i32 to index
        %parallel_loop3A_856 = arith.constant 112 : index
        %parallel_loop3A_857 = tpu.vector_load %arg6[%parallel_loop3A_855, %parallel_loop3A_856] {strides = array<i32>} : memref<100x128xf32, #tpu.memory_space<vmem>>, vector<1x16xf32>,
        %parallel_loop3A_858 = vector.shape_cast %parallel_loop3A_857 : vector<1x16xf32> to vector<16xf32>
        %parallel_loop3A_859 = arith.constant 11.3137083 : f32
        %parallel_loop3A_860 = vector.broadcast %parallel_loop3A_859 : f32 to vector<16xf32>
        %parallel_loop3A_861 = arith.mulf %parallel_loop3A_858, %parallel_loop3A_860 : vector<16xf32>
        %parallel_loop3A_862 = arith.constant 1 : i32
        %parallel_loop3A_863 = arith.addi %parallel_loop3A_612, %parallel_loop3A_862 : i32
        %parallel_loop3A_864 = arith.index_cast %parallel_loop3A_863 : i32 to index
        %parallel_loop3A_865 = arith.constant 112 : index
        %parallel_loop3A_866 = tpu.vector_load %arg6[%parallel_loop3A_864, %parallel_loop3A_865] {strides = array<i32>} : memref<100x128xf32, #tpu.memory_space<vmem>>, vector<1x16xf32>,
        %parallel_loop3A_867 = vector.shape_cast %parallel_loop3A_866 : vector<1x16xf32> to vector<16xf32>
        %parallel_loop3A_868 = vector.shape_cast %parallel_loop3A_861 : vector<16xf32> to vector<1x16xf32>
        tpu.vector_store %arg6[%parallel_loop3A_864, %parallel_loop3A_865], %parallel_loop3A_868 {strides = array<i32>} : memref<100x128xf32, #tpu.memory_space<vmem>>, vector<1x16xf32>,
      } {sc.loop_unroll_factor = 2 : i64, sc.parallel_access}
      %mul3A_126 = arith.constant 2 : i32
      %mul3A_127 = arith.muli %add3A_108, %mul3A_126 : i32
      %add3A_128 = arith.addi %mul3A_2, %mul3A_127 : i32
      %add3A_129 = arith.constant 0 : i32
      %add3A_130 = arith.addi %add3A_128, %add3A_129 : i32
      %dma_start3A_131 = arith.constant 0 : i32
      %dma_start3A_132 = arith.constant 0 : i32
      %dma_start3A_133 = tpu.memref_slice %arg6[%dma_start3A_131, %dma_start3A_132] : memref<100x128xf32, #tpu.memory_space<vmem>> -> memref<50x128xf32, #tpu.memory_space<vmem>>
      %dma_start3A_134 = arith.constant 0 : i32
      %dma_start3A_135 = arith.constant 0 : i32
      %dma_start3A_136 = tpu.memref_slice %arg4[%add3A_130, %dma_start3A_134, %dma_start3A_135] : memref<4096x50x128xf32, #tpu.memory_space<hbm>> -> memref<1x50x128xf32, #tpu.memory_space<hbm>>
      %dma_start3A_137 = tpu.memref_squeeze %dma_start3A_136 : memref<1x50x128xf32, #tpu.memory_space<hbm>> -> memref<50x128xf32, #tpu.memory_space<hbm>>
      %dma_start3A_138 = arith.constant 0 : i32
      %dma_start3A_139 = arith.constant 0 : i32
      %dma_start3A_140 = tpu.memref_slice %arg4[%add3A_130, %dma_start3A_138, %dma_start3A_139] : memref<4096x50x128xf32, #tpu.memory_space<hbm>> -> memref<1x50x128xf32, #tpu.memory_space<hbm>>
      %dma_start3A_141 = tpu.memref_squeeze %dma_start3A_140 : memref<1x50x128xf32, #tpu.memory_space<hbm>> -> memref<50x128xf32, #tpu.memory_space<hbm>>
      %dma_start3A_142 = arith.constant 0 : i32
      %dma_start3A_143 = arith.constant 0 : i32
      %dma_start3A_144 = tpu.memref_slice %arg6[%dma_start3A_142, %dma_start3A_143] : memref<100x128xf32, #tpu.memory_space<vmem>> -> memref<50x128xf32, #tpu.memory_space<vmem>>
      tpu.enqueue_dma source(%dma_start3A_144 : memref<50x128xf32, #tpu.memory_space<vmem>>) target(%dma_start3A_141 : memref<50x128xf32, #tpu.memory_space<hbm>>) target_semaphore(%arg22 : memref<!tpu.dma_semaphore, #tpu.memory_space<semaphore_mem>>)
      %mul3A_145 = arith.constant 2 : i32
      %mul3A_146 = arith.muli %add3A_108, %mul3A_145 : i32
      %add3A_147 = arith.addi %mul3A_2, %mul3A_146 : i32
      %add3A_148 = arith.constant 1 : i32
      %add3A_149 = arith.addi %add3A_147, %add3A_148 : i32
      %dma_start3A_150 = arith.constant 50 : i32
      %dma_start3A_151 = arith.constant 0 : i32
      %dma_start3A_152 = tpu.memref_slice %arg6[%dma_start3A_150, %dma_start3A_151] : memref<100x128xf32, #tpu.memory_space<vmem>> -> memref<50x128xf32, #tpu.memory_space<vmem>>
      %dma_start3A_153 = arith.constant 0 : i32
      %dma_start3A_154 = arith.constant 0 : i32
      %dma_start3A_155 = tpu.memref_slice %arg4[%add3A_149, %dma_start3A_153, %dma_start3A_154] : memref<4096x50x128xf32, #tpu.memory_space<hbm>> -> memref<1x50x128xf32, #tpu.memory_space<hbm>>
      %dma_start3A_156 = tpu.memref_squeeze %dma_start3A_155 : memref<1x50x128xf32, #tpu.memory_space<hbm>> -> memref<50x128xf32, #tpu.memory_space<hbm>>
      %dma_start3A_157 = arith.constant 0 : i32
      %dma_start3A_158 = arith.constant 0 : i32
      %dma_start3A_159 = tpu.memref_slice %arg4[%add3A_149, %dma_start3A_157, %dma_start3A_158] : memref<4096x50x128xf32, #tpu.memory_space<hbm>> -> memref<1x50x128xf32, #tpu.memory_space<hbm>>
      %dma_start3A_160 = tpu.memref_squeeze %dma_start3A_159 : memref<1x50x128xf32, #tpu.memory_space<hbm>> -> memref<50x128xf32, #tpu.memory_space<hbm>>
      %dma_start3A_161 = arith.constant 50 : i32
      %dma_start3A_162 = arith.constant 0 : i32
      %dma_start3A_163 = tpu.memref_slice %arg6[%dma_start3A_161, %dma_start3A_162] : memref<100x128xf32, #tpu.memory_space<vmem>> -> memref<50x128xf32, #tpu.memory_space<vmem>>
      tpu.enqueue_dma source(%dma_start3A_163 : memref<50x128xf32, #tpu.memory_space<vmem>>) target(%dma_start3A_160 : memref<50x128xf32, #tpu.memory_space<hbm>>) target_semaphore(%arg22 : memref<!tpu.dma_semaphore, #tpu.memory_space<semaphore_mem>>)
      %mul3A_164 = arith.constant 8 : i32
      %mul3A_165 = arith.muli %scan3A_104, %mul3A_164 : i32
      %add3A_166 = arith.constant 1 : i32
      %add3A_167 = arith.addi %mul3A_165, %add3A_166 : i32
      %ge3A_168 = arith.constant 2 : i32
      %ge3A_169 = arith.cmpi sge, %add3A_167, %ge3A_168 : i32
      %convert_element_type3A_170 = arith.extui %ge3A_169 : i1 to i32
      %cond3A_171 = arith.constant 0 : i32
      %cond3A_172 = arith.cmpi ne, %convert_element_type3A_170, %cond3A_171 : i32
      scf.if %cond3A_172 {
        %dma_wait3A_612 = arith.constant 0 : i32
        %dma_wait3A_613 = arith.constant 0 : i32
        %dma_wait3A_614 = tpu.memref_slice %arg13[%dma_wait3A_612, %dma_wait3A_613] : memref<100x128xf32, #tpu.memory_space<vmem>> -> memref<50x128xf32, #tpu.memory_space<vmem>>
        %dma_wait3A_615 = arith.constant 0 : i32
        %dma_wait3A_616 = arith.constant 0 : i32
        %dma_wait3A_617 = tpu.memref_slice %arg4[%mul3A_2, %dma_wait3A_615, %dma_wait3A_616] : memref<4096x50x128xf32, #tpu.memory_space<hbm>> -> memref<1x50x128xf32, #tpu.memory_space<hbm>>
        %dma_wait3A_618 = tpu.memref_squeeze %dma_wait3A_617 : memref<1x50x128xf32, #tpu.memory_space<hbm>> -> memref<50x128xf32, #tpu.memory_space<hbm>>
        %dma_wait3A_619 = arith.constant 0 : i32
        %dma_wait3A_620 = arith.constant 0 : i32
        %dma_wait3A_621 = tpu.memref_slice %arg4[%mul3A_2, %dma_wait3A_619, %dma_wait3A_620] : memref<4096x50x128xf32, #tpu.memory_space<hbm>> -> memref<1x50x128xf32, #tpu.memory_space<hbm>>
        %dma_wait3A_622 = tpu.memref_squeeze %dma_wait3A_621 : memref<1x50x128xf32, #tpu.memory_space<hbm>> -> memref<50x128xf32, #tpu.memory_space<hbm>>
        %dma_wait3A_623 = arith.constant 0 : i32
        %dma_wait3A_624 = arith.constant 0 : i32
        %dma_wait3A_625 = tpu.memref_slice %arg13[%dma_wait3A_623, %dma_wait3A_624] : memref<100x128xf32, #tpu.memory_space<vmem>> -> memref<50x128xf32, #tpu.memory_space<vmem>>
        tpu.wait_dma2 semaphore(%arg29 : memref<!tpu.dma_semaphore, #tpu.memory_space<semaphore_mem>>) src(%dma_wait3A_625 : memref<50x128xf32, #tpu.memory_space<vmem>>) dst(%dma_wait3A_622 : memref<50x128xf32, #tpu.memory_space<hbm>>)
        %dma_wait3A_626 = arith.constant 50 : i32
        %dma_wait3A_627 = arith.constant 0 : i32
        %dma_wait3A_628 = tpu.memref_slice %arg13[%dma_wait3A_626, %dma_wait3A_627] : memref<100x128xf32, #tpu.memory_space<vmem>> -> memref<50x128xf32, #tpu.memory_space<vmem>>
        %dma_wait3A_629 = arith.constant 0 : i32
        %dma_wait3A_630 = arith.constant 0 : i32
        %dma_wait3A_631 = tpu.memref_slice %arg4[%mul3A_2, %dma_wait3A_629, %dma_wait3A_630] : memref<4096x50x128xf32, #tpu.memory_space<hbm>> -> memref<1x50x128xf32, #tpu.memory_space<hbm>>
        %dma_wait3A_632 = tpu.memref_squeeze %dma_wait3A_631 : memref<1x50x128xf32, #tpu.memory_space<hbm>> -> memref<50x128xf32, #tpu.memory_space<hbm>>
        %dma_wait3A_633 = arith.constant 0 : i32
        %dma_wait3A_634 = arith.constant 0 : i32
        %dma_wait3A_635 = tpu.memref_slice %arg4[%mul3A_2, %dma_wait3A_633, %dma_wait3A_634] : memref<4096x50x128xf32, #tpu.memory_space<hbm>> -> memref<1x50x128xf32, #tpu.memory_space<hbm>>
        %dma_wait3A_636 = tpu.memref_squeeze %dma_wait3A_635 : memref<1x50x128xf32, #tpu.memory_space<hbm>> -> memref<50x128xf32, #tpu.memory_space<hbm>>
        %dma_wait3A_637 = arith.constant 50 : i32
        %dma_wait3A_638 = arith.constant 0 : i32
        %dma_wait3A_639 = tpu.memref_slice %arg13[%dma_wait3A_637, %dma_wait3A_638] : memref<100x128xf32, #tpu.memory_space<vmem>> -> memref<50x128xf32, #tpu.memory_space<vmem>>
        tpu.wait_dma2 semaphore(%arg29 : memref<!tpu.dma_semaphore, #tpu.memory_space<semaphore_mem>>) src(%dma_wait3A_639 : memref<50x128xf32, #tpu.memory_space<vmem>>) dst(%dma_wait3A_636 : memref<50x128xf32, #tpu.memory_space<hbm>>)
      } else {
      }
      %add3A_173 = arith.constant 6 : i32
      %add3A_174 = arith.addi %add3A_167, %add3A_173 : i32
      %lt3A_175 = arith.constant 64 : i32
      %lt3A_176 = arith.cmpi slt, %add3A_174, %lt3A_175 : i32
      %convert_element_type3A_177 = arith.extui %lt3A_176 : i1 to i32
      %cond3A_178 = arith.constant 0 : i32
      %cond3A_179 = arith.cmpi ne, %convert_element_type3A_177, %cond3A_178 : i32
      scf.if %cond3A_179 {
        %add3A_612 = arith.constant 6 : i32
        %add3A_613 = arith.addi %add3A_167, %add3A_612 : i32
        %dma_start3A_614 = arith.constant 0 : i32
        %dma_start3A_615 = tpu.memref_slice %arg5[%add3A_613, %dma_start3A_614] : memref<64x100xi32, #tpu.memory_space<vmem>> -> memref<1x100xi32, #tpu.memory_space<vmem>>
        %dma_start3A_616 = tpu.memref_squeeze %dma_start3A_615 : memref<1x100xi32, #tpu.memory_space<vmem>> -> memref<100xi32, #tpu.memory_space<vmem>>
        %dma_start3A_617 = arith.constant 0 : i32
        %dma_start3A_618 = arith.constant 0 : i32
        %dma_start3A_619 = tpu.memref_slice %arg3[%dma_start3A_617, %dma_start3A_618] : memref<100000x128xf32, #tpu.memory_space<hbm>> -> memref<100000x128xf32, #tpu.memory_space<hbm>>
        tpu.enqueue_indirect_dma source(%dma_start3A_619 : memref<100000x128xf32, #tpu.memory_space<hbm>>) target(%arg13 : memref<100x128xf32, #tpu.memory_space<vmem>>) offsets(%dma_start3A_616 : memref<100xi32, #tpu.memory_space<vmem>>) semaphore(%arg21 : memref<!tpu.dma_semaphore, #tpu.memory_space<semaphore_mem>>)
      } else {
      }
      %dma_wait3A_180 = arith.constant 0 : i32
      %dma_wait3A_181 = arith.constant 0 : i32
      %dma_wait3A_182 = tpu.memref_slice %arg5[%dma_wait3A_180, %dma_wait3A_181] : memref<64x100xi32, #tpu.memory_space<vmem>> -> memref<1x100xi32, #tpu.memory_space<vmem>>
      %dma_wait3A_183 = tpu.memref_squeeze %dma_wait3A_182 : memref<1x100xi32, #tpu.memory_space<vmem>> -> memref<100xi32, #tpu.memory_space<vmem>>
      %dma_wait3A_184 = arith.constant 0 : i32
      %dma_wait3A_185 = arith.constant 0 : i32
      %dma_wait3A_186 = tpu.memref_slice %arg3[%dma_wait3A_184, %dma_wait3A_185] : memref<100000x128xf32, #tpu.memory_space<hbm>> -> memref<100000x128xf32, #tpu.memory_space<hbm>>
      tpu.wait_indirect_dma semaphore(%arg15 : memref<!tpu.dma_semaphore, #tpu.memory_space<semaphore_mem>>) src(%dma_wait3A_186 : memref<100000x128xf32, #tpu.memory_space<hbm>>) dst(%arg7 : memref<100x128xf32, #tpu.memory_space<vmem>>)
      %parallel_loop3A_187 = arith.constant 0 : i32
      %parallel_loop3A_188 = arith.constant 100 : i32
      %parallel_loop3A_189 = arith.constant 2 : i32
      scf.for %parallel_loop3A_612 = %parallel_loop3A_187 to %parallel_loop3A_188 step %parallel_loop3A_189  : i32 {
        %parallel_loop3A_613 = arith.constant 0 : i32
        %parallel_loop3A_614 = arith.addi %parallel_loop3A_612, %parallel_loop3A_613 : i32
        %parallel_loop3A_615 = arith.index_cast %parallel_loop3A_614 : i32 to index
        %parallel_loop3A_616 = arith.constant 0 : index
        %parallel_loop3A_617 = tpu.vector_load %arg7[%parallel_loop3A_615, %parallel_loop3A_616] {strides = array<i32>} : memref<100x128xf32, #tpu.memory_space<vmem>>, vector<1x16xf32>,
        %parallel_loop3A_618 = vector.shape_cast %parallel_loop3A_617 : vector<1x16xf32> to vector<16xf32>
        %parallel_loop3A_619 = arith.constant 11.3137083 : f32
        %parallel_loop3A_620 = vector.broadcast %parallel_loop3A_619 : f32 to vector<16xf32>
        %parallel_loop3A_621 = arith.mulf %parallel_loop3A_618, %parallel_loop3A_620 : vector<16xf32>
        %parallel_loop3A_622 = arith.constant 0 : i32
        %parallel_loop3A_623 = arith.addi %parallel_loop3A_612, %parallel_loop3A_622 : i32
        %parallel_loop3A_624 = arith.index_cast %parallel_loop3A_623 : i32 to index
        %parallel_loop3A_625 = arith.constant 0 : index
        %parallel_loop3A_626 = tpu.vector_load %arg7[%parallel_loop3A_624, %parallel_loop3A_625] {strides = array<i32>} : memref<100x128xf32, #tpu.memory_space<vmem>>, vector<1x16xf32>,
        %parallel_loop3A_627 = vector.shape_cast %parallel_loop3A_626 : vector<1x16xf32> to vector<16xf32>
        %parallel_loop3A_628 = vector.shape_cast %parallel_loop3A_621 : vector<16xf32> to vector<1x16xf32>
        tpu.vector_store %arg7[%parallel_loop3A_624, %parallel_loop3A_625], %parallel_loop3A_628 {strides = array<i32>} : memref<100x128xf32, #tpu.memory_space<vmem>>, vector<1x16xf32>,
        %parallel_loop3A_629 = arith.constant 0 : i32
        %parallel_loop3A_630 = arith.addi %parallel_loop3A_612, %parallel_loop3A_629 : i32
        %parallel_loop3A_631 = arith.index_cast %parallel_loop3A_630 : i32 to index
        %parallel_loop3A_632 = arith.constant 16 : index
        %parallel_loop3A_633 = tpu.vector_load %arg7[%parallel_loop3A_631, %parallel_loop3A_632] {strides = array<i32>} : memref<100x128xf32, #tpu.memory_space<vmem>>, vector<1x16xf32>,
        %parallel_loop3A_634 = vector.shape_cast %parallel_loop3A_633 : vector<1x16xf32> to vector<16xf32>
        %parallel_loop3A_635 = arith.constant 11.3137083 : f32
        %parallel_loop3A_636 = vector.broadcast %parallel_loop3A_635 : f32 to vector<16xf32>
        %parallel_loop3A_637 = arith.mulf %parallel_loop3A_634, %parallel_loop3A_636 : vector<16xf32>
        %parallel_loop3A_638 = arith.constant 0 : i32
        %parallel_loop3A_639 = arith.addi %parallel_loop3A_612, %parallel_loop3A_638 : i32
        %parallel_loop3A_640 = arith.index_cast %parallel_loop3A_639 : i32 to index
        %parallel_loop3A_641 = arith.constant 16 : index
        %parallel_loop3A_642 = tpu.vector_load %arg7[%parallel_loop3A_640, %parallel_loop3A_641] {strides = array<i32>} : memref<100x128xf32, #tpu.memory_space<vmem>>, vector<1x16xf32>,
        %parallel_loop3A_643 = vector.shape_cast %parallel_loop3A_642 : vector<1x16xf32> to vector<16xf32>
        %parallel_loop3A_644 = vector.shape_cast %parallel_loop3A_637 : vector<16xf32> to vector<1x16xf32>
        tpu.vector_store %arg7[%parallel_loop3A_640, %parallel_loop3A_641], %parallel_loop3A_644 {strides = array<i32>} : memref<100x128xf32, #tpu.memory_space<vmem>>, vector<1x16xf32>,
        %parallel_loop3A_645 = arith.constant 0 : i32
        %parallel_loop3A_646 = arith.addi %parallel_loop3A_612, %parallel_loop3A_645 : i32
        %parallel_loop3A_647 = arith.index_cast %parallel_loop3A_646 : i32 to index
        %parallel_loop3A_648 = arith.constant 32 : index
        %parallel_loop3A_649 = tpu.vector_load %arg7[%parallel_loop3A_647, %parallel_loop3A_648] {strides = array<i32>} : memref<100x128xf32, #tpu.memory_space<vmem>>, vector<1x16xf32>,
        %parallel_loop3A_650 = vector.shape_cast %parallel_loop3A_649 : vector<1x16xf32> to vector<16xf32>
        %parallel_loop3A_651 = arith.constant 11.3137083 : f32
        %parallel_loop3A_652 = vector.broadcast %parallel_loop3A_651 : f32 to vector<16xf32>
        %parallel_loop3A_653 = arith.mulf %parallel_loop3A_650, %parallel_loop3A_652 : vector<16xf32>
        %parallel_loop3A_654 = arith.constant 0 : i32
        %parallel_loop3A_655 = arith.addi %parallel_loop3A_612, %parallel_loop3A_654 : i32
        %parallel_loop3A_656 = arith.index_cast %parallel_loop3A_655 : i32 to index
        %parallel_loop3A_657 = arith.constant 32 : index
        %parallel_loop3A_658 = tpu.vector_load %arg7[%parallel_loop3A_656, %parallel_loop3A_657] {strides = array<i32>} : memref<100x128xf32, #tpu.memory_space<vmem>>, vector<1x16xf32>,
        %parallel_loop3A_659 = vector.shape_cast %parallel_loop3A_658 : vector<1x16xf32> to vector<16xf32>
        %parallel_loop3A_660 = vector.shape_cast %parallel_loop3A_653 : vector<16xf32> to vector<1x16xf32>
        tpu.vector_store %arg7[%parallel_loop3A_656, %parallel_loop3A_657], %parallel_loop3A_660 {strides = array<i32>} : memref<100x128xf32, #tpu.memory_space<vmem>>, vector<1x16xf32>,
        %parallel_loop3A_661 = arith.constant 0 : i32
        %parallel_loop3A_662 = arith.addi %parallel_loop3A_612, %parallel_loop3A_661 : i32
        %parallel_loop3A_663 = arith.index_cast %parallel_loop3A_662 : i32 to index
        %parallel_loop3A_664 = arith.constant 48 : index
        %parallel_loop3A_665 = tpu.vector_load %arg7[%parallel_loop3A_663, %parallel_loop3A_664] {strides = array<i32>} : memref<100x128xf32, #tpu.memory_space<vmem>>, vector<1x16xf32>,
        %parallel_loop3A_666 = vector.shape_cast %parallel_loop3A_665 : vector<1x16xf32> to vector<16xf32>
        %parallel_loop3A_667 = arith.constant 11.3137083 : f32
        %parallel_loop3A_668 = vector.broadcast %parallel_loop3A_667 : f32 to vector<16xf32>
        %parallel_loop3A_669 = arith.mulf %parallel_loop3A_666, %parallel_loop3A_668 : vector<16xf32>
        %parallel_loop3A_670 = arith.constant 0 : i32
        %parallel_loop3A_671 = arith.addi %parallel_loop3A_612, %parallel_loop3A_670 : i32
        %parallel_loop3A_672 = arith.index_cast %parallel_loop3A_671 : i32 to index
        %parallel_loop3A_673 = arith.constant 48 : index
        %parallel_loop3A_674 = tpu.vector_load %arg7[%parallel_loop3A_672, %parallel_loop3A_673] {strides = array<i32>} : memref<100x128xf32, #tpu.memory_space<vmem>>, vector<1x16xf32>,
        %parallel_loop3A_675 = vector.shape_cast %parallel_loop3A_674 : vector<1x16xf32> to vector<16xf32>
        %parallel_loop3A_676 = vector.shape_cast %parallel_loop3A_669 : vector<16xf32> to vector<1x16xf32>
        tpu.vector_store %arg7[%parallel_loop3A_672, %parallel_loop3A_673], %parallel_loop3A_676 {strides = array<i32>} : memref<100x128xf32, #tpu.memory_space<vmem>>, vector<1x16xf32>,
        %parallel_loop3A_677 = arith.constant 0 : i32
        %parallel_loop3A_678 = arith.addi %parallel_loop3A_612, %parallel_loop3A_677 : i32
        %parallel_loop3A_679 = arith.index_cast %parallel_loop3A_678 : i32 to index
        %parallel_loop3A_680 = arith.constant 64 : index
        %parallel_loop3A_681 = tpu.vector_load %arg7[%parallel_loop3A_679, %parallel_loop3A_680] {strides = array<i32>} : memref<100x128xf32, #tpu.memory_space<vmem>>, vector<1x16xf32>,
        %parallel_loop3A_682 = vector.shape_cast %parallel_loop3A_681 : vector<1x16xf32> to vector<16xf32>
        %parallel_loop3A_683 = arith.constant 11.3137083 : f32
        %parallel_loop3A_684 = vector.broadcast %parallel_loop3A_683 : f32 to vector<16xf32>
        %parallel_loop3A_685 = arith.mulf %parallel_loop3A_682, %parallel_loop3A_684 : vector<16xf32>
        %parallel_loop3A_686 = arith.constant 0 : i32
        %parallel_loop3A_687 = arith.addi %parallel_loop3A_612, %parallel_loop3A_686 : i32
        %parallel_loop3A_688 = arith.index_cast %parallel_loop3A_687 : i32 to index
        %parallel_loop3A_689 = arith.constant 64 : index
        %parallel_loop3A_690 = tpu.vector_load %arg7[%parallel_loop3A_688, %parallel_loop3A_689] {strides = array<i32>} : memref<100x128xf32, #tpu.memory_space<vmem>>, vector<1x16xf32>,
        %parallel_loop3A_691 = vector.shape_cast %parallel_loop3A_690 : vector<1x16xf32> to vector<16xf32>
        %parallel_loop3A_692 = vector.shape_cast %parallel_loop3A_685 : vector<16xf32> to vector<1x16xf32>
        tpu.vector_store %arg7[%parallel_loop3A_688, %parallel_loop3A_689], %parallel_loop3A_692 {strides = array<i32>} : memref<100x128xf32, #tpu.memory_space<vmem>>, vector<1x16xf32>,
        %parallel_loop3A_693 = arith.constant 0 : i32
        %parallel_loop3A_694 = arith.addi %parallel_loop3A_612, %parallel_loop3A_693 : i32
        %parallel_loop3A_695 = arith.index_cast %parallel_loop3A_694 : i32 to index
        %parallel_loop3A_696 = arith.constant 80 : index
        %parallel_loop3A_697 = tpu.vector_load %arg7[%parallel_loop3A_695, %parallel_loop3A_696] {strides = array<i32>} : memref<100x128xf32, #tpu.memory_space<vmem>>, vector<1x16xf32>,
        %parallel_loop3A_698 = vector.shape_cast %parallel_loop3A_697 : vector<1x16xf32> to vector<16xf32>
        %parallel_loop3A_699 = arith.constant 11.3137083 : f32
        %parallel_loop3A_700 = vector.broadcast %parallel_loop3A_699 : f32 to vector<16xf32>
        %parallel_loop3A_701 = arith.mulf %parallel_loop3A_698, %parallel_loop3A_700 : vector<16xf32>
        %parallel_loop3A_702 = arith.constant 0 : i32
        %parallel_loop3A_703 = arith.addi %parallel_loop3A_612, %parallel_loop3A_702 : i32
        %parallel_loop3A_704 = arith.index_cast %parallel_loop3A_703 : i32 to index
        %parallel_loop3A_705 = arith.constant 80 : index
        %parallel_loop3A_706 = tpu.vector_load %arg7[%parallel_loop3A_704, %parallel_loop3A_705] {strides = array<i32>} : memref<100x128xf32, #tpu.memory_space<vmem>>, vector<1x16xf32>,
        %parallel_loop3A_707 = vector.shape_cast %parallel_loop3A_706 : vector<1x16xf32> to vector<16xf32>
        %parallel_loop3A_708 = vector.shape_cast %parallel_loop3A_701 : vector<16xf32> to vector<1x16xf32>
        tpu.vector_store %arg7[%parallel_loop3A_704, %parallel_loop3A_705], %parallel_loop3A_708 {strides = array<i32>} : memref<100x128xf32, #tpu.memory_space<vmem>>, vector<1x16xf32>,
        %parallel_loop3A_709 = arith.constant 0 : i32
        %parallel_loop3A_710 = arith.addi %parallel_loop3A_612, %parallel_loop3A_709 : i32
        %parallel_loop3A_711 = arith.index_cast %parallel_loop3A_710 : i32 to index
        %parallel_loop3A_712 = arith.constant 96 : index
        %parallel_loop3A_713 = tpu.vector_load %arg7[%parallel_loop3A_711, %parallel_loop3A_712] {strides = array<i32>} : memref<100x128xf32, #tpu.memory_space<vmem>>, vector<1x16xf32>,
        %parallel_loop3A_714 = vector.shape_cast %parallel_loop3A_713 : vector<1x16xf32> to vector<16xf32>
        %parallel_loop3A_715 = arith.constant 11.3137083 : f32
        %parallel_loop3A_716 = vector.broadcast %parallel_loop3A_715 : f32 to vector<16xf32>
        %parallel_loop3A_717 = arith.mulf %parallel_loop3A_714, %parallel_loop3A_716 : vector<16xf32>
        %parallel_loop3A_718 = arith.constant 0 : i32
        %parallel_loop3A_719 = arith.addi %parallel_loop3A_612, %parallel_loop3A_718 : i32
        %parallel_loop3A_720 = arith.index_cast %parallel_loop3A_719 : i32 to index
        %parallel_loop3A_721 = arith.constant 96 : index
        %parallel_loop3A_722 = tpu.vector_load %arg7[%parallel_loop3A_720, %parallel_loop3A_721] {strides = array<i32>} : memref<100x128xf32, #tpu.memory_space<vmem>>, vector<1x16xf32>,
        %parallel_loop3A_723 = vector.shape_cast %parallel_loop3A_722 : vector<1x16xf32> to vector<16xf32>
        %parallel_loop3A_724 = vector.shape_cast %parallel_loop3A_717 : vector<16xf32> to vector<1x16xf32>
        tpu.vector_store %arg7[%parallel_loop3A_720, %parallel_loop3A_721], %parallel_loop3A_724 {strides = array<i32>} : memref<100x128xf32, #tpu.memory_space<vmem>>, vector<1x16xf32>,
        %parallel_loop3A_725 = arith.constant 0 : i32
        %parallel_loop3A_726 = arith.addi %parallel_loop3A_612, %parallel_loop3A_725 : i32
        %parallel_loop3A_727 = arith.index_cast %parallel_loop3A_726 : i32 to index
        %parallel_loop3A_728 = arith.constant 112 : index
        %parallel_loop3A_729 = tpu.vector_load %arg7[%parallel_loop3A_727, %parallel_loop3A_728] {strides = array<i32>} : memref<100x128xf32, #tpu.memory_space<vmem>>, vector<1x16xf32>,
        %parallel_loop3A_730 = vector.shape_cast %parallel_loop3A_729 : vector<1x16xf32> to vector<16xf32>
        %parallel_loop3A_731 = arith.constant 11.3137083 : f32
        %parallel_loop3A_732 = vector.broadcast %parallel_loop3A_731 : f32 to vector<16xf32>
        %parallel_loop3A_733 = arith.mulf %parallel_loop3A_730, %parallel_loop3A_732 : vector<16xf32>
        %parallel_loop3A_734 = arith.constant 0 : i32
        %parallel_loop3A_735 = arith.addi %parallel_loop3A_612, %parallel_loop3A_734 : i32
        %parallel_loop3A_736 = arith.index_cast %parallel_loop3A_735 : i32 to index
        %parallel_loop3A_737 = arith.constant 112 : index
        %parallel_loop3A_738 = tpu.vector_load %arg7[%parallel_loop3A_736, %parallel_loop3A_737] {strides = array<i32>} : memref<100x128xf32, #tpu.memory_space<vmem>>, vector<1x16xf32>,
        %parallel_loop3A_739 = vector.shape_cast %parallel_loop3A_738 : vector<1x16xf32> to vector<16xf32>
        %parallel_loop3A_740 = vector.shape_cast %parallel_loop3A_733 : vector<16xf32> to vector<1x16xf32>
        tpu.vector_store %arg7[%parallel_loop3A_736, %parallel_loop3A_737], %parallel_loop3A_740 {strides = array<i32>} : memref<100x128xf32, #tpu.memory_space<vmem>>, vector<1x16xf32>,
        %parallel_loop3A_741 = arith.constant 1 : i32
        %parallel_loop3A_742 = arith.addi %parallel_loop3A_612, %parallel_loop3A_741 : i32
        %parallel_loop3A_743 = arith.index_cast %parallel_loop3A_742 : i32 to index
        %parallel_loop3A_744 = arith.constant 0 : index
        %parallel_loop3A_745 = tpu.vector_load %arg7[%parallel_loop3A_743, %parallel_loop3A_744] {strides = array<i32>} : memref<100x128xf32, #tpu.memory_space<vmem>>, vector<1x16xf32>,
        %parallel_loop3A_746 = vector.shape_cast %parallel_loop3A_745 : vector<1x16xf32> to vector<16xf32>
        %parallel_loop3A_747 = arith.constant 11.3137083 : f32
        %parallel_loop3A_748 = vector.broadcast %parallel_loop3A_747 : f32 to vector<16xf32>
        %parallel_loop3A_749 = arith.mulf %parallel_loop3A_746, %parallel_loop3A_748 : vector<16xf32>
        %parallel_loop3A_750 = arith.constant 1 : i32
        %parallel_loop3A_751 = arith.addi %parallel_loop3A_612, %parallel_loop3A_750 : i32
        %parallel_loop3A_752 = arith.index_cast %parallel_loop3A_751 : i32 to index
        %parallel_loop3A_753 = arith.constant 0 : index
        %parallel_loop3A_754 = tpu.vector_load %arg7[%parallel_loop3A_752, %parallel_loop3A_753] {strides = array<i32>} : memref<100x128xf32, #tpu.memory_space<vmem>>, vector<1x16xf32>,
        %parallel_loop3A_755 = vector.shape_cast %parallel_loop3A_754 : vector<1x16xf32> to vector<16xf32>
        %parallel_loop3A_756 = vector.shape_cast %parallel_loop3A_749 : vector<16xf32> to vector<1x16xf32>
        tpu.vector_store %arg7[%parallel_loop3A_752, %parallel_loop3A_753], %parallel_loop3A_756 {strides = array<i32>} : memref<100x128xf32, #tpu.memory_space<vmem>>, vector<1x16xf32>,
        %parallel_loop3A_757 = arith.constant 1 : i32
        %parallel_loop3A_758 = arith.addi %parallel_loop3A_612, %parallel_loop3A_757 : i32
        %parallel_loop3A_759 = arith.index_cast %parallel_loop3A_758 : i32 to index
        %parallel_loop3A_760 = arith.constant 16 : index
        %parallel_loop3A_761 = tpu.vector_load %arg7[%parallel_loop3A_759, %parallel_loop3A_760] {strides = array<i32>} : memref<100x128xf32, #tpu.memory_space<vmem>>, vector<1x16xf32>,
        %parallel_loop3A_762 = vector.shape_cast %parallel_loop3A_761 : vector<1x16xf32> to vector<16xf32>
        %parallel_loop3A_763 = arith.constant 11.3137083 : f32
        %parallel_loop3A_764 = vector.broadcast %parallel_loop3A_763 : f32 to vector<16xf32>
        %parallel_loop3A_765 = arith.mulf %parallel_loop3A_762, %parallel_loop3A_764 : vector<16xf32>
        %parallel_loop3A_766 = arith.constant 1 : i32
        %parallel_loop3A_767 = arith.addi %parallel_loop3A_612, %parallel_loop3A_766 : i32
        %parallel_loop3A_768 = arith.index_cast %parallel_loop3A_767 : i32 to index
        %parallel_loop3A_769 = arith.constant 16 : index
        %parallel_loop3A_770 = tpu.vector_load %arg7[%parallel_loop3A_768, %parallel_loop3A_769] {strides = array<i32>} : memref<100x128xf32, #tpu.memory_space<vmem>>, vector<1x16xf32>,
        %parallel_loop3A_771 = vector.shape_cast %parallel_loop3A_770 : vector<1x16xf32> to vector<16xf32>
        %parallel_loop3A_772 = vector.shape_cast %parallel_loop3A_765 : vector<16xf32> to vector<1x16xf32>
        tpu.vector_store %arg7[%parallel_loop3A_768, %parallel_loop3A_769], %parallel_loop3A_772 {strides = array<i32>} : memref<100x128xf32, #tpu.memory_space<vmem>>, vector<1x16xf32>,
        %parallel_loop3A_773 = arith.constant 1 : i32
        %parallel_loop3A_774 = arith.addi %parallel_loop3A_612, %parallel_loop3A_773 : i32
        %parallel_loop3A_775 = arith.index_cast %parallel_loop3A_774 : i32 to index
        %parallel_loop3A_776 = arith.constant 32 : index
        %parallel_loop3A_777 = tpu.vector_load %arg7[%parallel_loop3A_775, %parallel_loop3A_776] {strides = array<i32>} : memref<100x128xf32, #tpu.memory_space<vmem>>, vector<1x16xf32>,
        %parallel_loop3A_778 = vector.shape_cast %parallel_loop3A_777 : vector<1x16xf32> to vector<16xf32>
        %parallel_loop3A_779 = arith.constant 11.3137083 : f32
        %parallel_loop3A_780 = vector.broadcast %parallel_loop3A_779 : f32 to vector<16xf32>
        %parallel_loop3A_781 = arith.mulf %parallel_loop3A_778, %parallel_loop3A_780 : vector<16xf32>
        %parallel_loop3A_782 = arith.constant 1 : i32
        %parallel_loop3A_783 = arith.addi %parallel_loop3A_612, %parallel_loop3A_782 : i32
        %parallel_loop3A_784 = arith.index_cast %parallel_loop3A_783 : i32 to index
        %parallel_loop3A_785 = arith.constant 32 : index
        %parallel_loop3A_786 = tpu.vector_load %arg7[%parallel_loop3A_784, %parallel_loop3A_785] {strides = array<i32>} : memref<100x128xf32, #tpu.memory_space<vmem>>, vector<1x16xf32>,
        %parallel_loop3A_787 = vector.shape_cast %parallel_loop3A_786 : vector<1x16xf32> to vector<16xf32>
        %parallel_loop3A_788 = vector.shape_cast %parallel_loop3A_781 : vector<16xf32> to vector<1x16xf32>
        tpu.vector_store %arg7[%parallel_loop3A_784, %parallel_loop3A_785], %parallel_loop3A_788 {strides = array<i32>} : memref<100x128xf32, #tpu.memory_space<vmem>>, vector<1x16xf32>,
        %parallel_loop3A_789 = arith.constant 1 : i32
        %parallel_loop3A_790 = arith.addi %parallel_loop3A_612, %parallel_loop3A_789 : i32
        %parallel_loop3A_791 = arith.index_cast %parallel_loop3A_790 : i32 to index
        %parallel_loop3A_792 = arith.constant 48 : index
        %parallel_loop3A_793 = tpu.vector_load %arg7[%parallel_loop3A_791, %parallel_loop3A_792] {strides = array<i32>} : memref<100x128xf32, #tpu.memory_space<vmem>>, vector<1x16xf32>,
        %parallel_loop3A_794 = vector.shape_cast %parallel_loop3A_793 : vector<1x16xf32> to vector<16xf32>
        %parallel_loop3A_795 = arith.constant 11.3137083 : f32
        %parallel_loop3A_796 = vector.broadcast %parallel_loop3A_795 : f32 to vector<16xf32>
        %parallel_loop3A_797 = arith.mulf %parallel_loop3A_794, %parallel_loop3A_796 : vector<16xf32>
        %parallel_loop3A_798 = arith.constant 1 : i32
        %parallel_loop3A_799 = arith.addi %parallel_loop3A_612, %parallel_loop3A_798 : i32
        %parallel_loop3A_800 = arith.index_cast %parallel_loop3A_799 : i32 to index
        %parallel_loop3A_801 = arith.constant 48 : index
        %parallel_loop3A_802 = tpu.vector_load %arg7[%parallel_loop3A_800, %parallel_loop3A_801] {strides = array<i32>} : memref<100x128xf32, #tpu.memory_space<vmem>>, vector<1x16xf32>,
        %parallel_loop3A_803 = vector.shape_cast %parallel_loop3A_802 : vector<1x16xf32> to vector<16xf32>
        %parallel_loop3A_804 = vector.shape_cast %parallel_loop3A_797 : vector<16xf32> to vector<1x16xf32>
        tpu.vector_store %arg7[%parallel_loop3A_800, %parallel_loop3A_801], %parallel_loop3A_804 {strides = array<i32>} : memref<100x128xf32, #tpu.memory_space<vmem>>, vector<1x16xf32>,
        %parallel_loop3A_805 = arith.constant 1 : i32
        %parallel_loop3A_806 = arith.addi %parallel_loop3A_612, %parallel_loop3A_805 : i32
        %parallel_loop3A_807 = arith.index_cast %parallel_loop3A_806 : i32 to index
        %parallel_loop3A_808 = arith.constant 64 : index
        %parallel_loop3A_809 = tpu.vector_load %arg7[%parallel_loop3A_807, %parallel_loop3A_808] {strides = array<i32>} : memref<100x128xf32, #tpu.memory_space<vmem>>, vector<1x16xf32>,
        %parallel_loop3A_810 = vector.shape_cast %parallel_loop3A_809 : vector<1x16xf32> to vector<16xf32>
        %parallel_loop3A_811 = arith.constant 11.3137083 : f32
        %parallel_loop3A_812 = vector.broadcast %parallel_loop3A_811 : f32 to vector<16xf32>
        %parallel_loop3A_813 = arith.mulf %parallel_loop3A_810, %parallel_loop3A_812 : vector<16xf32>
        %parallel_loop3A_814 = arith.constant 1 : i32
        %parallel_loop3A_815 = arith.addi %parallel_loop3A_612, %parallel_loop3A_814 : i32
        %parallel_loop3A_816 = arith.index_cast %parallel_loop3A_815 : i32 to index
        %parallel_loop3A_817 = arith.constant 64 : index
        %parallel_loop3A_818 = tpu.vector_load %arg7[%parallel_loop3A_816, %parallel_loop3A_817] {strides = array<i32>} : memref<100x128xf32, #tpu.memory_space<vmem>>, vector<1x16xf32>,
        %parallel_loop3A_819 = vector.shape_cast %parallel_loop3A_818 : vector<1x16xf32> to vector<16xf32>
        %parallel_loop3A_820 = vector.shape_cast %parallel_loop3A_813 : vector<16xf32> to vector<1x16xf32>
        tpu.vector_store %arg7[%parallel_loop3A_816, %parallel_loop3A_817], %parallel_loop3A_820 {strides = array<i32>} : memref<100x128xf32, #tpu.memory_space<vmem>>, vector<1x16xf32>,
        %parallel_loop3A_821 = arith.constant 1 : i32
        %parallel_loop3A_822 = arith.addi %parallel_loop3A_612, %parallel_loop3A_821 : i32
        %parallel_loop3A_823 = arith.index_cast %parallel_loop3A_822 : i32 to index
        %parallel_loop3A_824 = arith.constant 80 : index
        %parallel_loop3A_825 = tpu.vector_load %arg7[%parallel_loop3A_823, %parallel_loop3A_824] {strides = array<i32>} : memref<100x128xf32, #tpu.memory_space<vmem>>, vector<1x16xf32>,
        %parallel_loop3A_826 = vector.shape_cast %parallel_loop3A_825 : vector<1x16xf32> to vector<16xf32>
        %parallel_loop3A_827 = arith.constant 11.3137083 : f32
        %parallel_loop3A_828 = vector.broadcast %parallel_loop3A_827 : f32 to vector<16xf32>
        %parallel_loop3A_829 = arith.mulf %parallel_loop3A_826, %parallel_loop3A_828 : vector<16xf32>
        %parallel_loop3A_830 = arith.constant 1 : i32
        %parallel_loop3A_831 = arith.addi %parallel_loop3A_612, %parallel_loop3A_830 : i32
        %parallel_loop3A_832 = arith.index_cast %parallel_loop3A_831 : i32 to index
        %parallel_loop3A_833 = arith.constant 80 : index
        %parallel_loop3A_834 = tpu.vector_load %arg7[%parallel_loop3A_832, %parallel_loop3A_833] {strides = array<i32>} : memref<100x128xf32, #tpu.memory_space<vmem>>, vector<1x16xf32>,
        %parallel_loop3A_835 = vector.shape_cast %parallel_loop3A_834 : vector<1x16xf32> to vector<16xf32>
        %parallel_loop3A_836 = vector.shape_cast %parallel_loop3A_829 : vector<16xf32> to vector<1x16xf32>
        tpu.vector_store %arg7[%parallel_loop3A_832, %parallel_loop3A_833], %parallel_loop3A_836 {strides = array<i32>} : memref<100x128xf32, #tpu.memory_space<vmem>>, vector<1x16xf32>,
        %parallel_loop3A_837 = arith.constant 1 : i32
        %parallel_loop3A_838 = arith.addi %parallel_loop3A_612, %parallel_loop3A_837 : i32
        %parallel_loop3A_839 = arith.index_cast %parallel_loop3A_838 : i32 to index
        %parallel_loop3A_840 = arith.constant 96 : index
        %parallel_loop3A_841 = tpu.vector_load %arg7[%parallel_loop3A_839, %parallel_loop3A_840] {strides = array<i32>} : memref<100x128xf32, #tpu.memory_space<vmem>>, vector<1x16xf32>,
        %parallel_loop3A_842 = vector.shape_cast %parallel_loop3A_841 : vector<1x16xf32> to vector<16xf32>
        %parallel_loop3A_843 = arith.constant 11.3137083 : f32
        %parallel_loop3A_844 = vector.broadcast %parallel_loop3A_843 : f32 to vector<16xf32>
        %parallel_loop3A_845 = arith.mulf %parallel_loop3A_842, %parallel_loop3A_844 : vector<16xf32>
        %parallel_loop3A_846 = arith.constant 1 : i32
        %parallel_loop3A_847 = arith.addi %parallel_loop3A_612, %parallel_loop3A_846 : i32
        %parallel_loop3A_848 = arith.index_cast %parallel_loop3A_847 : i32 to index
        %parallel_loop3A_849 = arith.constant 96 : index
        %parallel_loop3A_850 = tpu.vector_load %arg7[%parallel_loop3A_848, %parallel_loop3A_849] {strides = array<i32>} : memref<100x128xf32, #tpu.memory_space<vmem>>, vector<1x16xf32>,
        %parallel_loop3A_851 = vector.shape_cast %parallel_loop3A_850 : vector<1x16xf32> to vector<16xf32>
        %parallel_loop3A_852 = vector.shape_cast %parallel_loop3A_845 : vector<16xf32> to vector<1x16xf32>
        tpu.vector_store %arg7[%parallel_loop3A_848, %parallel_loop3A_849], %parallel_loop3A_852 {strides = array<i32>} : memref<100x128xf32, #tpu.memory_space<vmem>>, vector<1x16xf32>,
        %parallel_loop3A_853 = arith.constant 1 : i32
        %parallel_loop3A_854 = arith.addi %parallel_loop3A_612, %parallel_loop3A_853 : i32
        %parallel_loop3A_855 = arith.index_cast %parallel_loop3A_854 : i32 to index
        %parallel_loop3A_856 = arith.constant 112 : index
        %parallel_loop3A_857 = tpu.vector_load %arg7[%parallel_loop3A_855, %parallel_loop3A_856] {strides = array<i32>} : memref<100x128xf32, #tpu.memory_space<vmem>>, vector<1x16xf32>,
        %parallel_loop3A_858 = vector.shape_cast %parallel_loop3A_857 : vector<1x16xf32> to vector<16xf32>
        %parallel_loop3A_859 = arith.constant 11.3137083 : f32
        %parallel_loop3A_860 = vector.broadcast %parallel_loop3A_859 : f32 to vector<16xf32>
        %parallel_loop3A_861 = arith.mulf %parallel_loop3A_858, %parallel_loop3A_860 : vector<16xf32>
        %parallel_loop3A_862 = arith.constant 1 : i32
        %parallel_loop3A_863 = arith.addi %parallel_loop3A_612, %parallel_loop3A_862 : i32
        %parallel_loop3A_864 = arith.index_cast %parallel_loop3A_863 : i32 to index
        %parallel_loop3A_865 = arith.constant 112 : index
        %parallel_loop3A_866 = tpu.vector_load %arg7[%parallel_loop3A_864, %parallel_loop3A_865] {strides = array<i32>} : memref<100x128xf32, #tpu.memory_space<vmem>>, vector<1x16xf32>,
        %parallel_loop3A_867 = vector.shape_cast %parallel_loop3A_866 : vector<1x16xf32> to vector<16xf32>
        %parallel_loop3A_868 = vector.shape_cast %parallel_loop3A_861 : vector<16xf32> to vector<1x16xf32>
        tpu.vector_store %arg7[%parallel_loop3A_864, %parallel_loop3A_865], %parallel_loop3A_868 {strides = array<i32>} : memref<100x128xf32, #tpu.memory_space<vmem>>, vector<1x16xf32>,
      } {sc.loop_unroll_factor = 2 : i64, sc.parallel_access}
      %mul3A_190 = arith.constant 2 : i32
      %mul3A_191 = arith.muli %add3A_167, %mul3A_190 : i32
      %add3A_192 = arith.addi %mul3A_2, %mul3A_191 : i32
      %add3A_193 = arith.constant 0 : i32
      %add3A_194 = arith.addi %add3A_192, %add3A_193 : i32
      %dma_start3A_195 = arith.constant 0 : i32
      %dma_start3A_196 = arith.constant 0 : i32
      %dma_start3A_197 = tpu.memref_slice %arg7[%dma_start3A_195, %dma_start3A_196] : memref<100x128xf32, #tpu.memory_space<vmem>> -> memref<50x128xf32, #tpu.memory_space<vmem>>
      %dma_start3A_198 = arith.constant 0 : i32
      %dma_start3A_199 = arith.constant 0 : i32
      %dma_start3A_200 = tpu.memref_slice %arg4[%add3A_194, %dma_start3A_198, %dma_start3A_199] : memref<4096x50x128xf32, #tpu.memory_space<hbm>> -> memref<1x50x128xf32, #tpu.memory_space<hbm>>
      %dma_start3A_201 = tpu.memref_squeeze %dma_start3A_200 : memref<1x50x128xf32, #tpu.memory_space<hbm>> -> memref<50x128xf32, #tpu.memory_space<hbm>>
      %dma_start3A_202 = arith.constant 0 : i32
      %dma_start3A_203 = arith.constant 0 : i32
      %dma_start3A_204 = tpu.memref_slice %arg4[%add3A_194, %dma_start3A_202, %dma_start3A_203] : memref<4096x50x128xf32, #tpu.memory_space<hbm>> -> memref<1x50x128xf32, #tpu.memory_space<hbm>>
      %dma_start3A_205 = tpu.memref_squeeze %dma_start3A_204 : memref<1x50x128xf32, #tpu.memory_space<hbm>> -> memref<50x128xf32, #tpu.memory_space<hbm>>
      %dma_start3A_206 = arith.constant 0 : i32
      %dma_start3A_207 = arith.constant 0 : i32
      %dma_start3A_208 = tpu.memref_slice %arg7[%dma_start3A_206, %dma_start3A_207] : memref<100x128xf32, #tpu.memory_space<vmem>> -> memref<50x128xf32, #tpu.memory_space<vmem>>
      tpu.enqueue_dma source(%dma_start3A_208 : memref<50x128xf32, #tpu.memory_space<vmem>>) target(%dma_start3A_205 : memref<50x128xf32, #tpu.memory_space<hbm>>) target_semaphore(%arg23 : memref<!tpu.dma_semaphore, #tpu.memory_space<semaphore_mem>>)
      %mul3A_209 = arith.constant 2 : i32
      %mul3A_210 = arith.muli %add3A_167, %mul3A_209 : i32
      %add3A_211 = arith.addi %mul3A_2, %mul3A_210 : i32
      %add3A_212 = arith.constant 1 : i32
      %add3A_213 = arith.addi %add3A_211, %add3A_212 : i32
      %dma_start3A_214 = arith.constant 50 : i32
      %dma_start3A_215 = arith.constant 0 : i32
      %dma_start3A_216 = tpu.memref_slice %arg7[%dma_start3A_214, %dma_start3A_215] : memref<100x128xf32, #tpu.memory_space<vmem>> -> memref<50x128xf32, #tpu.memory_space<vmem>>
      %dma_start3A_217 = arith.constant 0 : i32
      %dma_start3A_218 = arith.constant 0 : i32
      %dma_start3A_219 = tpu.memref_slice %arg4[%add3A_213, %dma_start3A_217, %dma_start3A_218] : memref<4096x50x128xf32, #tpu.memory_space<hbm>> -> memref<1x50x128xf32, #tpu.memory_space<hbm>>
      %dma_start3A_220 = tpu.memref_squeeze %dma_start3A_219 : memref<1x50x128xf32, #tpu.memory_space<hbm>> -> memref<50x128xf32, #tpu.memory_space<hbm>>
      %dma_start3A_221 = arith.constant 0 : i32
      %dma_start3A_222 = arith.constant 0 : i32
      %dma_start3A_223 = tpu.memref_slice %arg4[%add3A_213, %dma_start3A_221, %dma_start3A_222] : memref<4096x50x128xf32, #tpu.memory_space<hbm>> -> memref<1x50x128xf32, #tpu.memory_space<hbm>>
      %dma_start3A_224 = tpu.memref_squeeze %dma_start3A_223 : memref<1x50x128xf32, #tpu.memory_space<hbm>> -> memref<50x128xf32, #tpu.memory_space<hbm>>
      %dma_start3A_225 = arith.constant 50 : i32
      %dma_start3A_226 = arith.constant 0 : i32
      %dma_start3A_227 = tpu.memref_slice %arg7[%dma_start3A_225, %dma_start3A_226] : memref<100x128xf32, #tpu.memory_space<vmem>> -> memref<50x128xf32, #tpu.memory_space<vmem>>
      tpu.enqueue_dma source(%dma_start3A_227 : memref<50x128xf32, #tpu.memory_space<vmem>>) target(%dma_start3A_224 : memref<50x128xf32, #tpu.memory_space<hbm>>) target_semaphore(%arg23 : memref<!tpu.dma_semaphore, #tpu.memory_space<semaphore_mem>>)
      %mul3A_228 = arith.constant 8 : i32
      %mul3A_229 = arith.muli %scan3A_104, %mul3A_228 : i32
      %add3A_230 = arith.constant 2 : i32
      %add3A_231 = arith.addi %mul3A_229, %add3A_230 : i32
      %ge3A_232 = arith.constant 2 : i32
      %ge3A_233 = arith.cmpi sge, %add3A_231, %ge3A_232 : i32
      %convert_element_type3A_234 = arith.extui %ge3A_233 : i1 to i32
      %cond3A_235 = arith.constant 0 : i32
      %cond3A_236 = arith.cmpi ne, %convert_element_type3A_234, %cond3A_235 : i32
      scf.if %cond3A_236 {
        %dma_wait3A_612 = arith.constant 0 : i32
        %dma_wait3A_613 = arith.constant 0 : i32
        %dma_wait3A_614 = tpu.memref_slice %arg6[%dma_wait3A_612, %dma_wait3A_613] : memref<100x128xf32, #tpu.memory_space<vmem>> -> memref<50x128xf32, #tpu.memory_space<vmem>>
        %dma_wait3A_615 = arith.constant 0 : i32
        %dma_wait3A_616 = arith.constant 0 : i32
        %dma_wait3A_617 = tpu.memref_slice %arg4[%mul3A_2, %dma_wait3A_615, %dma_wait3A_616] : memref<4096x50x128xf32, #tpu.memory_space<hbm>> -> memref<1x50x128xf32, #tpu.memory_space<hbm>>
        %dma_wait3A_618 = tpu.memref_squeeze %dma_wait3A_617 : memref<1x50x128xf32, #tpu.memory_space<hbm>> -> memref<50x128xf32, #tpu.memory_space<hbm>>
        %dma_wait3A_619 = arith.constant 0 : i32
        %dma_wait3A_620 = arith.constant 0 : i32
        %dma_wait3A_621 = tpu.memref_slice %arg4[%mul3A_2, %dma_wait3A_619, %dma_wait3A_620] : memref<4096x50x128xf32, #tpu.memory_space<hbm>> -> memref<1x50x128xf32, #tpu.memory_space<hbm>>
        %dma_wait3A_622 = tpu.memref_squeeze %dma_wait3A_621 : memref<1x50x128xf32, #tpu.memory_space<hbm>> -> memref<50x128xf32, #tpu.memory_space<hbm>>
        %dma_wait3A_623 = arith.constant 0 : i32
        %dma_wait3A_624 = arith.constant 0 : i32
        %dma_wait3A_625 = tpu.memref_slice %arg6[%dma_wait3A_623, %dma_wait3A_624] : memref<100x128xf32, #tpu.memory_space<vmem>> -> memref<50x128xf32, #tpu.memory_space<vmem>>
        tpu.wait_dma2 semaphore(%arg22 : memref<!tpu.dma_semaphore, #tpu.memory_space<semaphore_mem>>) src(%dma_wait3A_625 : memref<50x128xf32, #tpu.memory_space<vmem>>) dst(%dma_wait3A_622 : memref<50x128xf32, #tpu.memory_space<hbm>>)
        %dma_wait3A_626 = arith.constant 50 : i32
        %dma_wait3A_627 = arith.constant 0 : i32
        %dma_wait3A_628 = tpu.memref_slice %arg6[%dma_wait3A_626, %dma_wait3A_627] : memref<100x128xf32, #tpu.memory_space<vmem>> -> memref<50x128xf32, #tpu.memory_space<vmem>>
        %dma_wait3A_629 = arith.constant 0 : i32
        %dma_wait3A_630 = arith.constant 0 : i32
        %dma_wait3A_631 = tpu.memref_slice %arg4[%mul3A_2, %dma_wait3A_629, %dma_wait3A_630] : memref<4096x50x128xf32, #tpu.memory_space<hbm>> -> memref<1x50x128xf32, #tpu.memory_space<hbm>>
        %dma_wait3A_632 = tpu.memref_squeeze %dma_wait3A_631 : memref<1x50x128xf32, #tpu.memory_space<hbm>> -> memref<50x128xf32, #tpu.memory_space<hbm>>
        %dma_wait3A_633 = arith.constant 0 : i32
        %dma_wait3A_634 = arith.constant 0 : i32
        %dma_wait3A_635 = tpu.memref_slice %arg4[%mul3A_2, %dma_wait3A_633, %dma_wait3A_634] : memref<4096x50x128xf32, #tpu.memory_space<hbm>> -> memref<1x50x128xf32, #tpu.memory_space<hbm>>
        %dma_wait3A_636 = tpu.memref_squeeze %dma_wait3A_635 : memref<1x50x128xf32, #tpu.memory_space<hbm>> -> memref<50x128xf32, #tpu.memory_space<hbm>>
        %dma_wait3A_637 = arith.constant 50 : i32
        %dma_wait3A_638 = arith.constant 0 : i32
        %dma_wait3A_639 = tpu.memref_slice %arg6[%dma_wait3A_637, %dma_wait3A_638] : memref<100x128xf32, #tpu.memory_space<vmem>> -> memref<50x128xf32, #tpu.memory_space<vmem>>
        tpu.wait_dma2 semaphore(%arg22 : memref<!tpu.dma_semaphore, #tpu.memory_space<semaphore_mem>>) src(%dma_wait3A_639 : memref<50x128xf32, #tpu.memory_space<vmem>>) dst(%dma_wait3A_636 : memref<50x128xf32, #tpu.memory_space<hbm>>)
      } else {
      }
      %add3A_237 = arith.constant 6 : i32
      %add3A_238 = arith.addi %add3A_231, %add3A_237 : i32
      %lt3A_239 = arith.constant 64 : i32
      %lt3A_240 = arith.cmpi slt, %add3A_238, %lt3A_239 : i32
      %convert_element_type3A_241 = arith.extui %lt3A_240 : i1 to i32
      %cond3A_242 = arith.constant 0 : i32
      %cond3A_243 = arith.cmpi ne, %convert_element_type3A_241, %cond3A_242 : i32
      scf.if %cond3A_243 {
        %add3A_612 = arith.constant 6 : i32
        %add3A_613 = arith.addi %add3A_231, %add3A_612 : i32
        %dma_start3A_614 = arith.constant 0 : i32
        %dma_start3A_615 = tpu.memref_slice %arg5[%add3A_613, %dma_start3A_614] : memref<64x100xi32, #tpu.memory_space<vmem>> -> memref<1x100xi32, #tpu.memory_space<vmem>>
        %dma_start3A_616 = tpu.memref_squeeze %dma_start3A_615 : memref<1x100xi32, #tpu.memory_space<vmem>> -> memref<100xi32, #tpu.memory_space<vmem>>
        %dma_start3A_617 = arith.constant 0 : i32
        %dma_start3A_618 = arith.constant 0 : i32
        %dma_start3A_619 = tpu.memref_slice %arg3[%dma_start3A_617, %dma_start3A_618] : memref<100000x128xf32, #tpu.memory_space<hbm>> -> memref<100000x128xf32, #tpu.memory_space<hbm>>
        tpu.enqueue_indirect_dma source(%dma_start3A_619 : memref<100000x128xf32, #tpu.memory_space<hbm>>) target(%arg6 : memref<100x128xf32, #tpu.memory_space<vmem>>) offsets(%dma_start3A_616 : memref<100xi32, #tpu.memory_space<vmem>>) semaphore(%arg14 : memref<!tpu.dma_semaphore, #tpu.memory_space<semaphore_mem>>)
      } else {
      }
      %dma_wait3A_244 = arith.constant 0 : i32
      %dma_wait3A_245 = arith.constant 0 : i32
      %dma_wait3A_246 = tpu.memref_slice %arg5[%dma_wait3A_244, %dma_wait3A_245] : memref<64x100xi32, #tpu.memory_space<vmem>> -> memref<1x100xi32, #tpu.memory_space<vmem>>
      %dma_wait3A_247 = tpu.memref_squeeze %dma_wait3A_246 : memref<1x100xi32, #tpu.memory_space<vmem>> -> memref<100xi32, #tpu.memory_space<vmem>>
      %dma_wait3A_248 = arith.constant 0 : i32
      %dma_wait3A_249 = arith.constant 0 : i32
      %dma_wait3A_250 = tpu.memref_slice %arg3[%dma_wait3A_248, %dma_wait3A_249] : memref<100000x128xf32, #tpu.memory_space<hbm>> -> memref<100000x128xf32, #tpu.memory_space<hbm>>
      tpu.wait_indirect_dma semaphore(%arg16 : memref<!tpu.dma_semaphore, #tpu.memory_space<semaphore_mem>>) src(%dma_wait3A_250 : memref<100000x128xf32, #tpu.memory_space<hbm>>) dst(%arg8 : memref<100x128xf32, #tpu.memory_space<vmem>>)
      %parallel_loop3A_251 = arith.constant 0 : i32
      %parallel_loop3A_252 = arith.constant 100 : i32
      %parallel_loop3A_253 = arith.constant 2 : i32
      scf.for %parallel_loop3A_612 = %parallel_loop3A_251 to %parallel_loop3A_252 step %parallel_loop3A_253  : i32 {
        %parallel_loop3A_613 = arith.constant 0 : i32
        %parallel_loop3A_614 = arith.addi %parallel_loop3A_612, %parallel_loop3A_613 : i32
        %parallel_loop3A_615 = arith.index_cast %parallel_loop3A_614 : i32 to index
        %parallel_loop3A_616 = arith.constant 0 : index
        %parallel_loop3A_617 = tpu.vector_load %arg8[%parallel_loop3A_615, %parallel_loop3A_616] {strides = array<i32>} : memref<100x128xf32, #tpu.memory_space<vmem>>, vector<1x16xf32>,
        %parallel_loop3A_618 = vector.shape_cast %parallel_loop3A_617 : vector<1x16xf32> to vector<16xf32>
        %parallel_loop3A_619 = arith.constant 11.3137083 : f32
        %parallel_loop3A_620 = vector.broadcast %parallel_loop3A_619 : f32 to vector<16xf32>
        %parallel_loop3A_621 = arith.mulf %parallel_loop3A_618, %parallel_loop3A_620 : vector<16xf32>
        %parallel_loop3A_622 = arith.constant 0 : i32
        %parallel_loop3A_623 = arith.addi %parallel_loop3A_612, %parallel_loop3A_622 : i32
        %parallel_loop3A_624 = arith.index_cast %parallel_loop3A_623 : i32 to index
        %parallel_loop3A_625 = arith.constant 0 : index
        %parallel_loop3A_626 = tpu.vector_load %arg8[%parallel_loop3A_624, %parallel_loop3A_625] {strides = array<i32>} : memref<100x128xf32, #tpu.memory_space<vmem>>, vector<1x16xf32>,
        %parallel_loop3A_627 = vector.shape_cast %parallel_loop3A_626 : vector<1x16xf32> to vector<16xf32>
        %parallel_loop3A_628 = vector.shape_cast %parallel_loop3A_621 : vector<16xf32> to vector<1x16xf32>
        tpu.vector_store %arg8[%parallel_loop3A_624, %parallel_loop3A_625], %parallel_loop3A_628 {strides = array<i32>} : memref<100x128xf32, #tpu.memory_space<vmem>>, vector<1x16xf32>,
        %parallel_loop3A_629 = arith.constant 0 : i32
        %parallel_loop3A_630 = arith.addi %parallel_loop3A_612, %parallel_loop3A_629 : i32
        %parallel_loop3A_631 = arith.index_cast %parallel_loop3A_630 : i32 to index
        %parallel_loop3A_632 = arith.constant 16 : index
        %parallel_loop3A_633 = tpu.vector_load %arg8[%parallel_loop3A_631, %parallel_loop3A_632] {strides = array<i32>} : memref<100x128xf32, #tpu.memory_space<vmem>>, vector<1x16xf32>,
        %parallel_loop3A_634 = vector.shape_cast %parallel_loop3A_633 : vector<1x16xf32> to vector<16xf32>
        %parallel_loop3A_635 = arith.constant 11.3137083 : f32
        %parallel_loop3A_636 = vector.broadcast %parallel_loop3A_635 : f32 to vector<16xf32>
        %parallel_loop3A_637 = arith.mulf %parallel_loop3A_634, %parallel_loop3A_636 : vector<16xf32>
        %parallel_loop3A_638 = arith.constant 0 : i32
        %parallel_loop3A_639 = arith.addi %parallel_loop3A_612, %parallel_loop3A_638 : i32
        %parallel_loop3A_640 = arith.index_cast %parallel_loop3A_639 : i32 to index
        %parallel_loop3A_641 = arith.constant 16 : index
        %parallel_loop3A_642 = tpu.vector_load %arg8[%parallel_loop3A_640, %parallel_loop3A_641] {strides = array<i32>} : memref<100x128xf32, #tpu.memory_space<vmem>>, vector<1x16xf32>,
        %parallel_loop3A_643 = vector.shape_cast %parallel_loop3A_642 : vector<1x16xf32> to vector<16xf32>
        %parallel_loop3A_644 = vector.shape_cast %parallel_loop3A_637 : vector<16xf32> to vector<1x16xf32>
        tpu.vector_store %arg8[%parallel_loop3A_640, %parallel_loop3A_641], %parallel_loop3A_644 {strides = array<i32>} : memref<100x128xf32, #tpu.memory_space<vmem>>, vector<1x16xf32>,
        %parallel_loop3A_645 = arith.constant 0 : i32
        %parallel_loop3A_646 = arith.addi %parallel_loop3A_612, %parallel_loop3A_645 : i32
        %parallel_loop3A_647 = arith.index_cast %parallel_loop3A_646 : i32 to index
        %parallel_loop3A_648 = arith.constant 32 : index
        %parallel_loop3A_649 = tpu.vector_load %arg8[%parallel_loop3A_647, %parallel_loop3A_648] {strides = array<i32>} : memref<100x128xf32, #tpu.memory_space<vmem>>, vector<1x16xf32>,
        %parallel_loop3A_650 = vector.shape_cast %parallel_loop3A_649 : vector<1x16xf32> to vector<16xf32>
        %parallel_loop3A_651 = arith.constant 11.3137083 : f32
        %parallel_loop3A_652 = vector.broadcast %parallel_loop3A_651 : f32 to vector<16xf32>
        %parallel_loop3A_653 = arith.mulf %parallel_loop3A_650, %parallel_loop3A_652 : vector<16xf32>
        %parallel_loop3A_654 = arith.constant 0 : i32
        %parallel_loop3A_655 = arith.addi %parallel_loop3A_612, %parallel_loop3A_654 : i32
        %parallel_loop3A_656 = arith.index_cast %parallel_loop3A_655 : i32 to index
        %parallel_loop3A_657 = arith.constant 32 : index
        %parallel_loop3A_658 = tpu.vector_load %arg8[%parallel_loop3A_656, %parallel_loop3A_657] {strides = array<i32>} : memref<100x128xf32, #tpu.memory_space<vmem>>, vector<1x16xf32>,
        %parallel_loop3A_659 = vector.shape_cast %parallel_loop3A_658 : vector<1x16xf32> to vector<16xf32>
        %parallel_loop3A_660 = vector.shape_cast %parallel_loop3A_653 : vector<16xf32> to vector<1x16xf32>
        tpu.vector_store %arg8[%parallel_loop3A_656, %parallel_loop3A_657], %parallel_loop3A_660 {strides = array<i32>} : memref<100x128xf32, #tpu.memory_space<vmem>>, vector<1x16xf32>,
        %parallel_loop3A_661 = arith.constant 0 : i32
        %parallel_loop3A_662 = arith.addi %parallel_loop3A_612, %parallel_loop3A_661 : i32
        %parallel_loop3A_663 = arith.index_cast %parallel_loop3A_662 : i32 to index
        %parallel_loop3A_664 = arith.constant 48 : index
        %parallel_loop3A_665 = tpu.vector_load %arg8[%parallel_loop3A_663, %parallel_loop3A_664] {strides = array<i32>} : memref<100x128xf32, #tpu.memory_space<vmem>>, vector<1x16xf32>,
        %parallel_loop3A_666 = vector.shape_cast %parallel_loop3A_665 : vector<1x16xf32> to vector<16xf32>
        %parallel_loop3A_667 = arith.constant 11.3137083 : f32
        %parallel_loop3A_668 = vector.broadcast %parallel_loop3A_667 : f32 to vector<16xf32>
        %parallel_loop3A_669 = arith.mulf %parallel_loop3A_666, %parallel_loop3A_668 : vector<16xf32>
        %parallel_loop3A_670 = arith.constant 0 : i32
        %parallel_loop3A_671 = arith.addi %parallel_loop3A_612, %parallel_loop3A_670 : i32
        %parallel_loop3A_672 = arith.index_cast %parallel_loop3A_671 : i32 to index
        %parallel_loop3A_673 = arith.constant 48 : index
        %parallel_loop3A_674 = tpu.vector_load %arg8[%parallel_loop3A_672, %parallel_loop3A_673] {strides = array<i32>} : memref<100x128xf32, #tpu.memory_space<vmem>>, vector<1x16xf32>,
        %parallel_loop3A_675 = vector.shape_cast %parallel_loop3A_674 : vector<1x16xf32> to vector<16xf32>
        %parallel_loop3A_676 = vector.shape_cast %parallel_loop3A_669 : vector<16xf32> to vector<1x16xf32>
        tpu.vector_store %arg8[%parallel_loop3A_672, %parallel_loop3A_673], %parallel_loop3A_676 {strides = array<i32>} : memref<100x128xf32, #tpu.memory_space<vmem>>, vector<1x16xf32>,
        %parallel_loop3A_677 = arith.constant 0 : i32
        %parallel_loop3A_678 = arith.addi %parallel_loop3A_612, %parallel_loop3A_677 : i32
        %parallel_loop3A_679 = arith.index_cast %parallel_loop3A_678 : i32 to index
        %parallel_loop3A_680 = arith.constant 64 : index
        %parallel_loop3A_681 = tpu.vector_load %arg8[%parallel_loop3A_679, %parallel_loop3A_680] {strides = array<i32>} : memref<100x128xf32, #tpu.memory_space<vmem>>, vector<1x16xf32>,
        %parallel_loop3A_682 = vector.shape_cast %parallel_loop3A_681 : vector<1x16xf32> to vector<16xf32>
        %parallel_loop3A_683 = arith.constant 11.3137083 : f32
        %parallel_loop3A_684 = vector.broadcast %parallel_loop3A_683 : f32 to vector<16xf32>
        %parallel_loop3A_685 = arith.mulf %parallel_loop3A_682, %parallel_loop3A_684 : vector<16xf32>
        %parallel_loop3A_686 = arith.constant 0 : i32
        %parallel_loop3A_687 = arith.addi %parallel_loop3A_612, %parallel_loop3A_686 : i32
        %parallel_loop3A_688 = arith.index_cast %parallel_loop3A_687 : i32 to index
        %parallel_loop3A_689 = arith.constant 64 : index
        %parallel_loop3A_690 = tpu.vector_load %arg8[%parallel_loop3A_688, %parallel_loop3A_689] {strides = array<i32>} : memref<100x128xf32, #tpu.memory_space<vmem>>, vector<1x16xf32>,
        %parallel_loop3A_691 = vector.shape_cast %parallel_loop3A_690 : vector<1x16xf32> to vector<16xf32>
        %parallel_loop3A_692 = vector.shape_cast %parallel_loop3A_685 : vector<16xf32> to vector<1x16xf32>
        tpu.vector_store %arg8[%parallel_loop3A_688, %parallel_loop3A_689], %parallel_loop3A_692 {strides = array<i32>} : memref<100x128xf32, #tpu.memory_space<vmem>>, vector<1x16xf32>,
        %parallel_loop3A_693 = arith.constant 0 : i32
        %parallel_loop3A_694 = arith.addi %parallel_loop3A_612, %parallel_loop3A_693 : i32
        %parallel_loop3A_695 = arith.index_cast %parallel_loop3A_694 : i32 to index
        %parallel_loop3A_696 = arith.constant 80 : index
        %parallel_loop3A_697 = tpu.vector_load %arg8[%parallel_loop3A_695, %parallel_loop3A_696] {strides = array<i32>} : memref<100x128xf32, #tpu.memory_space<vmem>>, vector<1x16xf32>,
        %parallel_loop3A_698 = vector.shape_cast %parallel_loop3A_697 : vector<1x16xf32> to vector<16xf32>
        %parallel_loop3A_699 = arith.constant 11.3137083 : f32
        %parallel_loop3A_700 = vector.broadcast %parallel_loop3A_699 : f32 to vector<16xf32>
        %parallel_loop3A_701 = arith.mulf %parallel_loop3A_698, %parallel_loop3A_700 : vector<16xf32>
        %parallel_loop3A_702 = arith.constant 0 : i32
        %parallel_loop3A_703 = arith.addi %parallel_loop3A_612, %parallel_loop3A_702 : i32
        %parallel_loop3A_704 = arith.index_cast %parallel_loop3A_703 : i32 to index
        %parallel_loop3A_705 = arith.constant 80 : index
        %parallel_loop3A_706 = tpu.vector_load %arg8[%parallel_loop3A_704, %parallel_loop3A_705] {strides = array<i32>} : memref<100x128xf32, #tpu.memory_space<vmem>>, vector<1x16xf32>,
        %parallel_loop3A_707 = vector.shape_cast %parallel_loop3A_706 : vector<1x16xf32> to vector<16xf32>
        %parallel_loop3A_708 = vector.shape_cast %parallel_loop3A_701 : vector<16xf32> to vector<1x16xf32>
        tpu.vector_store %arg8[%parallel_loop3A_704, %parallel_loop3A_705], %parallel_loop3A_708 {strides = array<i32>} : memref<100x128xf32, #tpu.memory_space<vmem>>, vector<1x16xf32>,
        %parallel_loop3A_709 = arith.constant 0 : i32
        %parallel_loop3A_710 = arith.addi %parallel_loop3A_612, %parallel_loop3A_709 : i32
        %parallel_loop3A_711 = arith.index_cast %parallel_loop3A_710 : i32 to index
        %parallel_loop3A_712 = arith.constant 96 : index
        %parallel_loop3A_713 = tpu.vector_load %arg8[%parallel_loop3A_711, %parallel_loop3A_712] {strides = array<i32>} : memref<100x128xf32, #tpu.memory_space<vmem>>, vector<1x16xf32>,
        %parallel_loop3A_714 = vector.shape_cast %parallel_loop3A_713 : vector<1x16xf32> to vector<16xf32>
        %parallel_loop3A_715 = arith.constant 11.3137083 : f32
        %parallel_loop3A_716 = vector.broadcast %parallel_loop3A_715 : f32 to vector<16xf32>
        %parallel_loop3A_717 = arith.mulf %parallel_loop3A_714, %parallel_loop3A_716 : vector<16xf32>
        %parallel_loop3A_718 = arith.constant 0 : i32
        %parallel_loop3A_719 = arith.addi %parallel_loop3A_612, %parallel_loop3A_718 : i32
        %parallel_loop3A_720 = arith.index_cast %parallel_loop3A_719 : i32 to index
        %parallel_loop3A_721 = arith.constant 96 : index
        %parallel_loop3A_722 = tpu.vector_load %arg8[%parallel_loop3A_720, %parallel_loop3A_721] {strides = array<i32>} : memref<100x128xf32, #tpu.memory_space<vmem>>, vector<1x16xf32>,
        %parallel_loop3A_723 = vector.shape_cast %parallel_loop3A_722 : vector<1x16xf32> to vector<16xf32>
        %parallel_loop3A_724 = vector.shape_cast %parallel_loop3A_717 : vector<16xf32> to vector<1x16xf32>
        tpu.vector_store %arg8[%parallel_loop3A_720, %parallel_loop3A_721], %parallel_loop3A_724 {strides = array<i32>} : memref<100x128xf32, #tpu.memory_space<vmem>>, vector<1x16xf32>,
        %parallel_loop3A_725 = arith.constant 0 : i32
        %parallel_loop3A_726 = arith.addi %parallel_loop3A_612, %parallel_loop3A_725 : i32
        %parallel_loop3A_727 = arith.index_cast %parallel_loop3A_726 : i32 to index
        %parallel_loop3A_728 = arith.constant 112 : index
        %parallel_loop3A_729 = tpu.vector_load %arg8[%parallel_loop3A_727, %parallel_loop3A_728] {strides = array<i32>} : memref<100x128xf32, #tpu.memory_space<vmem>>, vector<1x16xf32>,
        %parallel_loop3A_730 = vector.shape_cast %parallel_loop3A_729 : vector<1x16xf32> to vector<16xf32>
        %parallel_loop3A_731 = arith.constant 11.3137083 : f32
        %parallel_loop3A_732 = vector.broadcast %parallel_loop3A_731 : f32 to vector<16xf32>
        %parallel_loop3A_733 = arith.mulf %parallel_loop3A_730, %parallel_loop3A_732 : vector<16xf32>
        %parallel_loop3A_734 = arith.constant 0 : i32
        %parallel_loop3A_735 = arith.addi %parallel_loop3A_612, %parallel_loop3A_734 : i32
        %parallel_loop3A_736 = arith.index_cast %parallel_loop3A_735 : i32 to index
        %parallel_loop3A_737 = arith.constant 112 : index
        %parallel_loop3A_738 = tpu.vector_load %arg8[%parallel_loop3A_736, %parallel_loop3A_737] {strides = array<i32>} : memref<100x128xf32, #tpu.memory_space<vmem>>, vector<1x16xf32>,
        %parallel_loop3A_739 = vector.shape_cast %parallel_loop3A_738 : vector<1x16xf32> to vector<16xf32>
        %parallel_loop3A_740 = vector.shape_cast %parallel_loop3A_733 : vector<16xf32> to vector<1x16xf32>
        tpu.vector_store %arg8[%parallel_loop3A_736, %parallel_loop3A_737], %parallel_loop3A_740 {strides = array<i32>} : memref<100x128xf32, #tpu.memory_space<vmem>>, vector<1x16xf32>,
        %parallel_loop3A_741 = arith.constant 1 : i32
        %parallel_loop3A_742 = arith.addi %parallel_loop3A_612, %parallel_loop3A_741 : i32
        %parallel_loop3A_743 = arith.index_cast %parallel_loop3A_742 : i32 to index
        %parallel_loop3A_744 = arith.constant 0 : index
        %parallel_loop3A_745 = tpu.vector_load %arg8[%parallel_loop3A_743, %parallel_loop3A_744] {strides = array<i32>} : memref<100x128xf32, #tpu.memory_space<vmem>>, vector<1x16xf32>,
        %parallel_loop3A_746 = vector.shape_cast %parallel_loop3A_745 : vector<1x16xf32> to vector<16xf32>
        %parallel_loop3A_747 = arith.constant 11.3137083 : f32
        %parallel_loop3A_748 = vector.broadcast %parallel_loop3A_747 : f32 to vector<16xf32>
        %parallel_loop3A_749 = arith.mulf %parallel_loop3A_746, %parallel_loop3A_748 : vector<16xf32>
        %parallel_loop3A_750 = arith.constant 1 : i32
        %parallel_loop3A_751 = arith.addi %parallel_loop3A_612, %parallel_loop3A_750 : i32
        %parallel_loop3A_752 = arith.index_cast %parallel_loop3A_751 : i32 to index
        %parallel_loop3A_753 = arith.constant 0 : index
        %parallel_loop3A_754 = tpu.vector_load %arg8[%parallel_loop3A_752, %parallel_loop3A_753] {strides = array<i32>} : memref<100x128xf32, #tpu.memory_space<vmem>>, vector<1x16xf32>,
        %parallel_loop3A_755 = vector.shape_cast %parallel_loop3A_754 : vector<1x16xf32> to vector<16xf32>
        %parallel_loop3A_756 = vector.shape_cast %parallel_loop3A_749 : vector<16xf32> to vector<1x16xf32>
        tpu.vector_store %arg8[%parallel_loop3A_752, %parallel_loop3A_753], %parallel_loop3A_756 {strides = array<i32>} : memref<100x128xf32, #tpu.memory_space<vmem>>, vector<1x16xf32>,
        %parallel_loop3A_757 = arith.constant 1 : i32
        %parallel_loop3A_758 = arith.addi %parallel_loop3A_612, %parallel_loop3A_757 : i32
        %parallel_loop3A_759 = arith.index_cast %parallel_loop3A_758 : i32 to index
        %parallel_loop3A_760 = arith.constant 16 : index
        %parallel_loop3A_761 = tpu.vector_load %arg8[%parallel_loop3A_759, %parallel_loop3A_760] {strides = array<i32>} : memref<100x128xf32, #tpu.memory_space<vmem>>, vector<1x16xf32>,
        %parallel_loop3A_762 = vector.shape_cast %parallel_loop3A_761 : vector<1x16xf32> to vector<16xf32>
        %parallel_loop3A_763 = arith.constant 11.3137083 : f32
        %parallel_loop3A_764 = vector.broadcast %parallel_loop3A_763 : f32 to vector<16xf32>
        %parallel_loop3A_765 = arith.mulf %parallel_loop3A_762, %parallel_loop3A_764 : vector<16xf32>
        %parallel_loop3A_766 = arith.constant 1 : i32
        %parallel_loop3A_767 = arith.addi %parallel_loop3A_612, %parallel_loop3A_766 : i32
        %parallel_loop3A_768 = arith.index_cast %parallel_loop3A_767 : i32 to index
        %parallel_loop3A_769 = arith.constant 16 : index
        %parallel_loop3A_770 = tpu.vector_load %arg8[%parallel_loop3A_768, %parallel_loop3A_769] {strides = array<i32>} : memref<100x128xf32, #tpu.memory_space<vmem>>, vector<1x16xf32>,
        %parallel_loop3A_771 = vector.shape_cast %parallel_loop3A_770 : vector<1x16xf32> to vector<16xf32>
        %parallel_loop3A_772 = vector.shape_cast %parallel_loop3A_765 : vector<16xf32> to vector<1x16xf32>
        tpu.vector_store %arg8[%parallel_loop3A_768, %parallel_loop3A_769], %parallel_loop3A_772 {strides = array<i32>} : memref<100x128xf32, #tpu.memory_space<vmem>>, vector<1x16xf32>,
        %parallel_loop3A_773 = arith.constant 1 : i32
        %parallel_loop3A_774 = arith.addi %parallel_loop3A_612, %parallel_loop3A_773 : i32
        %parallel_loop3A_775 = arith.index_cast %parallel_loop3A_774 : i32 to index
        %parallel_loop3A_776 = arith.constant 32 : index
        %parallel_loop3A_777 = tpu.vector_load %arg8[%parallel_loop3A_775, %parallel_loop3A_776] {strides = array<i32>} : memref<100x128xf32, #tpu.memory_space<vmem>>, vector<1x16xf32>,
        %parallel_loop3A_778 = vector.shape_cast %parallel_loop3A_777 : vector<1x16xf32> to vector<16xf32>
        %parallel_loop3A_779 = arith.constant 11.3137083 : f32
        %parallel_loop3A_780 = vector.broadcast %parallel_loop3A_779 : f32 to vector<16xf32>
        %parallel_loop3A_781 = arith.mulf %parallel_loop3A_778, %parallel_loop3A_780 : vector<16xf32>
        %parallel_loop3A_782 = arith.constant 1 : i32
        %parallel_loop3A_783 = arith.addi %parallel_loop3A_612, %parallel_loop3A_782 : i32
        %parallel_loop3A_784 = arith.index_cast %parallel_loop3A_783 : i32 to index
        %parallel_loop3A_785 = arith.constant 32 : index
        %parallel_loop3A_786 = tpu.vector_load %arg8[%parallel_loop3A_784, %parallel_loop3A_785] {strides = array<i32>} : memref<100x128xf32, #tpu.memory_space<vmem>>, vector<1x16xf32>,
        %parallel_loop3A_787 = vector.shape_cast %parallel_loop3A_786 : vector<1x16xf32> to vector<16xf32>
        %parallel_loop3A_788 = vector.shape_cast %parallel_loop3A_781 : vector<16xf32> to vector<1x16xf32>
        tpu.vector_store %arg8[%parallel_loop3A_784, %parallel_loop3A_785], %parallel_loop3A_788 {strides = array<i32>} : memref<100x128xf32, #tpu.memory_space<vmem>>, vector<1x16xf32>,
        %parallel_loop3A_789 = arith.constant 1 : i32
        %parallel_loop3A_790 = arith.addi %parallel_loop3A_612, %parallel_loop3A_789 : i32
        %parallel_loop3A_791 = arith.index_cast %parallel_loop3A_790 : i32 to index
        %parallel_loop3A_792 = arith.constant 48 : index
        %parallel_loop3A_793 = tpu.vector_load %arg8[%parallel_loop3A_791, %parallel_loop3A_792] {strides = array<i32>} : memref<100x128xf32, #tpu.memory_space<vmem>>, vector<1x16xf32>,
        %parallel_loop3A_794 = vector.shape_cast %parallel_loop3A_793 : vector<1x16xf32> to vector<16xf32>
        %parallel_loop3A_795 = arith.constant 11.3137083 : f32
        %parallel_loop3A_796 = vector.broadcast %parallel_loop3A_795 : f32 to vector<16xf32>
        %parallel_loop3A_797 = arith.mulf %parallel_loop3A_794, %parallel_loop3A_796 : vector<16xf32>
        %parallel_loop3A_798 = arith.constant 1 : i32
        %parallel_loop3A_799 = arith.addi %parallel_loop3A_612, %parallel_loop3A_798 : i32
        %parallel_loop3A_800 = arith.index_cast %parallel_loop3A_799 : i32 to index
        %parallel_loop3A_801 = arith.constant 48 : index
        %parallel_loop3A_802 = tpu.vector_load %arg8[%parallel_loop3A_800, %parallel_loop3A_801] {strides = array<i32>} : memref<100x128xf32, #tpu.memory_space<vmem>>, vector<1x16xf32>,
        %parallel_loop3A_803 = vector.shape_cast %parallel_loop3A_802 : vector<1x16xf32> to vector<16xf32>
        %parallel_loop3A_804 = vector.shape_cast %parallel_loop3A_797 : vector<16xf32> to vector<1x16xf32>
        tpu.vector_store %arg8[%parallel_loop3A_800, %parallel_loop3A_801], %parallel_loop3A_804 {strides = array<i32>} : memref<100x128xf32, #tpu.memory_space<vmem>>, vector<1x16xf32>,
        %parallel_loop3A_805 = arith.constant 1 : i32
        %parallel_loop3A_806 = arith.addi %parallel_loop3A_612, %parallel_loop3A_805 : i32
        %parallel_loop3A_807 = arith.index_cast %parallel_loop3A_806 : i32 to index
        %parallel_loop3A_808 = arith.constant 64 : index
        %parallel_loop3A_809 = tpu.vector_load %arg8[%parallel_loop3A_807, %parallel_loop3A_808] {strides = array<i32>} : memref<100x128xf32, #tpu.memory_space<vmem>>, vector<1x16xf32>,
        %parallel_loop3A_810 = vector.shape_cast %parallel_loop3A_809 : vector<1x16xf32> to vector<16xf32>
        %parallel_loop3A_811 = arith.constant 11.3137083 : f32
        %parallel_loop3A_812 = vector.broadcast %parallel_loop3A_811 : f32 to vector<16xf32>
        %parallel_loop3A_813 = arith.mulf %parallel_loop3A_810, %parallel_loop3A_812 : vector<16xf32>
        %parallel_loop3A_814 = arith.constant 1 : i32
        %parallel_loop3A_815 = arith.addi %parallel_loop3A_612, %parallel_loop3A_814 : i32
        %parallel_loop3A_816 = arith.index_cast %parallel_loop3A_815 : i32 to index
        %parallel_loop3A_817 = arith.constant 64 : index
        %parallel_loop3A_818 = tpu.vector_load %arg8[%parallel_loop3A_816, %parallel_loop3A_817] {strides = array<i32>} : memref<100x128xf32, #tpu.memory_space<vmem>>, vector<1x16xf32>,
        %parallel_loop3A_819 = vector.shape_cast %parallel_loop3A_818 : vector<1x16xf32> to vector<16xf32>
        %parallel_loop3A_820 = vector.shape_cast %parallel_loop3A_813 : vector<16xf32> to vector<1x16xf32>
        tpu.vector_store %arg8[%parallel_loop3A_816, %parallel_loop3A_817], %parallel_loop3A_820 {strides = array<i32>} : memref<100x128xf32, #tpu.memory_space<vmem>>, vector<1x16xf32>,
        %parallel_loop3A_821 = arith.constant 1 : i32
        %parallel_loop3A_822 = arith.addi %parallel_loop3A_612, %parallel_loop3A_821 : i32
        %parallel_loop3A_823 = arith.index_cast %parallel_loop3A_822 : i32 to index
        %parallel_loop3A_824 = arith.constant 80 : index
        %parallel_loop3A_825 = tpu.vector_load %arg8[%parallel_loop3A_823, %parallel_loop3A_824] {strides = array<i32>} : memref<100x128xf32, #tpu.memory_space<vmem>>, vector<1x16xf32>,
        %parallel_loop3A_826 = vector.shape_cast %parallel_loop3A_825 : vector<1x16xf32> to vector<16xf32>
        %parallel_loop3A_827 = arith.constant 11.3137083 : f32
        %parallel_loop3A_828 = vector.broadcast %parallel_loop3A_827 : f32 to vector<16xf32>
        %parallel_loop3A_829 = arith.mulf %parallel_loop3A_826, %parallel_loop3A_828 : vector<16xf32>
        %parallel_loop3A_830 = arith.constant 1 : i32
        %parallel_loop3A_831 = arith.addi %parallel_loop3A_612, %parallel_loop3A_830 : i32
        %parallel_loop3A_832 = arith.index_cast %parallel_loop3A_831 : i32 to index
        %parallel_loop3A_833 = arith.constant 80 : index
        %parallel_loop3A_834 = tpu.vector_load %arg8[%parallel_loop3A_832, %parallel_loop3A_833] {strides = array<i32>} : memref<100x128xf32, #tpu.memory_space<vmem>>, vector<1x16xf32>,
        %parallel_loop3A_835 = vector.shape_cast %parallel_loop3A_834 : vector<1x16xf32> to vector<16xf32>
        %parallel_loop3A_836 = vector.shape_cast %parallel_loop3A_829 : vector<16xf32> to vector<1x16xf32>
        tpu.vector_store %arg8[%parallel_loop3A_832, %parallel_loop3A_833], %parallel_loop3A_836 {strides = array<i32>} : memref<100x128xf32, #tpu.memory_space<vmem>>, vector<1x16xf32>,
        %parallel_loop3A_837 = arith.constant 1 : i32
        %parallel_loop3A_838 = arith.addi %parallel_loop3A_612, %parallel_loop3A_837 : i32
        %parallel_loop3A_839 = arith.index_cast %parallel_loop3A_838 : i32 to index
        %parallel_loop3A_840 = arith.constant 96 : index
        %parallel_loop3A_841 = tpu.vector_load %arg8[%parallel_loop3A_839, %parallel_loop3A_840] {strides = array<i32>} : memref<100x128xf32, #tpu.memory_space<vmem>>, vector<1x16xf32>,
        %parallel_loop3A_842 = vector.shape_cast %parallel_loop3A_841 : vector<1x16xf32> to vector<16xf32>
        %parallel_loop3A_843 = arith.constant 11.3137083 : f32
        %parallel_loop3A_844 = vector.broadcast %parallel_loop3A_843 : f32 to vector<16xf32>
        %parallel_loop3A_845 = arith.mulf %parallel_loop3A_842, %parallel_loop3A_844 : vector<16xf32>
        %parallel_loop3A_846 = arith.constant 1 : i32
        %parallel_loop3A_847 = arith.addi %parallel_loop3A_612, %parallel_loop3A_846 : i32
        %parallel_loop3A_848 = arith.index_cast %parallel_loop3A_847 : i32 to index
        %parallel_loop3A_849 = arith.constant 96 : index
        %parallel_loop3A_850 = tpu.vector_load %arg8[%parallel_loop3A_848, %parallel_loop3A_849] {strides = array<i32>} : memref<100x128xf32, #tpu.memory_space<vmem>>, vector<1x16xf32>,
        %parallel_loop3A_851 = vector.shape_cast %parallel_loop3A_850 : vector<1x16xf32> to vector<16xf32>
        %parallel_loop3A_852 = vector.shape_cast %parallel_loop3A_845 : vector<16xf32> to vector<1x16xf32>
        tpu.vector_store %arg8[%parallel_loop3A_848, %parallel_loop3A_849], %parallel_loop3A_852 {strides = array<i32>} : memref<100x128xf32, #tpu.memory_space<vmem>>, vector<1x16xf32>,
        %parallel_loop3A_853 = arith.constant 1 : i32
        %parallel_loop3A_854 = arith.addi %parallel_loop3A_612, %parallel_loop3A_853 : i32
        %parallel_loop3A_855 = arith.index_cast %parallel_loop3A_854 : i32 to index
        %parallel_loop3A_856 = arith.constant 112 : index
        %parallel_loop3A_857 = tpu.vector_load %arg8[%parallel_loop3A_855, %parallel_loop3A_856] {strides = array<i32>} : memref<100x128xf32, #tpu.memory_space<vmem>>, vector<1x16xf32>,
        %parallel_loop3A_858 = vector.shape_cast %parallel_loop3A_857 : vector<1x16xf32> to vector<16xf32>
        %parallel_loop3A_859 = arith.constant 11.3137083 : f32
        %parallel_loop3A_860 = vector.broadcast %parallel_loop3A_859 : f32 to vector<16xf32>
        %parallel_loop3A_861 = arith.mulf %parallel_loop3A_858, %parallel_loop3A_860 : vector<16xf32>
        %parallel_loop3A_862 = arith.constant 1 : i32
        %parallel_loop3A_863 = arith.addi %parallel_loop3A_612, %parallel_loop3A_862 : i32
        %parallel_loop3A_864 = arith.index_cast %parallel_loop3A_863 : i32 to index
        %parallel_loop3A_865 = arith.constant 112 : index
        %parallel_loop3A_866 = tpu.vector_load %arg8[%parallel_loop3A_864, %parallel_loop3A_865] {strides = array<i32>} : memref<100x128xf32, #tpu.memory_space<vmem>>, vector<1x16xf32>,
        %parallel_loop3A_867 = vector.shape_cast %parallel_loop3A_866 : vector<1x16xf32> to vector<16xf32>
        %parallel_loop3A_868 = vector.shape_cast %parallel_loop3A_861 : vector<16xf32> to vector<1x16xf32>
        tpu.vector_store %arg8[%parallel_loop3A_864, %parallel_loop3A_865], %parallel_loop3A_868 {strides = array<i32>} : memref<100x128xf32, #tpu.memory_space<vmem>>, vector<1x16xf32>,
      } {sc.loop_unroll_factor = 2 : i64, sc.parallel_access}
      %mul3A_254 = arith.constant 2 : i32
      %mul3A_255 = arith.muli %add3A_231, %mul3A_254 : i32
      %add3A_256 = arith.addi %mul3A_2, %mul3A_255 : i32
      %add3A_257 = arith.constant 0 : i32
      %add3A_258 = arith.addi %add3A_256, %add3A_257 : i32
      %dma_start3A_259 = arith.constant 0 : i32
      %dma_start3A_260 = arith.constant 0 : i32
      %dma_start3A_261 = tpu.memref_slice %arg8[%dma_start3A_259, %dma_start3A_260] : memref<100x128xf32, #tpu.memory_space<vmem>> -> memref<50x128xf32, #tpu.memory_space<vmem>>
      %dma_start3A_262 = arith.constant 0 : i32
      %dma_start3A_263 = arith.constant 0 : i32
      %dma_start3A_264 = tpu.memref_slice %arg4[%add3A_258, %dma_start3A_262, %dma_start3A_263] : memref<4096x50x128xf32, #tpu.memory_space<hbm>> -> memref<1x50x128xf32, #tpu.memory_space<hbm>>
      %dma_start3A_265 = tpu.memref_squeeze %dma_start3A_264 : memref<1x50x128xf32, #tpu.memory_space<hbm>> -> memref<50x128xf32, #tpu.memory_space<hbm>>
      %dma_start3A_266 = arith.constant 0 : i32
      %dma_start3A_267 = arith.constant 0 : i32
      %dma_start3A_268 = tpu.memref_slice %arg4[%add3A_258, %dma_start3A_266, %dma_start3A_267] : memref<4096x50x128xf32, #tpu.memory_space<hbm>> -> memref<1x50x128xf32, #tpu.memory_space<hbm>>
      %dma_start3A_269 = tpu.memref_squeeze %dma_start3A_268 : memref<1x50x128xf32, #tpu.memory_space<hbm>> -> memref<50x128xf32, #tpu.memory_space<hbm>>
      %dma_start3A_270 = arith.constant 0 : i32
      %dma_start3A_271 = arith.constant 0 : i32
      %dma_start3A_272 = tpu.memref_slice %arg8[%dma_start3A_270, %dma_start3A_271] : memref<100x128xf32, #tpu.memory_space<vmem>> -> memref<50x128xf32, #tpu.memory_space<vmem>>
      tpu.enqueue_dma source(%dma_start3A_272 : memref<50x128xf32, #tpu.memory_space<vmem>>) target(%dma_start3A_269 : memref<50x128xf32, #tpu.memory_space<hbm>>) target_semaphore(%arg24 : memref<!tpu.dma_semaphore, #tpu.memory_space<semaphore_mem>>)
      %mul3A_273 = arith.constant 2 : i32
      %mul3A_274 = arith.muli %add3A_231, %mul3A_273 : i32
      %add3A_275 = arith.addi %mul3A_2, %mul3A_274 : i32
      %add3A_276 = arith.constant 1 : i32
      %add3A_277 = arith.addi %add3A_275, %add3A_276 : i32
      %dma_start3A_278 = arith.constant 50 : i32
      %dma_start3A_279 = arith.constant 0 : i32
      %dma_start3A_280 = tpu.memref_slice %arg8[%dma_start3A_278, %dma_start3A_279] : memref<100x128xf32, #tpu.memory_space<vmem>> -> memref<50x128xf32, #tpu.memory_space<vmem>>
      %dma_start3A_281 = arith.constant 0 : i32
      %dma_start3A_282 = arith.constant 0 : i32
      %dma_start3A_283 = tpu.memref_slice %arg4[%add3A_277, %dma_start3A_281, %dma_start3A_282] : memref<4096x50x128xf32, #tpu.memory_space<hbm>> -> memref<1x50x128xf32, #tpu.memory_space<hbm>>
      %dma_start3A_284 = tpu.memref_squeeze %dma_start3A_283 : memref<1x50x128xf32, #tpu.memory_space<hbm>> -> memref<50x128xf32, #tpu.memory_space<hbm>>
      %dma_start3A_285 = arith.constant 0 : i32
      %dma_start3A_286 = arith.constant 0 : i32
      %dma_start3A_287 = tpu.memref_slice %arg4[%add3A_277, %dma_start3A_285, %dma_start3A_286] : memref<4096x50x128xf32, #tpu.memory_space<hbm>> -> memref<1x50x128xf32, #tpu.memory_space<hbm>>
      %dma_start3A_288 = tpu.memref_squeeze %dma_start3A_287 : memref<1x50x128xf32, #tpu.memory_space<hbm>> -> memref<50x128xf32, #tpu.memory_space<hbm>>
      %dma_start3A_289 = arith.constant 50 : i32
      %dma_start3A_290 = arith.constant 0 : i32
      %dma_start3A_291 = tpu.memref_slice %arg8[%dma_start3A_289, %dma_start3A_290] : memref<100x128xf32, #tpu.memory_space<vmem>> -> memref<50x128xf32, #tpu.memory_space<vmem>>
      tpu.enqueue_dma source(%dma_start3A_291 : memref<50x128xf32, #tpu.memory_space<vmem>>) target(%dma_start3A_288 : memref<50x128xf32, #tpu.memory_space<hbm>>) target_semaphore(%arg24 : memref<!tpu.dma_semaphore, #tpu.memory_space<semaphore_mem>>)
      %mul3A_292 = arith.constant 8 : i32
      %mul3A_293 = arith.muli %scan3A_104, %mul3A_292 : i32
      %add3A_294 = arith.constant 3 : i32
      %add3A_295 = arith.addi %mul3A_293, %add3A_294 : i32
      %ge3A_296 = arith.constant 2 : i32
      %ge3A_297 = arith.cmpi sge, %add3A_295, %ge3A_296 : i32
      %convert_element_type3A_298 = arith.extui %ge3A_297 : i1 to i32
      %cond3A_299 = arith.constant 0 : i32
      %cond3A_300 = arith.cmpi ne, %convert_element_type3A_298, %cond3A_299 : i32
      scf.if %cond3A_300 {
        %dma_wait3A_612 = arith.constant 0 : i32
        %dma_wait3A_613 = arith.constant 0 : i32
        %dma_wait3A_614 = tpu.memref_slice %arg7[%dma_wait3A_612, %dma_wait3A_613] : memref<100x128xf32, #tpu.memory_space<vmem>> -> memref<50x128xf32, #tpu.memory_space<vmem>>
        %dma_wait3A_615 = arith.constant 0 : i32
        %dma_wait3A_616 = arith.constant 0 : i32
        %dma_wait3A_617 = tpu.memref_slice %arg4[%mul3A_2, %dma_wait3A_615, %dma_wait3A_616] : memref<4096x50x128xf32, #tpu.memory_space<hbm>> -> memref<1x50x128xf32, #tpu.memory_space<hbm>>
        %dma_wait3A_618 = tpu.memref_squeeze %dma_wait3A_617 : memref<1x50x128xf32, #tpu.memory_space<hbm>> -> memref<50x128xf32, #tpu.memory_space<hbm>>
        %dma_wait3A_619 = arith.constant 0 : i32
        %dma_wait3A_620 = arith.constant 0 : i32
        %dma_wait3A_621 = tpu.memref_slice %arg4[%mul3A_2, %dma_wait3A_619, %dma_wait3A_620] : memref<4096x50x128xf32, #tpu.memory_space<hbm>> -> memref<1x50x128xf32, #tpu.memory_space<hbm>>
        %dma_wait3A_622 = tpu.memref_squeeze %dma_wait3A_621 : memref<1x50x128xf32, #tpu.memory_space<hbm>> -> memref<50x128xf32, #tpu.memory_space<hbm>>
        %dma_wait3A_623 = arith.constant 0 : i32
        %dma_wait3A_624 = arith.constant 0 : i32
        %dma_wait3A_625 = tpu.memref_slice %arg7[%dma_wait3A_623, %dma_wait3A_624] : memref<100x128xf32, #tpu.memory_space<vmem>> -> memref<50x128xf32, #tpu.memory_space<vmem>>
        tpu.wait_dma2 semaphore(%arg23 : memref<!tpu.dma_semaphore, #tpu.memory_space<semaphore_mem>>) src(%dma_wait3A_625 : memref<50x128xf32, #tpu.memory_space<vmem>>) dst(%dma_wait3A_622 : memref<50x128xf32, #tpu.memory_space<hbm>>)
        %dma_wait3A_626 = arith.constant 50 : i32
        %dma_wait3A_627 = arith.constant 0 : i32
        %dma_wait3A_628 = tpu.memref_slice %arg7[%dma_wait3A_626, %dma_wait3A_627] : memref<100x128xf32, #tpu.memory_space<vmem>> -> memref<50x128xf32, #tpu.memory_space<vmem>>
        %dma_wait3A_629 = arith.constant 0 : i32
        %dma_wait3A_630 = arith.constant 0 : i32
        %dma_wait3A_631 = tpu.memref_slice %arg4[%mul3A_2, %dma_wait3A_629, %dma_wait3A_630] : memref<4096x50x128xf32, #tpu.memory_space<hbm>> -> memref<1x50x128xf32, #tpu.memory_space<hbm>>
        %dma_wait3A_632 = tpu.memref_squeeze %dma_wait3A_631 : memref<1x50x128xf32, #tpu.memory_space<hbm>> -> memref<50x128xf32, #tpu.memory_space<hbm>>
        %dma_wait3A_633 = arith.constant 0 : i32
        %dma_wait3A_634 = arith.constant 0 : i32
        %dma_wait3A_635 = tpu.memref_slice %arg4[%mul3A_2, %dma_wait3A_633, %dma_wait3A_634] : memref<4096x50x128xf32, #tpu.memory_space<hbm>> -> memref<1x50x128xf32, #tpu.memory_space<hbm>>
        %dma_wait3A_636 = tpu.memref_squeeze %dma_wait3A_635 : memref<1x50x128xf32, #tpu.memory_space<hbm>> -> memref<50x128xf32, #tpu.memory_space<hbm>>
        %dma_wait3A_637 = arith.constant 50 : i32
        %dma_wait3A_638 = arith.constant 0 : i32
        %dma_wait3A_639 = tpu.memref_slice %arg7[%dma_wait3A_637, %dma_wait3A_638] : memref<100x128xf32, #tpu.memory_space<vmem>> -> memref<50x128xf32, #tpu.memory_space<vmem>>
        tpu.wait_dma2 semaphore(%arg23 : memref<!tpu.dma_semaphore, #tpu.memory_space<semaphore_mem>>) src(%dma_wait3A_639 : memref<50x128xf32, #tpu.memory_space<vmem>>) dst(%dma_wait3A_636 : memref<50x128xf32, #tpu.memory_space<hbm>>)
      } else {
      }
      %add3A_301 = arith.constant 6 : i32
      %add3A_302 = arith.addi %add3A_295, %add3A_301 : i32
      %lt3A_303 = arith.constant 64 : i32
      %lt3A_304 = arith.cmpi slt, %add3A_302, %lt3A_303 : i32
      %convert_element_type3A_305 = arith.extui %lt3A_304 : i1 to i32
      %cond3A_306 = arith.constant 0 : i32
      %cond3A_307 = arith.cmpi ne, %convert_element_type3A_305, %cond3A_306 : i32
      scf.if %cond3A_307 {
        %add3A_612 = arith.constant 6 : i32
        %add3A_613 = arith.addi %add3A_295, %add3A_612 : i32
        %dma_start3A_614 = arith.constant 0 : i32
        %dma_start3A_615 = tpu.memref_slice %arg5[%add3A_613, %dma_start3A_614] : memref<64x100xi32, #tpu.memory_space<vmem>> -> memref<1x100xi32, #tpu.memory_space<vmem>>
        %dma_start3A_616 = tpu.memref_squeeze %dma_start3A_615 : memref<1x100xi32, #tpu.memory_space<vmem>> -> memref<100xi32, #tpu.memory_space<vmem>>
        %dma_start3A_617 = arith.constant 0 : i32
        %dma_start3A_618 = arith.constant 0 : i32
        %dma_start3A_619 = tpu.memref_slice %arg3[%dma_start3A_617, %dma_start3A_618] : memref<100000x128xf32, #tpu.memory_space<hbm>> -> memref<100000x128xf32, #tpu.memory_space<hbm>>
        tpu.enqueue_indirect_dma source(%dma_start3A_619 : memref<100000x128xf32, #tpu.memory_space<hbm>>) target(%arg7 : memref<100x128xf32, #tpu.memory_space<vmem>>) offsets(%dma_start3A_616 : memref<100xi32, #tpu.memory_space<vmem>>) semaphore(%arg15 : memref<!tpu.dma_semaphore, #tpu.memory_space<semaphore_mem>>)
      } else {
      }
      %dma_wait3A_308 = arith.constant 0 : i32
      %dma_wait3A_309 = arith.constant 0 : i32
      %dma_wait3A_310 = tpu.memref_slice %arg5[%dma_wait3A_308, %dma_wait3A_309] : memref<64x100xi32, #tpu.memory_space<vmem>> -> memref<1x100xi32, #tpu.memory_space<vmem>>
      %dma_wait3A_311 = tpu.memref_squeeze %dma_wait3A_310 : memref<1x100xi32, #tpu.memory_space<vmem>> -> memref<100xi32, #tpu.memory_space<vmem>>
      %dma_wait3A_312 = arith.constant 0 : i32
      %dma_wait3A_313 = arith.constant 0 : i32
      %dma_wait3A_314 = tpu.memref_slice %arg3[%dma_wait3A_312, %dma_wait3A_313] : memref<100000x128xf32, #tpu.memory_space<hbm>> -> memref<100000x128xf32, #tpu.memory_space<hbm>>
      tpu.wait_indirect_dma semaphore(%arg17 : memref<!tpu.dma_semaphore, #tpu.memory_space<semaphore_mem>>) src(%dma_wait3A_314 : memref<100000x128xf32, #tpu.memory_space<hbm>>) dst(%arg9 : memref<100x128xf32, #tpu.memory_space<vmem>>)
      %parallel_loop3A_315 = arith.constant 0 : i32
      %parallel_loop3A_316 = arith.constant 100 : i32
      %parallel_loop3A_317 = arith.constant 2 : i32
      scf.for %parallel_loop3A_612 = %parallel_loop3A_315 to %parallel_loop3A_316 step %parallel_loop3A_317  : i32 {
        %parallel_loop3A_613 = arith.constant 0 : i32
        %parallel_loop3A_614 = arith.addi %parallel_loop3A_612, %parallel_loop3A_613 : i32
        %parallel_loop3A_615 = arith.index_cast %parallel_loop3A_614 : i32 to index
        %parallel_loop3A_616 = arith.constant 0 : index
        %parallel_loop3A_617 = tpu.vector_load %arg9[%parallel_loop3A_615, %parallel_loop3A_616] {strides = array<i32>} : memref<100x128xf32, #tpu.memory_space<vmem>>, vector<1x16xf32>,
        %parallel_loop3A_618 = vector.shape_cast %parallel_loop3A_617 : vector<1x16xf32> to vector<16xf32>
        %parallel_loop3A_619 = arith.constant 11.3137083 : f32
        %parallel_loop3A_620 = vector.broadcast %parallel_loop3A_619 : f32 to vector<16xf32>
        %parallel_loop3A_621 = arith.mulf %parallel_loop3A_618, %parallel_loop3A_620 : vector<16xf32>
        %parallel_loop3A_622 = arith.constant 0 : i32
        %parallel_loop3A_623 = arith.addi %parallel_loop3A_612, %parallel_loop3A_622 : i32
        %parallel_loop3A_624 = arith.index_cast %parallel_loop3A_623 : i32 to index
        %parallel_loop3A_625 = arith.constant 0 : index
        %parallel_loop3A_626 = tpu.vector_load %arg9[%parallel_loop3A_624, %parallel_loop3A_625] {strides = array<i32>} : memref<100x128xf32, #tpu.memory_space<vmem>>, vector<1x16xf32>,
        %parallel_loop3A_627 = vector.shape_cast %parallel_loop3A_626 : vector<1x16xf32> to vector<16xf32>
        %parallel_loop3A_628 = vector.shape_cast %parallel_loop3A_621 : vector<16xf32> to vector<1x16xf32>
        tpu.vector_store %arg9[%parallel_loop3A_624, %parallel_loop3A_625], %parallel_loop3A_628 {strides = array<i32>} : memref<100x128xf32, #tpu.memory_space<vmem>>, vector<1x16xf32>,
        %parallel_loop3A_629 = arith.constant 0 : i32
        %parallel_loop3A_630 = arith.addi %parallel_loop3A_612, %parallel_loop3A_629 : i32
        %parallel_loop3A_631 = arith.index_cast %parallel_loop3A_630 : i32 to index
        %parallel_loop3A_632 = arith.constant 16 : index
        %parallel_loop3A_633 = tpu.vector_load %arg9[%parallel_loop3A_631, %parallel_loop3A_632] {strides = array<i32>} : memref<100x128xf32, #tpu.memory_space<vmem>>, vector<1x16xf32>,
        %parallel_loop3A_634 = vector.shape_cast %parallel_loop3A_633 : vector<1x16xf32> to vector<16xf32>
        %parallel_loop3A_635 = arith.constant 11.3137083 : f32
        %parallel_loop3A_636 = vector.broadcast %parallel_loop3A_635 : f32 to vector<16xf32>
        %parallel_loop3A_637 = arith.mulf %parallel_loop3A_634, %parallel_loop3A_636 : vector<16xf32>
        %parallel_loop3A_638 = arith.constant 0 : i32
        %parallel_loop3A_639 = arith.addi %parallel_loop3A_612, %parallel_loop3A_638 : i32
        %parallel_loop3A_640 = arith.index_cast %parallel_loop3A_639 : i32 to index
        %parallel_loop3A_641 = arith.constant 16 : index
        %parallel_loop3A_642 = tpu.vector_load %arg9[%parallel_loop3A_640, %parallel_loop3A_641] {strides = array<i32>} : memref<100x128xf32, #tpu.memory_space<vmem>>, vector<1x16xf32>,
        %parallel_loop3A_643 = vector.shape_cast %parallel_loop3A_642 : vector<1x16xf32> to vector<16xf32>
        %parallel_loop3A_644 = vector.shape_cast %parallel_loop3A_637 : vector<16xf32> to vector<1x16xf32>
        tpu.vector_store %arg9[%parallel_loop3A_640, %parallel_loop3A_641], %parallel_loop3A_644 {strides = array<i32>} : memref<100x128xf32, #tpu.memory_space<vmem>>, vector<1x16xf32>,
        %parallel_loop3A_645 = arith.constant 0 : i32
        %parallel_loop3A_646 = arith.addi %parallel_loop3A_612, %parallel_loop3A_645 : i32
        %parallel_loop3A_647 = arith.index_cast %parallel_loop3A_646 : i32 to index
        %parallel_loop3A_648 = arith.constant 32 : index
        %parallel_loop3A_649 = tpu.vector_load %arg9[%parallel_loop3A_647, %parallel_loop3A_648] {strides = array<i32>} : memref<100x128xf32, #tpu.memory_space<vmem>>, vector<1x16xf32>,
        %parallel_loop3A_650 = vector.shape_cast %parallel_loop3A_649 : vector<1x16xf32> to vector<16xf32>
        %parallel_loop3A_651 = arith.constant 11.3137083 : f32
        %parallel_loop3A_652 = vector.broadcast %parallel_loop3A_651 : f32 to vector<16xf32>
        %parallel_loop3A_653 = arith.mulf %parallel_loop3A_650, %parallel_loop3A_652 : vector<16xf32>
        %parallel_loop3A_654 = arith.constant 0 : i32
        %parallel_loop3A_655 = arith.addi %parallel_loop3A_612, %parallel_loop3A_654 : i32
        %parallel_loop3A_656 = arith.index_cast %parallel_loop3A_655 : i32 to index
        %parallel_loop3A_657 = arith.constant 32 : index
        %parallel_loop3A_658 = tpu.vector_load %arg9[%parallel_loop3A_656, %parallel_loop3A_657] {strides = array<i32>} : memref<100x128xf32, #tpu.memory_space<vmem>>, vector<1x16xf32>,
        %parallel_loop3A_659 = vector.shape_cast %parallel_loop3A_658 : vector<1x16xf32> to vector<16xf32>
        %parallel_loop3A_660 = vector.shape_cast %parallel_loop3A_653 : vector<16xf32> to vector<1x16xf32>
        tpu.vector_store %arg9[%parallel_loop3A_656, %parallel_loop3A_657], %parallel_loop3A_660 {strides = array<i32>} : memref<100x128xf32, #tpu.memory_space<vmem>>, vector<1x16xf32>,
        %parallel_loop3A_661 = arith.constant 0 : i32
        %parallel_loop3A_662 = arith.addi %parallel_loop3A_612, %parallel_loop3A_661 : i32
        %parallel_loop3A_663 = arith.index_cast %parallel_loop3A_662 : i32 to index
        %parallel_loop3A_664 = arith.constant 48 : index
        %parallel_loop3A_665 = tpu.vector_load %arg9[%parallel_loop3A_663, %parallel_loop3A_664] {strides = array<i32>} : memref<100x128xf32, #tpu.memory_space<vmem>>, vector<1x16xf32>,
        %parallel_loop3A_666 = vector.shape_cast %parallel_loop3A_665 : vector<1x16xf32> to vector<16xf32>
        %parallel_loop3A_667 = arith.constant 11.3137083 : f32
        %parallel_loop3A_668 = vector.broadcast %parallel_loop3A_667 : f32 to vector<16xf32>
        %parallel_loop3A_669 = arith.mulf %parallel_loop3A_666, %parallel_loop3A_668 : vector<16xf32>
        %parallel_loop3A_670 = arith.constant 0 : i32
        %parallel_loop3A_671 = arith.addi %parallel_loop3A_612, %parallel_loop3A_670 : i32
        %parallel_loop3A_672 = arith.index_cast %parallel_loop3A_671 : i32 to index
        %parallel_loop3A_673 = arith.constant 48 : index
        %parallel_loop3A_674 = tpu.vector_load %arg9[%parallel_loop3A_672, %parallel_loop3A_673] {strides = array<i32>} : memref<100x128xf32, #tpu.memory_space<vmem>>, vector<1x16xf32>,
        %parallel_loop3A_675 = vector.shape_cast %parallel_loop3A_674 : vector<1x16xf32> to vector<16xf32>
        %parallel_loop3A_676 = vector.shape_cast %parallel_loop3A_669 : vector<16xf32> to vector<1x16xf32>
        tpu.vector_store %arg9[%parallel_loop3A_672, %parallel_loop3A_673], %parallel_loop3A_676 {strides = array<i32>} : memref<100x128xf32, #tpu.memory_space<vmem>>, vector<1x16xf32>,
        %parallel_loop3A_677 = arith.constant 0 : i32
        %parallel_loop3A_678 = arith.addi %parallel_loop3A_612, %parallel_loop3A_677 : i32
        %parallel_loop3A_679 = arith.index_cast %parallel_loop3A_678 : i32 to index
        %parallel_loop3A_680 = arith.constant 64 : index
        %parallel_loop3A_681 = tpu.vector_load %arg9[%parallel_loop3A_679, %parallel_loop3A_680] {strides = array<i32>} : memref<100x128xf32, #tpu.memory_space<vmem>>, vector<1x16xf32>,
        %parallel_loop3A_682 = vector.shape_cast %parallel_loop3A_681 : vector<1x16xf32> to vector<16xf32>
        %parallel_loop3A_683 = arith.constant 11.3137083 : f32
        %parallel_loop3A_684 = vector.broadcast %parallel_loop3A_683 : f32 to vector<16xf32>
        %parallel_loop3A_685 = arith.mulf %parallel_loop3A_682, %parallel_loop3A_684 : vector<16xf32>
        %parallel_loop3A_686 = arith.constant 0 : i32
        %parallel_loop3A_687 = arith.addi %parallel_loop3A_612, %parallel_loop3A_686 : i32
        %parallel_loop3A_688 = arith.index_cast %parallel_loop3A_687 : i32 to index
        %parallel_loop3A_689 = arith.constant 64 : index
        %parallel_loop3A_690 = tpu.vector_load %arg9[%parallel_loop3A_688, %parallel_loop3A_689] {strides = array<i32>} : memref<100x128xf32, #tpu.memory_space<vmem>>, vector<1x16xf32>,
        %parallel_loop3A_691 = vector.shape_cast %parallel_loop3A_690 : vector<1x16xf32> to vector<16xf32>
        %parallel_loop3A_692 = vector.shape_cast %parallel_loop3A_685 : vector<16xf32> to vector<1x16xf32>
        tpu.vector_store %arg9[%parallel_loop3A_688, %parallel_loop3A_689], %parallel_loop3A_692 {strides = array<i32>} : memref<100x128xf32, #tpu.memory_space<vmem>>, vector<1x16xf32>,
        %parallel_loop3A_693 = arith.constant 0 : i32
        %parallel_loop3A_694 = arith.addi %parallel_loop3A_612, %parallel_loop3A_693 : i32
        %parallel_loop3A_695 = arith.index_cast %parallel_loop3A_694 : i32 to index
        %parallel_loop3A_696 = arith.constant 80 : index
        %parallel_loop3A_697 = tpu.vector_load %arg9[%parallel_loop3A_695, %parallel_loop3A_696] {strides = array<i32>} : memref<100x128xf32, #tpu.memory_space<vmem>>, vector<1x16xf32>,
        %parallel_loop3A_698 = vector.shape_cast %parallel_loop3A_697 : vector<1x16xf32> to vector<16xf32>
        %parallel_loop3A_699 = arith.constant 11.3137083 : f32
        %parallel_loop3A_700 = vector.broadcast %parallel_loop3A_699 : f32 to vector<16xf32>
        %parallel_loop3A_701 = arith.mulf %parallel_loop3A_698, %parallel_loop3A_700 : vector<16xf32>
        %parallel_loop3A_702 = arith.constant 0 : i32
        %parallel_loop3A_703 = arith.addi %parallel_loop3A_612, %parallel_loop3A_702 : i32
        %parallel_loop3A_704 = arith.index_cast %parallel_loop3A_703 : i32 to index
        %parallel_loop3A_705 = arith.constant 80 : index
        %parallel_loop3A_706 = tpu.vector_load %arg9[%parallel_loop3A_704, %parallel_loop3A_705] {strides = array<i32>} : memref<100x128xf32, #tpu.memory_space<vmem>>, vector<1x16xf32>,
        %parallel_loop3A_707 = vector.shape_cast %parallel_loop3A_706 : vector<1x16xf32> to vector<16xf32>
        %parallel_loop3A_708 = vector.shape_cast %parallel_loop3A_701 : vector<16xf32> to vector<1x16xf32>
        tpu.vector_store %arg9[%parallel_loop3A_704, %parallel_loop3A_705], %parallel_loop3A_708 {strides = array<i32>} : memref<100x128xf32, #tpu.memory_space<vmem>>, vector<1x16xf32>,
        %parallel_loop3A_709 = arith.constant 0 : i32
        %parallel_loop3A_710 = arith.addi %parallel_loop3A_612, %parallel_loop3A_709 : i32
        %parallel_loop3A_711 = arith.index_cast %parallel_loop3A_710 : i32 to index
        %parallel_loop3A_712 = arith.constant 96 : index
        %parallel_loop3A_713 = tpu.vector_load %arg9[%parallel_loop3A_711, %parallel_loop3A_712] {strides = array<i32>} : memref<100x128xf32, #tpu.memory_space<vmem>>, vector<1x16xf32>,
        %parallel_loop3A_714 = vector.shape_cast %parallel_loop3A_713 : vector<1x16xf32> to vector<16xf32>
        %parallel_loop3A_715 = arith.constant 11.3137083 : f32
        %parallel_loop3A_716 = vector.broadcast %parallel_loop3A_715 : f32 to vector<16xf32>
        %parallel_loop3A_717 = arith.mulf %parallel_loop3A_714, %parallel_loop3A_716 : vector<16xf32>
        %parallel_loop3A_718 = arith.constant 0 : i32
        %parallel_loop3A_719 = arith.addi %parallel_loop3A_612, %parallel_loop3A_718 : i32
        %parallel_loop3A_720 = arith.index_cast %parallel_loop3A_719 : i32 to index
        %parallel_loop3A_721 = arith.constant 96 : index
        %parallel_loop3A_722 = tpu.vector_load %arg9[%parallel_loop3A_720, %parallel_loop3A_721] {strides = array<i32>} : memref<100x128xf32, #tpu.memory_space<vmem>>, vector<1x16xf32>,
        %parallel_loop3A_723 = vector.shape_cast %parallel_loop3A_722 : vector<1x16xf32> to vector<16xf32>
        %parallel_loop3A_724 = vector.shape_cast %parallel_loop3A_717 : vector<16xf32> to vector<1x16xf32>
        tpu.vector_store %arg9[%parallel_loop3A_720, %parallel_loop3A_721], %parallel_loop3A_724 {strides = array<i32>} : memref<100x128xf32, #tpu.memory_space<vmem>>, vector<1x16xf32>,
        %parallel_loop3A_725 = arith.constant 0 : i32
        %parallel_loop3A_726 = arith.addi %parallel_loop3A_612, %parallel_loop3A_725 : i32
        %parallel_loop3A_727 = arith.index_cast %parallel_loop3A_726 : i32 to index
        %parallel_loop3A_728 = arith.constant 112 : index
        %parallel_loop3A_729 = tpu.vector_load %arg9[%parallel_loop3A_727, %parallel_loop3A_728] {strides = array<i32>} : memref<100x128xf32, #tpu.memory_space<vmem>>, vector<1x16xf32>,
        %parallel_loop3A_730 = vector.shape_cast %parallel_loop3A_729 : vector<1x16xf32> to vector<16xf32>
        %parallel_loop3A_731 = arith.constant 11.3137083 : f32
        %parallel_loop3A_732 = vector.broadcast %parallel_loop3A_731 : f32 to vector<16xf32>
        %parallel_loop3A_733 = arith.mulf %parallel_loop3A_730, %parallel_loop3A_732 : vector<16xf32>
        %parallel_loop3A_734 = arith.constant 0 : i32
        %parallel_loop3A_735 = arith.addi %parallel_loop3A_612, %parallel_loop3A_734 : i32
        %parallel_loop3A_736 = arith.index_cast %parallel_loop3A_735 : i32 to index
        %parallel_loop3A_737 = arith.constant 112 : index
        %parallel_loop3A_738 = tpu.vector_load %arg9[%parallel_loop3A_736, %parallel_loop3A_737] {strides = array<i32>} : memref<100x128xf32, #tpu.memory_space<vmem>>, vector<1x16xf32>,
        %parallel_loop3A_739 = vector.shape_cast %parallel_loop3A_738 : vector<1x16xf32> to vector<16xf32>
        %parallel_loop3A_740 = vector.shape_cast %parallel_loop3A_733 : vector<16xf32> to vector<1x16xf32>
        tpu.vector_store %arg9[%parallel_loop3A_736, %parallel_loop3A_737], %parallel_loop3A_740 {strides = array<i32>} : memref<100x128xf32, #tpu.memory_space<vmem>>, vector<1x16xf32>,
        %parallel_loop3A_741 = arith.constant 1 : i32
        %parallel_loop3A_742 = arith.addi %parallel_loop3A_612, %parallel_loop3A_741 : i32
        %parallel_loop3A_743 = arith.index_cast %parallel_loop3A_742 : i32 to index
        %parallel_loop3A_744 = arith.constant 0 : index
        %parallel_loop3A_745 = tpu.vector_load %arg9[%parallel_loop3A_743, %parallel_loop3A_744] {strides = array<i32>} : memref<100x128xf32, #tpu.memory_space<vmem>>, vector<1x16xf32>,
        %parallel_loop3A_746 = vector.shape_cast %parallel_loop3A_745 : vector<1x16xf32> to vector<16xf32>
        %parallel_loop3A_747 = arith.constant 11.3137083 : f32
        %parallel_loop3A_748 = vector.broadcast %parallel_loop3A_747 : f32 to vector<16xf32>
        %parallel_loop3A_749 = arith.mulf %parallel_loop3A_746, %parallel_loop3A_748 : vector<16xf32>
        %parallel_loop3A_750 = arith.constant 1 : i32
        %parallel_loop3A_751 = arith.addi %parallel_loop3A_612, %parallel_loop3A_750 : i32
        %parallel_loop3A_752 = arith.index_cast %parallel_loop3A_751 : i32 to index
        %parallel_loop3A_753 = arith.constant 0 : index
        %parallel_loop3A_754 = tpu.vector_load %arg9[%parallel_loop3A_752, %parallel_loop3A_753] {strides = array<i32>} : memref<100x128xf32, #tpu.memory_space<vmem>>, vector<1x16xf32>,
        %parallel_loop3A_755 = vector.shape_cast %parallel_loop3A_754 : vector<1x16xf32> to vector<16xf32>
        %parallel_loop3A_756 = vector.shape_cast %parallel_loop3A_749 : vector<16xf32> to vector<1x16xf32>
        tpu.vector_store %arg9[%parallel_loop3A_752, %parallel_loop3A_753], %parallel_loop3A_756 {strides = array<i32>} : memref<100x128xf32, #tpu.memory_space<vmem>>, vector<1x16xf32>,
        %parallel_loop3A_757 = arith.constant 1 : i32
        %parallel_loop3A_758 = arith.addi %parallel_loop3A_612, %parallel_loop3A_757 : i32
        %parallel_loop3A_759 = arith.index_cast %parallel_loop3A_758 : i32 to index
        %parallel_loop3A_760 = arith.constant 16 : index
        %parallel_loop3A_761 = tpu.vector_load %arg9[%parallel_loop3A_759, %parallel_loop3A_760] {strides = array<i32>} : memref<100x128xf32, #tpu.memory_space<vmem>>, vector<1x16xf32>,
        %parallel_loop3A_762 = vector.shape_cast %parallel_loop3A_761 : vector<1x16xf32> to vector<16xf32>
        %parallel_loop3A_763 = arith.constant 11.3137083 : f32
        %parallel_loop3A_764 = vector.broadcast %parallel_loop3A_763 : f32 to vector<16xf32>
        %parallel_loop3A_765 = arith.mulf %parallel_loop3A_762, %parallel_loop3A_764 : vector<16xf32>
        %parallel_loop3A_766 = arith.constant 1 : i32
        %parallel_loop3A_767 = arith.addi %parallel_loop3A_612, %parallel_loop3A_766 : i32
        %parallel_loop3A_768 = arith.index_cast %parallel_loop3A_767 : i32 to index
        %parallel_loop3A_769 = arith.constant 16 : index
        %parallel_loop3A_770 = tpu.vector_load %arg9[%parallel_loop3A_768, %parallel_loop3A_769] {strides = array<i32>} : memref<100x128xf32, #tpu.memory_space<vmem>>, vector<1x16xf32>,
        %parallel_loop3A_771 = vector.shape_cast %parallel_loop3A_770 : vector<1x16xf32> to vector<16xf32>
        %parallel_loop3A_772 = vector.shape_cast %parallel_loop3A_765 : vector<16xf32> to vector<1x16xf32>
        tpu.vector_store %arg9[%parallel_loop3A_768, %parallel_loop3A_769], %parallel_loop3A_772 {strides = array<i32>} : memref<100x128xf32, #tpu.memory_space<vmem>>, vector<1x16xf32>,
        %parallel_loop3A_773 = arith.constant 1 : i32
        %parallel_loop3A_774 = arith.addi %parallel_loop3A_612, %parallel_loop3A_773 : i32
        %parallel_loop3A_775 = arith.index_cast %parallel_loop3A_774 : i32 to index
        %parallel_loop3A_776 = arith.constant 32 : index
        %parallel_loop3A_777 = tpu.vector_load %arg9[%parallel_loop3A_775, %parallel_loop3A_776] {strides = array<i32>} : memref<100x128xf32, #tpu.memory_space<vmem>>, vector<1x16xf32>,
        %parallel_loop3A_778 = vector.shape_cast %parallel_loop3A_777 : vector<1x16xf32> to vector<16xf32>
        %parallel_loop3A_779 = arith.constant 11.3137083 : f32
        %parallel_loop3A_780 = vector.broadcast %parallel_loop3A_779 : f32 to vector<16xf32>
        %parallel_loop3A_781 = arith.mulf %parallel_loop3A_778, %parallel_loop3A_780 : vector<16xf32>
        %parallel_loop3A_782 = arith.constant 1 : i32
        %parallel_loop3A_783 = arith.addi %parallel_loop3A_612, %parallel_loop3A_782 : i32
        %parallel_loop3A_784 = arith.index_cast %parallel_loop3A_783 : i32 to index
        %parallel_loop3A_785 = arith.constant 32 : index
        %parallel_loop3A_786 = tpu.vector_load %arg9[%parallel_loop3A_784, %parallel_loop3A_785] {strides = array<i32>} : memref<100x128xf32, #tpu.memory_space<vmem>>, vector<1x16xf32>,
        %parallel_loop3A_787 = vector.shape_cast %parallel_loop3A_786 : vector<1x16xf32> to vector<16xf32>
        %parallel_loop3A_788 = vector.shape_cast %parallel_loop3A_781 : vector<16xf32> to vector<1x16xf32>
        tpu.vector_store %arg9[%parallel_loop3A_784, %parallel_loop3A_785], %parallel_loop3A_788 {strides = array<i32>} : memref<100x128xf32, #tpu.memory_space<vmem>>, vector<1x16xf32>,
        %parallel_loop3A_789 = arith.constant 1 : i32
        %parallel_loop3A_790 = arith.addi %parallel_loop3A_612, %parallel_loop3A_789 : i32
        %parallel_loop3A_791 = arith.index_cast %parallel_loop3A_790 : i32 to index
        %parallel_loop3A_792 = arith.constant 48 : index
        %parallel_loop3A_793 = tpu.vector_load %arg9[%parallel_loop3A_791, %parallel_loop3A_792] {strides = array<i32>} : memref<100x128xf32, #tpu.memory_space<vmem>>, vector<1x16xf32>,
        %parallel_loop3A_794 = vector.shape_cast %parallel_loop3A_793 : vector<1x16xf32> to vector<16xf32>
        %parallel_loop3A_795 = arith.constant 11.3137083 : f32
        %parallel_loop3A_796 = vector.broadcast %parallel_loop3A_795 : f32 to vector<16xf32>
        %parallel_loop3A_797 = arith.mulf %parallel_loop3A_794, %parallel_loop3A_796 : vector<16xf32>
        %parallel_loop3A_798 = arith.constant 1 : i32
        %parallel_loop3A_799 = arith.addi %parallel_loop3A_612, %parallel_loop3A_798 : i32
        %parallel_loop3A_800 = arith.index_cast %parallel_loop3A_799 : i32 to index
        %parallel_loop3A_801 = arith.constant 48 : index
        %parallel_loop3A_802 = tpu.vector_load %arg9[%parallel_loop3A_800, %parallel_loop3A_801] {strides = array<i32>} : memref<100x128xf32, #tpu.memory_space<vmem>>, vector<1x16xf32>,
        %parallel_loop3A_803 = vector.shape_cast %parallel_loop3A_802 : vector<1x16xf32> to vector<16xf32>
        %parallel_loop3A_804 = vector.shape_cast %parallel_loop3A_797 : vector<16xf32> to vector<1x16xf32>
        tpu.vector_store %arg9[%parallel_loop3A_800, %parallel_loop3A_801], %parallel_loop3A_804 {strides = array<i32>} : memref<100x128xf32, #tpu.memory_space<vmem>>, vector<1x16xf32>,
        %parallel_loop3A_805 = arith.constant 1 : i32
        %parallel_loop3A_806 = arith.addi %parallel_loop3A_612, %parallel_loop3A_805 : i32
        %parallel_loop3A_807 = arith.index_cast %parallel_loop3A_806 : i32 to index
        %parallel_loop3A_808 = arith.constant 64 : index
        %parallel_loop3A_809 = tpu.vector_load %arg9[%parallel_loop3A_807, %parallel_loop3A_808] {strides = array<i32>} : memref<100x128xf32, #tpu.memory_space<vmem>>, vector<1x16xf32>,
        %parallel_loop3A_810 = vector.shape_cast %parallel_loop3A_809 : vector<1x16xf32> to vector<16xf32>
        %parallel_loop3A_811 = arith.constant 11.3137083 : f32
        %parallel_loop3A_812 = vector.broadcast %parallel_loop3A_811 : f32 to vector<16xf32>
        %parallel_loop3A_813 = arith.mulf %parallel_loop3A_810, %parallel_loop3A_812 : vector<16xf32>
        %parallel_loop3A_814 = arith.constant 1 : i32
        %parallel_loop3A_815 = arith.addi %parallel_loop3A_612, %parallel_loop3A_814 : i32
        %parallel_loop3A_816 = arith.index_cast %parallel_loop3A_815 : i32 to index
        %parallel_loop3A_817 = arith.constant 64 : index
        %parallel_loop3A_818 = tpu.vector_load %arg9[%parallel_loop3A_816, %parallel_loop3A_817] {strides = array<i32>} : memref<100x128xf32, #tpu.memory_space<vmem>>, vector<1x16xf32>,
        %parallel_loop3A_819 = vector.shape_cast %parallel_loop3A_818 : vector<1x16xf32> to vector<16xf32>
        %parallel_loop3A_820 = vector.shape_cast %parallel_loop3A_813 : vector<16xf32> to vector<1x16xf32>
        tpu.vector_store %arg9[%parallel_loop3A_816, %parallel_loop3A_817], %parallel_loop3A_820 {strides = array<i32>} : memref<100x128xf32, #tpu.memory_space<vmem>>, vector<1x16xf32>,
        %parallel_loop3A_821 = arith.constant 1 : i32
        %parallel_loop3A_822 = arith.addi %parallel_loop3A_612, %parallel_loop3A_821 : i32
        %parallel_loop3A_823 = arith.index_cast %parallel_loop3A_822 : i32 to index
        %parallel_loop3A_824 = arith.constant 80 : index
        %parallel_loop3A_825 = tpu.vector_load %arg9[%parallel_loop3A_823, %parallel_loop3A_824] {strides = array<i32>} : memref<100x128xf32, #tpu.memory_space<vmem>>, vector<1x16xf32>,
        %parallel_loop3A_826 = vector.shape_cast %parallel_loop3A_825 : vector<1x16xf32> to vector<16xf32>
        %parallel_loop3A_827 = arith.constant 11.3137083 : f32
        %parallel_loop3A_828 = vector.broadcast %parallel_loop3A_827 : f32 to vector<16xf32>
        %parallel_loop3A_829 = arith.mulf %parallel_loop3A_826, %parallel_loop3A_828 : vector<16xf32>
        %parallel_loop3A_830 = arith.constant 1 : i32
        %parallel_loop3A_831 = arith.addi %parallel_loop3A_612, %parallel_loop3A_830 : i32
        %parallel_loop3A_832 = arith.index_cast %parallel_loop3A_831 : i32 to index
        %parallel_loop3A_833 = arith.constant 80 : index
        %parallel_loop3A_834 = tpu.vector_load %arg9[%parallel_loop3A_832, %parallel_loop3A_833] {strides = array<i32>} : memref<100x128xf32, #tpu.memory_space<vmem>>, vector<1x16xf32>,
        %parallel_loop3A_835 = vector.shape_cast %parallel_loop3A_834 : vector<1x16xf32> to vector<16xf32>
        %parallel_loop3A_836 = vector.shape_cast %parallel_loop3A_829 : vector<16xf32> to vector<1x16xf32>
        tpu.vector_store %arg9[%parallel_loop3A_832, %parallel_loop3A_833], %parallel_loop3A_836 {strides = array<i32>} : memref<100x128xf32, #tpu.memory_space<vmem>>, vector<1x16xf32>,
        %parallel_loop3A_837 = arith.constant 1 : i32
        %parallel_loop3A_838 = arith.addi %parallel_loop3A_612, %parallel_loop3A_837 : i32
        %parallel_loop3A_839 = arith.index_cast %parallel_loop3A_838 : i32 to index
        %parallel_loop3A_840 = arith.constant 96 : index
        %parallel_loop3A_841 = tpu.vector_load %arg9[%parallel_loop3A_839, %parallel_loop3A_840] {strides = array<i32>} : memref<100x128xf32, #tpu.memory_space<vmem>>, vector<1x16xf32>,
        %parallel_loop3A_842 = vector.shape_cast %parallel_loop3A_841 : vector<1x16xf32> to vector<16xf32>
        %parallel_loop3A_843 = arith.constant 11.3137083 : f32
        %parallel_loop3A_844 = vector.broadcast %parallel_loop3A_843 : f32 to vector<16xf32>
        %parallel_loop3A_845 = arith.mulf %parallel_loop3A_842, %parallel_loop3A_844 : vector<16xf32>
        %parallel_loop3A_846 = arith.constant 1 : i32
        %parallel_loop3A_847 = arith.addi %parallel_loop3A_612, %parallel_loop3A_846 : i32
        %parallel_loop3A_848 = arith.index_cast %parallel_loop3A_847 : i32 to index
        %parallel_loop3A_849 = arith.constant 96 : index
        %parallel_loop3A_850 = tpu.vector_load %arg9[%parallel_loop3A_848, %parallel_loop3A_849] {strides = array<i32>} : memref<100x128xf32, #tpu.memory_space<vmem>>, vector<1x16xf32>,
        %parallel_loop3A_851 = vector.shape_cast %parallel_loop3A_850 : vector<1x16xf32> to vector<16xf32>
        %parallel_loop3A_852 = vector.shape_cast %parallel_loop3A_845 : vector<16xf32> to vector<1x16xf32>
        tpu.vector_store %arg9[%parallel_loop3A_848, %parallel_loop3A_849], %parallel_loop3A_852 {strides = array<i32>} : memref<100x128xf32, #tpu.memory_space<vmem>>, vector<1x16xf32>,
        %parallel_loop3A_853 = arith.constant 1 : i32
        %parallel_loop3A_854 = arith.addi %parallel_loop3A_612, %parallel_loop3A_853 : i32
        %parallel_loop3A_855 = arith.index_cast %parallel_loop3A_854 : i32 to index
        %parallel_loop3A_856 = arith.constant 112 : index
        %parallel_loop3A_857 = tpu.vector_load %arg9[%parallel_loop3A_855, %parallel_loop3A_856] {strides = array<i32>} : memref<100x128xf32, #tpu.memory_space<vmem>>, vector<1x16xf32>,
        %parallel_loop3A_858 = vector.shape_cast %parallel_loop3A_857 : vector<1x16xf32> to vector<16xf32>
        %parallel_loop3A_859 = arith.constant 11.3137083 : f32
        %parallel_loop3A_860 = vector.broadcast %parallel_loop3A_859 : f32 to vector<16xf32>
        %parallel_loop3A_861 = arith.mulf %parallel_loop3A_858, %parallel_loop3A_860 : vector<16xf32>
        %parallel_loop3A_862 = arith.constant 1 : i32
        %parallel_loop3A_863 = arith.addi %parallel_loop3A_612, %parallel_loop3A_862 : i32
        %parallel_loop3A_864 = arith.index_cast %parallel_loop3A_863 : i32 to index
        %parallel_loop3A_865 = arith.constant 112 : index
        %parallel_loop3A_866 = tpu.vector_load %arg9[%parallel_loop3A_864, %parallel_loop3A_865] {strides = array<i32>} : memref<100x128xf32, #tpu.memory_space<vmem>>, vector<1x16xf32>,
        %parallel_loop3A_867 = vector.shape_cast %parallel_loop3A_866 : vector<1x16xf32> to vector<16xf32>
        %parallel_loop3A_868 = vector.shape_cast %parallel_loop3A_861 : vector<16xf32> to vector<1x16xf32>
        tpu.vector_store %arg9[%parallel_loop3A_864, %parallel_loop3A_865], %parallel_loop3A_868 {strides = array<i32>} : memref<100x128xf32, #tpu.memory_space<vmem>>, vector<1x16xf32>,
      } {sc.loop_unroll_factor = 2 : i64, sc.parallel_access}
      %mul3A_318 = arith.constant 2 : i32
      %mul3A_319 = arith.muli %add3A_295, %mul3A_318 : i32
      %add3A_320 = arith.addi %mul3A_2, %mul3A_319 : i32
      %add3A_321 = arith.constant 0 : i32
      %add3A_322 = arith.addi %add3A_320, %add3A_321 : i32
      %dma_start3A_323 = arith.constant 0 : i32
      %dma_start3A_324 = arith.constant 0 : i32
      %dma_start3A_325 = tpu.memref_slice %arg9[%dma_start3A_323, %dma_start3A_324] : memref<100x128xf32, #tpu.memory_space<vmem>> -> memref<50x128xf32, #tpu.memory_space<vmem>>
      %dma_start3A_326 = arith.constant 0 : i32
      %dma_start3A_327 = arith.constant 0 : i32
      %dma_start3A_328 = tpu.memref_slice %arg4[%add3A_322, %dma_start3A_326, %dma_start3A_327] : memref<4096x50x128xf32, #tpu.memory_space<hbm>> -> memref<1x50x128xf32, #tpu.memory_space<hbm>>
      %dma_start3A_329 = tpu.memref_squeeze %dma_start3A_328 : memref<1x50x128xf32, #tpu.memory_space<hbm>> -> memref<50x128xf32, #tpu.memory_space<hbm>>
      %dma_start3A_330 = arith.constant 0 : i32
      %dma_start3A_331 = arith.constant 0 : i32
      %dma_start3A_332 = tpu.memref_slice %arg4[%add3A_322, %dma_start3A_330, %dma_start3A_331] : memref<4096x50x128xf32, #tpu.memory_space<hbm>> -> memref<1x50x128xf32, #tpu.memory_space<hbm>>
      %dma_start3A_333 = tpu.memref_squeeze %dma_start3A_332 : memref<1x50x128xf32, #tpu.memory_space<hbm>> -> memref<50x128xf32, #tpu.memory_space<hbm>>
      %dma_start3A_334 = arith.constant 0 : i32
      %dma_start3A_335 = arith.constant 0 : i32
      %dma_start3A_336 = tpu.memref_slice %arg9[%dma_start3A_334, %dma_start3A_335] : memref<100x128xf32, #tpu.memory_space<vmem>> -> memref<50x128xf32, #tpu.memory_space<vmem>>
      tpu.enqueue_dma source(%dma_start3A_336 : memref<50x128xf32, #tpu.memory_space<vmem>>) target(%dma_start3A_333 : memref<50x128xf32, #tpu.memory_space<hbm>>) target_semaphore(%arg25 : memref<!tpu.dma_semaphore, #tpu.memory_space<semaphore_mem>>)
      %mul3A_337 = arith.constant 2 : i32
      %mul3A_338 = arith.muli %add3A_295, %mul3A_337 : i32
      %add3A_339 = arith.addi %mul3A_2, %mul3A_338 : i32
      %add3A_340 = arith.constant 1 : i32
      %add3A_341 = arith.addi %add3A_339, %add3A_340 : i32
      %dma_start3A_342 = arith.constant 50 : i32
      %dma_start3A_343 = arith.constant 0 : i32
      %dma_start3A_344 = tpu.memref_slice %arg9[%dma_start3A_342, %dma_start3A_343] : memref<100x128xf32, #tpu.memory_space<vmem>> -> memref<50x128xf32, #tpu.memory_space<vmem>>
      %dma_start3A_345 = arith.constant 0 : i32
      %dma_start3A_346 = arith.constant 0 : i32
      %dma_start3A_347 = tpu.memref_slice %arg4[%add3A_341, %dma_start3A_345, %dma_start3A_346] : memref<4096x50x128xf32, #tpu.memory_space<hbm>> -> memref<1x50x128xf32, #tpu.memory_space<hbm>>
      %dma_start3A_348 = tpu.memref_squeeze %dma_start3A_347 : memref<1x50x128xf32, #tpu.memory_space<hbm>> -> memref<50x128xf32, #tpu.memory_space<hbm>>
      %dma_start3A_349 = arith.constant 0 : i32
      %dma_start3A_350 = arith.constant 0 : i32
      %dma_start3A_351 = tpu.memref_slice %arg4[%add3A_341, %dma_start3A_349, %dma_start3A_350] : memref<4096x50x128xf32, #tpu.memory_space<hbm>> -> memref<1x50x128xf32, #tpu.memory_space<hbm>>
      %dma_start3A_352 = tpu.memref_squeeze %dma_start3A_351 : memref<1x50x128xf32, #tpu.memory_space<hbm>> -> memref<50x128xf32, #tpu.memory_space<hbm>>
      %dma_start3A_353 = arith.constant 50 : i32
      %dma_start3A_354 = arith.constant 0 : i32
      %dma_start3A_355 = tpu.memref_slice %arg9[%dma_start3A_353, %dma_start3A_354] : memref<100x128xf32, #tpu.memory_space<vmem>> -> memref<50x128xf32, #tpu.memory_space<vmem>>
      tpu.enqueue_dma source(%dma_start3A_355 : memref<50x128xf32, #tpu.memory_space<vmem>>) target(%dma_start3A_352 : memref<50x128xf32, #tpu.memory_space<hbm>>) target_semaphore(%arg25 : memref<!tpu.dma_semaphore, #tpu.memory_space<semaphore_mem>>)
      %mul3A_356 = arith.constant 8 : i32
      %mul3A_357 = arith.muli %scan3A_104, %mul3A_356 : i32
      %add3A_358 = arith.constant 4 : i32
      %add3A_359 = arith.addi %mul3A_357, %add3A_358 : i32
      %ge3A_360 = arith.constant 2 : i32
      %ge3A_361 = arith.cmpi sge, %add3A_359, %ge3A_360 : i32
      %convert_element_type3A_362 = arith.extui %ge3A_361 : i1 to i32
      %cond3A_363 = arith.constant 0 : i32
      %cond3A_364 = arith.cmpi ne, %convert_element_type3A_362, %cond3A_363 : i32
      scf.if %cond3A_364 {
        %dma_wait3A_612 = arith.constant 0 : i32
        %dma_wait3A_613 = arith.constant 0 : i32
        %dma_wait3A_614 = tpu.memref_slice %arg8[%dma_wait3A_612, %dma_wait3A_613] : memref<100x128xf32, #tpu.memory_space<vmem>> -> memref<50x128xf32, #tpu.memory_space<vmem>>
        %dma_wait3A_615 = arith.constant 0 : i32
        %dma_wait3A_616 = arith.constant 0 : i32
        %dma_wait3A_617 = tpu.memref_slice %arg4[%mul3A_2, %dma_wait3A_615, %dma_wait3A_616] : memref<4096x50x128xf32, #tpu.memory_space<hbm>> -> memref<1x50x128xf32, #tpu.memory_space<hbm>>
        %dma_wait3A_618 = tpu.memref_squeeze %dma_wait3A_617 : memref<1x50x128xf32, #tpu.memory_space<hbm>> -> memref<50x128xf32, #tpu.memory_space<hbm>>
        %dma_wait3A_619 = arith.constant 0 : i32
        %dma_wait3A_620 = arith.constant 0 : i32
        %dma_wait3A_621 = tpu.memref_slice %arg4[%mul3A_2, %dma_wait3A_619, %dma_wait3A_620] : memref<4096x50x128xf32, #tpu.memory_space<hbm>> -> memref<1x50x128xf32, #tpu.memory_space<hbm>>
        %dma_wait3A_622 = tpu.memref_squeeze %dma_wait3A_621 : memref<1x50x128xf32, #tpu.memory_space<hbm>> -> memref<50x128xf32, #tpu.memory_space<hbm>>
        %dma_wait3A_623 = arith.constant 0 : i32
        %dma_wait3A_624 = arith.constant 0 : i32
        %dma_wait3A_625 = tpu.memref_slice %arg8[%dma_wait3A_623, %dma_wait3A_624] : memref<100x128xf32, #tpu.memory_space<vmem>> -> memref<50x128xf32, #tpu.memory_space<vmem>>
        tpu.wait_dma2 semaphore(%arg24 : memref<!tpu.dma_semaphore, #tpu.memory_space<semaphore_mem>>) src(%dma_wait3A_625 : memref<50x128xf32, #tpu.memory_space<vmem>>) dst(%dma_wait3A_622 : memref<50x128xf32, #tpu.memory_space<hbm>>)
        %dma_wait3A_626 = arith.constant 50 : i32
        %dma_wait3A_627 = arith.constant 0 : i32
        %dma_wait3A_628 = tpu.memref_slice %arg8[%dma_wait3A_626, %dma_wait3A_627] : memref<100x128xf32, #tpu.memory_space<vmem>> -> memref<50x128xf32, #tpu.memory_space<vmem>>
        %dma_wait3A_629 = arith.constant 0 : i32
        %dma_wait3A_630 = arith.constant 0 : i32
        %dma_wait3A_631 = tpu.memref_slice %arg4[%mul3A_2, %dma_wait3A_629, %dma_wait3A_630] : memref<4096x50x128xf32, #tpu.memory_space<hbm>> -> memref<1x50x128xf32, #tpu.memory_space<hbm>>
        %dma_wait3A_632 = tpu.memref_squeeze %dma_wait3A_631 : memref<1x50x128xf32, #tpu.memory_space<hbm>> -> memref<50x128xf32, #tpu.memory_space<hbm>>
        %dma_wait3A_633 = arith.constant 0 : i32
        %dma_wait3A_634 = arith.constant 0 : i32
        %dma_wait3A_635 = tpu.memref_slice %arg4[%mul3A_2, %dma_wait3A_633, %dma_wait3A_634] : memref<4096x50x128xf32, #tpu.memory_space<hbm>> -> memref<1x50x128xf32, #tpu.memory_space<hbm>>
        %dma_wait3A_636 = tpu.memref_squeeze %dma_wait3A_635 : memref<1x50x128xf32, #tpu.memory_space<hbm>> -> memref<50x128xf32, #tpu.memory_space<hbm>>
        %dma_wait3A_637 = arith.constant 50 : i32
        %dma_wait3A_638 = arith.constant 0 : i32
        %dma_wait3A_639 = tpu.memref_slice %arg8[%dma_wait3A_637, %dma_wait3A_638] : memref<100x128xf32, #tpu.memory_space<vmem>> -> memref<50x128xf32, #tpu.memory_space<vmem>>
        tpu.wait_dma2 semaphore(%arg24 : memref<!tpu.dma_semaphore, #tpu.memory_space<semaphore_mem>>) src(%dma_wait3A_639 : memref<50x128xf32, #tpu.memory_space<vmem>>) dst(%dma_wait3A_636 : memref<50x128xf32, #tpu.memory_space<hbm>>)
      } else {
      }
      %add3A_365 = arith.constant 6 : i32
      %add3A_366 = arith.addi %add3A_359, %add3A_365 : i32
      %lt3A_367 = arith.constant 64 : i32
      %lt3A_368 = arith.cmpi slt, %add3A_366, %lt3A_367 : i32
      %convert_element_type3A_369 = arith.extui %lt3A_368 : i1 to i32
      %cond3A_370 = arith.constant 0 : i32
      %cond3A_371 = arith.cmpi ne, %convert_element_type3A_369, %cond3A_370 : i32
      scf.if %cond3A_371 {
        %add3A_612 = arith.constant 6 : i32
        %add3A_613 = arith.addi %add3A_359, %add3A_612 : i32
        %dma_start3A_614 = arith.constant 0 : i32
        %dma_start3A_615 = tpu.memref_slice %arg5[%add3A_613, %dma_start3A_614] : memref<64x100xi32, #tpu.memory_space<vmem>> -> memref<1x100xi32, #tpu.memory_space<vmem>>
        %dma_start3A_616 = tpu.memref_squeeze %dma_start3A_615 : memref<1x100xi32, #tpu.memory_space<vmem>> -> memref<100xi32, #tpu.memory_space<vmem>>
        %dma_start3A_617 = arith.constant 0 : i32
        %dma_start3A_618 = arith.constant 0 : i32
        %dma_start3A_619 = tpu.memref_slice %arg3[%dma_start3A_617, %dma_start3A_618] : memref<100000x128xf32, #tpu.memory_space<hbm>> -> memref<100000x128xf32, #tpu.memory_space<hbm>>
        tpu.enqueue_indirect_dma source(%dma_start3A_619 : memref<100000x128xf32, #tpu.memory_space<hbm>>) target(%arg8 : memref<100x128xf32, #tpu.memory_space<vmem>>) offsets(%dma_start3A_616 : memref<100xi32, #tpu.memory_space<vmem>>) semaphore(%arg16 : memref<!tpu.dma_semaphore, #tpu.memory_space<semaphore_mem>>)
      } else {
      }
      %dma_wait3A_372 = arith.constant 0 : i32
      %dma_wait3A_373 = arith.constant 0 : i32
      %dma_wait3A_374 = tpu.memref_slice %arg5[%dma_wait3A_372, %dma_wait3A_373] : memref<64x100xi32, #tpu.memory_space<vmem>> -> memref<1x100xi32, #tpu.memory_space<vmem>>
      %dma_wait3A_375 = tpu.memref_squeeze %dma_wait3A_374 : memref<1x100xi32, #tpu.memory_space<vmem>> -> memref<100xi32, #tpu.memory_space<vmem>>
      %dma_wait3A_376 = arith.constant 0 : i32
      %dma_wait3A_377 = arith.constant 0 : i32
      %dma_wait3A_378 = tpu.memref_slice %arg3[%dma_wait3A_376, %dma_wait3A_377] : memref<100000x128xf32, #tpu.memory_space<hbm>> -> memref<100000x128xf32, #tpu.memory_space<hbm>>
      tpu.wait_indirect_dma semaphore(%arg18 : memref<!tpu.dma_semaphore, #tpu.memory_space<semaphore_mem>>) src(%dma_wait3A_378 : memref<100000x128xf32, #tpu.memory_space<hbm>>) dst(%arg10 : memref<100x128xf32, #tpu.memory_space<vmem>>)
      %parallel_loop3A_379 = arith.constant 0 : i32
      %parallel_loop3A_380 = arith.constant 100 : i32
      %parallel_loop3A_381 = arith.constant 2 : i32
      scf.for %parallel_loop3A_612 = %parallel_loop3A_379 to %parallel_loop3A_380 step %parallel_loop3A_381  : i32 {
        %parallel_loop3A_613 = arith.constant 0 : i32
        %parallel_loop3A_614 = arith.addi %parallel_loop3A_612, %parallel_loop3A_613 : i32
        %parallel_loop3A_615 = arith.index_cast %parallel_loop3A_614 : i32 to index
        %parallel_loop3A_616 = arith.constant 0 : index
        %parallel_loop3A_617 = tpu.vector_load %arg10[%parallel_loop3A_615, %parallel_loop3A_616] {strides = array<i32>} : memref<100x128xf32, #tpu.memory_space<vmem>>, vector<1x16xf32>,
        %parallel_loop3A_618 = vector.shape_cast %parallel_loop3A_617 : vector<1x16xf32> to vector<16xf32>
        %parallel_loop3A_619 = arith.constant 11.3137083 : f32
        %parallel_loop3A_620 = vector.broadcast %parallel_loop3A_619 : f32 to vector<16xf32>
        %parallel_loop3A_621 = arith.mulf %parallel_loop3A_618, %parallel_loop3A_620 : vector<16xf32>
        %parallel_loop3A_622 = arith.constant 0 : i32
        %parallel_loop3A_623 = arith.addi %parallel_loop3A_612, %parallel_loop3A_622 : i32
        %parallel_loop3A_624 = arith.index_cast %parallel_loop3A_623 : i32 to index
        %parallel_loop3A_625 = arith.constant 0 : index
        %parallel_loop3A_626 = tpu.vector_load %arg10[%parallel_loop3A_624, %parallel_loop3A_625] {strides = array<i32>} : memref<100x128xf32, #tpu.memory_space<vmem>>, vector<1x16xf32>,
        %parallel_loop3A_627 = vector.shape_cast %parallel_loop3A_626 : vector<1x16xf32> to vector<16xf32>
        %parallel_loop3A_628 = vector.shape_cast %parallel_loop3A_621 : vector<16xf32> to vector<1x16xf32>
        tpu.vector_store %arg10[%parallel_loop3A_624, %parallel_loop3A_625], %parallel_loop3A_628 {strides = array<i32>} : memref<100x128xf32, #tpu.memory_space<vmem>>, vector<1x16xf32>,
        %parallel_loop3A_629 = arith.constant 0 : i32
        %parallel_loop3A_630 = arith.addi %parallel_loop3A_612, %parallel_loop3A_629 : i32
        %parallel_loop3A_631 = arith.index_cast %parallel_loop3A_630 : i32 to index
        %parallel_loop3A_632 = arith.constant 16 : index
        %parallel_loop3A_633 = tpu.vector_load %arg10[%parallel_loop3A_631, %parallel_loop3A_632] {strides = array<i32>} : memref<100x128xf32, #tpu.memory_space<vmem>>, vector<1x16xf32>,
        %parallel_loop3A_634 = vector.shape_cast %parallel_loop3A_633 : vector<1x16xf32> to vector<16xf32>
        %parallel_loop3A_635 = arith.constant 11.3137083 : f32
        %parallel_loop3A_636 = vector.broadcast %parallel_loop3A_635 : f32 to vector<16xf32>
        %parallel_loop3A_637 = arith.mulf %parallel_loop3A_634, %parallel_loop3A_636 : vector<16xf32>
        %parallel_loop3A_638 = arith.constant 0 : i32
        %parallel_loop3A_639 = arith.addi %parallel_loop3A_612, %parallel_loop3A_638 : i32
        %parallel_loop3A_640 = arith.index_cast %parallel_loop3A_639 : i32 to index
        %parallel_loop3A_641 = arith.constant 16 : index
        %parallel_loop3A_642 = tpu.vector_load %arg10[%parallel_loop3A_640, %parallel_loop3A_641] {strides = array<i32>} : memref<100x128xf32, #tpu.memory_space<vmem>>, vector<1x16xf32>,
        %parallel_loop3A_643 = vector.shape_cast %parallel_loop3A_642 : vector<1x16xf32> to vector<16xf32>
        %parallel_loop3A_644 = vector.shape_cast %parallel_loop3A_637 : vector<16xf32> to vector<1x16xf32>
        tpu.vector_store %arg10[%parallel_loop3A_640, %parallel_loop3A_641], %parallel_loop3A_644 {strides = array<i32>} : memref<100x128xf32, #tpu.memory_space<vmem>>, vector<1x16xf32>,
        %parallel_loop3A_645 = arith.constant 0 : i32
        %parallel_loop3A_646 = arith.addi %parallel_loop3A_612, %parallel_loop3A_645 : i32
        %parallel_loop3A_647 = arith.index_cast %parallel_loop3A_646 : i32 to index
        %parallel_loop3A_648 = arith.constant 32 : index
        %parallel_loop3A_649 = tpu.vector_load %arg10[%parallel_loop3A_647, %parallel_loop3A_648] {strides = array<i32>} : memref<100x128xf32, #tpu.memory_space<vmem>>, vector<1x16xf32>,
        %parallel_loop3A_650 = vector.shape_cast %parallel_loop3A_649 : vector<1x16xf32> to vector<16xf32>
        %parallel_loop3A_651 = arith.constant 11.3137083 : f32
        %parallel_loop3A_652 = vector.broadcast %parallel_loop3A_651 : f32 to vector<16xf32>
        %parallel_loop3A_653 = arith.mulf %parallel_loop3A_650, %parallel_loop3A_652 : vector<16xf32>
        %parallel_loop3A_654 = arith.constant 0 : i32
        %parallel_loop3A_655 = arith.addi %parallel_loop3A_612, %parallel_loop3A_654 : i32
        %parallel_loop3A_656 = arith.index_cast %parallel_loop3A_655 : i32 to index
        %parallel_loop3A_657 = arith.constant 32 : index
        %parallel_loop3A_658 = tpu.vector_load %arg10[%parallel_loop3A_656, %parallel_loop3A_657] {strides = array<i32>} : memref<100x128xf32, #tpu.memory_space<vmem>>, vector<1x16xf32>,
        %parallel_loop3A_659 = vector.shape_cast %parallel_loop3A_658 : vector<1x16xf32> to vector<16xf32>
        %parallel_loop3A_660 = vector.shape_cast %parallel_loop3A_653 : vector<16xf32> to vector<1x16xf32>
        tpu.vector_store %arg10[%parallel_loop3A_656, %parallel_loop3A_657], %parallel_loop3A_660 {strides = array<i32>} : memref<100x128xf32, #tpu.memory_space<vmem>>, vector<1x16xf32>,
        %parallel_loop3A_661 = arith.constant 0 : i32
        %parallel_loop3A_662 = arith.addi %parallel_loop3A_612, %parallel_loop3A_661 : i32
        %parallel_loop3A_663 = arith.index_cast %parallel_loop3A_662 : i32 to index
        %parallel_loop3A_664 = arith.constant 48 : index
        %parallel_loop3A_665 = tpu.vector_load %arg10[%parallel_loop3A_663, %parallel_loop3A_664] {strides = array<i32>} : memref<100x128xf32, #tpu.memory_space<vmem>>, vector<1x16xf32>,
        %parallel_loop3A_666 = vector.shape_cast %parallel_loop3A_665 : vector<1x16xf32> to vector<16xf32>
        %parallel_loop3A_667 = arith.constant 11.3137083 : f32
        %parallel_loop3A_668 = vector.broadcast %parallel_loop3A_667 : f32 to vector<16xf32>
        %parallel_loop3A_669 = arith.mulf %parallel_loop3A_666, %parallel_loop3A_668 : vector<16xf32>
        %parallel_loop3A_670 = arith.constant 0 : i32
        %parallel_loop3A_671 = arith.addi %parallel_loop3A_612, %parallel_loop3A_670 : i32
        %parallel_loop3A_672 = arith.index_cast %parallel_loop3A_671 : i32 to index
        %parallel_loop3A_673 = arith.constant 48 : index
        %parallel_loop3A_674 = tpu.vector_load %arg10[%parallel_loop3A_672, %parallel_loop3A_673] {strides = array<i32>} : memref<100x128xf32, #tpu.memory_space<vmem>>, vector<1x16xf32>,
        %parallel_loop3A_675 = vector.shape_cast %parallel_loop3A_674 : vector<1x16xf32> to vector<16xf32>
        %parallel_loop3A_676 = vector.shape_cast %parallel_loop3A_669 : vector<16xf32> to vector<1x16xf32>
        tpu.vector_store %arg10[%parallel_loop3A_672, %parallel_loop3A_673], %parallel_loop3A_676 {strides = array<i32>} : memref<100x128xf32, #tpu.memory_space<vmem>>, vector<1x16xf32>,
        %parallel_loop3A_677 = arith.constant 0 : i32
        %parallel_loop3A_678 = arith.addi %parallel_loop3A_612, %parallel_loop3A_677 : i32
        %parallel_loop3A_679 = arith.index_cast %parallel_loop3A_678 : i32 to index
        %parallel_loop3A_680 = arith.constant 64 : index
        %parallel_loop3A_681 = tpu.vector_load %arg10[%parallel_loop3A_679, %parallel_loop3A_680] {strides = array<i32>} : memref<100x128xf32, #tpu.memory_space<vmem>>, vector<1x16xf32>,
        %parallel_loop3A_682 = vector.shape_cast %parallel_loop3A_681 : vector<1x16xf32> to vector<16xf32>
        %parallel_loop3A_683 = arith.constant 11.3137083 : f32
        %parallel_loop3A_684 = vector.broadcast %parallel_loop3A_683 : f32 to vector<16xf32>
        %parallel_loop3A_685 = arith.mulf %parallel_loop3A_682, %parallel_loop3A_684 : vector<16xf32>
        %parallel_loop3A_686 = arith.constant 0 : i32
        %parallel_loop3A_687 = arith.addi %parallel_loop3A_612, %parallel_loop3A_686 : i32
        %parallel_loop3A_688 = arith.index_cast %parallel_loop3A_687 : i32 to index
        %parallel_loop3A_689 = arith.constant 64 : index
        %parallel_loop3A_690 = tpu.vector_load %arg10[%parallel_loop3A_688, %parallel_loop3A_689] {strides = array<i32>} : memref<100x128xf32, #tpu.memory_space<vmem>>, vector<1x16xf32>,
        %parallel_loop3A_691 = vector.shape_cast %parallel_loop3A_690 : vector<1x16xf32> to vector<16xf32>
        %parallel_loop3A_692 = vector.shape_cast %parallel_loop3A_685 : vector<16xf32> to vector<1x16xf32>
        tpu.vector_store %arg10[%parallel_loop3A_688, %parallel_loop3A_689], %parallel_loop3A_692 {strides = array<i32>} : memref<100x128xf32, #tpu.memory_space<vmem>>, vector<1x16xf32>,
        %parallel_loop3A_693 = arith.constant 0 : i32
        %parallel_loop3A_694 = arith.addi %parallel_loop3A_612, %parallel_loop3A_693 : i32
        %parallel_loop3A_695 = arith.index_cast %parallel_loop3A_694 : i32 to index
        %parallel_loop3A_696 = arith.constant 80 : index
        %parallel_loop3A_697 = tpu.vector_load %arg10[%parallel_loop3A_695, %parallel_loop3A_696] {strides = array<i32>} : memref<100x128xf32, #tpu.memory_space<vmem>>, vector<1x16xf32>,
        %parallel_loop3A_698 = vector.shape_cast %parallel_loop3A_697 : vector<1x16xf32> to vector<16xf32>
        %parallel_loop3A_699 = arith.constant 11.3137083 : f32
        %parallel_loop3A_700 = vector.broadcast %parallel_loop3A_699 : f32 to vector<16xf32>
        %parallel_loop3A_701 = arith.mulf %parallel_loop3A_698, %parallel_loop3A_700 : vector<16xf32>
        %parallel_loop3A_702 = arith.constant 0 : i32
        %parallel_loop3A_703 = arith.addi %parallel_loop3A_612, %parallel_loop3A_702 : i32
        %parallel_loop3A_704 = arith.index_cast %parallel_loop3A_703 : i32 to index
        %parallel_loop3A_705 = arith.constant 80 : index
        %parallel_loop3A_706 = tpu.vector_load %arg10[%parallel_loop3A_704, %parallel_loop3A_705] {strides = array<i32>} : memref<100x128xf32, #tpu.memory_space<vmem>>, vector<1x16xf32>,
        %parallel_loop3A_707 = vector.shape_cast %parallel_loop3A_706 : vector<1x16xf32> to vector<16xf32>
        %parallel_loop3A_708 = vector.shape_cast %parallel_loop3A_701 : vector<16xf32> to vector<1x16xf32>
        tpu.vector_store %arg10[%parallel_loop3A_704, %parallel_loop3A_705], %parallel_loop3A_708 {strides = array<i32>} : memref<100x128xf32, #tpu.memory_space<vmem>>, vector<1x16xf32>,
        %parallel_loop3A_709 = arith.constant 0 : i32
        %parallel_loop3A_710 = arith.addi %parallel_loop3A_612, %parallel_loop3A_709 : i32
        %parallel_loop3A_711 = arith.index_cast %parallel_loop3A_710 : i32 to index
        %parallel_loop3A_712 = arith.constant 96 : index
        %parallel_loop3A_713 = tpu.vector_load %arg10[%parallel_loop3A_711, %parallel_loop3A_712] {strides = array<i32>} : memref<100x128xf32, #tpu.memory_space<vmem>>, vector<1x16xf32>,
        %parallel_loop3A_714 = vector.shape_cast %parallel_loop3A_713 : vector<1x16xf32> to vector<16xf32>
        %parallel_loop3A_715 = arith.constant 11.3137083 : f32
        %parallel_loop3A_716 = vector.broadcast %parallel_loop3A_715 : f32 to vector<16xf32>
        %parallel_loop3A_717 = arith.mulf %parallel_loop3A_714, %parallel_loop3A_716 : vector<16xf32>
        %parallel_loop3A_718 = arith.constant 0 : i32
        %parallel_loop3A_719 = arith.addi %parallel_loop3A_612, %parallel_loop3A_718 : i32
        %parallel_loop3A_720 = arith.index_cast %parallel_loop3A_719 : i32 to index
        %parallel_loop3A_721 = arith.constant 96 : index
        %parallel_loop3A_722 = tpu.vector_load %arg10[%parallel_loop3A_720, %parallel_loop3A_721] {strides = array<i32>} : memref<100x128xf32, #tpu.memory_space<vmem>>, vector<1x16xf32>,
        %parallel_loop3A_723 = vector.shape_cast %parallel_loop3A_722 : vector<1x16xf32> to vector<16xf32>
        %parallel_loop3A_724 = vector.shape_cast %parallel_loop3A_717 : vector<16xf32> to vector<1x16xf32>
        tpu.vector_store %arg10[%parallel_loop3A_720, %parallel_loop3A_721], %parallel_loop3A_724 {strides = array<i32>} : memref<100x128xf32, #tpu.memory_space<vmem>>, vector<1x16xf32>,
        %parallel_loop3A_725 = arith.constant 0 : i32
        %parallel_loop3A_726 = arith.addi %parallel_loop3A_612, %parallel_loop3A_725 : i32
        %parallel_loop3A_727 = arith.index_cast %parallel_loop3A_726 : i32 to index
        %parallel_loop3A_728 = arith.constant 112 : index
        %parallel_loop3A_729 = tpu.vector_load %arg10[%parallel_loop3A_727, %parallel_loop3A_728] {strides = array<i32>} : memref<100x128xf32, #tpu.memory_space<vmem>>, vector<1x16xf32>,
        %parallel_loop3A_730 = vector.shape_cast %parallel_loop3A_729 : vector<1x16xf32> to vector<16xf32>
        %parallel_loop3A_731 = arith.constant 11.3137083 : f32
        %parallel_loop3A_732 = vector.broadcast %parallel_loop3A_731 : f32 to vector<16xf32>
        %parallel_loop3A_733 = arith.mulf %parallel_loop3A_730, %parallel_loop3A_732 : vector<16xf32>
        %parallel_loop3A_734 = arith.constant 0 : i32
        %parallel_loop3A_735 = arith.addi %parallel_loop3A_612, %parallel_loop3A_734 : i32
        %parallel_loop3A_736 = arith.index_cast %parallel_loop3A_735 : i32 to index
        %parallel_loop3A_737 = arith.constant 112 : index
        %parallel_loop3A_738 = tpu.vector_load %arg10[%parallel_loop3A_736, %parallel_loop3A_737] {strides = array<i32>} : memref<100x128xf32, #tpu.memory_space<vmem>>, vector<1x16xf32>,
        %parallel_loop3A_739 = vector.shape_cast %parallel_loop3A_738 : vector<1x16xf32> to vector<16xf32>
        %parallel_loop3A_740 = vector.shape_cast %parallel_loop3A_733 : vector<16xf32> to vector<1x16xf32>
        tpu.vector_store %arg10[%parallel_loop3A_736, %parallel_loop3A_737], %parallel_loop3A_740 {strides = array<i32>} : memref<100x128xf32, #tpu.memory_space<vmem>>, vector<1x16xf32>,
        %parallel_loop3A_741 = arith.constant 1 : i32
        %parallel_loop3A_742 = arith.addi %parallel_loop3A_612, %parallel_loop3A_741 : i32
        %parallel_loop3A_743 = arith.index_cast %parallel_loop3A_742 : i32 to index
        %parallel_loop3A_744 = arith.constant 0 : index
        %parallel_loop3A_745 = tpu.vector_load %arg10[%parallel_loop3A_743, %parallel_loop3A_744] {strides = array<i32>} : memref<100x128xf32, #tpu.memory_space<vmem>>, vector<1x16xf32>,
        %parallel_loop3A_746 = vector.shape_cast %parallel_loop3A_745 : vector<1x16xf32> to vector<16xf32>
        %parallel_loop3A_747 = arith.constant 11.3137083 : f32
        %parallel_loop3A_748 = vector.broadcast %parallel_loop3A_747 : f32 to vector<16xf32>
        %parallel_loop3A_749 = arith.mulf %parallel_loop3A_746, %parallel_loop3A_748 : vector<16xf32>
        %parallel_loop3A_750 = arith.constant 1 : i32
        %parallel_loop3A_751 = arith.addi %parallel_loop3A_612, %parallel_loop3A_750 : i32
        %parallel_loop3A_752 = arith.index_cast %parallel_loop3A_751 : i32 to index
        %parallel_loop3A_753 = arith.constant 0 : index
        %parallel_loop3A_754 = tpu.vector_load %arg10[%parallel_loop3A_752, %parallel_loop3A_753] {strides = array<i32>} : memref<100x128xf32, #tpu.memory_space<vmem>>, vector<1x16xf32>,
        %parallel_loop3A_755 = vector.shape_cast %parallel_loop3A_754 : vector<1x16xf32> to vector<16xf32>
        %parallel_loop3A_756 = vector.shape_cast %parallel_loop3A_749 : vector<16xf32> to vector<1x16xf32>
        tpu.vector_store %arg10[%parallel_loop3A_752, %parallel_loop3A_753], %parallel_loop3A_756 {strides = array<i32>} : memref<100x128xf32, #tpu.memory_space<vmem>>, vector<1x16xf32>,
        %parallel_loop3A_757 = arith.constant 1 : i32
        %parallel_loop3A_758 = arith.addi %parallel_loop3A_612, %parallel_loop3A_757 : i32
        %parallel_loop3A_759 = arith.index_cast %parallel_loop3A_758 : i32 to index
        %parallel_loop3A_760 = arith.constant 16 : index
        %parallel_loop3A_761 = tpu.vector_load %arg10[%parallel_loop3A_759, %parallel_loop3A_760] {strides = array<i32>} : memref<100x128xf32, #tpu.memory_space<vmem>>, vector<1x16xf32>,
        %parallel_loop3A_762 = vector.shape_cast %parallel_loop3A_761 : vector<1x16xf32> to vector<16xf32>
        %parallel_loop3A_763 = arith.constant 11.3137083 : f32
        %parallel_loop3A_764 = vector.broadcast %parallel_loop3A_763 : f32 to vector<16xf32>
        %parallel_loop3A_765 = arith.mulf %parallel_loop3A_762, %parallel_loop3A_764 : vector<16xf32>
        %parallel_loop3A_766 = arith.constant 1 : i32
        %parallel_loop3A_767 = arith.addi %parallel_loop3A_612, %parallel_loop3A_766 : i32
        %parallel_loop3A_768 = arith.index_cast %parallel_loop3A_767 : i32 to index
        %parallel_loop3A_769 = arith.constant 16 : index
        %parallel_loop3A_770 = tpu.vector_load %arg10[%parallel_loop3A_768, %parallel_loop3A_769] {strides = array<i32>} : memref<100x128xf32, #tpu.memory_space<vmem>>, vector<1x16xf32>,
        %parallel_loop3A_771 = vector.shape_cast %parallel_loop3A_770 : vector<1x16xf32> to vector<16xf32>
        %parallel_loop3A_772 = vector.shape_cast %parallel_loop3A_765 : vector<16xf32> to vector<1x16xf32>
        tpu.vector_store %arg10[%parallel_loop3A_768, %parallel_loop3A_769], %parallel_loop3A_772 {strides = array<i32>} : memref<100x128xf32, #tpu.memory_space<vmem>>, vector<1x16xf32>,
        %parallel_loop3A_773 = arith.constant 1 : i32
        %parallel_loop3A_774 = arith.addi %parallel_loop3A_612, %parallel_loop3A_773 : i32
        %parallel_loop3A_775 = arith.index_cast %parallel_loop3A_774 : i32 to index
        %parallel_loop3A_776 = arith.constant 32 : index
        %parallel_loop3A_777 = tpu.vector_load %arg10[%parallel_loop3A_775, %parallel_loop3A_776] {strides = array<i32>} : memref<100x128xf32, #tpu.memory_space<vmem>>, vector<1x16xf32>,
        %parallel_loop3A_778 = vector.shape_cast %parallel_loop3A_777 : vector<1x16xf32> to vector<16xf32>
        %parallel_loop3A_779 = arith.constant 11.3137083 : f32
        %parallel_loop3A_780 = vector.broadcast %parallel_loop3A_779 : f32 to vector<16xf32>
        %parallel_loop3A_781 = arith.mulf %parallel_loop3A_778, %parallel_loop3A_780 : vector<16xf32>
        %parallel_loop3A_782 = arith.constant 1 : i32
        %parallel_loop3A_783 = arith.addi %parallel_loop3A_612, %parallel_loop3A_782 : i32
        %parallel_loop3A_784 = arith.index_cast %parallel_loop3A_783 : i32 to index
        %parallel_loop3A_785 = arith.constant 32 : index
        %parallel_loop3A_786 = tpu.vector_load %arg10[%parallel_loop3A_784, %parallel_loop3A_785] {strides = array<i32>} : memref<100x128xf32, #tpu.memory_space<vmem>>, vector<1x16xf32>,
        %parallel_loop3A_787 = vector.shape_cast %parallel_loop3A_786 : vector<1x16xf32> to vector<16xf32>
        %parallel_loop3A_788 = vector.shape_cast %parallel_loop3A_781 : vector<16xf32> to vector<1x16xf32>
        tpu.vector_store %arg10[%parallel_loop3A_784, %parallel_loop3A_785], %parallel_loop3A_788 {strides = array<i32>} : memref<100x128xf32, #tpu.memory_space<vmem>>, vector<1x16xf32>,
        %parallel_loop3A_789 = arith.constant 1 : i32
        %parallel_loop3A_790 = arith.addi %parallel_loop3A_612, %parallel_loop3A_789 : i32
        %parallel_loop3A_791 = arith.index_cast %parallel_loop3A_790 : i32 to index
        %parallel_loop3A_792 = arith.constant 48 : index
        %parallel_loop3A_793 = tpu.vector_load %arg10[%parallel_loop3A_791, %parallel_loop3A_792] {strides = array<i32>} : memref<100x128xf32, #tpu.memory_space<vmem>>, vector<1x16xf32>,
        %parallel_loop3A_794 = vector.shape_cast %parallel_loop3A_793 : vector<1x16xf32> to vector<16xf32>
        %parallel_loop3A_795 = arith.constant 11.3137083 : f32
        %parallel_loop3A_796 = vector.broadcast %parallel_loop3A_795 : f32 to vector<16xf32>
        %parallel_loop3A_797 = arith.mulf %parallel_loop3A_794, %parallel_loop3A_796 : vector<16xf32>
        %parallel_loop3A_798 = arith.constant 1 : i32
        %parallel_loop3A_799 = arith.addi %parallel_loop3A_612, %parallel_loop3A_798 : i32
        %parallel_loop3A_800 = arith.index_cast %parallel_loop3A_799 : i32 to index
        %parallel_loop3A_801 = arith.constant 48 : index
        %parallel_loop3A_802 = tpu.vector_load %arg10[%parallel_loop3A_800, %parallel_loop3A_801] {strides = array<i32>} : memref<100x128xf32, #tpu.memory_space<vmem>>, vector<1x16xf32>,
        %parallel_loop3A_803 = vector.shape_cast %parallel_loop3A_802 : vector<1x16xf32> to vector<16xf32>
        %parallel_loop3A_804 = vector.shape_cast %parallel_loop3A_797 : vector<16xf32> to vector<1x16xf32>
        tpu.vector_store %arg10[%parallel_loop3A_800, %parallel_loop3A_801], %parallel_loop3A_804 {strides = array<i32>} : memref<100x128xf32, #tpu.memory_space<vmem>>, vector<1x16xf32>,
        %parallel_loop3A_805 = arith.constant 1 : i32
        %parallel_loop3A_806 = arith.addi %parallel_loop3A_612, %parallel_loop3A_805 : i32
        %parallel_loop3A_807 = arith.index_cast %parallel_loop3A_806 : i32 to index
        %parallel_loop3A_808 = arith.constant 64 : index
        %parallel_loop3A_809 = tpu.vector_load %arg10[%parallel_loop3A_807, %parallel_loop3A_808] {strides = array<i32>} : memref<100x128xf32, #tpu.memory_space<vmem>>, vector<1x16xf32>,
        %parallel_loop3A_810 = vector.shape_cast %parallel_loop3A_809 : vector<1x16xf32> to vector<16xf32>
        %parallel_loop3A_811 = arith.constant 11.3137083 : f32
        %parallel_loop3A_812 = vector.broadcast %parallel_loop3A_811 : f32 to vector<16xf32>
        %parallel_loop3A_813 = arith.mulf %parallel_loop3A_810, %parallel_loop3A_812 : vector<16xf32>
        %parallel_loop3A_814 = arith.constant 1 : i32
        %parallel_loop3A_815 = arith.addi %parallel_loop3A_612, %parallel_loop3A_814 : i32
        %parallel_loop3A_816 = arith.index_cast %parallel_loop3A_815 : i32 to index
        %parallel_loop3A_817 = arith.constant 64 : index
        %parallel_loop3A_818 = tpu.vector_load %arg10[%parallel_loop3A_816, %parallel_loop3A_817] {strides = array<i32>} : memref<100x128xf32, #tpu.memory_space<vmem>>, vector<1x16xf32>,
        %parallel_loop3A_819 = vector.shape_cast %parallel_loop3A_818 : vector<1x16xf32> to vector<16xf32>
        %parallel_loop3A_820 = vector.shape_cast %parallel_loop3A_813 : vector<16xf32> to vector<1x16xf32>
        tpu.vector_store %arg10[%parallel_loop3A_816, %parallel_loop3A_817], %parallel_loop3A_820 {strides = array<i32>} : memref<100x128xf32, #tpu.memory_space<vmem>>, vector<1x16xf32>,
        %parallel_loop3A_821 = arith.constant 1 : i32
        %parallel_loop3A_822 = arith.addi %parallel_loop3A_612, %parallel_loop3A_821 : i32
        %parallel_loop3A_823 = arith.index_cast %parallel_loop3A_822 : i32 to index
        %parallel_loop3A_824 = arith.constant 80 : index
        %parallel_loop3A_825 = tpu.vector_load %arg10[%parallel_loop3A_823, %parallel_loop3A_824] {strides = array<i32>} : memref<100x128xf32, #tpu.memory_space<vmem>>, vector<1x16xf32>,
        %parallel_loop3A_826 = vector.shape_cast %parallel_loop3A_825 : vector<1x16xf32> to vector<16xf32>
        %parallel_loop3A_827 = arith.constant 11.3137083 : f32
        %parallel_loop3A_828 = vector.broadcast %parallel_loop3A_827 : f32 to vector<16xf32>
        %parallel_loop3A_829 = arith.mulf %parallel_loop3A_826, %parallel_loop3A_828 : vector<16xf32>
        %parallel_loop3A_830 = arith.constant 1 : i32
        %parallel_loop3A_831 = arith.addi %parallel_loop3A_612, %parallel_loop3A_830 : i32
        %parallel_loop3A_832 = arith.index_cast %parallel_loop3A_831 : i32 to index
        %parallel_loop3A_833 = arith.constant 80 : index
        %parallel_loop3A_834 = tpu.vector_load %arg10[%parallel_loop3A_832, %parallel_loop3A_833] {strides = array<i32>} : memref<100x128xf32, #tpu.memory_space<vmem>>, vector<1x16xf32>,
        %parallel_loop3A_835 = vector.shape_cast %parallel_loop3A_834 : vector<1x16xf32> to vector<16xf32>
        %parallel_loop3A_836 = vector.shape_cast %parallel_loop3A_829 : vector<16xf32> to vector<1x16xf32>
        tpu.vector_store %arg10[%parallel_loop3A_832, %parallel_loop3A_833], %parallel_loop3A_836 {strides = array<i32>} : memref<100x128xf32, #tpu.memory_space<vmem>>, vector<1x16xf32>,
        %parallel_loop3A_837 = arith.constant 1 : i32
        %parallel_loop3A_838 = arith.addi %parallel_loop3A_612, %parallel_loop3A_837 : i32
        %parallel_loop3A_839 = arith.index_cast %parallel_loop3A_838 : i32 to index
        %parallel_loop3A_840 = arith.constant 96 : index
        %parallel_loop3A_841 = tpu.vector_load %arg10[%parallel_loop3A_839, %parallel_loop3A_840] {strides = array<i32>} : memref<100x128xf32, #tpu.memory_space<vmem>>, vector<1x16xf32>,
        %parallel_loop3A_842 = vector.shape_cast %parallel_loop3A_841 : vector<1x16xf32> to vector<16xf32>
        %parallel_loop3A_843 = arith.constant 11.3137083 : f32
        %parallel_loop3A_844 = vector.broadcast %parallel_loop3A_843 : f32 to vector<16xf32>
        %parallel_loop3A_845 = arith.mulf %parallel_loop3A_842, %parallel_loop3A_844 : vector<16xf32>
        %parallel_loop3A_846 = arith.constant 1 : i32
        %parallel_loop3A_847 = arith.addi %parallel_loop3A_612, %parallel_loop3A_846 : i32
        %parallel_loop3A_848 = arith.index_cast %parallel_loop3A_847 : i32 to index
        %parallel_loop3A_849 = arith.constant 96 : index
        %parallel_loop3A_850 = tpu.vector_load %arg10[%parallel_loop3A_848, %parallel_loop3A_849] {strides = array<i32>} : memref<100x128xf32, #tpu.memory_space<vmem>>, vector<1x16xf32>,
        %parallel_loop3A_851 = vector.shape_cast %parallel_loop3A_850 : vector<1x16xf32> to vector<16xf32>
        %parallel_loop3A_852 = vector.shape_cast %parallel_loop3A_845 : vector<16xf32> to vector<1x16xf32>
        tpu.vector_store %arg10[%parallel_loop3A_848, %parallel_loop3A_849], %parallel_loop3A_852 {strides = array<i32>} : memref<100x128xf32, #tpu.memory_space<vmem>>, vector<1x16xf32>,
        %parallel_loop3A_853 = arith.constant 1 : i32
        %parallel_loop3A_854 = arith.addi %parallel_loop3A_612, %parallel_loop3A_853 : i32
        %parallel_loop3A_855 = arith.index_cast %parallel_loop3A_854 : i32 to index
        %parallel_loop3A_856 = arith.constant 112 : index
        %parallel_loop3A_857 = tpu.vector_load %arg10[%parallel_loop3A_855, %parallel_loop3A_856] {strides = array<i32>} : memref<100x128xf32, #tpu.memory_space<vmem>>, vector<1x16xf32>,
        %parallel_loop3A_858 = vector.shape_cast %parallel_loop3A_857 : vector<1x16xf32> to vector<16xf32>
        %parallel_loop3A_859 = arith.constant 11.3137083 : f32
        %parallel_loop3A_860 = vector.broadcast %parallel_loop3A_859 : f32 to vector<16xf32>
        %parallel_loop3A_861 = arith.mulf %parallel_loop3A_858, %parallel_loop3A_860 : vector<16xf32>
        %parallel_loop3A_862 = arith.constant 1 : i32
        %parallel_loop3A_863 = arith.addi %parallel_loop3A_612, %parallel_loop3A_862 : i32
        %parallel_loop3A_864 = arith.index_cast %parallel_loop3A_863 : i32 to index
        %parallel_loop3A_865 = arith.constant 112 : index
        %parallel_loop3A_866 = tpu.vector_load %arg10[%parallel_loop3A_864, %parallel_loop3A_865] {strides = array<i32>} : memref<100x128xf32, #tpu.memory_space<vmem>>, vector<1x16xf32>,
        %parallel_loop3A_867 = vector.shape_cast %parallel_loop3A_866 : vector<1x16xf32> to vector<16xf32>
        %parallel_loop3A_868 = vector.shape_cast %parallel_loop3A_861 : vector<16xf32> to vector<1x16xf32>
        tpu.vector_store %arg10[%parallel_loop3A_864, %parallel_loop3A_865], %parallel_loop3A_868 {strides = array<i32>} : memref<100x128xf32, #tpu.memory_space<vmem>>, vector<1x16xf32>,
      } {sc.loop_unroll_factor = 2 : i64, sc.parallel_access}
      %mul3A_382 = arith.constant 2 : i32
      %mul3A_383 = arith.muli %add3A_359, %mul3A_382 : i32
      %add3A_384 = arith.addi %mul3A_2, %mul3A_383 : i32
      %add3A_385 = arith.constant 0 : i32
      %add3A_386 = arith.addi %add3A_384, %add3A_385 : i32
      %dma_start3A_387 = arith.constant 0 : i32
      %dma_start3A_388 = arith.constant 0 : i32
      %dma_start3A_389 = tpu.memref_slice %arg10[%dma_start3A_387, %dma_start3A_388] : memref<100x128xf32, #tpu.memory_space<vmem>> -> memref<50x128xf32, #tpu.memory_space<vmem>>
      %dma_start3A_390 = arith.constant 0 : i32
      %dma_start3A_391 = arith.constant 0 : i32
      %dma_start3A_392 = tpu.memref_slice %arg4[%add3A_386, %dma_start3A_390, %dma_start3A_391] : memref<4096x50x128xf32, #tpu.memory_space<hbm>> -> memref<1x50x128xf32, #tpu.memory_space<hbm>>
      %dma_start3A_393 = tpu.memref_squeeze %dma_start3A_392 : memref<1x50x128xf32, #tpu.memory_space<hbm>> -> memref<50x128xf32, #tpu.memory_space<hbm>>
      %dma_start3A_394 = arith.constant 0 : i32
      %dma_start3A_395 = arith.constant 0 : i32
      %dma_start3A_396 = tpu.memref_slice %arg4[%add3A_386, %dma_start3A_394, %dma_start3A_395] : memref<4096x50x128xf32, #tpu.memory_space<hbm>> -> memref<1x50x128xf32, #tpu.memory_space<hbm>>
      %dma_start3A_397 = tpu.memref_squeeze %dma_start3A_396 : memref<1x50x128xf32, #tpu.memory_space<hbm>> -> memref<50x128xf32, #tpu.memory_space<hbm>>
      %dma_start3A_398 = arith.constant 0 : i32
      %dma_start3A_399 = arith.constant 0 : i32
      %dma_start3A_400 = tpu.memref_slice %arg10[%dma_start3A_398, %dma_start3A_399] : memref<100x128xf32, #tpu.memory_space<vmem>> -> memref<50x128xf32, #tpu.memory_space<vmem>>
      tpu.enqueue_dma source(%dma_start3A_400 : memref<50x128xf32, #tpu.memory_space<vmem>>) target(%dma_start3A_397 : memref<50x128xf32, #tpu.memory_space<hbm>>) target_semaphore(%arg26 : memref<!tpu.dma_semaphore, #tpu.memory_space<semaphore_mem>>)
      %mul3A_401 = arith.constant 2 : i32
      %mul3A_402 = arith.muli %add3A_359, %mul3A_401 : i32
      %add3A_403 = arith.addi %mul3A_2, %mul3A_402 : i32
      %add3A_404 = arith.constant 1 : i32
      %add3A_405 = arith.addi %add3A_403, %add3A_404 : i32
      %dma_start3A_406 = arith.constant 50 : i32
      %dma_start3A_407 = arith.constant 0 : i32
      %dma_start3A_408 = tpu.memref_slice %arg10[%dma_start3A_406, %dma_start3A_407] : memref<100x128xf32, #tpu.memory_space<vmem>> -> memref<50x128xf32, #tpu.memory_space<vmem>>
      %dma_start3A_409 = arith.constant 0 : i32
      %dma_start3A_410 = arith.constant 0 : i32
      %dma_start3A_411 = tpu.memref_slice %arg4[%add3A_405, %dma_start3A_409, %dma_start3A_410] : memref<4096x50x128xf32, #tpu.memory_space<hbm>> -> memref<1x50x128xf32, #tpu.memory_space<hbm>>
      %dma_start3A_412 = tpu.memref_squeeze %dma_start3A_411 : memref<1x50x128xf32, #tpu.memory_space<hbm>> -> memref<50x128xf32, #tpu.memory_space<hbm>>
      %dma_start3A_413 = arith.constant 0 : i32
      %dma_start3A_414 = arith.constant 0 : i32
      %dma_start3A_415 = tpu.memref_slice %arg4[%add3A_405, %dma_start3A_413, %dma_start3A_414] : memref<4096x50x128xf32, #tpu.memory_space<hbm>> -> memref<1x50x128xf32, #tpu.memory_space<hbm>>
      %dma_start3A_416 = tpu.memref_squeeze %dma_start3A_415 : memref<1x50x128xf32, #tpu.memory_space<hbm>> -> memref<50x128xf32, #tpu.memory_space<hbm>>
      %dma_start3A_417 = arith.constant 50 : i32
      %dma_start3A_418 = arith.constant 0 : i32
      %dma_start3A_419 = tpu.memref_slice %arg10[%dma_start3A_417, %dma_start3A_418] : memref<100x128xf32, #tpu.memory_space<vmem>> -> memref<50x128xf32, #tpu.memory_space<vmem>>
      tpu.enqueue_dma source(%dma_start3A_419 : memref<50x128xf32, #tpu.memory_space<vmem>>) target(%dma_start3A_416 : memref<50x128xf32, #tpu.memory_space<hbm>>) target_semaphore(%arg26 : memref<!tpu.dma_semaphore, #tpu.memory_space<semaphore_mem>>)
      %mul3A_420 = arith.constant 8 : i32
      %mul3A_421 = arith.muli %scan3A_104, %mul3A_420 : i32
      %add3A_422 = arith.constant 5 : i32
      %add3A_423 = arith.addi %mul3A_421, %add3A_422 : i32
      %ge3A_424 = arith.constant 2 : i32
      %ge3A_425 = arith.cmpi sge, %add3A_423, %ge3A_424 : i32
      %convert_element_type3A_426 = arith.extui %ge3A_425 : i1 to i32
      %cond3A_427 = arith.constant 0 : i32
      %cond3A_428 = arith.cmpi ne, %convert_element_type3A_426, %cond3A_427 : i32
      scf.if %cond3A_428 {
        %dma_wait3A_612 = arith.constant 0 : i32
        %dma_wait3A_613 = arith.constant 0 : i32
        %dma_wait3A_614 = tpu.memref_slice %arg9[%dma_wait3A_612, %dma_wait3A_613] : memref<100x128xf32, #tpu.memory_space<vmem>> -> memref<50x128xf32, #tpu.memory_space<vmem>>
        %dma_wait3A_615 = arith.constant 0 : i32
        %dma_wait3A_616 = arith.constant 0 : i32
        %dma_wait3A_617 = tpu.memref_slice %arg4[%mul3A_2, %dma_wait3A_615, %dma_wait3A_616] : memref<4096x50x128xf32, #tpu.memory_space<hbm>> -> memref<1x50x128xf32, #tpu.memory_space<hbm>>
        %dma_wait3A_618 = tpu.memref_squeeze %dma_wait3A_617 : memref<1x50x128xf32, #tpu.memory_space<hbm>> -> memref<50x128xf32, #tpu.memory_space<hbm>>
        %dma_wait3A_619 = arith.constant 0 : i32
        %dma_wait3A_620 = arith.constant 0 : i32
        %dma_wait3A_621 = tpu.memref_slice %arg4[%mul3A_2, %dma_wait3A_619, %dma_wait3A_620] : memref<4096x50x128xf32, #tpu.memory_space<hbm>> -> memref<1x50x128xf32, #tpu.memory_space<hbm>>
        %dma_wait3A_622 = tpu.memref_squeeze %dma_wait3A_621 : memref<1x50x128xf32, #tpu.memory_space<hbm>> -> memref<50x128xf32, #tpu.memory_space<hbm>>
        %dma_wait3A_623 = arith.constant 0 : i32
        %dma_wait3A_624 = arith.constant 0 : i32
        %dma_wait3A_625 = tpu.memref_slice %arg9[%dma_wait3A_623, %dma_wait3A_624] : memref<100x128xf32, #tpu.memory_space<vmem>> -> memref<50x128xf32, #tpu.memory_space<vmem>>
        tpu.wait_dma2 semaphore(%arg25 : memref<!tpu.dma_semaphore, #tpu.memory_space<semaphore_mem>>) src(%dma_wait3A_625 : memref<50x128xf32, #tpu.memory_space<vmem>>) dst(%dma_wait3A_622 : memref<50x128xf32, #tpu.memory_space<hbm>>)
        %dma_wait3A_626 = arith.constant 50 : i32
        %dma_wait3A_627 = arith.constant 0 : i32
        %dma_wait3A_628 = tpu.memref_slice %arg9[%dma_wait3A_626, %dma_wait3A_627] : memref<100x128xf32, #tpu.memory_space<vmem>> -> memref<50x128xf32, #tpu.memory_space<vmem>>
        %dma_wait3A_629 = arith.constant 0 : i32
        %dma_wait3A_630 = arith.constant 0 : i32
        %dma_wait3A_631 = tpu.memref_slice %arg4[%mul3A_2, %dma_wait3A_629, %dma_wait3A_630] : memref<4096x50x128xf32, #tpu.memory_space<hbm>> -> memref<1x50x128xf32, #tpu.memory_space<hbm>>
        %dma_wait3A_632 = tpu.memref_squeeze %dma_wait3A_631 : memref<1x50x128xf32, #tpu.memory_space<hbm>> -> memref<50x128xf32, #tpu.memory_space<hbm>>
        %dma_wait3A_633 = arith.constant 0 : i32
        %dma_wait3A_634 = arith.constant 0 : i32
        %dma_wait3A_635 = tpu.memref_slice %arg4[%mul3A_2, %dma_wait3A_633, %dma_wait3A_634] : memref<4096x50x128xf32, #tpu.memory_space<hbm>> -> memref<1x50x128xf32, #tpu.memory_space<hbm>>
        %dma_wait3A_636 = tpu.memref_squeeze %dma_wait3A_635 : memref<1x50x128xf32, #tpu.memory_space<hbm>> -> memref<50x128xf32, #tpu.memory_space<hbm>>
        %dma_wait3A_637 = arith.constant 50 : i32
        %dma_wait3A_638 = arith.constant 0 : i32
        %dma_wait3A_639 = tpu.memref_slice %arg9[%dma_wait3A_637, %dma_wait3A_638] : memref<100x128xf32, #tpu.memory_space<vmem>> -> memref<50x128xf32, #tpu.memory_space<vmem>>
        tpu.wait_dma2 semaphore(%arg25 : memref<!tpu.dma_semaphore, #tpu.memory_space<semaphore_mem>>) src(%dma_wait3A_639 : memref<50x128xf32, #tpu.memory_space<vmem>>) dst(%dma_wait3A_636 : memref<50x128xf32, #tpu.memory_space<hbm>>)
      } else {
      }
      %add3A_429 = arith.constant 6 : i32
      %add3A_430 = arith.addi %add3A_423, %add3A_429 : i32
      %lt3A_431 = arith.constant 64 : i32
      %lt3A_432 = arith.cmpi slt, %add3A_430, %lt3A_431 : i32
      %convert_element_type3A_433 = arith.extui %lt3A_432 : i1 to i32
      %cond3A_434 = arith.constant 0 : i32
      %cond3A_435 = arith.cmpi ne, %convert_element_type3A_433, %cond3A_434 : i32
      scf.if %cond3A_435 {
        %add3A_612 = arith.constant 6 : i32
        %add3A_613 = arith.addi %add3A_423, %add3A_612 : i32
        %dma_start3A_614 = arith.constant 0 : i32
        %dma_start3A_615 = tpu.memref_slice %arg5[%add3A_613, %dma_start3A_614] : memref<64x100xi32, #tpu.memory_space<vmem>> -> memref<1x100xi32, #tpu.memory_space<vmem>>
        %dma_start3A_616 = tpu.memref_squeeze %dma_start3A_615 : memref<1x100xi32, #tpu.memory_space<vmem>> -> memref<100xi32, #tpu.memory_space<vmem>>
        %dma_start3A_617 = arith.constant 0 : i32
        %dma_start3A_618 = arith.constant 0 : i32
        %dma_start3A_619 = tpu.memref_slice %arg3[%dma_start3A_617, %dma_start3A_618] : memref<100000x128xf32, #tpu.memory_space<hbm>> -> memref<100000x128xf32, #tpu.memory_space<hbm>>
        tpu.enqueue_indirect_dma source(%dma_start3A_619 : memref<100000x128xf32, #tpu.memory_space<hbm>>) target(%arg9 : memref<100x128xf32, #tpu.memory_space<vmem>>) offsets(%dma_start3A_616 : memref<100xi32, #tpu.memory_space<vmem>>) semaphore(%arg17 : memref<!tpu.dma_semaphore, #tpu.memory_space<semaphore_mem>>)
      } else {
      }
      %dma_wait3A_436 = arith.constant 0 : i32
      %dma_wait3A_437 = arith.constant 0 : i32
      %dma_wait3A_438 = tpu.memref_slice %arg5[%dma_wait3A_436, %dma_wait3A_437] : memref<64x100xi32, #tpu.memory_space<vmem>> -> memref<1x100xi32, #tpu.memory_space<vmem>>
      %dma_wait3A_439 = tpu.memref_squeeze %dma_wait3A_438 : memref<1x100xi32, #tpu.memory_space<vmem>> -> memref<100xi32, #tpu.memory_space<vmem>>
      %dma_wait3A_440 = arith.constant 0 : i32
      %dma_wait3A_441 = arith.constant 0 : i32
      %dma_wait3A_442 = tpu.memref_slice %arg3[%dma_wait3A_440, %dma_wait3A_441] : memref<100000x128xf32, #tpu.memory_space<hbm>> -> memref<100000x128xf32, #tpu.memory_space<hbm>>
      tpu.wait_indirect_dma semaphore(%arg19 : memref<!tpu.dma_semaphore, #tpu.memory_space<semaphore_mem>>) src(%dma_wait3A_442 : memref<100000x128xf32, #tpu.memory_space<hbm>>) dst(%arg11 : memref<100x128xf32, #tpu.memory_space<vmem>>)
      %parallel_loop3A_443 = arith.constant 0 : i32
      %parallel_loop3A_444 = arith.constant 100 : i32
      %parallel_loop3A_445 = arith.constant 2 : i32
      scf.for %parallel_loop3A_612 = %parallel_loop3A_443 to %parallel_loop3A_444 step %parallel_loop3A_445  : i32 {
        %parallel_loop3A_613 = arith.constant 0 : i32
        %parallel_loop3A_614 = arith.addi %parallel_loop3A_612, %parallel_loop3A_613 : i32
        %parallel_loop3A_615 = arith.index_cast %parallel_loop3A_614 : i32 to index
        %parallel_loop3A_616 = arith.constant 0 : index
        %parallel_loop3A_617 = tpu.vector_load %arg11[%parallel_loop3A_615, %parallel_loop3A_616] {strides = array<i32>} : memref<100x128xf32, #tpu.memory_space<vmem>>, vector<1x16xf32>,
        %parallel_loop3A_618 = vector.shape_cast %parallel_loop3A_617 : vector<1x16xf32> to vector<16xf32>
        %parallel_loop3A_619 = arith.constant 11.3137083 : f32
        %parallel_loop3A_620 = vector.broadcast %parallel_loop3A_619 : f32 to vector<16xf32>
        %parallel_loop3A_621 = arith.mulf %parallel_loop3A_618, %parallel_loop3A_620 : vector<16xf32>
        %parallel_loop3A_622 = arith.constant 0 : i32
        %parallel_loop3A_623 = arith.addi %parallel_loop3A_612, %parallel_loop3A_622 : i32
        %parallel_loop3A_624 = arith.index_cast %parallel_loop3A_623 : i32 to index
        %parallel_loop3A_625 = arith.constant 0 : index
        %parallel_loop3A_626 = tpu.vector_load %arg11[%parallel_loop3A_624, %parallel_loop3A_625] {strides = array<i32>} : memref<100x128xf32, #tpu.memory_space<vmem>>, vector<1x16xf32>,
        %parallel_loop3A_627 = vector.shape_cast %parallel_loop3A_626 : vector<1x16xf32> to vector<16xf32>
        %parallel_loop3A_628 = vector.shape_cast %parallel_loop3A_621 : vector<16xf32> to vector<1x16xf32>
        tpu.vector_store %arg11[%parallel_loop3A_624, %parallel_loop3A_625], %parallel_loop3A_628 {strides = array<i32>} : memref<100x128xf32, #tpu.memory_space<vmem>>, vector<1x16xf32>,
        %parallel_loop3A_629 = arith.constant 0 : i32
        %parallel_loop3A_630 = arith.addi %parallel_loop3A_612, %parallel_loop3A_629 : i32
        %parallel_loop3A_631 = arith.index_cast %parallel_loop3A_630 : i32 to index
        %parallel_loop3A_632 = arith.constant 16 : index
        %parallel_loop3A_633 = tpu.vector_load %arg11[%parallel_loop3A_631, %parallel_loop3A_632] {strides = array<i32>} : memref<100x128xf32, #tpu.memory_space<vmem>>, vector<1x16xf32>,
        %parallel_loop3A_634 = vector.shape_cast %parallel_loop3A_633 : vector<1x16xf32> to vector<16xf32>
        %parallel_loop3A_635 = arith.constant 11.3137083 : f32
        %parallel_loop3A_636 = vector.broadcast %parallel_loop3A_635 : f32 to vector<16xf32>
        %parallel_loop3A_637 = arith.mulf %parallel_loop3A_634, %parallel_loop3A_636 : vector<16xf32>
        %parallel_loop3A_638 = arith.constant 0 : i32
        %parallel_loop3A_639 = arith.addi %parallel_loop3A_612, %parallel_loop3A_638 : i32
        %parallel_loop3A_640 = arith.index_cast %parallel_loop3A_639 : i32 to index
        %parallel_loop3A_641 = arith.constant 16 : index
        %parallel_loop3A_642 = tpu.vector_load %arg11[%parallel_loop3A_640, %parallel_loop3A_641] {strides = array<i32>} : memref<100x128xf32, #tpu.memory_space<vmem>>, vector<1x16xf32>,
        %parallel_loop3A_643 = vector.shape_cast %parallel_loop3A_642 : vector<1x16xf32> to vector<16xf32>
        %parallel_loop3A_644 = vector.shape_cast %parallel_loop3A_637 : vector<16xf32> to vector<1x16xf32>
        tpu.vector_store %arg11[%parallel_loop3A_640, %parallel_loop3A_641], %parallel_loop3A_644 {strides = array<i32>} : memref<100x128xf32, #tpu.memory_space<vmem>>, vector<1x16xf32>,
        %parallel_loop3A_645 = arith.constant 0 : i32
        %parallel_loop3A_646 = arith.addi %parallel_loop3A_612, %parallel_loop3A_645 : i32
        %parallel_loop3A_647 = arith.index_cast %parallel_loop3A_646 : i32 to index
        %parallel_loop3A_648 = arith.constant 32 : index
        %parallel_loop3A_649 = tpu.vector_load %arg11[%parallel_loop3A_647, %parallel_loop3A_648] {strides = array<i32>} : memref<100x128xf32, #tpu.memory_space<vmem>>, vector<1x16xf32>,
        %parallel_loop3A_650 = vector.shape_cast %parallel_loop3A_649 : vector<1x16xf32> to vector<16xf32>
        %parallel_loop3A_651 = arith.constant 11.3137083 : f32
        %parallel_loop3A_652 = vector.broadcast %parallel_loop3A_651 : f32 to vector<16xf32>
        %parallel_loop3A_653 = arith.mulf %parallel_loop3A_650, %parallel_loop3A_652 : vector<16xf32>
        %parallel_loop3A_654 = arith.constant 0 : i32
        %parallel_loop3A_655 = arith.addi %parallel_loop3A_612, %parallel_loop3A_654 : i32
        %parallel_loop3A_656 = arith.index_cast %parallel_loop3A_655 : i32 to index
        %parallel_loop3A_657 = arith.constant 32 : index
        %parallel_loop3A_658 = tpu.vector_load %arg11[%parallel_loop3A_656, %parallel_loop3A_657] {strides = array<i32>} : memref<100x128xf32, #tpu.memory_space<vmem>>, vector<1x16xf32>,
        %parallel_loop3A_659 = vector.shape_cast %parallel_loop3A_658 : vector<1x16xf32> to vector<16xf32>
        %parallel_loop3A_660 = vector.shape_cast %parallel_loop3A_653 : vector<16xf32> to vector<1x16xf32>
        tpu.vector_store %arg11[%parallel_loop3A_656, %parallel_loop3A_657], %parallel_loop3A_660 {strides = array<i32>} : memref<100x128xf32, #tpu.memory_space<vmem>>, vector<1x16xf32>,
        %parallel_loop3A_661 = arith.constant 0 : i32
        %parallel_loop3A_662 = arith.addi %parallel_loop3A_612, %parallel_loop3A_661 : i32
        %parallel_loop3A_663 = arith.index_cast %parallel_loop3A_662 : i32 to index
        %parallel_loop3A_664 = arith.constant 48 : index
        %parallel_loop3A_665 = tpu.vector_load %arg11[%parallel_loop3A_663, %parallel_loop3A_664] {strides = array<i32>} : memref<100x128xf32, #tpu.memory_space<vmem>>, vector<1x16xf32>,
        %parallel_loop3A_666 = vector.shape_cast %parallel_loop3A_665 : vector<1x16xf32> to vector<16xf32>
        %parallel_loop3A_667 = arith.constant 11.3137083 : f32
        %parallel_loop3A_668 = vector.broadcast %parallel_loop3A_667 : f32 to vector<16xf32>
        %parallel_loop3A_669 = arith.mulf %parallel_loop3A_666, %parallel_loop3A_668 : vector<16xf32>
        %parallel_loop3A_670 = arith.constant 0 : i32
        %parallel_loop3A_671 = arith.addi %parallel_loop3A_612, %parallel_loop3A_670 : i32
        %parallel_loop3A_672 = arith.index_cast %parallel_loop3A_671 : i32 to index
        %parallel_loop3A_673 = arith.constant 48 : index
        %parallel_loop3A_674 = tpu.vector_load %arg11[%parallel_loop3A_672, %parallel_loop3A_673] {strides = array<i32>} : memref<100x128xf32, #tpu.memory_space<vmem>>, vector<1x16xf32>,
        %parallel_loop3A_675 = vector.shape_cast %parallel_loop3A_674 : vector<1x16xf32> to vector<16xf32>
        %parallel_loop3A_676 = vector.shape_cast %parallel_loop3A_669 : vector<16xf32> to vector<1x16xf32>
        tpu.vector_store %arg11[%parallel_loop3A_672, %parallel_loop3A_673], %parallel_loop3A_676 {strides = array<i32>} : memref<100x128xf32, #tpu.memory_space<vmem>>, vector<1x16xf32>,
        %parallel_loop3A_677 = arith.constant 0 : i32
        %parallel_loop3A_678 = arith.addi %parallel_loop3A_612, %parallel_loop3A_677 : i32
        %parallel_loop3A_679 = arith.index_cast %parallel_loop3A_678 : i32 to index
        %parallel_loop3A_680 = arith.constant 64 : index
        %parallel_loop3A_681 = tpu.vector_load %arg11[%parallel_loop3A_679, %parallel_loop3A_680] {strides = array<i32>} : memref<100x128xf32, #tpu.memory_space<vmem>>, vector<1x16xf32>,
        %parallel_loop3A_682 = vector.shape_cast %parallel_loop3A_681 : vector<1x16xf32> to vector<16xf32>
        %parallel_loop3A_683 = arith.constant 11.3137083 : f32
        %parallel_loop3A_684 = vector.broadcast %parallel_loop3A_683 : f32 to vector<16xf32>
        %parallel_loop3A_685 = arith.mulf %parallel_loop3A_682, %parallel_loop3A_684 : vector<16xf32>
        %parallel_loop3A_686 = arith.constant 0 : i32
        %parallel_loop3A_687 = arith.addi %parallel_loop3A_612, %parallel_loop3A_686 : i32
        %parallel_loop3A_688 = arith.index_cast %parallel_loop3A_687 : i32 to index
        %parallel_loop3A_689 = arith.constant 64 : index
        %parallel_loop3A_690 = tpu.vector_load %arg11[%parallel_loop3A_688, %parallel_loop3A_689] {strides = array<i32>} : memref<100x128xf32, #tpu.memory_space<vmem>>, vector<1x16xf32>,
        %parallel_loop3A_691 = vector.shape_cast %parallel_loop3A_690 : vector<1x16xf32> to vector<16xf32>
        %parallel_loop3A_692 = vector.shape_cast %parallel_loop3A_685 : vector<16xf32> to vector<1x16xf32>
        tpu.vector_store %arg11[%parallel_loop3A_688, %parallel_loop3A_689], %parallel_loop3A_692 {strides = array<i32>} : memref<100x128xf32, #tpu.memory_space<vmem>>, vector<1x16xf32>,
        %parallel_loop3A_693 = arith.constant 0 : i32
        %parallel_loop3A_694 = arith.addi %parallel_loop3A_612, %parallel_loop3A_693 : i32
        %parallel_loop3A_695 = arith.index_cast %parallel_loop3A_694 : i32 to index
        %parallel_loop3A_696 = arith.constant 80 : index
        %parallel_loop3A_697 = tpu.vector_load %arg11[%parallel_loop3A_695, %parallel_loop3A_696] {strides = array<i32>} : memref<100x128xf32, #tpu.memory_space<vmem>>, vector<1x16xf32>,
        %parallel_loop3A_698 = vector.shape_cast %parallel_loop3A_697 : vector<1x16xf32> to vector<16xf32>
        %parallel_loop3A_699 = arith.constant 11.3137083 : f32
        %parallel_loop3A_700 = vector.broadcast %parallel_loop3A_699 : f32 to vector<16xf32>
        %parallel_loop3A_701 = arith.mulf %parallel_loop3A_698, %parallel_loop3A_700 : vector<16xf32>
        %parallel_loop3A_702 = arith.constant 0 : i32
        %parallel_loop3A_703 = arith.addi %parallel_loop3A_612, %parallel_loop3A_702 : i32
        %parallel_loop3A_704 = arith.index_cast %parallel_loop3A_703 : i32 to index
        %parallel_loop3A_705 = arith.constant 80 : index
        %parallel_loop3A_706 = tpu.vector_load %arg11[%parallel_loop3A_704, %parallel_loop3A_705] {strides = array<i32>} : memref<100x128xf32, #tpu.memory_space<vmem>>, vector<1x16xf32>,
        %parallel_loop3A_707 = vector.shape_cast %parallel_loop3A_706 : vector<1x16xf32> to vector<16xf32>
        %parallel_loop3A_708 = vector.shape_cast %parallel_loop3A_701 : vector<16xf32> to vector<1x16xf32>
        tpu.vector_store %arg11[%parallel_loop3A_704, %parallel_loop3A_705], %parallel_loop3A_708 {strides = array<i32>} : memref<100x128xf32, #tpu.memory_space<vmem>>, vector<1x16xf32>,
        %parallel_loop3A_709 = arith.constant 0 : i32
        %parallel_loop3A_710 = arith.addi %parallel_loop3A_612, %parallel_loop3A_709 : i32
        %parallel_loop3A_711 = arith.index_cast %parallel_loop3A_710 : i32 to index
        %parallel_loop3A_712 = arith.constant 96 : index
        %parallel_loop3A_713 = tpu.vector_load %arg11[%parallel_loop3A_711, %parallel_loop3A_712] {strides = array<i32>} : memref<100x128xf32, #tpu.memory_space<vmem>>, vector<1x16xf32>,
        %parallel_loop3A_714 = vector.shape_cast %parallel_loop3A_713 : vector<1x16xf32> to vector<16xf32>
        %parallel_loop3A_715 = arith.constant 11.3137083 : f32
        %parallel_loop3A_716 = vector.broadcast %parallel_loop3A_715 : f32 to vector<16xf32>
        %parallel_loop3A_717 = arith.mulf %parallel_loop3A_714, %parallel_loop3A_716 : vector<16xf32>
        %parallel_loop3A_718 = arith.constant 0 : i32
        %parallel_loop3A_719 = arith.addi %parallel_loop3A_612, %parallel_loop3A_718 : i32
        %parallel_loop3A_720 = arith.index_cast %parallel_loop3A_719 : i32 to index
        %parallel_loop3A_721 = arith.constant 96 : index
        %parallel_loop3A_722 = tpu.vector_load %arg11[%parallel_loop3A_720, %parallel_loop3A_721] {strides = array<i32>} : memref<100x128xf32, #tpu.memory_space<vmem>>, vector<1x16xf32>,
        %parallel_loop3A_723 = vector.shape_cast %parallel_loop3A_722 : vector<1x16xf32> to vector<16xf32>
        %parallel_loop3A_724 = vector.shape_cast %parallel_loop3A_717 : vector<16xf32> to vector<1x16xf32>
        tpu.vector_store %arg11[%parallel_loop3A_720, %parallel_loop3A_721], %parallel_loop3A_724 {strides = array<i32>} : memref<100x128xf32, #tpu.memory_space<vmem>>, vector<1x16xf32>,
        %parallel_loop3A_725 = arith.constant 0 : i32
        %parallel_loop3A_726 = arith.addi %parallel_loop3A_612, %parallel_loop3A_725 : i32
        %parallel_loop3A_727 = arith.index_cast %parallel_loop3A_726 : i32 to index
        %parallel_loop3A_728 = arith.constant 112 : index
        %parallel_loop3A_729 = tpu.vector_load %arg11[%parallel_loop3A_727, %parallel_loop3A_728] {strides = array<i32>} : memref<100x128xf32, #tpu.memory_space<vmem>>, vector<1x16xf32>,
        %parallel_loop3A_730 = vector.shape_cast %parallel_loop3A_729 : vector<1x16xf32> to vector<16xf32>
        %parallel_loop3A_731 = arith.constant 11.3137083 : f32
        %parallel_loop3A_732 = vector.broadcast %parallel_loop3A_731 : f32 to vector<16xf32>
        %parallel_loop3A_733 = arith.mulf %parallel_loop3A_730, %parallel_loop3A_732 : vector<16xf32>
        %parallel_loop3A_734 = arith.constant 0 : i32
        %parallel_loop3A_735 = arith.addi %parallel_loop3A_612, %parallel_loop3A_734 : i32
        %parallel_loop3A_736 = arith.index_cast %parallel_loop3A_735 : i32 to index
        %parallel_loop3A_737 = arith.constant 112 : index
        %parallel_loop3A_738 = tpu.vector_load %arg11[%parallel_loop3A_736, %parallel_loop3A_737] {strides = array<i32>} : memref<100x128xf32, #tpu.memory_space<vmem>>, vector<1x16xf32>,
        %parallel_loop3A_739 = vector.shape_cast %parallel_loop3A_738 : vector<1x16xf32> to vector<16xf32>
        %parallel_loop3A_740 = vector.shape_cast %parallel_loop3A_733 : vector<16xf32> to vector<1x16xf32>
        tpu.vector_store %arg11[%parallel_loop3A_736, %parallel_loop3A_737], %parallel_loop3A_740 {strides = array<i32>} : memref<100x128xf32, #tpu.memory_space<vmem>>, vector<1x16xf32>,
        %parallel_loop3A_741 = arith.constant 1 : i32
        %parallel_loop3A_742 = arith.addi %parallel_loop3A_612, %parallel_loop3A_741 : i32
        %parallel_loop3A_743 = arith.index_cast %parallel_loop3A_742 : i32 to index
        %parallel_loop3A_744 = arith.constant 0 : index
        %parallel_loop3A_745 = tpu.vector_load %arg11[%parallel_loop3A_743, %parallel_loop3A_744] {strides = array<i32>} : memref<100x128xf32, #tpu.memory_space<vmem>>, vector<1x16xf32>,
        %parallel_loop3A_746 = vector.shape_cast %parallel_loop3A_745 : vector<1x16xf32> to vector<16xf32>
        %parallel_loop3A_747 = arith.constant 11.3137083 : f32
        %parallel_loop3A_748 = vector.broadcast %parallel_loop3A_747 : f32 to vector<16xf32>
        %parallel_loop3A_749 = arith.mulf %parallel_loop3A_746, %parallel_loop3A_748 : vector<16xf32>
        %parallel_loop3A_750 = arith.constant 1 : i32
        %parallel_loop3A_751 = arith.addi %parallel_loop3A_612, %parallel_loop3A_750 : i32
        %parallel_loop3A_752 = arith.index_cast %parallel_loop3A_751 : i32 to index
        %parallel_loop3A_753 = arith.constant 0 : index
        %parallel_loop3A_754 = tpu.vector_load %arg11[%parallel_loop3A_752, %parallel_loop3A_753] {strides = array<i32>} : memref<100x128xf32, #tpu.memory_space<vmem>>, vector<1x16xf32>,
        %parallel_loop3A_755 = vector.shape_cast %parallel_loop3A_754 : vector<1x16xf32> to vector<16xf32>
        %parallel_loop3A_756 = vector.shape_cast %parallel_loop3A_749 : vector<16xf32> to vector<1x16xf32>
        tpu.vector_store %arg11[%parallel_loop3A_752, %parallel_loop3A_753], %parallel_loop3A_756 {strides = array<i32>} : memref<100x128xf32, #tpu.memory_space<vmem>>, vector<1x16xf32>,
        %parallel_loop3A_757 = arith.constant 1 : i32
        %parallel_loop3A_758 = arith.addi %parallel_loop3A_612, %parallel_loop3A_757 : i32
        %parallel_loop3A_759 = arith.index_cast %parallel_loop3A_758 : i32 to index
        %parallel_loop3A_760 = arith.constant 16 : index
        %parallel_loop3A_761 = tpu.vector_load %arg11[%parallel_loop3A_759, %parallel_loop3A_760] {strides = array<i32>} : memref<100x128xf32, #tpu.memory_space<vmem>>, vector<1x16xf32>,
        %parallel_loop3A_762 = vector.shape_cast %parallel_loop3A_761 : vector<1x16xf32> to vector<16xf32>
        %parallel_loop3A_763 = arith.constant 11.3137083 : f32
        %parallel_loop3A_764 = vector.broadcast %parallel_loop3A_763 : f32 to vector<16xf32>
        %parallel_loop3A_765 = arith.mulf %parallel_loop3A_762, %parallel_loop3A_764 : vector<16xf32>
        %parallel_loop3A_766 = arith.constant 1 : i32
        %parallel_loop3A_767 = arith.addi %parallel_loop3A_612, %parallel_loop3A_766 : i32
        %parallel_loop3A_768 = arith.index_cast %parallel_loop3A_767 : i32 to index
        %parallel_loop3A_769 = arith.constant 16 : index
        %parallel_loop3A_770 = tpu.vector_load %arg11[%parallel_loop3A_768, %parallel_loop3A_769] {strides = array<i32>} : memref<100x128xf32, #tpu.memory_space<vmem>>, vector<1x16xf32>,
        %parallel_loop3A_771 = vector.shape_cast %parallel_loop3A_770 : vector<1x16xf32> to vector<16xf32>
        %parallel_loop3A_772 = vector.shape_cast %parallel_loop3A_765 : vector<16xf32> to vector<1x16xf32>
        tpu.vector_store %arg11[%parallel_loop3A_768, %parallel_loop3A_769], %parallel_loop3A_772 {strides = array<i32>} : memref<100x128xf32, #tpu.memory_space<vmem>>, vector<1x16xf32>,
        %parallel_loop3A_773 = arith.constant 1 : i32
        %parallel_loop3A_774 = arith.addi %parallel_loop3A_612, %parallel_loop3A_773 : i32
        %parallel_loop3A_775 = arith.index_cast %parallel_loop3A_774 : i32 to index
        %parallel_loop3A_776 = arith.constant 32 : index
        %parallel_loop3A_777 = tpu.vector_load %arg11[%parallel_loop3A_775, %parallel_loop3A_776] {strides = array<i32>} : memref<100x128xf32, #tpu.memory_space<vmem>>, vector<1x16xf32>,
        %parallel_loop3A_778 = vector.shape_cast %parallel_loop3A_777 : vector<1x16xf32> to vector<16xf32>
        %parallel_loop3A_779 = arith.constant 11.3137083 : f32
        %parallel_loop3A_780 = vector.broadcast %parallel_loop3A_779 : f32 to vector<16xf32>
        %parallel_loop3A_781 = arith.mulf %parallel_loop3A_778, %parallel_loop3A_780 : vector<16xf32>
        %parallel_loop3A_782 = arith.constant 1 : i32
        %parallel_loop3A_783 = arith.addi %parallel_loop3A_612, %parallel_loop3A_782 : i32
        %parallel_loop3A_784 = arith.index_cast %parallel_loop3A_783 : i32 to index
        %parallel_loop3A_785 = arith.constant 32 : index
        %parallel_loop3A_786 = tpu.vector_load %arg11[%parallel_loop3A_784, %parallel_loop3A_785] {strides = array<i32>} : memref<100x128xf32, #tpu.memory_space<vmem>>, vector<1x16xf32>,
        %parallel_loop3A_787 = vector.shape_cast %parallel_loop3A_786 : vector<1x16xf32> to vector<16xf32>
        %parallel_loop3A_788 = vector.shape_cast %parallel_loop3A_781 : vector<16xf32> to vector<1x16xf32>
        tpu.vector_store %arg11[%parallel_loop3A_784, %parallel_loop3A_785], %parallel_loop3A_788 {strides = array<i32>} : memref<100x128xf32, #tpu.memory_space<vmem>>, vector<1x16xf32>,
        %parallel_loop3A_789 = arith.constant 1 : i32
        %parallel_loop3A_790 = arith.addi %parallel_loop3A_612, %parallel_loop3A_789 : i32
        %parallel_loop3A_791 = arith.index_cast %parallel_loop3A_790 : i32 to index
        %parallel_loop3A_792 = arith.constant 48 : index
        %parallel_loop3A_793 = tpu.vector_load %arg11[%parallel_loop3A_791, %parallel_loop3A_792] {strides = array<i32>} : memref<100x128xf32, #tpu.memory_space<vmem>>, vector<1x16xf32>,
        %parallel_loop3A_794 = vector.shape_cast %parallel_loop3A_793 : vector<1x16xf32> to vector<16xf32>
        %parallel_loop3A_795 = arith.constant 11.3137083 : f32
        %parallel_loop3A_796 = vector.broadcast %parallel_loop3A_795 : f32 to vector<16xf32>
        %parallel_loop3A_797 = arith.mulf %parallel_loop3A_794, %parallel_loop3A_796 : vector<16xf32>
        %parallel_loop3A_798 = arith.constant 1 : i32
        %parallel_loop3A_799 = arith.addi %parallel_loop3A_612, %parallel_loop3A_798 : i32
        %parallel_loop3A_800 = arith.index_cast %parallel_loop3A_799 : i32 to index
        %parallel_loop3A_801 = arith.constant 48 : index
        %parallel_loop3A_802 = tpu.vector_load %arg11[%parallel_loop3A_800, %parallel_loop3A_801] {strides = array<i32>} : memref<100x128xf32, #tpu.memory_space<vmem>>, vector<1x16xf32>,
        %parallel_loop3A_803 = vector.shape_cast %parallel_loop3A_802 : vector<1x16xf32> to vector<16xf32>
        %parallel_loop3A_804 = vector.shape_cast %parallel_loop3A_797 : vector<16xf32> to vector<1x16xf32>
        tpu.vector_store %arg11[%parallel_loop3A_800, %parallel_loop3A_801], %parallel_loop3A_804 {strides = array<i32>} : memref<100x128xf32, #tpu.memory_space<vmem>>, vector<1x16xf32>,
        %parallel_loop3A_805 = arith.constant 1 : i32
        %parallel_loop3A_806 = arith.addi %parallel_loop3A_612, %parallel_loop3A_805 : i32
        %parallel_loop3A_807 = arith.index_cast %parallel_loop3A_806 : i32 to index
        %parallel_loop3A_808 = arith.constant 64 : index
        %parallel_loop3A_809 = tpu.vector_load %arg11[%parallel_loop3A_807, %parallel_loop3A_808] {strides = array<i32>} : memref<100x128xf32, #tpu.memory_space<vmem>>, vector<1x16xf32>,
        %parallel_loop3A_810 = vector.shape_cast %parallel_loop3A_809 : vector<1x16xf32> to vector<16xf32>
        %parallel_loop3A_811 = arith.constant 11.3137083 : f32
        %parallel_loop3A_812 = vector.broadcast %parallel_loop3A_811 : f32 to vector<16xf32>
        %parallel_loop3A_813 = arith.mulf %parallel_loop3A_810, %parallel_loop3A_812 : vector<16xf32>
        %parallel_loop3A_814 = arith.constant 1 : i32
        %parallel_loop3A_815 = arith.addi %parallel_loop3A_612, %parallel_loop3A_814 : i32
        %parallel_loop3A_816 = arith.index_cast %parallel_loop3A_815 : i32 to index
        %parallel_loop3A_817 = arith.constant 64 : index
        %parallel_loop3A_818 = tpu.vector_load %arg11[%parallel_loop3A_816, %parallel_loop3A_817] {strides = array<i32>} : memref<100x128xf32, #tpu.memory_space<vmem>>, vector<1x16xf32>,
        %parallel_loop3A_819 = vector.shape_cast %parallel_loop3A_818 : vector<1x16xf32> to vector<16xf32>
        %parallel_loop3A_820 = vector.shape_cast %parallel_loop3A_813 : vector<16xf32> to vector<1x16xf32>
        tpu.vector_store %arg11[%parallel_loop3A_816, %parallel_loop3A_817], %parallel_loop3A_820 {strides = array<i32>} : memref<100x128xf32, #tpu.memory_space<vmem>>, vector<1x16xf32>,
        %parallel_loop3A_821 = arith.constant 1 : i32
        %parallel_loop3A_822 = arith.addi %parallel_loop3A_612, %parallel_loop3A_821 : i32
        %parallel_loop3A_823 = arith.index_cast %parallel_loop3A_822 : i32 to index
        %parallel_loop3A_824 = arith.constant 80 : index
        %parallel_loop3A_825 = tpu.vector_load %arg11[%parallel_loop3A_823, %parallel_loop3A_824] {strides = array<i32>} : memref<100x128xf32, #tpu.memory_space<vmem>>, vector<1x16xf32>,
        %parallel_loop3A_826 = vector.shape_cast %parallel_loop3A_825 : vector<1x16xf32> to vector<16xf32>
        %parallel_loop3A_827 = arith.constant 11.3137083 : f32
        %parallel_loop3A_828 = vector.broadcast %parallel_loop3A_827 : f32 to vector<16xf32>
        %parallel_loop3A_829 = arith.mulf %parallel_loop3A_826, %parallel_loop3A_828 : vector<16xf32>
        %parallel_loop3A_830 = arith.constant 1 : i32
        %parallel_loop3A_831 = arith.addi %parallel_loop3A_612, %parallel_loop3A_830 : i32
        %parallel_loop3A_832 = arith.index_cast %parallel_loop3A_831 : i32 to index
        %parallel_loop3A_833 = arith.constant 80 : index
        %parallel_loop3A_834 = tpu.vector_load %arg11[%parallel_loop3A_832, %parallel_loop3A_833] {strides = array<i32>} : memref<100x128xf32, #tpu.memory_space<vmem>>, vector<1x16xf32>,
        %parallel_loop3A_835 = vector.shape_cast %parallel_loop3A_834 : vector<1x16xf32> to vector<16xf32>
        %parallel_loop3A_836 = vector.shape_cast %parallel_loop3A_829 : vector<16xf32> to vector<1x16xf32>
        tpu.vector_store %arg11[%parallel_loop3A_832, %parallel_loop3A_833], %parallel_loop3A_836 {strides = array<i32>} : memref<100x128xf32, #tpu.memory_space<vmem>>, vector<1x16xf32>,
        %parallel_loop3A_837 = arith.constant 1 : i32
        %parallel_loop3A_838 = arith.addi %parallel_loop3A_612, %parallel_loop3A_837 : i32
        %parallel_loop3A_839 = arith.index_cast %parallel_loop3A_838 : i32 to index
        %parallel_loop3A_840 = arith.constant 96 : index
        %parallel_loop3A_841 = tpu.vector_load %arg11[%parallel_loop3A_839, %parallel_loop3A_840] {strides = array<i32>} : memref<100x128xf32, #tpu.memory_space<vmem>>, vector<1x16xf32>,
        %parallel_loop3A_842 = vector.shape_cast %parallel_loop3A_841 : vector<1x16xf32> to vector<16xf32>
        %parallel_loop3A_843 = arith.constant 11.3137083 : f32
        %parallel_loop3A_844 = vector.broadcast %parallel_loop3A_843 : f32 to vector<16xf32>
        %parallel_loop3A_845 = arith.mulf %parallel_loop3A_842, %parallel_loop3A_844 : vector<16xf32>
        %parallel_loop3A_846 = arith.constant 1 : i32
        %parallel_loop3A_847 = arith.addi %parallel_loop3A_612, %parallel_loop3A_846 : i32
        %parallel_loop3A_848 = arith.index_cast %parallel_loop3A_847 : i32 to index
        %parallel_loop3A_849 = arith.constant 96 : index
        %parallel_loop3A_850 = tpu.vector_load %arg11[%parallel_loop3A_848, %parallel_loop3A_849] {strides = array<i32>} : memref<100x128xf32, #tpu.memory_space<vmem>>, vector<1x16xf32>,
        %parallel_loop3A_851 = vector.shape_cast %parallel_loop3A_850 : vector<1x16xf32> to vector<16xf32>
        %parallel_loop3A_852 = vector.shape_cast %parallel_loop3A_845 : vector<16xf32> to vector<1x16xf32>
        tpu.vector_store %arg11[%parallel_loop3A_848, %parallel_loop3A_849], %parallel_loop3A_852 {strides = array<i32>} : memref<100x128xf32, #tpu.memory_space<vmem>>, vector<1x16xf32>,
        %parallel_loop3A_853 = arith.constant 1 : i32
        %parallel_loop3A_854 = arith.addi %parallel_loop3A_612, %parallel_loop3A_853 : i32
        %parallel_loop3A_855 = arith.index_cast %parallel_loop3A_854 : i32 to index
        %parallel_loop3A_856 = arith.constant 112 : index
        %parallel_loop3A_857 = tpu.vector_load %arg11[%parallel_loop3A_855, %parallel_loop3A_856] {strides = array<i32>} : memref<100x128xf32, #tpu.memory_space<vmem>>, vector<1x16xf32>,
        %parallel_loop3A_858 = vector.shape_cast %parallel_loop3A_857 : vector<1x16xf32> to vector<16xf32>
        %parallel_loop3A_859 = arith.constant 11.3137083 : f32
        %parallel_loop3A_860 = vector.broadcast %parallel_loop3A_859 : f32 to vector<16xf32>
        %parallel_loop3A_861 = arith.mulf %parallel_loop3A_858, %parallel_loop3A_860 : vector<16xf32>
        %parallel_loop3A_862 = arith.constant 1 : i32
        %parallel_loop3A_863 = arith.addi %parallel_loop3A_612, %parallel_loop3A_862 : i32
        %parallel_loop3A_864 = arith.index_cast %parallel_loop3A_863 : i32 to index
        %parallel_loop3A_865 = arith.constant 112 : index
        %parallel_loop3A_866 = tpu.vector_load %arg11[%parallel_loop3A_864, %parallel_loop3A_865] {strides = array<i32>} : memref<100x128xf32, #tpu.memory_space<vmem>>, vector<1x16xf32>,
        %parallel_loop3A_867 = vector.shape_cast %parallel_loop3A_866 : vector<1x16xf32> to vector<16xf32>
        %parallel_loop3A_868 = vector.shape_cast %parallel_loop3A_861 : vector<16xf32> to vector<1x16xf32>
        tpu.vector_store %arg11[%parallel_loop3A_864, %parallel_loop3A_865], %parallel_loop3A_868 {strides = array<i32>} : memref<100x128xf32, #tpu.memory_space<vmem>>, vector<1x16xf32>,
      } {sc.loop_unroll_factor = 2 : i64, sc.parallel_access}
      %mul3A_446 = arith.constant 2 : i32
      %mul3A_447 = arith.muli %add3A_423, %mul3A_446 : i32
      %add3A_448 = arith.addi %mul3A_2, %mul3A_447 : i32
      %add3A_449 = arith.constant 0 : i32
      %add3A_450 = arith.addi %add3A_448, %add3A_449 : i32
      %dma_start3A_451 = arith.constant 0 : i32
      %dma_start3A_452 = arith.constant 0 : i32
      %dma_start3A_453 = tpu.memref_slice %arg11[%dma_start3A_451, %dma_start3A_452] : memref<100x128xf32, #tpu.memory_space<vmem>> -> memref<50x128xf32, #tpu.memory_space<vmem>>
      %dma_start3A_454 = arith.constant 0 : i32
      %dma_start3A_455 = arith.constant 0 : i32
      %dma_start3A_456 = tpu.memref_slice %arg4[%add3A_450, %dma_start3A_454, %dma_start3A_455] : memref<4096x50x128xf32, #tpu.memory_space<hbm>> -> memref<1x50x128xf32, #tpu.memory_space<hbm>>
      %dma_start3A_457 = tpu.memref_squeeze %dma_start3A_456 : memref<1x50x128xf32, #tpu.memory_space<hbm>> -> memref<50x128xf32, #tpu.memory_space<hbm>>
      %dma_start3A_458 = arith.constant 0 : i32
      %dma_start3A_459 = arith.constant 0 : i32
      %dma_start3A_460 = tpu.memref_slice %arg4[%add3A_450, %dma_start3A_458, %dma_start3A_459] : memref<4096x50x128xf32, #tpu.memory_space<hbm>> -> memref<1x50x128xf32, #tpu.memory_space<hbm>>
      %dma_start3A_461 = tpu.memref_squeeze %dma_start3A_460 : memref<1x50x128xf32, #tpu.memory_space<hbm>> -> memref<50x128xf32, #tpu.memory_space<hbm>>
      %dma_start3A_462 = arith.constant 0 : i32
      %dma_start3A_463 = arith.constant 0 : i32
      %dma_start3A_464 = tpu.memref_slice %arg11[%dma_start3A_462, %dma_start3A_463] : memref<100x128xf32, #tpu.memory_space<vmem>> -> memref<50x128xf32, #tpu.memory_space<vmem>>
      tpu.enqueue_dma source(%dma_start3A_464 : memref<50x128xf32, #tpu.memory_space<vmem>>) target(%dma_start3A_461 : memref<50x128xf32, #tpu.memory_space<hbm>>) target_semaphore(%arg27 : memref<!tpu.dma_semaphore, #tpu.memory_space<semaphore_mem>>)
      %mul3A_465 = arith.constant 2 : i32
      %mul3A_466 = arith.muli %add3A_423, %mul3A_465 : i32
      %add3A_467 = arith.addi %mul3A_2, %mul3A_466 : i32
      %add3A_468 = arith.constant 1 : i32
      %add3A_469 = arith.addi %add3A_467, %add3A_468 : i32
      %dma_start3A_470 = arith.constant 50 : i32
      %dma_start3A_471 = arith.constant 0 : i32
      %dma_start3A_472 = tpu.memref_slice %arg11[%dma_start3A_470, %dma_start3A_471] : memref<100x128xf32, #tpu.memory_space<vmem>> -> memref<50x128xf32, #tpu.memory_space<vmem>>
      %dma_start3A_473 = arith.constant 0 : i32
      %dma_start3A_474 = arith.constant 0 : i32
      %dma_start3A_475 = tpu.memref_slice %arg4[%add3A_469, %dma_start3A_473, %dma_start3A_474] : memref<4096x50x128xf32, #tpu.memory_space<hbm>> -> memref<1x50x128xf32, #tpu.memory_space<hbm>>
      %dma_start3A_476 = tpu.memref_squeeze %dma_start3A_475 : memref<1x50x128xf32, #tpu.memory_space<hbm>> -> memref<50x128xf32, #tpu.memory_space<hbm>>
      %dma_start3A_477 = arith.constant 0 : i32
      %dma_start3A_478 = arith.constant 0 : i32
      %dma_start3A_479 = tpu.memref_slice %arg4[%add3A_469, %dma_start3A_477, %dma_start3A_478] : memref<4096x50x128xf32, #tpu.memory_space<hbm>> -> memref<1x50x128xf32, #tpu.memory_space<hbm>>
      %dma_start3A_480 = tpu.memref_squeeze %dma_start3A_479 : memref<1x50x128xf32, #tpu.memory_space<hbm>> -> memref<50x128xf32, #tpu.memory_space<hbm>>
      %dma_start3A_481 = arith.constant 50 : i32
      %dma_start3A_482 = arith.constant 0 : i32
      %dma_start3A_483 = tpu.memref_slice %arg11[%dma_start3A_481, %dma_start3A_482] : memref<100x128xf32, #tpu.memory_space<vmem>> -> memref<50x128xf32, #tpu.memory_space<vmem>>
      tpu.enqueue_dma source(%dma_start3A_483 : memref<50x128xf32, #tpu.memory_space<vmem>>) target(%dma_start3A_480 : memref<50x128xf32, #tpu.memory_space<hbm>>) target_semaphore(%arg27 : memref<!tpu.dma_semaphore, #tpu.memory_space<semaphore_mem>>)
      %mul3A_484 = arith.constant 8 : i32
      %mul3A_485 = arith.muli %scan3A_104, %mul3A_484 : i32
      %add3A_486 = arith.constant 6 : i32
      %add3A_487 = arith.addi %mul3A_485, %add3A_486 : i32
      %ge3A_488 = arith.constant 2 : i32
      %ge3A_489 = arith.cmpi sge, %add3A_487, %ge3A_488 : i32
      %convert_element_type3A_490 = arith.extui %ge3A_489 : i1 to i32
      %cond3A_491 = arith.constant 0 : i32
      %cond3A_492 = arith.cmpi ne, %convert_element_type3A_490, %cond3A_491 : i32
      scf.if %cond3A_492 {
        %dma_wait3A_612 = arith.constant 0 : i32
        %dma_wait3A_613 = arith.constant 0 : i32
        %dma_wait3A_614 = tpu.memref_slice %arg10[%dma_wait3A_612, %dma_wait3A_613] : memref<100x128xf32, #tpu.memory_space<vmem>> -> memref<50x128xf32, #tpu.memory_space<vmem>>
        %dma_wait3A_615 = arith.constant 0 : i32
        %dma_wait3A_616 = arith.constant 0 : i32
        %dma_wait3A_617 = tpu.memref_slice %arg4[%mul3A_2, %dma_wait3A_615, %dma_wait3A_616] : memref<4096x50x128xf32, #tpu.memory_space<hbm>> -> memref<1x50x128xf32, #tpu.memory_space<hbm>>
        %dma_wait3A_618 = tpu.memref_squeeze %dma_wait3A_617 : memref<1x50x128xf32, #tpu.memory_space<hbm>> -> memref<50x128xf32, #tpu.memory_space<hbm>>
        %dma_wait3A_619 = arith.constant 0 : i32
        %dma_wait3A_620 = arith.constant 0 : i32
        %dma_wait3A_621 = tpu.memref_slice %arg4[%mul3A_2, %dma_wait3A_619, %dma_wait3A_620] : memref<4096x50x128xf32, #tpu.memory_space<hbm>> -> memref<1x50x128xf32, #tpu.memory_space<hbm>>
        %dma_wait3A_622 = tpu.memref_squeeze %dma_wait3A_621 : memref<1x50x128xf32, #tpu.memory_space<hbm>> -> memref<50x128xf32, #tpu.memory_space<hbm>>
        %dma_wait3A_623 = arith.constant 0 : i32
        %dma_wait3A_624 = arith.constant 0 : i32
        %dma_wait3A_625 = tpu.memref_slice %arg10[%dma_wait3A_623, %dma_wait3A_624] : memref<100x128xf32, #tpu.memory_space<vmem>> -> memref<50x128xf32, #tpu.memory_space<vmem>>
        tpu.wait_dma2 semaphore(%arg26 : memref<!tpu.dma_semaphore, #tpu.memory_space<semaphore_mem>>) src(%dma_wait3A_625 : memref<50x128xf32, #tpu.memory_space<vmem>>) dst(%dma_wait3A_622 : memref<50x128xf32, #tpu.memory_space<hbm>>)
        %dma_wait3A_626 = arith.constant 50 : i32
        %dma_wait3A_627 = arith.constant 0 : i32
        %dma_wait3A_628 = tpu.memref_slice %arg10[%dma_wait3A_626, %dma_wait3A_627] : memref<100x128xf32, #tpu.memory_space<vmem>> -> memref<50x128xf32, #tpu.memory_space<vmem>>
        %dma_wait3A_629 = arith.constant 0 : i32
        %dma_wait3A_630 = arith.constant 0 : i32
        %dma_wait3A_631 = tpu.memref_slice %arg4[%mul3A_2, %dma_wait3A_629, %dma_wait3A_630] : memref<4096x50x128xf32, #tpu.memory_space<hbm>> -> memref<1x50x128xf32, #tpu.memory_space<hbm>>
        %dma_wait3A_632 = tpu.memref_squeeze %dma_wait3A_631 : memref<1x50x128xf32, #tpu.memory_space<hbm>> -> memref<50x128xf32, #tpu.memory_space<hbm>>
        %dma_wait3A_633 = arith.constant 0 : i32
        %dma_wait3A_634 = arith.constant 0 : i32
        %dma_wait3A_635 = tpu.memref_slice %arg4[%mul3A_2, %dma_wait3A_633, %dma_wait3A_634] : memref<4096x50x128xf32, #tpu.memory_space<hbm>> -> memref<1x50x128xf32, #tpu.memory_space<hbm>>
        %dma_wait3A_636 = tpu.memref_squeeze %dma_wait3A_635 : memref<1x50x128xf32, #tpu.memory_space<hbm>> -> memref<50x128xf32, #tpu.memory_space<hbm>>
        %dma_wait3A_637 = arith.constant 50 : i32
        %dma_wait3A_638 = arith.constant 0 : i32
        %dma_wait3A_639 = tpu.memref_slice %arg10[%dma_wait3A_637, %dma_wait3A_638] : memref<100x128xf32, #tpu.memory_space<vmem>> -> memref<50x128xf32, #tpu.memory_space<vmem>>
        tpu.wait_dma2 semaphore(%arg26 : memref<!tpu.dma_semaphore, #tpu.memory_space<semaphore_mem>>) src(%dma_wait3A_639 : memref<50x128xf32, #tpu.memory_space<vmem>>) dst(%dma_wait3A_636 : memref<50x128xf32, #tpu.memory_space<hbm>>)
      } else {
      }
      %add3A_493 = arith.constant 6 : i32
      %add3A_494 = arith.addi %add3A_487, %add3A_493 : i32
      %lt3A_495 = arith.constant 64 : i32
      %lt3A_496 = arith.cmpi slt, %add3A_494, %lt3A_495 : i32
      %convert_element_type3A_497 = arith.extui %lt3A_496 : i1 to i32
      %cond3A_498 = arith.constant 0 : i32
      %cond3A_499 = arith.cmpi ne, %convert_element_type3A_497, %cond3A_498 : i32
      scf.if %cond3A_499 {
        %add3A_612 = arith.constant 6 : i32
        %add3A_613 = arith.addi %add3A_487, %add3A_612 : i32
        %dma_start3A_614 = arith.constant 0 : i32
        %dma_start3A_615 = tpu.memref_slice %arg5[%add3A_613, %dma_start3A_614] : memref<64x100xi32, #tpu.memory_space<vmem>> -> memref<1x100xi32, #tpu.memory_space<vmem>>
        %dma_start3A_616 = tpu.memref_squeeze %dma_start3A_615 : memref<1x100xi32, #tpu.memory_space<vmem>> -> memref<100xi32, #tpu.memory_space<vmem>>
        %dma_start3A_617 = arith.constant 0 : i32
        %dma_start3A_618 = arith.constant 0 : i32
        %dma_start3A_619 = tpu.memref_slice %arg3[%dma_start3A_617, %dma_start3A_618] : memref<100000x128xf32, #tpu.memory_space<hbm>> -> memref<100000x128xf32, #tpu.memory_space<hbm>>
        tpu.enqueue_indirect_dma source(%dma_start3A_619 : memref<100000x128xf32, #tpu.memory_space<hbm>>) target(%arg10 : memref<100x128xf32, #tpu.memory_space<vmem>>) offsets(%dma_start3A_616 : memref<100xi32, #tpu.memory_space<vmem>>) semaphore(%arg18 : memref<!tpu.dma_semaphore, #tpu.memory_space<semaphore_mem>>)
      } else {
      }
      %dma_wait3A_500 = arith.constant 0 : i32
      %dma_wait3A_501 = arith.constant 0 : i32
      %dma_wait3A_502 = tpu.memref_slice %arg5[%dma_wait3A_500, %dma_wait3A_501] : memref<64x100xi32, #tpu.memory_space<vmem>> -> memref<1x100xi32, #tpu.memory_space<vmem>>
      %dma_wait3A_503 = tpu.memref_squeeze %dma_wait3A_502 : memref<1x100xi32, #tpu.memory_space<vmem>> -> memref<100xi32, #tpu.memory_space<vmem>>
      %dma_wait3A_504 = arith.constant 0 : i32
      %dma_wait3A_505 = arith.constant 0 : i32
      %dma_wait3A_506 = tpu.memref_slice %arg3[%dma_wait3A_504, %dma_wait3A_505] : memref<100000x128xf32, #tpu.memory_space<hbm>> -> memref<100000x128xf32, #tpu.memory_space<hbm>>
      tpu.wait_indirect_dma semaphore(%arg20 : memref<!tpu.dma_semaphore, #tpu.memory_space<semaphore_mem>>) src(%dma_wait3A_506 : memref<100000x128xf32, #tpu.memory_space<hbm>>) dst(%arg12 : memref<100x128xf32, #tpu.memory_space<vmem>>)
      %parallel_loop3A_507 = arith.constant 0 : i32
      %parallel_loop3A_508 = arith.constant 100 : i32
      %parallel_loop3A_509 = arith.constant 2 : i32
      scf.for %parallel_loop3A_612 = %parallel_loop3A_507 to %parallel_loop3A_508 step %parallel_loop3A_509  : i32 {
        %parallel_loop3A_613 = arith.constant 0 : i32
        %parallel_loop3A_614 = arith.addi %parallel_loop3A_612, %parallel_loop3A_613 : i32
        %parallel_loop3A_615 = arith.index_cast %parallel_loop3A_614 : i32 to index
        %parallel_loop3A_616 = arith.constant 0 : index
        %parallel_loop3A_617 = tpu.vector_load %arg12[%parallel_loop3A_615, %parallel_loop3A_616] {strides = array<i32>} : memref<100x128xf32, #tpu.memory_space<vmem>>, vector<1x16xf32>,
        %parallel_loop3A_618 = vector.shape_cast %parallel_loop3A_617 : vector<1x16xf32> to vector<16xf32>
        %parallel_loop3A_619 = arith.constant 11.3137083 : f32
        %parallel_loop3A_620 = vector.broadcast %parallel_loop3A_619 : f32 to vector<16xf32>
        %parallel_loop3A_621 = arith.mulf %parallel_loop3A_618, %parallel_loop3A_620 : vector<16xf32>
        %parallel_loop3A_622 = arith.constant 0 : i32
        %parallel_loop3A_623 = arith.addi %parallel_loop3A_612, %parallel_loop3A_622 : i32
        %parallel_loop3A_624 = arith.index_cast %parallel_loop3A_623 : i32 to index
        %parallel_loop3A_625 = arith.constant 0 : index
        %parallel_loop3A_626 = tpu.vector_load %arg12[%parallel_loop3A_624, %parallel_loop3A_625] {strides = array<i32>} : memref<100x128xf32, #tpu.memory_space<vmem>>, vector<1x16xf32>,
        %parallel_loop3A_627 = vector.shape_cast %parallel_loop3A_626 : vector<1x16xf32> to vector<16xf32>
        %parallel_loop3A_628 = vector.shape_cast %parallel_loop3A_621 : vector<16xf32> to vector<1x16xf32>
        tpu.vector_store %arg12[%parallel_loop3A_624, %parallel_loop3A_625], %parallel_loop3A_628 {strides = array<i32>} : memref<100x128xf32, #tpu.memory_space<vmem>>, vector<1x16xf32>,
        %parallel_loop3A_629 = arith.constant 0 : i32
        %parallel_loop3A_630 = arith.addi %parallel_loop3A_612, %parallel_loop3A_629 : i32
        %parallel_loop3A_631 = arith.index_cast %parallel_loop3A_630 : i32 to index
        %parallel_loop3A_632 = arith.constant 16 : index
        %parallel_loop3A_633 = tpu.vector_load %arg12[%parallel_loop3A_631, %parallel_loop3A_632] {strides = array<i32>} : memref<100x128xf32, #tpu.memory_space<vmem>>, vector<1x16xf32>,
        %parallel_loop3A_634 = vector.shape_cast %parallel_loop3A_633 : vector<1x16xf32> to vector<16xf32>
        %parallel_loop3A_635 = arith.constant 11.3137083 : f32
        %parallel_loop3A_636 = vector.broadcast %parallel_loop3A_635 : f32 to vector<16xf32>
        %parallel_loop3A_637 = arith.mulf %parallel_loop3A_634, %parallel_loop3A_636 : vector<16xf32>
        %parallel_loop3A_638 = arith.constant 0 : i32
        %parallel_loop3A_639 = arith.addi %parallel_loop3A_612, %parallel_loop3A_638 : i32
        %parallel_loop3A_640 = arith.index_cast %parallel_loop3A_639 : i32 to index
        %parallel_loop3A_641 = arith.constant 16 : index
        %parallel_loop3A_642 = tpu.vector_load %arg12[%parallel_loop3A_640, %parallel_loop3A_641] {strides = array<i32>} : memref<100x128xf32, #tpu.memory_space<vmem>>, vector<1x16xf32>,
        %parallel_loop3A_643 = vector.shape_cast %parallel_loop3A_642 : vector<1x16xf32> to vector<16xf32>
        %parallel_loop3A_644 = vector.shape_cast %parallel_loop3A_637 : vector<16xf32> to vector<1x16xf32>
        tpu.vector_store %arg12[%parallel_loop3A_640, %parallel_loop3A_641], %parallel_loop3A_644 {strides = array<i32>} : memref<100x128xf32, #tpu.memory_space<vmem>>, vector<1x16xf32>,
        %parallel_loop3A_645 = arith.constant 0 : i32
        %parallel_loop3A_646 = arith.addi %parallel_loop3A_612, %parallel_loop3A_645 : i32
        %parallel_loop3A_647 = arith.index_cast %parallel_loop3A_646 : i32 to index
        %parallel_loop3A_648 = arith.constant 32 : index
        %parallel_loop3A_649 = tpu.vector_load %arg12[%parallel_loop3A_647, %parallel_loop3A_648] {strides = array<i32>} : memref<100x128xf32, #tpu.memory_space<vmem>>, vector<1x16xf32>,
        %parallel_loop3A_650 = vector.shape_cast %parallel_loop3A_649 : vector<1x16xf32> to vector<16xf32>
        %parallel_loop3A_651 = arith.constant 11.3137083 : f32
        %parallel_loop3A_652 = vector.broadcast %parallel_loop3A_651 : f32 to vector<16xf32>
        %parallel_loop3A_653 = arith.mulf %parallel_loop3A_650, %parallel_loop3A_652 : vector<16xf32>
        %parallel_loop3A_654 = arith.constant 0 : i32
        %parallel_loop3A_655 = arith.addi %parallel_loop3A_612, %parallel_loop3A_654 : i32
        %parallel_loop3A_656 = arith.index_cast %parallel_loop3A_655 : i32 to index
        %parallel_loop3A_657 = arith.constant 32 : index
        %parallel_loop3A_658 = tpu.vector_load %arg12[%parallel_loop3A_656, %parallel_loop3A_657] {strides = array<i32>} : memref<100x128xf32, #tpu.memory_space<vmem>>, vector<1x16xf32>,
        %parallel_loop3A_659 = vector.shape_cast %parallel_loop3A_658 : vector<1x16xf32> to vector<16xf32>
        %parallel_loop3A_660 = vector.shape_cast %parallel_loop3A_653 : vector<16xf32> to vector<1x16xf32>
        tpu.vector_store %arg12[%parallel_loop3A_656, %parallel_loop3A_657], %parallel_loop3A_660 {strides = array<i32>} : memref<100x128xf32, #tpu.memory_space<vmem>>, vector<1x16xf32>,
        %parallel_loop3A_661 = arith.constant 0 : i32
        %parallel_loop3A_662 = arith.addi %parallel_loop3A_612, %parallel_loop3A_661 : i32
        %parallel_loop3A_663 = arith.index_cast %parallel_loop3A_662 : i32 to index
        %parallel_loop3A_664 = arith.constant 48 : index
        %parallel_loop3A_665 = tpu.vector_load %arg12[%parallel_loop3A_663, %parallel_loop3A_664] {strides = array<i32>} : memref<100x128xf32, #tpu.memory_space<vmem>>, vector<1x16xf32>,
        %parallel_loop3A_666 = vector.shape_cast %parallel_loop3A_665 : vector<1x16xf32> to vector<16xf32>
        %parallel_loop3A_667 = arith.constant 11.3137083 : f32
        %parallel_loop3A_668 = vector.broadcast %parallel_loop3A_667 : f32 to vector<16xf32>
        %parallel_loop3A_669 = arith.mulf %parallel_loop3A_666, %parallel_loop3A_668 : vector<16xf32>
        %parallel_loop3A_670 = arith.constant 0 : i32
        %parallel_loop3A_671 = arith.addi %parallel_loop3A_612, %parallel_loop3A_670 : i32
        %parallel_loop3A_672 = arith.index_cast %parallel_loop3A_671 : i32 to index
        %parallel_loop3A_673 = arith.constant 48 : index
        %parallel_loop3A_674 = tpu.vector_load %arg12[%parallel_loop3A_672, %parallel_loop3A_673] {strides = array<i32>} : memref<100x128xf32, #tpu.memory_space<vmem>>, vector<1x16xf32>,
        %parallel_loop3A_675 = vector.shape_cast %parallel_loop3A_674 : vector<1x16xf32> to vector<16xf32>
        %parallel_loop3A_676 = vector.shape_cast %parallel_loop3A_669 : vector<16xf32> to vector<1x16xf32>
        tpu.vector_store %arg12[%parallel_loop3A_672, %parallel_loop3A_673], %parallel_loop3A_676 {strides = array<i32>} : memref<100x128xf32, #tpu.memory_space<vmem>>, vector<1x16xf32>,
        %parallel_loop3A_677 = arith.constant 0 : i32
        %parallel_loop3A_678 = arith.addi %parallel_loop3A_612, %parallel_loop3A_677 : i32
        %parallel_loop3A_679 = arith.index_cast %parallel_loop3A_678 : i32 to index
        %parallel_loop3A_680 = arith.constant 64 : index
        %parallel_loop3A_681 = tpu.vector_load %arg12[%parallel_loop3A_679, %parallel_loop3A_680] {strides = array<i32>} : memref<100x128xf32, #tpu.memory_space<vmem>>, vector<1x16xf32>,
        %parallel_loop3A_682 = vector.shape_cast %parallel_loop3A_681 : vector<1x16xf32> to vector<16xf32>
        %parallel_loop3A_683 = arith.constant 11.3137083 : f32
        %parallel_loop3A_684 = vector.broadcast %parallel_loop3A_683 : f32 to vector<16xf32>
        %parallel_loop3A_685 = arith.mulf %parallel_loop3A_682, %parallel_loop3A_684 : vector<16xf32>
        %parallel_loop3A_686 = arith.constant 0 : i32
        %parallel_loop3A_687 = arith.addi %parallel_loop3A_612, %parallel_loop3A_686 : i32
        %parallel_loop3A_688 = arith.index_cast %parallel_loop3A_687 : i32 to index
        %parallel_loop3A_689 = arith.constant 64 : index
        %parallel_loop3A_690 = tpu.vector_load %arg12[%parallel_loop3A_688, %parallel_loop3A_689] {strides = array<i32>} : memref<100x128xf32, #tpu.memory_space<vmem>>, vector<1x16xf32>,
        %parallel_loop3A_691 = vector.shape_cast %parallel_loop3A_690 : vector<1x16xf32> to vector<16xf32>
        %parallel_loop3A_692 = vector.shape_cast %parallel_loop3A_685 : vector<16xf32> to vector<1x16xf32>
        tpu.vector_store %arg12[%parallel_loop3A_688, %parallel_loop3A_689], %parallel_loop3A_692 {strides = array<i32>} : memref<100x128xf32, #tpu.memory_space<vmem>>, vector<1x16xf32>,
        %parallel_loop3A_693 = arith.constant 0 : i32
        %parallel_loop3A_694 = arith.addi %parallel_loop3A_612, %parallel_loop3A_693 : i32
        %parallel_loop3A_695 = arith.index_cast %parallel_loop3A_694 : i32 to index
        %parallel_loop3A_696 = arith.constant 80 : index
        %parallel_loop3A_697 = tpu.vector_load %arg12[%parallel_loop3A_695, %parallel_loop3A_696] {strides = array<i32>} : memref<100x128xf32, #tpu.memory_space<vmem>>, vector<1x16xf32>,
        %parallel_loop3A_698 = vector.shape_cast %parallel_loop3A_697 : vector<1x16xf32> to vector<16xf32>
        %parallel_loop3A_699 = arith.constant 11.3137083 : f32
        %parallel_loop3A_700 = vector.broadcast %parallel_loop3A_699 : f32 to vector<16xf32>
        %parallel_loop3A_701 = arith.mulf %parallel_loop3A_698, %parallel_loop3A_700 : vector<16xf32>
        %parallel_loop3A_702 = arith.constant 0 : i32
        %parallel_loop3A_703 = arith.addi %parallel_loop3A_612, %parallel_loop3A_702 : i32
        %parallel_loop3A_704 = arith.index_cast %parallel_loop3A_703 : i32 to index
        %parallel_loop3A_705 = arith.constant 80 : index
        %parallel_loop3A_706 = tpu.vector_load %arg12[%parallel_loop3A_704, %parallel_loop3A_705] {strides = array<i32>} : memref<100x128xf32, #tpu.memory_space<vmem>>, vector<1x16xf32>,
        %parallel_loop3A_707 = vector.shape_cast %parallel_loop3A_706 : vector<1x16xf32> to vector<16xf32>
        %parallel_loop3A_708 = vector.shape_cast %parallel_loop3A_701 : vector<16xf32> to vector<1x16xf32>
        tpu.vector_store %arg12[%parallel_loop3A_704, %parallel_loop3A_705], %parallel_loop3A_708 {strides = array<i32>} : memref<100x128xf32, #tpu.memory_space<vmem>>, vector<1x16xf32>,
        %parallel_loop3A_709 = arith.constant 0 : i32
        %parallel_loop3A_710 = arith.addi %parallel_loop3A_612, %parallel_loop3A_709 : i32
        %parallel_loop3A_711 = arith.index_cast %parallel_loop3A_710 : i32 to index
        %parallel_loop3A_712 = arith.constant 96 : index
        %parallel_loop3A_713 = tpu.vector_load %arg12[%parallel_loop3A_711, %parallel_loop3A_712] {strides = array<i32>} : memref<100x128xf32, #tpu.memory_space<vmem>>, vector<1x16xf32>,
        %parallel_loop3A_714 = vector.shape_cast %parallel_loop3A_713 : vector<1x16xf32> to vector<16xf32>
        %parallel_loop3A_715 = arith.constant 11.3137083 : f32
        %parallel_loop3A_716 = vector.broadcast %parallel_loop3A_715 : f32 to vector<16xf32>
        %parallel_loop3A_717 = arith.mulf %parallel_loop3A_714, %parallel_loop3A_716 : vector<16xf32>
        %parallel_loop3A_718 = arith.constant 0 : i32
        %parallel_loop3A_719 = arith.addi %parallel_loop3A_612, %parallel_loop3A_718 : i32
        %parallel_loop3A_720 = arith.index_cast %parallel_loop3A_719 : i32 to index
        %parallel_loop3A_721 = arith.constant 96 : index
        %parallel_loop3A_722 = tpu.vector_load %arg12[%parallel_loop3A_720, %parallel_loop3A_721] {strides = array<i32>} : memref<100x128xf32, #tpu.memory_space<vmem>>, vector<1x16xf32>,
        %parallel_loop3A_723 = vector.shape_cast %parallel_loop3A_722 : vector<1x16xf32> to vector<16xf32>
        %parallel_loop3A_724 = vector.shape_cast %parallel_loop3A_717 : vector<16xf32> to vector<1x16xf32>
        tpu.vector_store %arg12[%parallel_loop3A_720, %parallel_loop3A_721], %parallel_loop3A_724 {strides = array<i32>} : memref<100x128xf32, #tpu.memory_space<vmem>>, vector<1x16xf32>,
        %parallel_loop3A_725 = arith.constant 0 : i32
        %parallel_loop3A_726 = arith.addi %parallel_loop3A_612, %parallel_loop3A_725 : i32
        %parallel_loop3A_727 = arith.index_cast %parallel_loop3A_726 : i32 to index
        %parallel_loop3A_728 = arith.constant 112 : index
        %parallel_loop3A_729 = tpu.vector_load %arg12[%parallel_loop3A_727, %parallel_loop3A_728] {strides = array<i32>} : memref<100x128xf32, #tpu.memory_space<vmem>>, vector<1x16xf32>,
        %parallel_loop3A_730 = vector.shape_cast %parallel_loop3A_729 : vector<1x16xf32> to vector<16xf32>
        %parallel_loop3A_731 = arith.constant 11.3137083 : f32
        %parallel_loop3A_732 = vector.broadcast %parallel_loop3A_731 : f32 to vector<16xf32>
        %parallel_loop3A_733 = arith.mulf %parallel_loop3A_730, %parallel_loop3A_732 : vector<16xf32>
        %parallel_loop3A_734 = arith.constant 0 : i32
        %parallel_loop3A_735 = arith.addi %parallel_loop3A_612, %parallel_loop3A_734 : i32
        %parallel_loop3A_736 = arith.index_cast %parallel_loop3A_735 : i32 to index
        %parallel_loop3A_737 = arith.constant 112 : index
        %parallel_loop3A_738 = tpu.vector_load %arg12[%parallel_loop3A_736, %parallel_loop3A_737] {strides = array<i32>} : memref<100x128xf32, #tpu.memory_space<vmem>>, vector<1x16xf32>,
        %parallel_loop3A_739 = vector.shape_cast %parallel_loop3A_738 : vector<1x16xf32> to vector<16xf32>
        %parallel_loop3A_740 = vector.shape_cast %parallel_loop3A_733 : vector<16xf32> to vector<1x16xf32>
        tpu.vector_store %arg12[%parallel_loop3A_736, %parallel_loop3A_737], %parallel_loop3A_740 {strides = array<i32>} : memref<100x128xf32, #tpu.memory_space<vmem>>, vector<1x16xf32>,
        %parallel_loop3A_741 = arith.constant 1 : i32
        %parallel_loop3A_742 = arith.addi %parallel_loop3A_612, %parallel_loop3A_741 : i32
        %parallel_loop3A_743 = arith.index_cast %parallel_loop3A_742 : i32 to index
        %parallel_loop3A_744 = arith.constant 0 : index
        %parallel_loop3A_745 = tpu.vector_load %arg12[%parallel_loop3A_743, %parallel_loop3A_744] {strides = array<i32>} : memref<100x128xf32, #tpu.memory_space<vmem>>, vector<1x16xf32>,
        %parallel_loop3A_746 = vector.shape_cast %parallel_loop3A_745 : vector<1x16xf32> to vector<16xf32>
        %parallel_loop3A_747 = arith.constant 11.3137083 : f32
        %parallel_loop3A_748 = vector.broadcast %parallel_loop3A_747 : f32 to vector<16xf32>
        %parallel_loop3A_749 = arith.mulf %parallel_loop3A_746, %parallel_loop3A_748 : vector<16xf32>
        %parallel_loop3A_750 = arith.constant 1 : i32
        %parallel_loop3A_751 = arith.addi %parallel_loop3A_612, %parallel_loop3A_750 : i32
        %parallel_loop3A_752 = arith.index_cast %parallel_loop3A_751 : i32 to index
        %parallel_loop3A_753 = arith.constant 0 : index
        %parallel_loop3A_754 = tpu.vector_load %arg12[%parallel_loop3A_752, %parallel_loop3A_753] {strides = array<i32>} : memref<100x128xf32, #tpu.memory_space<vmem>>, vector<1x16xf32>,
        %parallel_loop3A_755 = vector.shape_cast %parallel_loop3A_754 : vector<1x16xf32> to vector<16xf32>
        %parallel_loop3A_756 = vector.shape_cast %parallel_loop3A_749 : vector<16xf32> to vector<1x16xf32>
        tpu.vector_store %arg12[%parallel_loop3A_752, %parallel_loop3A_753], %parallel_loop3A_756 {strides = array<i32>} : memref<100x128xf32, #tpu.memory_space<vmem>>, vector<1x16xf32>,
        %parallel_loop3A_757 = arith.constant 1 : i32
        %parallel_loop3A_758 = arith.addi %parallel_loop3A_612, %parallel_loop3A_757 : i32
        %parallel_loop3A_759 = arith.index_cast %parallel_loop3A_758 : i32 to index
        %parallel_loop3A_760 = arith.constant 16 : index
        %parallel_loop3A_761 = tpu.vector_load %arg12[%parallel_loop3A_759, %parallel_loop3A_760] {strides = array<i32>} : memref<100x128xf32, #tpu.memory_space<vmem>>, vector<1x16xf32>,
        %parallel_loop3A_762 = vector.shape_cast %parallel_loop3A_761 : vector<1x16xf32> to vector<16xf32>
        %parallel_loop3A_763 = arith.constant 11.3137083 : f32
        %parallel_loop3A_764 = vector.broadcast %parallel_loop3A_763 : f32 to vector<16xf32>
        %parallel_loop3A_765 = arith.mulf %parallel_loop3A_762, %parallel_loop3A_764 : vector<16xf32>
        %parallel_loop3A_766 = arith.constant 1 : i32
        %parallel_loop3A_767 = arith.addi %parallel_loop3A_612, %parallel_loop3A_766 : i32
        %parallel_loop3A_768 = arith.index_cast %parallel_loop3A_767 : i32 to index
        %parallel_loop3A_769 = arith.constant 16 : index
        %parallel_loop3A_770 = tpu.vector_load %arg12[%parallel_loop3A_768, %parallel_loop3A_769] {strides = array<i32>} : memref<100x128xf32, #tpu.memory_space<vmem>>, vector<1x16xf32>,
        %parallel_loop3A_771 = vector.shape_cast %parallel_loop3A_770 : vector<1x16xf32> to vector<16xf32>
        %parallel_loop3A_772 = vector.shape_cast %parallel_loop3A_765 : vector<16xf32> to vector<1x16xf32>
        tpu.vector_store %arg12[%parallel_loop3A_768, %parallel_loop3A_769], %parallel_loop3A_772 {strides = array<i32>} : memref<100x128xf32, #tpu.memory_space<vmem>>, vector<1x16xf32>,
        %parallel_loop3A_773 = arith.constant 1 : i32
        %parallel_loop3A_774 = arith.addi %parallel_loop3A_612, %parallel_loop3A_773 : i32
        %parallel_loop3A_775 = arith.index_cast %parallel_loop3A_774 : i32 to index
        %parallel_loop3A_776 = arith.constant 32 : index
        %parallel_loop3A_777 = tpu.vector_load %arg12[%parallel_loop3A_775, %parallel_loop3A_776] {strides = array<i32>} : memref<100x128xf32, #tpu.memory_space<vmem>>, vector<1x16xf32>,
        %parallel_loop3A_778 = vector.shape_cast %parallel_loop3A_777 : vector<1x16xf32> to vector<16xf32>
        %parallel_loop3A_779 = arith.constant 11.3137083 : f32
        %parallel_loop3A_780 = vector.broadcast %parallel_loop3A_779 : f32 to vector<16xf32>
        %parallel_loop3A_781 = arith.mulf %parallel_loop3A_778, %parallel_loop3A_780 : vector<16xf32>
        %parallel_loop3A_782 = arith.constant 1 : i32
        %parallel_loop3A_783 = arith.addi %parallel_loop3A_612, %parallel_loop3A_782 : i32
        %parallel_loop3A_784 = arith.index_cast %parallel_loop3A_783 : i32 to index
        %parallel_loop3A_785 = arith.constant 32 : index
        %parallel_loop3A_786 = tpu.vector_load %arg12[%parallel_loop3A_784, %parallel_loop3A_785] {strides = array<i32>} : memref<100x128xf32, #tpu.memory_space<vmem>>, vector<1x16xf32>,
        %parallel_loop3A_787 = vector.shape_cast %parallel_loop3A_786 : vector<1x16xf32> to vector<16xf32>
        %parallel_loop3A_788 = vector.shape_cast %parallel_loop3A_781 : vector<16xf32> to vector<1x16xf32>
        tpu.vector_store %arg12[%parallel_loop3A_784, %parallel_loop3A_785], %parallel_loop3A_788 {strides = array<i32>} : memref<100x128xf32, #tpu.memory_space<vmem>>, vector<1x16xf32>,
        %parallel_loop3A_789 = arith.constant 1 : i32
        %parallel_loop3A_790 = arith.addi %parallel_loop3A_612, %parallel_loop3A_789 : i32
        %parallel_loop3A_791 = arith.index_cast %parallel_loop3A_790 : i32 to index
        %parallel_loop3A_792 = arith.constant 48 : index
        %parallel_loop3A_793 = tpu.vector_load %arg12[%parallel_loop3A_791, %parallel_loop3A_792] {strides = array<i32>} : memref<100x128xf32, #tpu.memory_space<vmem>>, vector<1x16xf32>,
        %parallel_loop3A_794 = vector.shape_cast %parallel_loop3A_793 : vector<1x16xf32> to vector<16xf32>
        %parallel_loop3A_795 = arith.constant 11.3137083 : f32
        %parallel_loop3A_796 = vector.broadcast %parallel_loop3A_795 : f32 to vector<16xf32>
        %parallel_loop3A_797 = arith.mulf %parallel_loop3A_794, %parallel_loop3A_796 : vector<16xf32>
        %parallel_loop3A_798 = arith.constant 1 : i32
        %parallel_loop3A_799 = arith.addi %parallel_loop3A_612, %parallel_loop3A_798 : i32
        %parallel_loop3A_800 = arith.index_cast %parallel_loop3A_799 : i32 to index
        %parallel_loop3A_801 = arith.constant 48 : index
        %parallel_loop3A_802 = tpu.vector_load %arg12[%parallel_loop3A_800, %parallel_loop3A_801] {strides = array<i32>} : memref<100x128xf32, #tpu.memory_space<vmem>>, vector<1x16xf32>,
        %parallel_loop3A_803 = vector.shape_cast %parallel_loop3A_802 : vector<1x16xf32> to vector<16xf32>
        %parallel_loop3A_804 = vector.shape_cast %parallel_loop3A_797 : vector<16xf32> to vector<1x16xf32>
        tpu.vector_store %arg12[%parallel_loop3A_800, %parallel_loop3A_801], %parallel_loop3A_804 {strides = array<i32>} : memref<100x128xf32, #tpu.memory_space<vmem>>, vector<1x16xf32>,
        %parallel_loop3A_805 = arith.constant 1 : i32
        %parallel_loop3A_806 = arith.addi %parallel_loop3A_612, %parallel_loop3A_805 : i32
        %parallel_loop3A_807 = arith.index_cast %parallel_loop3A_806 : i32 to index
        %parallel_loop3A_808 = arith.constant 64 : index
        %parallel_loop3A_809 = tpu.vector_load %arg12[%parallel_loop3A_807, %parallel_loop3A_808] {strides = array<i32>} : memref<100x128xf32, #tpu.memory_space<vmem>>, vector<1x16xf32>,
        %parallel_loop3A_810 = vector.shape_cast %parallel_loop3A_809 : vector<1x16xf32> to vector<16xf32>
        %parallel_loop3A_811 = arith.constant 11.3137083 : f32
        %parallel_loop3A_812 = vector.broadcast %parallel_loop3A_811 : f32 to vector<16xf32>
        %parallel_loop3A_813 = arith.mulf %parallel_loop3A_810, %parallel_loop3A_812 : vector<16xf32>
        %parallel_loop3A_814 = arith.constant 1 : i32
        %parallel_loop3A_815 = arith.addi %parallel_loop3A_612, %parallel_loop3A_814 : i32
        %parallel_loop3A_816 = arith.index_cast %parallel_loop3A_815 : i32 to index
        %parallel_loop3A_817 = arith.constant 64 : index
        %parallel_loop3A_818 = tpu.vector_load %arg12[%parallel_loop3A_816, %parallel_loop3A_817] {strides = array<i32>} : memref<100x128xf32, #tpu.memory_space<vmem>>, vector<1x16xf32>,
        %parallel_loop3A_819 = vector.shape_cast %parallel_loop3A_818 : vector<1x16xf32> to vector<16xf32>
        %parallel_loop3A_820 = vector.shape_cast %parallel_loop3A_813 : vector<16xf32> to vector<1x16xf32>
        tpu.vector_store %arg12[%parallel_loop3A_816, %parallel_loop3A_817], %parallel_loop3A_820 {strides = array<i32>} : memref<100x128xf32, #tpu.memory_space<vmem>>, vector<1x16xf32>,
        %parallel_loop3A_821 = arith.constant 1 : i32
        %parallel_loop3A_822 = arith.addi %parallel_loop3A_612, %parallel_loop3A_821 : i32
        %parallel_loop3A_823 = arith.index_cast %parallel_loop3A_822 : i32 to index
        %parallel_loop3A_824 = arith.constant 80 : index
        %parallel_loop3A_825 = tpu.vector_load %arg12[%parallel_loop3A_823, %parallel_loop3A_824] {strides = array<i32>} : memref<100x128xf32, #tpu.memory_space<vmem>>, vector<1x16xf32>,
        %parallel_loop3A_826 = vector.shape_cast %parallel_loop3A_825 : vector<1x16xf32> to vector<16xf32>
        %parallel_loop3A_827 = arith.constant 11.3137083 : f32
        %parallel_loop3A_828 = vector.broadcast %parallel_loop3A_827 : f32 to vector<16xf32>
        %parallel_loop3A_829 = arith.mulf %parallel_loop3A_826, %parallel_loop3A_828 : vector<16xf32>
        %parallel_loop3A_830 = arith.constant 1 : i32
        %parallel_loop3A_831 = arith.addi %parallel_loop3A_612, %parallel_loop3A_830 : i32
        %parallel_loop3A_832 = arith.index_cast %parallel_loop3A_831 : i32 to index
        %parallel_loop3A_833 = arith.constant 80 : index
        %parallel_loop3A_834 = tpu.vector_load %arg12[%parallel_loop3A_832, %parallel_loop3A_833] {strides = array<i32>} : memref<100x128xf32, #tpu.memory_space<vmem>>, vector<1x16xf32>,
        %parallel_loop3A_835 = vector.shape_cast %parallel_loop3A_834 : vector<1x16xf32> to vector<16xf32>
        %parallel_loop3A_836 = vector.shape_cast %parallel_loop3A_829 : vector<16xf32> to vector<1x16xf32>
        tpu.vector_store %arg12[%parallel_loop3A_832, %parallel_loop3A_833], %parallel_loop3A_836 {strides = array<i32>} : memref<100x128xf32, #tpu.memory_space<vmem>>, vector<1x16xf32>,
        %parallel_loop3A_837 = arith.constant 1 : i32
        %parallel_loop3A_838 = arith.addi %parallel_loop3A_612, %parallel_loop3A_837 : i32
        %parallel_loop3A_839 = arith.index_cast %parallel_loop3A_838 : i32 to index
        %parallel_loop3A_840 = arith.constant 96 : index
        %parallel_loop3A_841 = tpu.vector_load %arg12[%parallel_loop3A_839, %parallel_loop3A_840] {strides = array<i32>} : memref<100x128xf32, #tpu.memory_space<vmem>>, vector<1x16xf32>,
        %parallel_loop3A_842 = vector.shape_cast %parallel_loop3A_841 : vector<1x16xf32> to vector<16xf32>
        %parallel_loop3A_843 = arith.constant 11.3137083 : f32
        %parallel_loop3A_844 = vector.broadcast %parallel_loop3A_843 : f32 to vector<16xf32>
        %parallel_loop3A_845 = arith.mulf %parallel_loop3A_842, %parallel_loop3A_844 : vector<16xf32>
        %parallel_loop3A_846 = arith.constant 1 : i32
        %parallel_loop3A_847 = arith.addi %parallel_loop3A_612, %parallel_loop3A_846 : i32
        %parallel_loop3A_848 = arith.index_cast %parallel_loop3A_847 : i32 to index
        %parallel_loop3A_849 = arith.constant 96 : index
        %parallel_loop3A_850 = tpu.vector_load %arg12[%parallel_loop3A_848, %parallel_loop3A_849] {strides = array<i32>} : memref<100x128xf32, #tpu.memory_space<vmem>>, vector<1x16xf32>,
        %parallel_loop3A_851 = vector.shape_cast %parallel_loop3A_850 : vector<1x16xf32> to vector<16xf32>
        %parallel_loop3A_852 = vector.shape_cast %parallel_loop3A_845 : vector<16xf32> to vector<1x16xf32>
        tpu.vector_store %arg12[%parallel_loop3A_848, %parallel_loop3A_849], %parallel_loop3A_852 {strides = array<i32>} : memref<100x128xf32, #tpu.memory_space<vmem>>, vector<1x16xf32>,
        %parallel_loop3A_853 = arith.constant 1 : i32
        %parallel_loop3A_854 = arith.addi %parallel_loop3A_612, %parallel_loop3A_853 : i32
        %parallel_loop3A_855 = arith.index_cast %parallel_loop3A_854 : i32 to index
        %parallel_loop3A_856 = arith.constant 112 : index
        %parallel_loop3A_857 = tpu.vector_load %arg12[%parallel_loop3A_855, %parallel_loop3A_856] {strides = array<i32>} : memref<100x128xf32, #tpu.memory_space<vmem>>, vector<1x16xf32>,
        %parallel_loop3A_858 = vector.shape_cast %parallel_loop3A_857 : vector<1x16xf32> to vector<16xf32>
        %parallel_loop3A_859 = arith.constant 11.3137083 : f32
        %parallel_loop3A_860 = vector.broadcast %parallel_loop3A_859 : f32 to vector<16xf32>
        %parallel_loop3A_861 = arith.mulf %parallel_loop3A_858, %parallel_loop3A_860 : vector<16xf32>
        %parallel_loop3A_862 = arith.constant 1 : i32
        %parallel_loop3A_863 = arith.addi %parallel_loop3A_612, %parallel_loop3A_862 : i32
        %parallel_loop3A_864 = arith.index_cast %parallel_loop3A_863 : i32 to index
        %parallel_loop3A_865 = arith.constant 112 : index
        %parallel_loop3A_866 = tpu.vector_load %arg12[%parallel_loop3A_864, %parallel_loop3A_865] {strides = array<i32>} : memref<100x128xf32, #tpu.memory_space<vmem>>, vector<1x16xf32>,
        %parallel_loop3A_867 = vector.shape_cast %parallel_loop3A_866 : vector<1x16xf32> to vector<16xf32>
        %parallel_loop3A_868 = vector.shape_cast %parallel_loop3A_861 : vector<16xf32> to vector<1x16xf32>
        tpu.vector_store %arg12[%parallel_loop3A_864, %parallel_loop3A_865], %parallel_loop3A_868 {strides = array<i32>} : memref<100x128xf32, #tpu.memory_space<vmem>>, vector<1x16xf32>,
      } {sc.loop_unroll_factor = 2 : i64, sc.parallel_access}
      %mul3A_510 = arith.constant 2 : i32
      %mul3A_511 = arith.muli %add3A_487, %mul3A_510 : i32
      %add3A_512 = arith.addi %mul3A_2, %mul3A_511 : i32
      %add3A_513 = arith.constant 0 : i32
      %add3A_514 = arith.addi %add3A_512, %add3A_513 : i32
      %dma_start3A_515 = arith.constant 0 : i32
      %dma_start3A_516 = arith.constant 0 : i32
      %dma_start3A_517 = tpu.memref_slice %arg12[%dma_start3A_515, %dma_start3A_516] : memref<100x128xf32, #tpu.memory_space<vmem>> -> memref<50x128xf32, #tpu.memory_space<vmem>>
      %dma_start3A_518 = arith.constant 0 : i32
      %dma_start3A_519 = arith.constant 0 : i32
      %dma_start3A_520 = tpu.memref_slice %arg4[%add3A_514, %dma_start3A_518, %dma_start3A_519] : memref<4096x50x128xf32, #tpu.memory_space<hbm>> -> memref<1x50x128xf32, #tpu.memory_space<hbm>>
      %dma_start3A_521 = tpu.memref_squeeze %dma_start3A_520 : memref<1x50x128xf32, #tpu.memory_space<hbm>> -> memref<50x128xf32, #tpu.memory_space<hbm>>
      %dma_start3A_522 = arith.constant 0 : i32
      %dma_start3A_523 = arith.constant 0 : i32
      %dma_start3A_524 = tpu.memref_slice %arg4[%add3A_514, %dma_start3A_522, %dma_start3A_523] : memref<4096x50x128xf32, #tpu.memory_space<hbm>> -> memref<1x50x128xf32, #tpu.memory_space<hbm>>
      %dma_start3A_525 = tpu.memref_squeeze %dma_start3A_524 : memref<1x50x128xf32, #tpu.memory_space<hbm>> -> memref<50x128xf32, #tpu.memory_space<hbm>>
      %dma_start3A_526 = arith.constant 0 : i32
      %dma_start3A_527 = arith.constant 0 : i32
      %dma_start3A_528 = tpu.memref_slice %arg12[%dma_start3A_526, %dma_start3A_527] : memref<100x128xf32, #tpu.memory_space<vmem>> -> memref<50x128xf32, #tpu.memory_space<vmem>>
      tpu.enqueue_dma source(%dma_start3A_528 : memref<50x128xf32, #tpu.memory_space<vmem>>) target(%dma_start3A_525 : memref<50x128xf32, #tpu.memory_space<hbm>>) target_semaphore(%arg28 : memref<!tpu.dma_semaphore, #tpu.memory_space<semaphore_mem>>)
      %mul3A_529 = arith.constant 2 : i32
      %mul3A_530 = arith.muli %add3A_487, %mul3A_529 : i32
      %add3A_531 = arith.addi %mul3A_2, %mul3A_530 : i32
      %add3A_532 = arith.constant 1 : i32
      %add3A_533 = arith.addi %add3A_531, %add3A_532 : i32
      %dma_start3A_534 = arith.constant 50 : i32
      %dma_start3A_535 = arith.constant 0 : i32
      %dma_start3A_536 = tpu.memref_slice %arg12[%dma_start3A_534, %dma_start3A_535] : memref<100x128xf32, #tpu.memory_space<vmem>> -> memref<50x128xf32, #tpu.memory_space<vmem>>
      %dma_start3A_537 = arith.constant 0 : i32
      %dma_start3A_538 = arith.constant 0 : i32
      %dma_start3A_539 = tpu.memref_slice %arg4[%add3A_533, %dma_start3A_537, %dma_start3A_538] : memref<4096x50x128xf32, #tpu.memory_space<hbm>> -> memref<1x50x128xf32, #tpu.memory_space<hbm>>
      %dma_start3A_540 = tpu.memref_squeeze %dma_start3A_539 : memref<1x50x128xf32, #tpu.memory_space<hbm>> -> memref<50x128xf32, #tpu.memory_space<hbm>>
      %dma_start3A_541 = arith.constant 0 : i32
      %dma_start3A_542 = arith.constant 0 : i32
      %dma_start3A_543 = tpu.memref_slice %arg4[%add3A_533, %dma_start3A_541, %dma_start3A_542] : memref<4096x50x128xf32, #tpu.memory_space<hbm>> -> memref<1x50x128xf32, #tpu.memory_space<hbm>>
      %dma_start3A_544 = tpu.memref_squeeze %dma_start3A_543 : memref<1x50x128xf32, #tpu.memory_space<hbm>> -> memref<50x128xf32, #tpu.memory_space<hbm>>
      %dma_start3A_545 = arith.constant 50 : i32
      %dma_start3A_546 = arith.constant 0 : i32
      %dma_start3A_547 = tpu.memref_slice %arg12[%dma_start3A_545, %dma_start3A_546] : memref<100x128xf32, #tpu.memory_space<vmem>> -> memref<50x128xf32, #tpu.memory_space<vmem>>
      tpu.enqueue_dma source(%dma_start3A_547 : memref<50x128xf32, #tpu.memory_space<vmem>>) target(%dma_start3A_544 : memref<50x128xf32, #tpu.memory_space<hbm>>) target_semaphore(%arg28 : memref<!tpu.dma_semaphore, #tpu.memory_space<semaphore_mem>>)
      %mul3A_548 = arith.constant 8 : i32
      %mul3A_549 = arith.muli %scan3A_104, %mul3A_548 : i32
      %add3A_550 = arith.constant 7 : i32
      %add3A_551 = arith.addi %mul3A_549, %add3A_550 : i32
      %ge3A_552 = arith.constant 2 : i32
      %ge3A_553 = arith.cmpi sge, %add3A_551, %ge3A_552 : i32
      %convert_element_type3A_554 = arith.extui %ge3A_553 : i1 to i32
      %cond3A_555 = arith.constant 0 : i32
      %cond3A_556 = arith.cmpi ne, %convert_element_type3A_554, %cond3A_555 : i32
      scf.if %cond3A_556 {
        %dma_wait3A_612 = arith.constant 0 : i32
        %dma_wait3A_613 = arith.constant 0 : i32
        %dma_wait3A_614 = tpu.memref_slice %arg11[%dma_wait3A_612, %dma_wait3A_613] : memref<100x128xf32, #tpu.memory_space<vmem>> -> memref<50x128xf32, #tpu.memory_space<vmem>>
        %dma_wait3A_615 = arith.constant 0 : i32
        %dma_wait3A_616 = arith.constant 0 : i32
        %dma_wait3A_617 = tpu.memref_slice %arg4[%mul3A_2, %dma_wait3A_615, %dma_wait3A_616] : memref<4096x50x128xf32, #tpu.memory_space<hbm>> -> memref<1x50x128xf32, #tpu.memory_space<hbm>>
        %dma_wait3A_618 = tpu.memref_squeeze %dma_wait3A_617 : memref<1x50x128xf32, #tpu.memory_space<hbm>> -> memref<50x128xf32, #tpu.memory_space<hbm>>
        %dma_wait3A_619 = arith.constant 0 : i32
        %dma_wait3A_620 = arith.constant 0 : i32
        %dma_wait3A_621 = tpu.memref_slice %arg4[%mul3A_2, %dma_wait3A_619, %dma_wait3A_620] : memref<4096x50x128xf32, #tpu.memory_space<hbm>> -> memref<1x50x128xf32, #tpu.memory_space<hbm>>
        %dma_wait3A_622 = tpu.memref_squeeze %dma_wait3A_621 : memref<1x50x128xf32, #tpu.memory_space<hbm>> -> memref<50x128xf32, #tpu.memory_space<hbm>>
        %dma_wait3A_623 = arith.constant 0 : i32
        %dma_wait3A_624 = arith.constant 0 : i32
        %dma_wait3A_625 = tpu.memref_slice %arg11[%dma_wait3A_623, %dma_wait3A_624] : memref<100x128xf32, #tpu.memory_space<vmem>> -> memref<50x128xf32, #tpu.memory_space<vmem>>
        tpu.wait_dma2 semaphore(%arg27 : memref<!tpu.dma_semaphore, #tpu.memory_space<semaphore_mem>>) src(%dma_wait3A_625 : memref<50x128xf32, #tpu.memory_space<vmem>>) dst(%dma_wait3A_622 : memref<50x128xf32, #tpu.memory_space<hbm>>)
        %dma_wait3A_626 = arith.constant 50 : i32
        %dma_wait3A_627 = arith.constant 0 : i32
        %dma_wait3A_628 = tpu.memref_slice %arg11[%dma_wait3A_626, %dma_wait3A_627] : memref<100x128xf32, #tpu.memory_space<vmem>> -> memref<50x128xf32, #tpu.memory_space<vmem>>
        %dma_wait3A_629 = arith.constant 0 : i32
        %dma_wait3A_630 = arith.constant 0 : i32
        %dma_wait3A_631 = tpu.memref_slice %arg4[%mul3A_2, %dma_wait3A_629, %dma_wait3A_630] : memref<4096x50x128xf32, #tpu.memory_space<hbm>> -> memref<1x50x128xf32, #tpu.memory_space<hbm>>
        %dma_wait3A_632 = tpu.memref_squeeze %dma_wait3A_631 : memref<1x50x128xf32, #tpu.memory_space<hbm>> -> memref<50x128xf32, #tpu.memory_space<hbm>>
        %dma_wait3A_633 = arith.constant 0 : i32
        %dma_wait3A_634 = arith.constant 0 : i32
        %dma_wait3A_635 = tpu.memref_slice %arg4[%mul3A_2, %dma_wait3A_633, %dma_wait3A_634] : memref<4096x50x128xf32, #tpu.memory_space<hbm>> -> memref<1x50x128xf32, #tpu.memory_space<hbm>>
        %dma_wait3A_636 = tpu.memref_squeeze %dma_wait3A_635 : memref<1x50x128xf32, #tpu.memory_space<hbm>> -> memref<50x128xf32, #tpu.memory_space<hbm>>
        %dma_wait3A_637 = arith.constant 50 : i32
        %dma_wait3A_638 = arith.constant 0 : i32
        %dma_wait3A_639 = tpu.memref_slice %arg11[%dma_wait3A_637, %dma_wait3A_638] : memref<100x128xf32, #tpu.memory_space<vmem>> -> memref<50x128xf32, #tpu.memory_space<vmem>>
        tpu.wait_dma2 semaphore(%arg27 : memref<!tpu.dma_semaphore, #tpu.memory_space<semaphore_mem>>) src(%dma_wait3A_639 : memref<50x128xf32, #tpu.memory_space<vmem>>) dst(%dma_wait3A_636 : memref<50x128xf32, #tpu.memory_space<hbm>>)
      } else {
      }
      %add3A_557 = arith.constant 6 : i32
      %add3A_558 = arith.addi %add3A_551, %add3A_557 : i32
      %lt3A_559 = arith.constant 64 : i32
      %lt3A_560 = arith.cmpi slt, %add3A_558, %lt3A_559 : i32
      %convert_element_type3A_561 = arith.extui %lt3A_560 : i1 to i32
      %cond3A_562 = arith.constant 0 : i32
      %cond3A_563 = arith.cmpi ne, %convert_element_type3A_561, %cond3A_562 : i32
      scf.if %cond3A_563 {
        %add3A_612 = arith.constant 6 : i32
        %add3A_613 = arith.addi %add3A_551, %add3A_612 : i32
        %dma_start3A_614 = arith.constant 0 : i32
        %dma_start3A_615 = tpu.memref_slice %arg5[%add3A_613, %dma_start3A_614] : memref<64x100xi32, #tpu.memory_space<vmem>> -> memref<1x100xi32, #tpu.memory_space<vmem>>
        %dma_start3A_616 = tpu.memref_squeeze %dma_start3A_615 : memref<1x100xi32, #tpu.memory_space<vmem>> -> memref<100xi32, #tpu.memory_space<vmem>>
        %dma_start3A_617 = arith.constant 0 : i32
        %dma_start3A_618 = arith.constant 0 : i32
        %dma_start3A_619 = tpu.memref_slice %arg3[%dma_start3A_617, %dma_start3A_618] : memref<100000x128xf32, #tpu.memory_space<hbm>> -> memref<100000x128xf32, #tpu.memory_space<hbm>>
        tpu.enqueue_indirect_dma source(%dma_start3A_619 : memref<100000x128xf32, #tpu.memory_space<hbm>>) target(%arg11 : memref<100x128xf32, #tpu.memory_space<vmem>>) offsets(%dma_start3A_616 : memref<100xi32, #tpu.memory_space<vmem>>) semaphore(%arg19 : memref<!tpu.dma_semaphore, #tpu.memory_space<semaphore_mem>>)
      } else {
      }
      %dma_wait3A_564 = arith.constant 0 : i32
      %dma_wait3A_565 = arith.constant 0 : i32
      %dma_wait3A_566 = tpu.memref_slice %arg5[%dma_wait3A_564, %dma_wait3A_565] : memref<64x100xi32, #tpu.memory_space<vmem>> -> memref<1x100xi32, #tpu.memory_space<vmem>>
      %dma_wait3A_567 = tpu.memref_squeeze %dma_wait3A_566 : memref<1x100xi32, #tpu.memory_space<vmem>> -> memref<100xi32, #tpu.memory_space<vmem>>
      %dma_wait3A_568 = arith.constant 0 : i32
      %dma_wait3A_569 = arith.constant 0 : i32
      %dma_wait3A_570 = tpu.memref_slice %arg3[%dma_wait3A_568, %dma_wait3A_569] : memref<100000x128xf32, #tpu.memory_space<hbm>> -> memref<100000x128xf32, #tpu.memory_space<hbm>>
      tpu.wait_indirect_dma semaphore(%arg21 : memref<!tpu.dma_semaphore, #tpu.memory_space<semaphore_mem>>) src(%dma_wait3A_570 : memref<100000x128xf32, #tpu.memory_space<hbm>>) dst(%arg13 : memref<100x128xf32, #tpu.memory_space<vmem>>)
      %parallel_loop3A_571 = arith.constant 0 : i32
      %parallel_loop3A_572 = arith.constant 100 : i32
      %parallel_loop3A_573 = arith.constant 2 : i32
      scf.for %parallel_loop3A_612 = %parallel_loop3A_571 to %parallel_loop3A_572 step %parallel_loop3A_573  : i32 {
        %parallel_loop3A_613 = arith.constant 0 : i32
        %parallel_loop3A_614 = arith.addi %parallel_loop3A_612, %parallel_loop3A_613 : i32
        %parallel_loop3A_615 = arith.index_cast %parallel_loop3A_614 : i32 to index
        %parallel_loop3A_616 = arith.constant 0 : index
        %parallel_loop3A_617 = tpu.vector_load %arg13[%parallel_loop3A_615, %parallel_loop3A_616] {strides = array<i32>} : memref<100x128xf32, #tpu.memory_space<vmem>>, vector<1x16xf32>,
        %parallel_loop3A_618 = vector.shape_cast %parallel_loop3A_617 : vector<1x16xf32> to vector<16xf32>
        %parallel_loop3A_619 = arith.constant 11.3137083 : f32
        %parallel_loop3A_620 = vector.broadcast %parallel_loop3A_619 : f32 to vector<16xf32>
        %parallel_loop3A_621 = arith.mulf %parallel_loop3A_618, %parallel_loop3A_620 : vector<16xf32>
        %parallel_loop3A_622 = arith.constant 0 : i32
        %parallel_loop3A_623 = arith.addi %parallel_loop3A_612, %parallel_loop3A_622 : i32
        %parallel_loop3A_624 = arith.index_cast %parallel_loop3A_623 : i32 to index
        %parallel_loop3A_625 = arith.constant 0 : index
        %parallel_loop3A_626 = tpu.vector_load %arg13[%parallel_loop3A_624, %parallel_loop3A_625] {strides = array<i32>} : memref<100x128xf32, #tpu.memory_space<vmem>>, vector<1x16xf32>,
        %parallel_loop3A_627 = vector.shape_cast %parallel_loop3A_626 : vector<1x16xf32> to vector<16xf32>
        %parallel_loop3A_628 = vector.shape_cast %parallel_loop3A_621 : vector<16xf32> to vector<1x16xf32>
        tpu.vector_store %arg13[%parallel_loop3A_624, %parallel_loop3A_625], %parallel_loop3A_628 {strides = array<i32>} : memref<100x128xf32, #tpu.memory_space<vmem>>, vector<1x16xf32>,
        %parallel_loop3A_629 = arith.constant 0 : i32
        %parallel_loop3A_630 = arith.addi %parallel_loop3A_612, %parallel_loop3A_629 : i32
        %parallel_loop3A_631 = arith.index_cast %parallel_loop3A_630 : i32 to index
        %parallel_loop3A_632 = arith.constant 16 : index
        %parallel_loop3A_633 = tpu.vector_load %arg13[%parallel_loop3A_631, %parallel_loop3A_632] {strides = array<i32>} : memref<100x128xf32, #tpu.memory_space<vmem>>, vector<1x16xf32>,
        %parallel_loop3A_634 = vector.shape_cast %parallel_loop3A_633 : vector<1x16xf32> to vector<16xf32>
        %parallel_loop3A_635 = arith.constant 11.3137083 : f32
        %parallel_loop3A_636 = vector.broadcast %parallel_loop3A_635 : f32 to vector<16xf32>
        %parallel_loop3A_637 = arith.mulf %parallel_loop3A_634, %parallel_loop3A_636 : vector<16xf32>
        %parallel_loop3A_638 = arith.constant 0 : i32
        %parallel_loop3A_639 = arith.addi %parallel_loop3A_612, %parallel_loop3A_638 : i32
        %parallel_loop3A_640 = arith.index_cast %parallel_loop3A_639 : i32 to index
        %parallel_loop3A_641 = arith.constant 16 : index
        %parallel_loop3A_642 = tpu.vector_load %arg13[%parallel_loop3A_640, %parallel_loop3A_641] {strides = array<i32>} : memref<100x128xf32, #tpu.memory_space<vmem>>, vector<1x16xf32>,
        %parallel_loop3A_643 = vector.shape_cast %parallel_loop3A_642 : vector<1x16xf32> to vector<16xf32>
        %parallel_loop3A_644 = vector.shape_cast %parallel_loop3A_637 : vector<16xf32> to vector<1x16xf32>
        tpu.vector_store %arg13[%parallel_loop3A_640, %parallel_loop3A_641], %parallel_loop3A_644 {strides = array<i32>} : memref<100x128xf32, #tpu.memory_space<vmem>>, vector<1x16xf32>,
        %parallel_loop3A_645 = arith.constant 0 : i32
        %parallel_loop3A_646 = arith.addi %parallel_loop3A_612, %parallel_loop3A_645 : i32
        %parallel_loop3A_647 = arith.index_cast %parallel_loop3A_646 : i32 to index
        %parallel_loop3A_648 = arith.constant 32 : index
        %parallel_loop3A_649 = tpu.vector_load %arg13[%parallel_loop3A_647, %parallel_loop3A_648] {strides = array<i32>} : memref<100x128xf32, #tpu.memory_space<vmem>>, vector<1x16xf32>,
        %parallel_loop3A_650 = vector.shape_cast %parallel_loop3A_649 : vector<1x16xf32> to vector<16xf32>
        %parallel_loop3A_651 = arith.constant 11.3137083 : f32
        %parallel_loop3A_652 = vector.broadcast %parallel_loop3A_651 : f32 to vector<16xf32>
        %parallel_loop3A_653 = arith.mulf %parallel_loop3A_650, %parallel_loop3A_652 : vector<16xf32>
        %parallel_loop3A_654 = arith.constant 0 : i32
        %parallel_loop3A_655 = arith.addi %parallel_loop3A_612, %parallel_loop3A_654 : i32
        %parallel_loop3A_656 = arith.index_cast %parallel_loop3A_655 : i32 to index
        %parallel_loop3A_657 = arith.constant 32 : index
        %parallel_loop3A_658 = tpu.vector_load %arg13[%parallel_loop3A_656, %parallel_loop3A_657] {strides = array<i32>} : memref<100x128xf32, #tpu.memory_space<vmem>>, vector<1x16xf32>,
        %parallel_loop3A_659 = vector.shape_cast %parallel_loop3A_658 : vector<1x16xf32> to vector<16xf32>
        %parallel_loop3A_660 = vector.shape_cast %parallel_loop3A_653 : vector<16xf32> to vector<1x16xf32>
        tpu.vector_store %arg13[%parallel_loop3A_656, %parallel_loop3A_657], %parallel_loop3A_660 {strides = array<i32>} : memref<100x128xf32, #tpu.memory_space<vmem>>, vector<1x16xf32>,
        %parallel_loop3A_661 = arith.constant 0 : i32
        %parallel_loop3A_662 = arith.addi %parallel_loop3A_612, %parallel_loop3A_661 : i32
        %parallel_loop3A_663 = arith.index_cast %parallel_loop3A_662 : i32 to index
        %parallel_loop3A_664 = arith.constant 48 : index
        %parallel_loop3A_665 = tpu.vector_load %arg13[%parallel_loop3A_663, %parallel_loop3A_664] {strides = array<i32>} : memref<100x128xf32, #tpu.memory_space<vmem>>, vector<1x16xf32>,
        %parallel_loop3A_666 = vector.shape_cast %parallel_loop3A_665 : vector<1x16xf32> to vector<16xf32>
        %parallel_loop3A_667 = arith.constant 11.3137083 : f32
        %parallel_loop3A_668 = vector.broadcast %parallel_loop3A_667 : f32 to vector<16xf32>
        %parallel_loop3A_669 = arith.mulf %parallel_loop3A_666, %parallel_loop3A_668 : vector<16xf32>
        %parallel_loop3A_670 = arith.constant 0 : i32
        %parallel_loop3A_671 = arith.addi %parallel_loop3A_612, %parallel_loop3A_670 : i32
        %parallel_loop3A_672 = arith.index_cast %parallel_loop3A_671 : i32 to index
        %parallel_loop3A_673 = arith.constant 48 : index
        %parallel_loop3A_674 = tpu.vector_load %arg13[%parallel_loop3A_672, %parallel_loop3A_673] {strides = array<i32>} : memref<100x128xf32, #tpu.memory_space<vmem>>, vector<1x16xf32>,
        %parallel_loop3A_675 = vector.shape_cast %parallel_loop3A_674 : vector<1x16xf32> to vector<16xf32>
        %parallel_loop3A_676 = vector.shape_cast %parallel_loop3A_669 : vector<16xf32> to vector<1x16xf32>
        tpu.vector_store %arg13[%parallel_loop3A_672, %parallel_loop3A_673], %parallel_loop3A_676 {strides = array<i32>} : memref<100x128xf32, #tpu.memory_space<vmem>>, vector<1x16xf32>,
        %parallel_loop3A_677 = arith.constant 0 : i32
        %parallel_loop3A_678 = arith.addi %parallel_loop3A_612, %parallel_loop3A_677 : i32
        %parallel_loop3A_679 = arith.index_cast %parallel_loop3A_678 : i32 to index
        %parallel_loop3A_680 = arith.constant 64 : index
        %parallel_loop3A_681 = tpu.vector_load %arg13[%parallel_loop3A_679, %parallel_loop3A_680] {strides = array<i32>} : memref<100x128xf32, #tpu.memory_space<vmem>>, vector<1x16xf32>,
        %parallel_loop3A_682 = vector.shape_cast %parallel_loop3A_681 : vector<1x16xf32> to vector<16xf32>
        %parallel_loop3A_683 = arith.constant 11.3137083 : f32
        %parallel_loop3A_684 = vector.broadcast %parallel_loop3A_683 : f32 to vector<16xf32>
        %parallel_loop3A_685 = arith.mulf %parallel_loop3A_682, %parallel_loop3A_684 : vector<16xf32>
        %parallel_loop3A_686 = arith.constant 0 : i32
        %parallel_loop3A_687 = arith.addi %parallel_loop3A_612, %parallel_loop3A_686 : i32
        %parallel_loop3A_688 = arith.index_cast %parallel_loop3A_687 : i32 to index
        %parallel_loop3A_689 = arith.constant 64 : index
        %parallel_loop3A_690 = tpu.vector_load %arg13[%parallel_loop3A_688, %parallel_loop3A_689] {strides = array<i32>} : memref<100x128xf32, #tpu.memory_space<vmem>>, vector<1x16xf32>,
        %parallel_loop3A_691 = vector.shape_cast %parallel_loop3A_690 : vector<1x16xf32> to vector<16xf32>
        %parallel_loop3A_692 = vector.shape_cast %parallel_loop3A_685 : vector<16xf32> to vector<1x16xf32>
        tpu.vector_store %arg13[%parallel_loop3A_688, %parallel_loop3A_689], %parallel_loop3A_692 {strides = array<i32>} : memref<100x128xf32, #tpu.memory_space<vmem>>, vector<1x16xf32>,
        %parallel_loop3A_693 = arith.constant 0 : i32
        %parallel_loop3A_694 = arith.addi %parallel_loop3A_612, %parallel_loop3A_693 : i32
        %parallel_loop3A_695 = arith.index_cast %parallel_loop3A_694 : i32 to index
        %parallel_loop3A_696 = arith.constant 80 : index
        %parallel_loop3A_697 = tpu.vector_load %arg13[%parallel_loop3A_695, %parallel_loop3A_696] {strides = array<i32>} : memref<100x128xf32, #tpu.memory_space<vmem>>, vector<1x16xf32>,
        %parallel_loop3A_698 = vector.shape_cast %parallel_loop3A_697 : vector<1x16xf32> to vector<16xf32>
        %parallel_loop3A_699 = arith.constant 11.3137083 : f32
        %parallel_loop3A_700 = vector.broadcast %parallel_loop3A_699 : f32 to vector<16xf32>
        %parallel_loop3A_701 = arith.mulf %parallel_loop3A_698, %parallel_loop3A_700 : vector<16xf32>
        %parallel_loop3A_702 = arith.constant 0 : i32
        %parallel_loop3A_703 = arith.addi %parallel_loop3A_612, %parallel_loop3A_702 : i32
        %parallel_loop3A_704 = arith.index_cast %parallel_loop3A_703 : i32 to index
        %parallel_loop3A_705 = arith.constant 80 : index
        %parallel_loop3A_706 = tpu.vector_load %arg13[%parallel_loop3A_704, %parallel_loop3A_705] {strides = array<i32>} : memref<100x128xf32, #tpu.memory_space<vmem>>, vector<1x16xf32>,
        %parallel_loop3A_707 = vector.shape_cast %parallel_loop3A_706 : vector<1x16xf32> to vector<16xf32>
        %parallel_loop3A_708 = vector.shape_cast %parallel_loop3A_701 : vector<16xf32> to vector<1x16xf32>
        tpu.vector_store %arg13[%parallel_loop3A_704, %parallel_loop3A_705], %parallel_loop3A_708 {strides = array<i32>} : memref<100x128xf32, #tpu.memory_space<vmem>>, vector<1x16xf32>,
        %parallel_loop3A_709 = arith.constant 0 : i32
        %parallel_loop3A_710 = arith.addi %parallel_loop3A_612, %parallel_loop3A_709 : i32
        %parallel_loop3A_711 = arith.index_cast %parallel_loop3A_710 : i32 to index
        %parallel_loop3A_712 = arith.constant 96 : index
        %parallel_loop3A_713 = tpu.vector_load %arg13[%parallel_loop3A_711, %parallel_loop3A_712] {strides = array<i32>} : memref<100x128xf32, #tpu.memory_space<vmem>>, vector<1x16xf32>,
        %parallel_loop3A_714 = vector.shape_cast %parallel_loop3A_713 : vector<1x16xf32> to vector<16xf32>
        %parallel_loop3A_715 = arith.constant 11.3137083 : f32
        %parallel_loop3A_716 = vector.broadcast %parallel_loop3A_715 : f32 to vector<16xf32>
        %parallel_loop3A_717 = arith.mulf %parallel_loop3A_714, %parallel_loop3A_716 : vector<16xf32>
        %parallel_loop3A_718 = arith.constant 0 : i32
        %parallel_loop3A_719 = arith.addi %parallel_loop3A_612, %parallel_loop3A_718 : i32
        %parallel_loop3A_720 = arith.index_cast %parallel_loop3A_719 : i32 to index
        %parallel_loop3A_721 = arith.constant 96 : index
        %parallel_loop3A_722 = tpu.vector_load %arg13[%parallel_loop3A_720, %parallel_loop3A_721] {strides = array<i32>} : memref<100x128xf32, #tpu.memory_space<vmem>>, vector<1x16xf32>,
        %parallel_loop3A_723 = vector.shape_cast %parallel_loop3A_722 : vector<1x16xf32> to vector<16xf32>
        %parallel_loop3A_724 = vector.shape_cast %parallel_loop3A_717 : vector<16xf32> to vector<1x16xf32>
        tpu.vector_store %arg13[%parallel_loop3A_720, %parallel_loop3A_721], %parallel_loop3A_724 {strides = array<i32>} : memref<100x128xf32, #tpu.memory_space<vmem>>, vector<1x16xf32>,
        %parallel_loop3A_725 = arith.constant 0 : i32
        %parallel_loop3A_726 = arith.addi %parallel_loop3A_612, %parallel_loop3A_725 : i32
        %parallel_loop3A_727 = arith.index_cast %parallel_loop3A_726 : i32 to index
        %parallel_loop3A_728 = arith.constant 112 : index
        %parallel_loop3A_729 = tpu.vector_load %arg13[%parallel_loop3A_727, %parallel_loop3A_728] {strides = array<i32>} : memref<100x128xf32, #tpu.memory_space<vmem>>, vector<1x16xf32>,
        %parallel_loop3A_730 = vector.shape_cast %parallel_loop3A_729 : vector<1x16xf32> to vector<16xf32>
        %parallel_loop3A_731 = arith.constant 11.3137083 : f32
        %parallel_loop3A_732 = vector.broadcast %parallel_loop3A_731 : f32 to vector<16xf32>
        %parallel_loop3A_733 = arith.mulf %parallel_loop3A_730, %parallel_loop3A_732 : vector<16xf32>
        %parallel_loop3A_734 = arith.constant 0 : i32
        %parallel_loop3A_735 = arith.addi %parallel_loop3A_612, %parallel_loop3A_734 : i32
        %parallel_loop3A_736 = arith.index_cast %parallel_loop3A_735 : i32 to index
        %parallel_loop3A_737 = arith.constant 112 : index
        %parallel_loop3A_738 = tpu.vector_load %arg13[%parallel_loop3A_736, %parallel_loop3A_737] {strides = array<i32>} : memref<100x128xf32, #tpu.memory_space<vmem>>, vector<1x16xf32>,
        %parallel_loop3A_739 = vector.shape_cast %parallel_loop3A_738 : vector<1x16xf32> to vector<16xf32>
        %parallel_loop3A_740 = vector.shape_cast %parallel_loop3A_733 : vector<16xf32> to vector<1x16xf32>
        tpu.vector_store %arg13[%parallel_loop3A_736, %parallel_loop3A_737], %parallel_loop3A_740 {strides = array<i32>} : memref<100x128xf32, #tpu.memory_space<vmem>>, vector<1x16xf32>,
        %parallel_loop3A_741 = arith.constant 1 : i32
        %parallel_loop3A_742 = arith.addi %parallel_loop3A_612, %parallel_loop3A_741 : i32
        %parallel_loop3A_743 = arith.index_cast %parallel_loop3A_742 : i32 to index
        %parallel_loop3A_744 = arith.constant 0 : index
        %parallel_loop3A_745 = tpu.vector_load %arg13[%parallel_loop3A_743, %parallel_loop3A_744] {strides = array<i32>} : memref<100x128xf32, #tpu.memory_space<vmem>>, vector<1x16xf32>,
        %parallel_loop3A_746 = vector.shape_cast %parallel_loop3A_745 : vector<1x16xf32> to vector<16xf32>
        %parallel_loop3A_747 = arith.constant 11.3137083 : f32
        %parallel_loop3A_748 = vector.broadcast %parallel_loop3A_747 : f32 to vector<16xf32>
        %parallel_loop3A_749 = arith.mulf %parallel_loop3A_746, %parallel_loop3A_748 : vector<16xf32>
        %parallel_loop3A_750 = arith.constant 1 : i32
        %parallel_loop3A_751 = arith.addi %parallel_loop3A_612, %parallel_loop3A_750 : i32
        %parallel_loop3A_752 = arith.index_cast %parallel_loop3A_751 : i32 to index
        %parallel_loop3A_753 = arith.constant 0 : index
        %parallel_loop3A_754 = tpu.vector_load %arg13[%parallel_loop3A_752, %parallel_loop3A_753] {strides = array<i32>} : memref<100x128xf32, #tpu.memory_space<vmem>>, vector<1x16xf32>,
        %parallel_loop3A_755 = vector.shape_cast %parallel_loop3A_754 : vector<1x16xf32> to vector<16xf32>
        %parallel_loop3A_756 = vector.shape_cast %parallel_loop3A_749 : vector<16xf32> to vector<1x16xf32>
        tpu.vector_store %arg13[%parallel_loop3A_752, %parallel_loop3A_753], %parallel_loop3A_756 {strides = array<i32>} : memref<100x128xf32, #tpu.memory_space<vmem>>, vector<1x16xf32>,
        %parallel_loop3A_757 = arith.constant 1 : i32
        %parallel_loop3A_758 = arith.addi %parallel_loop3A_612, %parallel_loop3A_757 : i32
        %parallel_loop3A_759 = arith.index_cast %parallel_loop3A_758 : i32 to index
        %parallel_loop3A_760 = arith.constant 16 : index
        %parallel_loop3A_761 = tpu.vector_load %arg13[%parallel_loop3A_759, %parallel_loop3A_760] {strides = array<i32>} : memref<100x128xf32, #tpu.memory_space<vmem>>, vector<1x16xf32>,
        %parallel_loop3A_762 = vector.shape_cast %parallel_loop3A_761 : vector<1x16xf32> to vector<16xf32>
        %parallel_loop3A_763 = arith.constant 11.3137083 : f32
        %parallel_loop3A_764 = vector.broadcast %parallel_loop3A_763 : f32 to vector<16xf32>
        %parallel_loop3A_765 = arith.mulf %parallel_loop3A_762, %parallel_loop3A_764 : vector<16xf32>
        %parallel_loop3A_766 = arith.constant 1 : i32
        %parallel_loop3A_767 = arith.addi %parallel_loop3A_612, %parallel_loop3A_766 : i32
        %parallel_loop3A_768 = arith.index_cast %parallel_loop3A_767 : i32 to index
        %parallel_loop3A_769 = arith.constant 16 : index
        %parallel_loop3A_770 = tpu.vector_load %arg13[%parallel_loop3A_768, %parallel_loop3A_769] {strides = array<i32>} : memref<100x128xf32, #tpu.memory_space<vmem>>, vector<1x16xf32>,
        %parallel_loop3A_771 = vector.shape_cast %parallel_loop3A_770 : vector<1x16xf32> to vector<16xf32>
        %parallel_loop3A_772 = vector.shape_cast %parallel_loop3A_765 : vector<16xf32> to vector<1x16xf32>
        tpu.vector_store %arg13[%parallel_loop3A_768, %parallel_loop3A_769], %parallel_loop3A_772 {strides = array<i32>} : memref<100x128xf32, #tpu.memory_space<vmem>>, vector<1x16xf32>,
        %parallel_loop3A_773 = arith.constant 1 : i32
        %parallel_loop3A_774 = arith.addi %parallel_loop3A_612, %parallel_loop3A_773 : i32
        %parallel_loop3A_775 = arith.index_cast %parallel_loop3A_774 : i32 to index
        %parallel_loop3A_776 = arith.constant 32 : index
        %parallel_loop3A_777 = tpu.vector_load %arg13[%parallel_loop3A_775, %parallel_loop3A_776] {strides = array<i32>} : memref<100x128xf32, #tpu.memory_space<vmem>>, vector<1x16xf32>,
        %parallel_loop3A_778 = vector.shape_cast %parallel_loop3A_777 : vector<1x16xf32> to vector<16xf32>
        %parallel_loop3A_779 = arith.constant 11.3137083 : f32
        %parallel_loop3A_780 = vector.broadcast %parallel_loop3A_779 : f32 to vector<16xf32>
        %parallel_loop3A_781 = arith.mulf %parallel_loop3A_778, %parallel_loop3A_780 : vector<16xf32>
        %parallel_loop3A_782 = arith.constant 1 : i32
        %parallel_loop3A_783 = arith.addi %parallel_loop3A_612, %parallel_loop3A_782 : i32
        %parallel_loop3A_784 = arith.index_cast %parallel_loop3A_783 : i32 to index
        %parallel_loop3A_785 = arith.constant 32 : index
        %parallel_loop3A_786 = tpu.vector_load %arg13[%parallel_loop3A_784, %parallel_loop3A_785] {strides = array<i32>} : memref<100x128xf32, #tpu.memory_space<vmem>>, vector<1x16xf32>,
        %parallel_loop3A_787 = vector.shape_cast %parallel_loop3A_786 : vector<1x16xf32> to vector<16xf32>
        %parallel_loop3A_788 = vector.shape_cast %parallel_loop3A_781 : vector<16xf32> to vector<1x16xf32>
        tpu.vector_store %arg13[%parallel_loop3A_784, %parallel_loop3A_785], %parallel_loop3A_788 {strides = array<i32>} : memref<100x128xf32, #tpu.memory_space<vmem>>, vector<1x16xf32>,
        %parallel_loop3A_789 = arith.constant 1 : i32
        %parallel_loop3A_790 = arith.addi %parallel_loop3A_612, %parallel_loop3A_789 : i32
        %parallel_loop3A_791 = arith.index_cast %parallel_loop3A_790 : i32 to index
        %parallel_loop3A_792 = arith.constant 48 : index
        %parallel_loop3A_793 = tpu.vector_load %arg13[%parallel_loop3A_791, %parallel_loop3A_792] {strides = array<i32>} : memref<100x128xf32, #tpu.memory_space<vmem>>, vector<1x16xf32>,
        %parallel_loop3A_794 = vector.shape_cast %parallel_loop3A_793 : vector<1x16xf32> to vector<16xf32>
        %parallel_loop3A_795 = arith.constant 11.3137083 : f32
        %parallel_loop3A_796 = vector.broadcast %parallel_loop3A_795 : f32 to vector<16xf32>
        %parallel_loop3A_797 = arith.mulf %parallel_loop3A_794, %parallel_loop3A_796 : vector<16xf32>
        %parallel_loop3A_798 = arith.constant 1 : i32
        %parallel_loop3A_799 = arith.addi %parallel_loop3A_612, %parallel_loop3A_798 : i32
        %parallel_loop3A_800 = arith.index_cast %parallel_loop3A_799 : i32 to index
        %parallel_loop3A_801 = arith.constant 48 : index
        %parallel_loop3A_802 = tpu.vector_load %arg13[%parallel_loop3A_800, %parallel_loop3A_801] {strides = array<i32>} : memref<100x128xf32, #tpu.memory_space<vmem>>, vector<1x16xf32>,
        %parallel_loop3A_803 = vector.shape_cast %parallel_loop3A_802 : vector<1x16xf32> to vector<16xf32>
        %parallel_loop3A_804 = vector.shape_cast %parallel_loop3A_797 : vector<16xf32> to vector<1x16xf32>
        tpu.vector_store %arg13[%parallel_loop3A_800, %parallel_loop3A_801], %parallel_loop3A_804 {strides = array<i32>} : memref<100x128xf32, #tpu.memory_space<vmem>>, vector<1x16xf32>,
        %parallel_loop3A_805 = arith.constant 1 : i32
        %parallel_loop3A_806 = arith.addi %parallel_loop3A_612, %parallel_loop3A_805 : i32
        %parallel_loop3A_807 = arith.index_cast %parallel_loop3A_806 : i32 to index
        %parallel_loop3A_808 = arith.constant 64 : index
        %parallel_loop3A_809 = tpu.vector_load %arg13[%parallel_loop3A_807, %parallel_loop3A_808] {strides = array<i32>} : memref<100x128xf32, #tpu.memory_space<vmem>>, vector<1x16xf32>,
        %parallel_loop3A_810 = vector.shape_cast %parallel_loop3A_809 : vector<1x16xf32> to vector<16xf32>
        %parallel_loop3A_811 = arith.constant 11.3137083 : f32
        %parallel_loop3A_812 = vector.broadcast %parallel_loop3A_811 : f32 to vector<16xf32>
        %parallel_loop3A_813 = arith.mulf %parallel_loop3A_810, %parallel_loop3A_812 : vector<16xf32>
        %parallel_loop3A_814 = arith.constant 1 : i32
        %parallel_loop3A_815 = arith.addi %parallel_loop3A_612, %parallel_loop3A_814 : i32
        %parallel_loop3A_816 = arith.index_cast %parallel_loop3A_815 : i32 to index
        %parallel_loop3A_817 = arith.constant 64 : index
        %parallel_loop3A_818 = tpu.vector_load %arg13[%parallel_loop3A_816, %parallel_loop3A_817] {strides = array<i32>} : memref<100x128xf32, #tpu.memory_space<vmem>>, vector<1x16xf32>,
        %parallel_loop3A_819 = vector.shape_cast %parallel_loop3A_818 : vector<1x16xf32> to vector<16xf32>
        %parallel_loop3A_820 = vector.shape_cast %parallel_loop3A_813 : vector<16xf32> to vector<1x16xf32>
        tpu.vector_store %arg13[%parallel_loop3A_816, %parallel_loop3A_817], %parallel_loop3A_820 {strides = array<i32>} : memref<100x128xf32, #tpu.memory_space<vmem>>, vector<1x16xf32>,
        %parallel_loop3A_821 = arith.constant 1 : i32
        %parallel_loop3A_822 = arith.addi %parallel_loop3A_612, %parallel_loop3A_821 : i32
        %parallel_loop3A_823 = arith.index_cast %parallel_loop3A_822 : i32 to index
        %parallel_loop3A_824 = arith.constant 80 : index
        %parallel_loop3A_825 = tpu.vector_load %arg13[%parallel_loop3A_823, %parallel_loop3A_824] {strides = array<i32>} : memref<100x128xf32, #tpu.memory_space<vmem>>, vector<1x16xf32>,
        %parallel_loop3A_826 = vector.shape_cast %parallel_loop3A_825 : vector<1x16xf32> to vector<16xf32>
        %parallel_loop3A_827 = arith.constant 11.3137083 : f32
        %parallel_loop3A_828 = vector.broadcast %parallel_loop3A_827 : f32 to vector<16xf32>
        %parallel_loop3A_829 = arith.mulf %parallel_loop3A_826, %parallel_loop3A_828 : vector<16xf32>
        %parallel_loop3A_830 = arith.constant 1 : i32
        %parallel_loop3A_831 = arith.addi %parallel_loop3A_612, %parallel_loop3A_830 : i32
        %parallel_loop3A_832 = arith.index_cast %parallel_loop3A_831 : i32 to index
        %parallel_loop3A_833 = arith.constant 80 : index
        %parallel_loop3A_834 = tpu.vector_load %arg13[%parallel_loop3A_832, %parallel_loop3A_833] {strides = array<i32>} : memref<100x128xf32, #tpu.memory_space<vmem>>, vector<1x16xf32>,
        %parallel_loop3A_835 = vector.shape_cast %parallel_loop3A_834 : vector<1x16xf32> to vector<16xf32>
        %parallel_loop3A_836 = vector.shape_cast %parallel_loop3A_829 : vector<16xf32> to vector<1x16xf32>
        tpu.vector_store %arg13[%parallel_loop3A_832, %parallel_loop3A_833], %parallel_loop3A_836 {strides = array<i32>} : memref<100x128xf32, #tpu.memory_space<vmem>>, vector<1x16xf32>,
        %parallel_loop3A_837 = arith.constant 1 : i32
        %parallel_loop3A_838 = arith.addi %parallel_loop3A_612, %parallel_loop3A_837 : i32
        %parallel_loop3A_839 = arith.index_cast %parallel_loop3A_838 : i32 to index
        %parallel_loop3A_840 = arith.constant 96 : index
        %parallel_loop3A_841 = tpu.vector_load %arg13[%parallel_loop3A_839, %parallel_loop3A_840] {strides = array<i32>} : memref<100x128xf32, #tpu.memory_space<vmem>>, vector<1x16xf32>,
        %parallel_loop3A_842 = vector.shape_cast %parallel_loop3A_841 : vector<1x16xf32> to vector<16xf32>
        %parallel_loop3A_843 = arith.constant 11.3137083 : f32
        %parallel_loop3A_844 = vector.broadcast %parallel_loop3A_843 : f32 to vector<16xf32>
        %parallel_loop3A_845 = arith.mulf %parallel_loop3A_842, %parallel_loop3A_844 : vector<16xf32>
        %parallel_loop3A_846 = arith.constant 1 : i32
        %parallel_loop3A_847 = arith.addi %parallel_loop3A_612, %parallel_loop3A_846 : i32
        %parallel_loop3A_848 = arith.index_cast %parallel_loop3A_847 : i32 to index
        %parallel_loop3A_849 = arith.constant 96 : index
        %parallel_loop3A_850 = tpu.vector_load %arg13[%parallel_loop3A_848, %parallel_loop3A_849] {strides = array<i32>} : memref<100x128xf32, #tpu.memory_space<vmem>>, vector<1x16xf32>,
        %parallel_loop3A_851 = vector.shape_cast %parallel_loop3A_850 : vector<1x16xf32> to vector<16xf32>
        %parallel_loop3A_852 = vector.shape_cast %parallel_loop3A_845 : vector<16xf32> to vector<1x16xf32>
        tpu.vector_store %arg13[%parallel_loop3A_848, %parallel_loop3A_849], %parallel_loop3A_852 {strides = array<i32>} : memref<100x128xf32, #tpu.memory_space<vmem>>, vector<1x16xf32>,
        %parallel_loop3A_853 = arith.constant 1 : i32
        %parallel_loop3A_854 = arith.addi %parallel_loop3A_612, %parallel_loop3A_853 : i32
        %parallel_loop3A_855 = arith.index_cast %parallel_loop3A_854 : i32 to index
        %parallel_loop3A_856 = arith.constant 112 : index
        %parallel_loop3A_857 = tpu.vector_load %arg13[%parallel_loop3A_855, %parallel_loop3A_856] {strides = array<i32>} : memref<100x128xf32, #tpu.memory_space<vmem>>, vector<1x16xf32>,
        %parallel_loop3A_858 = vector.shape_cast %parallel_loop3A_857 : vector<1x16xf32> to vector<16xf32>
        %parallel_loop3A_859 = arith.constant 11.3137083 : f32
        %parallel_loop3A_860 = vector.broadcast %parallel_loop3A_859 : f32 to vector<16xf32>
        %parallel_loop3A_861 = arith.mulf %parallel_loop3A_858, %parallel_loop3A_860 : vector<16xf32>
        %parallel_loop3A_862 = arith.constant 1 : i32
        %parallel_loop3A_863 = arith.addi %parallel_loop3A_612, %parallel_loop3A_862 : i32
        %parallel_loop3A_864 = arith.index_cast %parallel_loop3A_863 : i32 to index
        %parallel_loop3A_865 = arith.constant 112 : index
        %parallel_loop3A_866 = tpu.vector_load %arg13[%parallel_loop3A_864, %parallel_loop3A_865] {strides = array<i32>} : memref<100x128xf32, #tpu.memory_space<vmem>>, vector<1x16xf32>,
        %parallel_loop3A_867 = vector.shape_cast %parallel_loop3A_866 : vector<1x16xf32> to vector<16xf32>
        %parallel_loop3A_868 = vector.shape_cast %parallel_loop3A_861 : vector<16xf32> to vector<1x16xf32>
        tpu.vector_store %arg13[%parallel_loop3A_864, %parallel_loop3A_865], %parallel_loop3A_868 {strides = array<i32>} : memref<100x128xf32, #tpu.memory_space<vmem>>, vector<1x16xf32>,
      } {sc.loop_unroll_factor = 2 : i64, sc.parallel_access}
      %mul3A_574 = arith.constant 2 : i32
      %mul3A_575 = arith.muli %add3A_551, %mul3A_574 : i32
      %add3A_576 = arith.addi %mul3A_2, %mul3A_575 : i32
      %add3A_577 = arith.constant 0 : i32
      %add3A_578 = arith.addi %add3A_576, %add3A_577 : i32
      %dma_start3A_579 = arith.constant 0 : i32
      %dma_start3A_580 = arith.constant 0 : i32
      %dma_start3A_581 = tpu.memref_slice %arg13[%dma_start3A_579, %dma_start3A_580] : memref<100x128xf32, #tpu.memory_space<vmem>> -> memref<50x128xf32, #tpu.memory_space<vmem>>
      %dma_start3A_582 = arith.constant 0 : i32
      %dma_start3A_583 = arith.constant 0 : i32
      %dma_start3A_584 = tpu.memref_slice %arg4[%add3A_578, %dma_start3A_582, %dma_start3A_583] : memref<4096x50x128xf32, #tpu.memory_space<hbm>> -> memref<1x50x128xf32, #tpu.memory_space<hbm>>
      %dma_start3A_585 = tpu.memref_squeeze %dma_start3A_584 : memref<1x50x128xf32, #tpu.memory_space<hbm>> -> memref<50x128xf32, #tpu.memory_space<hbm>>
      %dma_start3A_586 = arith.constant 0 : i32
      %dma_start3A_587 = arith.constant 0 : i32
      %dma_start3A_588 = tpu.memref_slice %arg4[%add3A_578, %dma_start3A_586, %dma_start3A_587] : memref<4096x50x128xf32, #tpu.memory_space<hbm>> -> memref<1x50x128xf32, #tpu.memory_space<hbm>>
      %dma_start3A_589 = tpu.memref_squeeze %dma_start3A_588 : memref<1x50x128xf32, #tpu.memory_space<hbm>> -> memref<50x128xf32, #tpu.memory_space<hbm>>
      %dma_start3A_590 = arith.constant 0 : i32
      %dma_start3A_591 = arith.constant 0 : i32
      %dma_start3A_592 = tpu.memref_slice %arg13[%dma_start3A_590, %dma_start3A_591] : memref<100x128xf32, #tpu.memory_space<vmem>> -> memref<50x128xf32, #tpu.memory_space<vmem>>
      tpu.enqueue_dma source(%dma_start3A_592 : memref<50x128xf32, #tpu.memory_space<vmem>>) target(%dma_start3A_589 : memref<50x128xf32, #tpu.memory_space<hbm>>) target_semaphore(%arg29 : memref<!tpu.dma_semaphore, #tpu.memory_space<semaphore_mem>>)
      %mul3A_593 = arith.constant 2 : i32
      %mul3A_594 = arith.muli %add3A_551, %mul3A_593 : i32
      %add3A_595 = arith.addi %mul3A_2, %mul3A_594 : i32
      %add3A_596 = arith.constant 1 : i32
      %add3A_597 = arith.addi %add3A_595, %add3A_596 : i32
      %dma_start3A_598 = arith.constant 50 : i32
      %dma_start3A_599 = arith.constant 0 : i32
      %dma_start3A_600 = tpu.memref_slice %arg13[%dma_start3A_598, %dma_start3A_599] : memref<100x128xf32, #tpu.memory_space<vmem>> -> memref<50x128xf32, #tpu.memory_space<vmem>>
      %dma_start3A_601 = arith.constant 0 : i32
      %dma_start3A_602 = arith.constant 0 : i32
      %dma_start3A_603 = tpu.memref_slice %arg4[%add3A_597, %dma_start3A_601, %dma_start3A_602] : memref<4096x50x128xf32, #tpu.memory_space<hbm>> -> memref<1x50x128xf32, #tpu.memory_space<hbm>>
      %dma_start3A_604 = tpu.memref_squeeze %dma_start3A_603 : memref<1x50x128xf32, #tpu.memory_space<hbm>> -> memref<50x128xf32, #tpu.memory_space<hbm>>
      %dma_start3A_605 = arith.constant 0 : i32
      %dma_start3A_606 = arith.constant 0 : i32
      %dma_start3A_607 = tpu.memref_slice %arg4[%add3A_597, %dma_start3A_605, %dma_start3A_606] : memref<4096x50x128xf32, #tpu.memory_space<hbm>> -> memref<1x50x128xf32, #tpu.memory_space<hbm>>
      %dma_start3A_608 = tpu.memref_squeeze %dma_start3A_607 : memref<1x50x128xf32, #tpu.memory_space<hbm>> -> memref<50x128xf32, #tpu.memory_space<hbm>>
      %dma_start3A_609 = arith.constant 50 : i32
      %dma_start3A_610 = arith.constant 0 : i32
      %dma_start3A_611 = tpu.memref_slice %arg13[%dma_start3A_609, %dma_start3A_610] : memref<100x128xf32, #tpu.memory_space<vmem>> -> memref<50x128xf32, #tpu.memory_space<vmem>>
      tpu.enqueue_dma source(%dma_start3A_611 : memref<50x128xf32, #tpu.memory_space<vmem>>) target(%dma_start3A_608 : memref<50x128xf32, #tpu.memory_space<hbm>>) target_semaphore(%arg29 : memref<!tpu.dma_semaphore, #tpu.memory_space<semaphore_mem>>)
    }
    %scan3A_48 = arith.constant 8 : i32
    %dma_wait3A = arith.constant 0 : i32
    %dma_wait3A_49 = arith.constant 0 : i32
    %dma_wait3A_50 = tpu.memref_slice %arg12[%dma_wait3A, %dma_wait3A_49] : memref<100x128xf32, #tpu.memory_space<vmem>> -> memref<50x128xf32, #tpu.memory_space<vmem>>
    %dma_wait3A_51 = arith.constant 0 : i32
    %dma_wait3A_52 = arith.constant 0 : i32
    %dma_wait3A_53 = tpu.memref_slice %arg4[%mul3A_2, %dma_wait3A_51, %dma_wait3A_52] : memref<4096x50x128xf32, #tpu.memory_space<hbm>> -> memref<1x50x128xf32, #tpu.memory_space<hbm>>
    %dma_wait3A_54 = tpu.memref_squeeze %dma_wait3A_53 : memref<1x50x128xf32, #tpu.memory_space<hbm>> -> memref<50x128xf32, #tpu.memory_space<hbm>>
    %dma_wait3A_55 = arith.constant 0 : i32
    %dma_wait3A_56 = arith.constant 0 : i32
    %dma_wait3A_57 = tpu.memref_slice %arg4[%mul3A_2, %dma_wait3A_55, %dma_wait3A_56] : memref<4096x50x128xf32, #tpu.memory_space<hbm>> -> memref<1x50x128xf32, #tpu.memory_space<hbm>>
    %dma_wait3A_58 = tpu.memref_squeeze %dma_wait3A_57 : memref<1x50x128xf32, #tpu.memory_space<hbm>> -> memref<50x128xf32, #tpu.memory_space<hbm>>
    %dma_wait3A_59 = arith.constant 0 : i32
    %dma_wait3A_60 = arith.constant 0 : i32
    %dma_wait3A_61 = tpu.memref_slice %arg12[%dma_wait3A_59, %dma_wait3A_60] : memref<100x128xf32, #tpu.memory_space<vmem>> -> memref<50x128xf32, #tpu.memory_space<vmem>>
    tpu.wait_dma2 semaphore(%arg28 : memref<!tpu.dma_semaphore, #tpu.memory_space<semaphore_mem>>) src(%dma_wait3A_61 : memref<50x128xf32, #tpu.memory_space<vmem>>) dst(%dma_wait3A_58 : memref<50x128xf32, #tpu.memory_space<hbm>>)
    %dma_wait3A_62 = arith.constant 50 : i32
    %dma_wait3A_63 = arith.constant 0 : i32
    %dma_wait3A_64 = tpu.memref_slice %arg12[%dma_wait3A_62, %dma_wait3A_63] : memref<100x128xf32, #tpu.memory_space<vmem>> -> memref<50x128xf32, #tpu.memory_space<vmem>>
    %dma_wait3A_65 = arith.constant 0 : i32
    %dma_wait3A_66 = arith.constant 0 : i32
    %dma_wait3A_67 = tpu.memref_slice %arg4[%mul3A_2, %dma_wait3A_65, %dma_wait3A_66] : memref<4096x50x128xf32, #tpu.memory_space<hbm>> -> memref<1x50x128xf32, #tpu.memory_space<hbm>>
    %dma_wait3A_68 = tpu.memref_squeeze %dma_wait3A_67 : memref<1x50x128xf32, #tpu.memory_space<hbm>> -> memref<50x128xf32, #tpu.memory_space<hbm>>
    %dma_wait3A_69 = arith.constant 0 : i32
    %dma_wait3A_70 = arith.constant 0 : i32
    %dma_wait3A_71 = tpu.memref_slice %arg4[%mul3A_2, %dma_wait3A_69, %dma_wait3A_70] : memref<4096x50x128xf32, #tpu.memory_space<hbm>> -> memref<1x50x128xf32, #tpu.memory_space<hbm>>
    %dma_wait3A_72 = tpu.memref_squeeze %dma_wait3A_71 : memref<1x50x128xf32, #tpu.memory_space<hbm>> -> memref<50x128xf32, #tpu.memory_space<hbm>>
    %dma_wait3A_73 = arith.constant 50 : i32
    %dma_wait3A_74 = arith.constant 0 : i32
    %dma_wait3A_75 = tpu.memref_slice %arg12[%dma_wait3A_73, %dma_wait3A_74] : memref<100x128xf32, #tpu.memory_space<vmem>> -> memref<50x128xf32, #tpu.memory_space<vmem>>
    tpu.wait_dma2 semaphore(%arg28 : memref<!tpu.dma_semaphore, #tpu.memory_space<semaphore_mem>>) src(%dma_wait3A_75 : memref<50x128xf32, #tpu.memory_space<vmem>>) dst(%dma_wait3A_72 : memref<50x128xf32, #tpu.memory_space<hbm>>)
    %dma_wait3A_76 = arith.constant 0 : i32
    %dma_wait3A_77 = arith.constant 0 : i32
    %dma_wait3A_78 = tpu.memref_slice %arg13[%dma_wait3A_76, %dma_wait3A_77] : memref<100x128xf32, #tpu.memory_space<vmem>> -> memref<50x128xf32, #tpu.memory_space<vmem>>
    %dma_wait3A_79 = arith.constant 0 : i32
    %dma_wait3A_80 = arith.constant 0 : i32
    %dma_wait3A_81 = tpu.memref_slice %arg4[%mul3A_2, %dma_wait3A_79, %dma_wait3A_80] : memref<4096x50x128xf32, #tpu.memory_space<hbm>> -> memref<1x50x128xf32, #tpu.memory_space<hbm>>
    %dma_wait3A_82 = tpu.memref_squeeze %dma_wait3A_81 : memref<1x50x128xf32, #tpu.memory_space<hbm>> -> memref<50x128xf32, #tpu.memory_space<hbm>>
    %dma_wait3A_83 = arith.constant 0 : i32
    %dma_wait3A_84 = arith.constant 0 : i32
    %dma_wait3A_85 = tpu.memref_slice %arg4[%mul3A_2, %dma_wait3A_83, %dma_wait3A_84] : memref<4096x50x128xf32, #tpu.memory_space<hbm>> -> memref<1x50x128xf32, #tpu.memory_space<hbm>>
    %dma_wait3A_86 = tpu.memref_squeeze %dma_wait3A_85 : memref<1x50x128xf32, #tpu.memory_space<hbm>> -> memref<50x128xf32, #tpu.memory_space<hbm>>
    %dma_wait3A_87 = arith.constant 0 : i32
    %dma_wait3A_88 = arith.constant 0 : i32
    %dma_wait3A_89 = tpu.memref_slice %arg13[%dma_wait3A_87, %dma_wait3A_88] : memref<100x128xf32, #tpu.memory_space<vmem>> -> memref<50x128xf32, #tpu.memory_space<vmem>>
    tpu.wait_dma2 semaphore(%arg29 : memref<!tpu.dma_semaphore, #tpu.memory_space<semaphore_mem>>) src(%dma_wait3A_89 : memref<50x128xf32, #tpu.memory_space<vmem>>) dst(%dma_wait3A_86 : memref<50x128xf32, #tpu.memory_space<hbm>>)
    %dma_wait3A_90 = arith.constant 50 : i32
    %dma_wait3A_91 = arith.constant 0 : i32
    %dma_wait3A_92 = tpu.memref_slice %arg13[%dma_wait3A_90, %dma_wait3A_91] : memref<100x128xf32, #tpu.memory_space<vmem>> -> memref<50x128xf32, #tpu.memory_space<vmem>>
    %dma_wait3A_93 = arith.constant 0 : i32
    %dma_wait3A_94 = arith.constant 0 : i32
    %dma_wait3A_95 = tpu.memref_slice %arg4[%mul3A_2, %dma_wait3A_93, %dma_wait3A_94] : memref<4096x50x128xf32, #tpu.memory_space<hbm>> -> memref<1x50x128xf32, #tpu.memory_space<hbm>>
    %dma_wait3A_96 = tpu.memref_squeeze %dma_wait3A_95 : memref<1x50x128xf32, #tpu.memory_space<hbm>> -> memref<50x128xf32, #tpu.memory_space<hbm>>
    %dma_wait3A_97 = arith.constant 0 : i32
    %dma_wait3A_98 = arith.constant 0 : i32
    %dma_wait3A_99 = tpu.memref_slice %arg4[%mul3A_2, %dma_wait3A_97, %dma_wait3A_98] : memref<4096x50x128xf32, #tpu.memory_space<hbm>> -> memref<1x50x128xf32, #tpu.memory_space<hbm>>
    %dma_wait3A_100 = tpu.memref_squeeze %dma_wait3A_99 : memref<1x50x128xf32, #tpu.memory_space<hbm>> -> memref<50x128xf32, #tpu.memory_space<hbm>>
    %dma_wait3A_101 = arith.constant 50 : i32
    %dma_wait3A_102 = arith.constant 0 : i32
    %dma_wait3A_103 = tpu.memref_slice %arg13[%dma_wait3A_101, %dma_wait3A_102] : memref<100x128xf32, #tpu.memory_space<vmem>> -> memref<50x128xf32, #tpu.memory_space<vmem>>
    tpu.wait_dma2 semaphore(%arg29 : memref<!tpu.dma_semaphore, #tpu.memory_space<semaphore_mem>>) src(%dma_wait3A_103 : memref<50x128xf32, #tpu.memory_space<vmem>>) dst(%dma_wait3A_100 : memref<50x128xf32, #tpu.memory_space<hbm>>)
    return
  }
}

</mosaic_0001>

<sc_bundles>
// kernel: kernel.3.cloned.1.call-start
scs
__scs_entry_jumppad:
0x0: {  	(pc) =	sbr.rel $0x88, $3  }
0x1: {  	(tag) =	ssettag $0x0;
	lr =	simm.s32 $0x1  }
0x2: {  	[smem:$0x3F9F] =	sst lr;
	_ =	strace $0xD0000000  }
0x3: {  	_ = 	snop  }
0x4: {  	_ = 	snop  }
0x5: {  	_ = 	snop  }
0x6: {  	_ = 	snop  }
0x7: {  	_ = 	snop  }
__scs_overlays_trampoline_lowered:
0x8: {  	[smem:$0x3FAE] =	sst s0  }
0x9: {  	[smem:$0x3FAF] =	sst s1  }
0xa: {  	[smem:$0x3FB0] =	sst s2  }
0xb: {  	[smem:$0x3FB1] =	sst s3  }
0xc: {  	[smem:$0x3FB2] =	sst s4  }
0xd: {  	[smem:$0x3FB3] =	sst s5  }
0xe: {  	[smem:$0x3FB4] =	sst s6  }
0xf: {  	[smem:$0x3FB5] =	sst s7  }
0x10: {  	[smem:$0x3FB6] =	sst s8  }
0x11: {  	[smem:$0x3FB7] =	sst s9;
	s0 =	simm.s32 @!p0 $0x0  }
0x12: {  	s1 =	sld [smem:$0x3F9D];
	s0 =	simm.s32 @p0 $0x1  }
0x13: {  	[smem:$0x3FB8] =	sst s0;
	s0 =	simm.s32 @!p1 $0x0  }
0x14: {  	s2 =	sld [smem:$0x3F9C];
	s0 =	simm.s32 @p1 $0x1  }
0x15: {  	[smem:$0x3FB9] =	sst s0;
	s0 =	simm.s32 @!p2 $0x0  }
0x16: {  	s3 =	sld [smem:$0x3FDB];
	s0 =	simm.s32 @p2 $0x1  }
0x17: {  	s4 =	simm.s32 $0x1BF5;
	[smem:$0x3FBB] =	sst s0  }
0x18: {  	s0 =	sld [smem:$0x3F9E];
	_ =	swait.ge [sflag:s4], $0x0  }
0x19: {  	s7 =	sld [smem:$0x3F9F]  }
0x1a: {  	s8 =	sadd.s32 $0xFFFFE003, lr  }
0x1b: {  	s9 =	sadd.s32 $0xFFFFFEF7, lr;
	s5 =	simm.s32 $0xFFFFFFFF;
	p2 =	slt.u32 s8, $0xFFFFF086  }
0x1c: {  	p1 =	slt.u32 s9, $0xF7A;
	s5 =	simm.s32 @!p2 $0x0  }
0x1d: {  	s5 =	simm.s32 @p1 $0x1;
	p0 =	seq.s32 s7, s2  }
0x1e: {  	s7 =	smul.u32 @!p0 $0xF7A, s2;
	p2 =	seq.s32 @!p0 s5, $0x0  }
0x1f: {  	s9 =	smul.u32 $0xF7A, s1;
	s8 =	simm.s32 @!p0 $0x1BF5;
	p2 =	por !p2, p0  }
0x20: {  	[sflag:s8] =	ssyncset.s32 @!p0 $0xFFFFF086;
	s6 =	sadd.s32 @!p0 s3, s7;
	s7 =	simm.s32 @!p0 $0x108  }
0x21: {  	s3 =	sadd.s32 s3, s9;
	s6 =	sadd.s32 @!p0 $0x88, s6;
	s7 =	simm.s32 @p2 $0x1082  }
0x22: {  	[simem:s7], [sflag:s8] =	dma.local @!p0 [hbm:s6], $0xF7A  }
0x23: {  	s9 =	sor.u32 $0xD0000000, s2;
	s6 =	simm.s32 $0x108;
	_ =	swait.ge @!p0 [sflag:s8], $0x0  }
0x24: {  	s3 =	sadd.s32 $0x88, s3;
	s6 =	simm.s32 @!p1 $0x1082;
	[sflag:s4] =	ssyncset.s32 $0xFFFFF086  }
0x25: {  	[simem:s6], [sflag:s4] =	dma.local [hbm:s3], $0xF7A  }
0x26: {  	[smem:$0x3F9F] =	sst s1;
	(tag) =	ssettag s2;
	_ =	strace s9  }
0x27: {  	s1 =	sld [smem:$0x3FAF]  }
0x28: {  	s2 =	sld [smem:$0x3FB0]  }
0x29: {  	s4 =	sld [smem:$0x3FB2]  }
0x2a: {  	p0 =	seq.s32 s5, $0x0;
	s5 =	sld [smem:$0x3FB3]  }
0x2b: {  	s6 =	sld [smem:$0x3FB4]  }
0x2c: {  	s7 =	sld [smem:$0x3FB5]  }
0x2d: {  	s3 =	simm.s32 $0x108;
	s8 =	sld [smem:$0x3FB6]  }
0x2e: {  	s3 =	simm.s32 @!p0 $0x1082;
	s9 =	sld [smem:$0x3FB7]  }
0x2f: {  	lr =	sadd.s32 s0, s3;
	s0 =	sld [smem:$0x3FAE]  }
0x30: {  	s3 =	sld [smem:$0x3FB1]  }
0x31: {  	[smem:$0x3FBA] =	sst s10  }
0x32: {  	s10 =	sld [smem:$0x3FB8];
	_ =	sdelay $0x3  }
0x33: {  	p0 =	seq.s32 s10, $0x1;
	s10 =	sld [smem:$0x3FBA];
	_ =	sdelay $0x3  }
0x34: {  	[smem:$0x3FBA] =	sst s10  }
0x35: {  	s10 =	sld [smem:$0x3FB9];
	_ =	sdelay $0x3  }
0x36: {  	p1 =	seq.s32 s10, $0x1;
	s10 =	sld [smem:$0x3FBA];
	_ =	sdelay $0x3  }
0x37: {  	[smem:$0x3FBA] =	sst s10  }
0x38: {  	s10 =	sld [smem:$0x3FBB]  }
0x39: {  	_ = 	snop;
	(pc) =	sbr.ind lr, $3  }
0x3a: {  	_ = 	snop  }
0x3b: {  	_ = 	snop  }
0x3c: {  	p2 =	seq.s32 s10, $0x1;
	s10 =	sld [smem:$0x3FBA]  }
0x3d: {  	_ =	shalt  }
0x3e: {  	_ =	shalt  }
0x3f: {  	_ =	shalt  }
0x40: {  	_ =	shalt  }
0x41: {  	_ =	shalt  }
0x42: {  	_ =	shalt  }
0x43: {  	_ =	shalt  }
0x44: {  	_ =	shalt  }
0x45: {  	_ =	shalt  }
0x46: {  	_ =	shalt  }
0x47: {  	_ =	shalt  }
0x48: {  	_ =	shalt  }
0x49: {  	_ =	shalt  }
0x4a: {  	_ =	shalt  }
0x4b: {  	_ =	shalt  }
0x4c: {  	_ =	shalt  }
0x4d: {  	_ =	shalt  }
0x4e: {  	_ =	shalt  }
0x4f: {  	_ =	shalt  }
0x50: {  	_ =	shalt  }
0x51: {  	_ =	shalt  }
0x52: {  	_ =	shalt  }
0x53: {  	_ =	shalt  }
0x54: {  	_ =	shalt  }
0x55: {  	_ =	shalt  }
0x56: {  	_ =	shalt  }
0x57: {  	_ =	shalt  }
0x58: {  	_ =	shalt  }
0x59: {  	_ =	shalt  }
0x5a: {  	_ =	shalt  }
0x5b: {  	_ =	shalt  }
0x5c: {  	_ =	shalt  }
0x5d: {  	_ =	shalt  }
0x5e: {  	_ =	shalt  }
0x5f: {  	_ =	shalt  }
0x60: {  	_ =	shalt  }
0x61: {  	_ =	shalt  }
0x62: {  	_ =	shalt  }
0x63: {  	_ =	shalt  }
0x64: {  	_ =	shalt  }
0x65: {  	_ =	shalt  }
0x66: {  	_ =	shalt  }
0x67: {  	_ =	shalt  }
0x68: {  	_ =	shalt  }
0x69: {  	_ =	shalt  }
0x6a: {  	_ =	shalt  }
0x6b: {  	_ =	shalt  }
0x6c: {  	_ =	shalt  }
0x6d: {  	_ =	shalt  }
0x6e: {  	_ =	shalt  }
0x6f: {  	_ =	shalt  }
0x70: {  	_ =	shalt  }
0x71: {  	_ =	shalt  }
0x72: {  	_ =	shalt  }
0x73: {  	_ =	shalt  }
0x74: {  	_ =	shalt  }
0x75: {  	_ =	shalt  }
0x76: {  	_ =	shalt  }
0x77: {  	_ =	shalt  }
0x78: {  	_ =	shalt  }
0x79: {  	_ =	shalt  }
0x7a: {  	_ =	shalt  }
0x7b: {  	_ =	shalt  }
0x7c: {  	_ =	shalt  }
0x7d: {  	_ =	shalt  }
0x7e: {  	_ =	shalt  }
0x7f: {  	_ =	shalt  }
0x80: {  	_ =	shalt  }
0x81: {  	_ =	shalt  }
0x82: {  	_ =	shalt  }
0x83: {  	_ =	shalt  }
0x84: {  	_ =	shalt  }
0x85: {  	_ =	shalt  }
0x86: {  	_ =	shalt  }
0x87: {  	_ =	shalt  }
.Lfunc_end0:
.L_simem_size_0:
called_computation_lowered:
.L_overlay_start_0:
0x88: {  	s2 =	sld [smem:$0x3FD9]  }
0x89: {  	s3 =	sld [smem:$0x3FFE];
	_ =	sdelay $0x1  }
0x8a: {  	s1 =	srdreg.scid  }
0x8b: {  	s0 =	sand.u32 $0x1, s1  }
0x8c: {  	s17 =	sshll.u32 s0, $0xA;
	s2 =	sadd.s32 s3, s2  }
0x8d: {  	s2 =	sadd.s32 s2, s17  }
0x8e: {  	[smem:$0x3FC6] =	sst s2  }
0x8f: {  	_ = 	snop  }
0x90: {  	s2 =	sld [smem:$0x3FC8]  }
0x91: {  	s18 =	sld [smem:$0x3FD0];
	(tm) =	ssettm $0x1  }
0x92: {  	s4 =	sld [smem:$0x3FFB];
	_ =	sdelay $0x3  }
0x93: {  	_ =	strace s4  }
0x94: {  	s4 =	sld [smem:$0x3FFC];
	_ =	sdelay $0x3  }
0x95: {  	_ =	strace s4  }
0x96: {  	s4 =	sld [smem:$0x3FFD];
	_ =	sdelay $0x3  }
0x97: {  	_ =	strace s4  }
0x98: {  	_ =	strace $0x8FFFFFFF  }
0x99: {  	s19 =	sld [smem:$0x3FDB];
	_ =	sdelay $0x1  }
0x9a: {  	s5 =	simm.s32 $_scs_section_size  }
0x9b: {  	s6 =	simm.s32 $_size__tile_overlayer_lowered;
	s7 =	simm.s32 $_tile_overlayer_lowered  }
0x9c: {  	s22 =	simm.s32 $0x1BFF;
	s21 =	sshll.u32 s7, $0x1;
	s4 =	sadd.s32 s5, s19  }
0x9d: {  	s8 =	simm.s32 $0x0;
	s20 =	sshll.u32 s6, $0x1;
	s6 =	sadd.s32 s21, s4  }
0x9e: {  	[timem:s8], [sflag:s22] =	dma.local [hbm:s6], s20  }
0x9f: {  	_ =	swait.ge [sflag:s22], s20  }
0xa0: {  	s5 =	ssub.s32 $0x0, s20;
	[sflag:s22] =	ssyncset.done $0x0  }
0xa1: {  	[sflag:s22] =	ssyncadd.s32 s5;
	_ =	sdelay $0x1  }
0xa2: {  	s23 =	simm.s32 $0x1B8B  }
0xa3: {  	_ =	swait.ge [sflag:s23], $0x1  }
0xa4: {  	[sflag:s23] =	ssyncset.done $0x0  }
0xa5: {  	s25 =	simm.s32 $0x1B8E;
	s24 =	sld [smem:$0x3FFE];
	[sflag:s23] =	ssyncadd.s32 $0xFFFFFFFF  }
0xa6: {  	s26 =	simm.s32 $execute0_lowered;
	[smem:$0x3FD2] =	sst s25  }
0xa7: {  	s6 =	sshll.u32 s26, $0x1;
	_ =	strace $0x80000046;
	[dreg:$0x1] =	wrdreg $0xFFFFFFFF  }
0xa8: {  	s28 =	simm.s32 $_size_execute0_lowered;
	s4 =	sadd.s32 s4, s6;
	[dreg:$0x0] =	wrdreg $0x0  }
0xa9: {  	s6 =	sshll.u32 s28, $0x1;
	[dreg:$0x2] =	wrdreg s4  }
0xaa: {  	[dreg:$0x3] =	wrdreg s6  }
0xab: {  	[dreg:$0x4] =	wrdreg $0xC0  }
0xac: {  	_ =	task [dreg:s8], $0x5FFFF  }
0xad: {  	[dreg:$0x1] =	wrdreg $0xFFFFFFFF  }
0xae: {  	[dreg:$0x0] =	wrdreg $0x60  }
0xaf: {  	[dreg:$0x2] =	wrdreg s18  }
0xb0: {  	[dreg:$0x3] =	wrdreg s2  }
0xb1: {  	[dreg:$0x4] =	wrdreg s24  }
0xb2: {  	[dreg:$0x5] =	wrdreg $0x9  }
0xb3: {  	_ =	task.clear_ibuf [dreg:s8], $0x6FFFF;
	_ =	strace $0x90000046  }
0xb4: {  	s29 =	simm.s32 $0x9;
	_ =	strace $0x80000048  }
0xb5: {  	_ =	swait.ge [sflag:s29], $0x1  }
0xb6: {  	[sflag:s29] =	ssyncadd.s32 $0xFFFFFFFF  }
0xb7: {  	_ =	strace $0x90000048  }
0xb8: {  	_ =	sfence  }
0xb9: {  	s30 =	sld [smem:$0x0];
	_ =	sdelay $0x2  }
0xba: {  	s31 =	sshll.u32 s1, $0xD;
	s1 =	sshrl.u32 s1, $0x2  }
0xbb: {  	s3 =	sand.u32 $0x4000, s31;
	s1 =	sadd.s32 s1, s30  }
0xbc: {  	s0 =	sor.u32 s3, s0;
	s1 =	sshll.u32 s1, $0x11  }
0xbd: {  	s0 =	sor.u32 s1, s0  }
0xbe: {  	s0 =	sadd.s32 $0x8F2B, s0  }
0xbf: {  	[sflag:s0] =	ssyncadd.remote.s32 $0x1  }
0xc0: {  	_ =	sfence.sel $0xFFFF  }
0xc1: {  	[dreg:$0x0] =	wrdreg $0xFFFFFFFF;
	(pc) =	sbr.abs _section_cstart, $3  }
0xc2: {  	[dreg:$0x1] =	wrdreg $0xFFFFFFFF  }
0xc3: {  	_ =	task.clear_ibuf [dreg:s8], $0x2FFFF;
	_ =	strace $0x9FFFFFFF  }
0xc4: {  	(tm) =	ssettm $0x7FFFFFFF  }
0xc5: {  	_ =	shalt  }
tec
execute0_lowered:
.L_overlay_start_1:
0x0: {  	(tag) =	ssettag $0x1  }
0x1: {  	s0 =	rddreg [dreg:$0x0]  }
0x2: {  	s1 =	rddreg [dreg:$0x1]  }
0x3: {  	s2 =	rddreg [dreg:$0x2];
	s3 =	simm.s32 $0x0  }
0x4: {  	s4 =	srdreg.scid;
	s5 =	stileid.u32;
	s10 =	simm.s32 $0x64  }
0x5: {  	s22 =	simm.s32 $0x15800;
	s23 =	simm.s32 $0x1;
	s25 =	simm.s32 $0x18C00  }
0x6: {  	s26 =	simm.s32 $0x2;
	s29 =	simm.s32 $0x9;
	s30 =	simm.s32 $0x3  }
0x7: {  	s14 =	simm.s32 $0xB;
	s16 =	simm.s32 $0x5;
	s20 =	simm.s32 $0xC  }
0x8: {  	s9 =	simm.s32 $0xD;
	s24 =	simm.s32 $0x7;
	s31 =	simm.s32 $0xE  }
0x9: {  	s12 =	simm.s32 $0x8;
	s13 =	simm.s32 $0x0;
	[smem:$0x7FF] =	sst s3  }
0xa: {  	s4 =	sand.u32 $0x1, s4;
	s5 =	sshll.u32 s5, $0x1;
	_ =	strace $0x80000047  }
0xb: {  	s6 =	ssub.s32 $0x2, s4;
	s5 =	sor.u32 s4, s5;
	s4 =	sadd.s32 $0x400, s2  }
0xc: {  	s7 =	sshrl.u32 s6, $0x1;
	s8 =	sshll.u32 s5, $0xA;
	s5 =	sshll.u32 s5, $0x7  }
0xd: {  	s6 =	ssub.s32 s6, s7;
	s0 =	sadd.s32 s0, s8;
	s7 =	sadd.s32 $0x780, s2  }
0xe: {  	s2 =	simm.s32 $0x4;
	[dreg:$0x4] =	wrdreg s0;
	s28 =	smax.u32 s6, $0x1  }
0xf: {  	s0 =	simm.s32 $0xA;
	s6 =	simm.s32 $0x6;
	[dreg:$0x5] =	wrdreg s28  }
.LBB2_1:
0x10: {  	[dreg:$0x6] =	wrdreg s13  }
0x11: {  	s8 =	rddreg [dreg:$0x4];
	s19 =	simm.s32 $0x11  }
0x12: {  	[tilespmem:s3], [sflag:$0x11] =	stream.linear.gather [hbm4b:s8+s3], $0x2000, $0x38;
	[tilespmem:$0x1C000] =	vst v63  }
0x13: {  	_ =	swait.ge [sflag:s19], $0x2000  }
0x14: {  	[sflag:s19] =	ssyncset.done $0x0  }
0x15: {  	s21 =	simm.s32 $0x2000;
	[sflag:s19] =	ssyncadd.s32 $0xFFFFE000  }
0x16: {  	[tilespmem:s21], [sflag:$0x1] =	stream.indirect.gather [hbm4b:s1+s10], $0x80, s3, s10, $0xb8;
	[tilespmem:$0x1C000] =	vst v63  }
0x17: {  	s28 =	simm.s32 $0x80;
	s11 =	simm.s32 $0x5400  }
0x18: {  	[tilespmem:s11], [sflag:$0x2] =	stream.indirect.gather [hbm4b:s1+s10], $0x80, s28, s10, $0xb8;
	[tilespmem:$0x1C000] =	vst v63  }
0x19: {  	s13 =	simm.s32 $0x8800;
	s11 =	simm.s32 $0x100  }
0x1a: {  	[tilespmem:s13], [sflag:$0x3] =	stream.indirect.gather [hbm4b:s1+s10], $0x80, s11, s10, $0xb8;
	[tilespmem:$0x1C000] =	vst v63  }
0x1b: {  	s15 =	simm.s32 $0x180;
	s17 =	simm.s32 $0xBC00  }
0x1c: {  	[tilespmem:s17], [sflag:$0x4] =	stream.indirect.gather [hbm4b:s1+s10], $0x80, s15, s10, $0xb8;
	[tilespmem:$0x1C000] =	vst v63  }
0x1d: {  	s18 =	simm.s32 $0x200;
	s19 =	simm.s32 $0xF000  }
0x1e: {  	[tilespmem:s19], [sflag:$0x5] =	stream.indirect.gather [hbm4b:s1+s10], $0x80, s18, s10, $0xb8;
	[tilespmem:$0x1C000] =	vst v63  }
0x1f: {  	s8 =	simm.s32 $0x0;
	s21 =	simm.s32 $0x280;
	s28 =	simm.s32 $0x12400  }
0x20: {  	[tilespmem:s28], [sflag:$0x6] =	stream.indirect.gather [hbm4b:s1+s10], $0x80, s21, s10, $0xb8;
	[tilespmem:$0x1C000] =	vst v63  }
.LBB2_2:
0x21: {  	p0 =	seq.s32 s8, $0x0  }
0x22: {  	s13 =	simm.s32 @!p0 $0xF  }
0x23: {  	_ =	swait.ge @!p0 [sflag:s13], $0x1900  }
0x24: {  	[sflag:s13] =	ssyncset.done @!p0 $0x0  }
0x25: {  	s11 =	sshll.u32 s8, $0x3;
	[sflag:s13] =	ssyncadd.s32 @!p0 $0xFFFFE700  }
0x26: {  	s18 =	sor.u32 $0x6, s11;
	_ =	swait.ge @!p0 [sflag:s13], $0x1900  }
0x27: {  	s15 =	sshll.u32 s18, $0x7;
	[sflag:s13] =	ssyncset.done @!p0 $0x0  }
0x28: {  	s21 =	sand.u32 $0x3FFFFF80, s15;
	[sflag:s13] =	ssyncadd.s32 @!p0 $0xFFFFE700  }
0x29: {  	[tilespmem:s22], [sflag:$0x7] =	stream.indirect.gather [hbm4b:s1+s10], $0x80, s21, s10, $0xb8;
	[tilespmem:$0x1C000] =	vst v63  }
0x2a: {  	_ =	swait.ge [sflag:s23], $0x3200  }
0x2b: {  	[sflag:s23] =	ssyncset.done $0x0  }
0x2c: {  	s28 =	simm.s32 $0x2100;
	[sflag:s23] =	ssyncadd.s32 $0xFFFFCE00  }
0x2d: {  	v0 =	vld [tilespmem:s28+$0xFFFFFF10]  }
0x2e: {  	v1 =	vld [tilespmem:s28+$0xFFFFFF20]  }
0x2f: {  	v2 =	vld [tilespmem:s28+$0xFFFFFF30]  }
0x30: {  	v5 =	vld [tilespmem:s28+$0xFFFFFF60]  }
0x31: {  	v3 =	vld [tilespmem:s28+$0xFFFFFF40]  }
0x32: {  	v4 =	vld [tilespmem:s28+$0xFFFFFF50]  }
0x33: {  	v6 =	vld [tilespmem:s28+$0xFFFFFF70];
	v0 =	vmul.f32 $1.131370830e+01, v0  }
0x34: {  	v7 =	vld [tilespmem:s28+$0xF0];
	v1 =	vmul.f32 $1.131370830e+01, v1  }
0x35: {  	v8 =	vld [tilespmem:s28+$0x10];
	v5 =	vmul.f32 $1.131370830e+01, v5;
	[tilespmem:s28+$0xFFFFFF10] =	vst v0  }
0x36: {  	v9 =	vld [tilespmem:s28+$0x20];
	v2 =	vmul.f32 $1.131370830e+01, v2;
	[tilespmem:s28+$0xFFFFFF20] =	vst v1  }
0x37: {  	v3 =	vmul.f32 $1.131370830e+01, v3;
	[tilespmem:s28+$0xFFFFFF60] =	vst v5;
	v5 =	vld [tilespmem:s28+$0x0]  }
0x38: {  	v4 =	vmul.f32 $1.131370830e+01, v4;
	v0 =	vld [tilespmem:s28+$0xFFFFFF80];
	[tilespmem:s28+$0xFFFFFF30] =	vst v2  }
0x39: {  	v6 =	vmul.f32 $1.131370830e+01, v6;
	v1 =	vld [tilespmem:s28+$0xFFFFFF90];
	[tilespmem:s28+$0xFFFFFF40] =	vst v3  }
0x3a: {  	v8 =	vmul.f32 $1.131370830e+01, v8;
	v2 =	vld [tilespmem:s28+$0xFFFFFFA0];
	[tilespmem:s28+$0xFFFFFF50] =	vst v4  }
0x3b: {  	v10 =	vld [tilespmem:s28+$0x30];
	v4 =	vmul.f32 $1.131370830e+01, v7;
	[tilespmem:s28+$0xFFFFFF70] =	vst v6  }
0x3c: {  	v3 =	vld [tilespmem:s28+$0xFFFFFFB0];
	[tilespmem:s28+$0x10] =	vst v8;
	v5 =	vmul.f32 $1.131370830e+01, v5  }
0x3d: {  	v7 =	vld [tilespmem:s28+$0xFFFFFFC0];
	[tilespmem:s28+$0xF0] =	vst v4;
	v0 =	vmul.f32 $1.131370830e+01, v0  }
0x3e: {  	v4 =	vld [tilespmem:s28+$0xFFFFFFD0];
	v1 =	vmul.f32 $1.131370830e+01, v1;
	[tilespmem:s28+$0x0] =	vst v5  }
0x3f: {  	v11 =	vld [tilespmem:s28+$0x40];
	v2 =	vmul.f32 $1.131370830e+01, v2;
	[tilespmem:s28+$0xFFFFFF80] =	vst v0  }
0x40: {  	v12 =	vld [tilespmem:s28+$0x50];
	v0 =	vmul.f32 $1.131370830e+01, v9;
	[tilespmem:s28+$0xFFFFFF90] =	vst v1  }
0x41: {  	v6 =	vld [tilespmem:s28+$0x60];
	v1 =	vmul.f32 $1.131370830e+01, v3;
	[tilespmem:s28+$0xFFFFFFA0] =	vst v2  }
0x42: {  	v13 =	vld [tilespmem:s28+$0x70];
	v2 =	vmul.f32 $1.131370830e+01, v7;
	[tilespmem:s28+$0x20] =	vst v0  }
0x43: {  	v62 =	vld [tilespmem:s28+$0x80];
	v3 =	vmul.f32 $1.131370830e+01, v4;
	[tilespmem:s28+$0xFFFFFFB0] =	vst v1  }
0x44: {  	v8 =	vld [tilespmem:s28+$0xFFFFFFF0];
	v0 =	vmul.f32 $1.131370830e+01, v10;
	[tilespmem:s28+$0xFFFFFFC0] =	vst v2  }
0x45: {  	v5 =	vld [tilespmem:s28+$0xFFFFFFE0];
	v1 =	vmul.f32 $1.131370830e+01, v12;
	[tilespmem:s28+$0xFFFFFFD0] =	vst v3  }
0x46: {  	v2 =	vmul.f32 $1.131370830e+01, v6;
	[tilespmem:s28+$0x30] =	vst v0  }
0x47: {  	v63 =	vld [tilespmem:s28+$0x90];
	v0 =	vmul.f32 $1.131370830e+01, v11;
	[tilespmem:s28+$0x50] =	vst v1  }
0x48: {  	v7 =	vld [tilespmem:s28+$0xA0];
	v3 =	vmul.f32 $1.131370830e+01, v13;
	[tilespmem:s28+$0x60] =	vst v2  }
0x49: {  	v6 =	vmul.f32 $1.131370830e+01, v62;
	[tilespmem:s28+$0x40] =	vst v0;
	v0 =	vld [tilespmem:s28+$0xB0]  }
0x4a: {  	v1 =	vld [tilespmem:s28+$0xC0];
	[tilespmem:s28+$0x70] =	vst v3;
	v4 =	vmul.f32 $1.131370830e+01, v5;
	v5 =	vmul.f32 $1.131370830e+01, v8  }
0x4b: {  	v2 =	vld [tilespmem:s28+$0xD0];
	[tilespmem:s28+$0x80] =	vst v6  }
0x4c: {  	v3 =	vld [tilespmem:s28+$0xE0];
	[tilespmem:s28+$0xFFFFFFF0] =	vst v5;
	v5 =	vmul.f32 $1.131370830e+01, v63  }
0x4d: {  	s15 =	simm.s32 $0x2300;
	s13 =	simm.s32 $0x0;
	v6 =	vmul.f32 $1.131370830e+01, v7;
	[tilespmem:s28+$0xFFFFFFE0] =	vst v4;
	v4 =	vld [tilespmem:s28+$0xFFFFFF00]  }
.LBB2_3:
0x4e: {  	v7 =	vld [tilespmem:s15+$0xF0];
	s13 =	sadd.s32 $0x4, s13;
	[tilespmem:s28+$0x90] =	vst v5;
	v0 =	vmul.f32 $1.131370830e+01, v0  }
0x4f: {  	v5 =	vld [tilespmem:s15+$0xFFFFFF10];
	p1 =	slt.u32 s13, $0x60;
	[tilespmem:s28+$0xA0] =	vst v6;
	v1 =	vmul.f32 $1.131370830e+01, v1  }
0x50: {  	v6 =	vld [tilespmem:s15+$0xFFFFFF20];
	[tilespmem:s28+$0xB0] =	vst v0;
	v0 =	vmul.f32 $1.131370830e+01, v2  }
0x51: {  	v2 =	vld [tilespmem:s15+$0xFFFFFF30];
	[tilespmem:s28+$0xC0] =	vst v1;
	v1 =	vmul.f32 $1.131370830e+01, v3  }
0x52: {  	v3 =	vld [tilespmem:s15+$0xFFFFFF40];
	v4 =	vmul.f32 $1.131370830e+01, v4;
	[tilespmem:s28+$0xD0] =	vst v0  }
0x53: {  	v0 =	vld [tilespmem:s15+$0xFFFFFF50];
	v7 =	vmul.f32 $1.131370830e+01, v7;
	[tilespmem:s28+$0xE0] =	vst v1  }
0x54: {  	v1 =	vmul.f32 $1.131370830e+01, v5;
	v5 =	vld [tilespmem:s15+$0xFFFFFF60];
	[tilespmem:s28+$0xFFFFFF00] =	vst v4;
	s28 =	smov.u32 s15  }
0x55: {  	v4 =	vmul.f32 $1.131370830e+01, v6;
	v6 =	vld [tilespmem:s15+$0xFFFFFF70];
	[tilespmem:s15+$0xF0] =	vst v7  }
0x56: {  	[tilespmem:s15+$0xFFFFFF10] =	vst v1;
	v1 =	vmul.f32 $1.131370830e+01, v2;
	v2 =	vld [tilespmem:s15+$0xFFFFFF80]  }
0x57: {  	[tilespmem:s15+$0xFFFFFF20] =	vst v4;
	v3 =	vmul.f32 $1.131370830e+01, v3;
	v4 =	vld [tilespmem:s15+$0xFFFFFF90]  }
0x58: {  	[tilespmem:s15+$0xFFFFFF30] =	vst v1;
	v0 =	vmul.f32 $1.131370830e+01, v0;
	v1 =	vld [tilespmem:s15+$0xFFFFFFA0]  }
0x59: {  	[tilespmem:s15+$0xFFFFFF40] =	vst v3;
	v3 =	vmul.f32 $1.131370830e+01, v5;
	v5 =	vld [tilespmem:s15+$0xFFFFFFB0]  }
0x5a: {  	[tilespmem:s15+$0xFFFFFF50] =	vst v0;
	v0 =	vmul.f32 $1.131370830e+01, v6;
	v6 =	vld [tilespmem:s15+$0xFFFFFFC0]  }
0x5b: {  	[tilespmem:s15+$0xFFFFFF60] =	vst v3;
	v2 =	vmul.f32 $1.131370830e+01, v2;
	v3 =	vld [tilespmem:s15+$0xFFFFFFD0]  }
0x5c: {  	[tilespmem:s15+$0xFFFFFF70] =	vst v0;
	v0 =	vmul.f32 $1.131370830e+01, v4;
	v4 =	vld [tilespmem:s15+$0xFFFFFFE0]  }
0x5d: {  	[tilespmem:s15+$0xFFFFFF80] =	vst v2;
	v1 =	vmul.f32 $1.131370830e+01, v1;
	v2 =	vld [tilespmem:s15+$0xFFFFFFF0]  }
0x5e: {  	[tilespmem:s15+$0xFFFFFF90] =	vst v0;
	v0 =	vmul.f32 $1.131370830e+01, v5;
	v5 =	vld [tilespmem:s15+$0x0]  }
0x5f: {  	[tilespmem:s15+$0xFFFFFFA0] =	vst v1;
	v1 =	vmul.f32 $1.131370830e+01, v6;
	v6 =	vld [tilespmem:s15+$0x10]  }
0x60: {  	[tilespmem:s15+$0xFFFFFFB0] =	vst v0;
	v0 =	vmul.f32 $1.131370830e+01, v3;
	v3 =	vld [tilespmem:s15+$0x20]  }
0x61: {  	[tilespmem:s15+$0xFFFFFFC0] =	vst v1;
	v1 =	vmul.f32 $1.131370830e+01, v4;
	v4 =	vld [tilespmem:s15+$0x30]  }
0x62: {  	[tilespmem:s15+$0xFFFFFFD0] =	vst v0;
	v0 =	vmul.f32 $1.131370830e+01, v2;
	v2 =	vld [tilespmem:s15+$0x40]  }
0x63: {  	[tilespmem:s15+$0xFFFFFFE0] =	vst v1;
	v1 =	vmul.f32 $1.131370830e+01, v5;
	v5 =	vld [tilespmem:s15+$0x50]  }
0x64: {  	[tilespmem:s15+$0xFFFFFFF0] =	vst v0;
	v0 =	vmul.f32 $1.131370830e+01, v6;
	v6 =	vld [tilespmem:s15+$0x60]  }
0x65: {  	[tilespmem:s15+$0x0] =	vst v1;
	v1 =	vmul.f32 $1.131370830e+01, v3;
	v3 =	vld [tilespmem:s15+$0x70]  }
0x66: {  	[tilespmem:s15+$0x10] =	vst v0;
	v0 =	vmul.f32 $1.131370830e+01, v4;
	v4 =	vld [tilespmem:s15+$0x80]  }
0x67: {  	[tilespmem:s15+$0x20] =	vst v1;
	v1 =	vmul.f32 $1.131370830e+01, v2;
	v7 =	vld [tilespmem:s15+$0x90]  }
0x68: {  	[tilespmem:s15+$0x30] =	vst v0;
	v2 =	vmul.f32 $1.131370830e+01, v5;
	v8 =	vld [tilespmem:s15+$0xA0]  }
.Ltmp0:
0x69: {  	[tilespmem:s15+$0x40] =	vst v1;
	v5 =	vmul.f32 $1.131370830e+01, v6;
	v0 =	vld [tilespmem:s15+$0xB0];
	(pc) =	sbr.rel @p1 .LBB2_3-.Ltmp0, $4  }
0x6a: {  	[tilespmem:s15+$0x50] =	vst v2;
	v3 =	vmul.f32 $1.131370830e+01, v3;
	v1 =	vld [tilespmem:s15+$0xC0]  }
0x6b: {  	[tilespmem:s15+$0x60] =	vst v5;
	v6 =	vmul.f32 $1.131370830e+01, v4;
	v2 =	vld [tilespmem:s15+$0xD0]  }
0x6c: {  	[tilespmem:s15+$0x70] =	vst v3;
	v5 =	vmul.f32 $1.131370830e+01, v7;
	v3 =	vld [tilespmem:s15+$0xE0]  }
0x6d: {  	s15 =	sadd.s32 $0x200, s15;
	v4 =	vld [tilespmem:s28+$0xFFFFFF00];
	[tilespmem:s28+$0x80] =	vst v6;
	v6 =	vmul.f32 $1.131370830e+01, v8  }
0x6e: {  	[tilespmem:s28+$0x90] =	vst v5;
	v0 =	vmul.f32 $1.131370830e+01, v0  }
0x6f: {  	[tilespmem:s28+$0xA0] =	vst v6;
	v1 =	vmul.f32 $1.131370830e+01, v1  }
0x70: {  	s13 =	sshll.u32 s8, $0x4;
	[tilespmem:s28+$0xB0] =	vst v0;
	v0 =	vmul.f32 $1.131370830e+01, v2  }
0x71: {  	s13 =	sor.u32 s5, s13;
	[tilespmem:s28+$0xC0] =	vst v1;
	v1 =	vmul.f32 $1.131370830e+01, v3  }
0x72: {  	s15 =	smul.u32 $0x380, s13;
	v2 =	vmul.f32 $1.131370830e+01, v4;
	[tilespmem:s28+$0xD0] =	vst v0  }
0x73: {  	[tilespmem:s28+$0xE0] =	vst v1  }
0x74: {  	s19 =	simm.s32 $0x2000;
	s17 =	sadd.s32 s4, s15;
	[tilespmem:s28+$0xFFFFFF00] =	vst v2  }
0x75: {  	[hbm4b:s17+s3] =	stream.linear.scatter [tilespmem:s19], [sflag:$0x9], $0x1900, $0x38;
	[tilespmem:$0x1C000] =	vst v63  }
0x76: {  	s21 =	simm.s32 $0x3900;
	s19 =	sadd.s32 s15, s7;
	s17 =	simm.s32 @!p0 $0x10  }
0x77: {  	[hbm4b:s19+s3] =	stream.linear.scatter [tilespmem:s21], [sflag:$0x9], $0x1900, $0x38;
	[tilespmem:$0x1C000] =	vst v63  }
0x78: {  	_ =	swait.ge @!p0 [sflag:s17], $0x1900  }
0x79: {  	[sflag:s17] =	ssyncset.done @!p0 $0x0  }
0x7a: {  	[sflag:s17] =	ssyncadd.s32 @!p0 $0xFFFFE700  }
0x7b: {  	s28 =	sor.u32 $0x7, s11;
	_ =	swait.ge @!p0 [sflag:s17], $0x1900  }
0x7c: {  	s11 =	sshll.u32 s28, $0x7;
	[sflag:s17] =	ssyncset.done @!p0 $0x0  }
0x7d: {  	s11 =	sand.u32 $0x3FFFFF80, s11;
	[sflag:s17] =	ssyncadd.s32 @!p0 $0xFFFFE700  }
0x7e: {  	[tilespmem:s25], [sflag:$0x8] =	stream.indirect.gather [hbm4b:s1+s10], $0x80, s11, s10, $0xb8;
	[tilespmem:$0x1C000] =	vst v63  }
0x7f: {  	_ =	swait.ge [sflag:s26], $0x3200  }
0x80: {  	[sflag:s26] =	ssyncset.done $0x0  }
0x81: {  	s11 =	simm.s32 $0x5500;
	[sflag:s26] =	ssyncadd.s32 $0xFFFFCE00  }
0x82: {  	v0 =	vld [tilespmem:s11+$0xFFFFFF10]  }
0x83: {  	v1 =	vld [tilespmem:s11+$0xFFFFFF20]  }
0x84: {  	v2 =	vld [tilespmem:s11+$0xFFFFFF30]  }
0x85: {  	v5 =	vld [tilespmem:s11+$0xFFFFFF60]  }
0x86: {  	v3 =	vld [tilespmem:s11+$0xFFFFFF40]  }
0x87: {  	v4 =	vld [tilespmem:s11+$0xFFFFFF50]  }
0x88: {  	v6 =	vld [tilespmem:s11+$0xFFFFFF70];
	v0 =	vmul.f32 $1.131370830e+01, v0  }
0x89: {  	v7 =	vld [tilespmem:s11+$0xF0];
	v1 =	vmul.f32 $1.131370830e+01, v1  }
0x8a: {  	v8 =	vld [tilespmem:s11+$0x10];
	v5 =	vmul.f32 $1.131370830e+01, v5;
	[tilespmem:s11+$0xFFFFFF10] =	vst v0  }
0x8b: {  	v9 =	vld [tilespmem:s11+$0x20];
	v2 =	vmul.f32 $1.131370830e+01, v2;
	[tilespmem:s11+$0xFFFFFF20] =	vst v1  }
0x8c: {  	v3 =	vmul.f32 $1.131370830e+01, v3;
	[tilespmem:s11+$0xFFFFFF60] =	vst v5;
	v5 =	vld [tilespmem:s11+$0x0]  }
0x8d: {  	v4 =	vmul.f32 $1.131370830e+01, v4;
	v0 =	vld [tilespmem:s11+$0xFFFFFF80];
	[tilespmem:s11+$0xFFFFFF30] =	vst v2  }
0x8e: {  	v6 =	vmul.f32 $1.131370830e+01, v6;
	v1 =	vld [tilespmem:s11+$0xFFFFFF90];
	[tilespmem:s11+$0xFFFFFF40] =	vst v3  }
0x8f: {  	v8 =	vmul.f32 $1.131370830e+01, v8;
	v2 =	vld [tilespmem:s11+$0xFFFFFFA0];
	[tilespmem:s11+$0xFFFFFF50] =	vst v4  }
0x90: {  	v10 =	vld [tilespmem:s11+$0x30];
	v4 =	vmul.f32 $1.131370830e+01, v7;
	[tilespmem:s11+$0xFFFFFF70] =	vst v6  }
0x91: {  	v3 =	vld [tilespmem:s11+$0xFFFFFFB0];
	[tilespmem:s11+$0x10] =	vst v8;
	v5 =	vmul.f32 $1.131370830e+01, v5  }
0x92: {  	v7 =	vld [tilespmem:s11+$0xFFFFFFC0];
	[tilespmem:s11+$0xF0] =	vst v4;
	v0 =	vmul.f32 $1.131370830e+01, v0  }
0x93: {  	v4 =	vld [tilespmem:s11+$0xFFFFFFD0];
	v1 =	vmul.f32 $1.131370830e+01, v1;
	[tilespmem:s11+$0x0] =	vst v5  }
0x94: {  	v11 =	vld [tilespmem:s11+$0x40];
	v2 =	vmul.f32 $1.131370830e+01, v2;
	[tilespmem:s11+$0xFFFFFF80] =	vst v0  }
0x95: {  	v12 =	vld [tilespmem:s11+$0x50];
	v0 =	vmul.f32 $1.131370830e+01, v9;
	[tilespmem:s11+$0xFFFFFF90] =	vst v1  }
0x96: {  	v6 =	vld [tilespmem:s11+$0x60];
	v1 =	vmul.f32 $1.131370830e+01, v3;
	[tilespmem:s11+$0xFFFFFFA0] =	vst v2  }
0x97: {  	v13 =	vld [tilespmem:s11+$0x70];
	v2 =	vmul.f32 $1.131370830e+01, v7;
	[tilespmem:s11+$0x20] =	vst v0  }
0x98: {  	v62 =	vld [tilespmem:s11+$0x80];
	v3 =	vmul.f32 $1.131370830e+01, v4;
	[tilespmem:s11+$0xFFFFFFB0] =	vst v1  }
0x99: {  	v8 =	vld [tilespmem:s11+$0xFFFFFFF0];
	v0 =	vmul.f32 $1.131370830e+01, v10;
	[tilespmem:s11+$0xFFFFFFC0] =	vst v2  }
0x9a: {  	v5 =	vld [tilespmem:s11+$0xFFFFFFE0];
	v1 =	vmul.f32 $1.131370830e+01, v12;
	[tilespmem:s11+$0xFFFFFFD0] =	vst v3  }
0x9b: {  	v2 =	vmul.f32 $1.131370830e+01, v6;
	[tilespmem:s11+$0x30] =	vst v0  }
0x9c: {  	v63 =	vld [tilespmem:s11+$0x90];
	v0 =	vmul.f32 $1.131370830e+01, v11;
	[tilespmem:s11+$0x50] =	vst v1  }
0x9d: {  	v7 =	vld [tilespmem:s11+$0xA0];
	v3 =	vmul.f32 $1.131370830e+01, v13;
	[tilespmem:s11+$0x60] =	vst v2  }
0x9e: {  	v6 =	vmul.f32 $1.131370830e+01, v62;
	[tilespmem:s11+$0x40] =	vst v0;
	v0 =	vld [tilespmem:s11+$0xB0]  }
0x9f: {  	v1 =	vld [tilespmem:s11+$0xC0];
	[tilespmem:s11+$0x70] =	vst v3;
	v4 =	vmul.f32 $1.131370830e+01, v5;
	v5 =	vmul.f32 $1.131370830e+01, v8  }
0xa0: {  	v2 =	vld [tilespmem:s11+$0xD0];
	[tilespmem:s11+$0x80] =	vst v6  }
0xa1: {  	v3 =	vld [tilespmem:s11+$0xE0];
	[tilespmem:s11+$0xFFFFFFF0] =	vst v5;
	v5 =	vmul.f32 $1.131370830e+01, v63  }
0xa2: {  	s19 =	simm.s32 $0x5700;
	s17 =	simm.s32 $0x0;
	v6 =	vmul.f32 $1.131370830e+01, v7;
	[tilespmem:s11+$0xFFFFFFE0] =	vst v4;
	v4 =	vld [tilespmem:s11+$0xFFFFFF00]  }
.LBB2_5:
0xa3: {  	v7 =	vld [tilespmem:s19+$0xF0];
	s17 =	sadd.s32 $0x4, s17;
	[tilespmem:s11+$0x90] =	vst v5;
	v0 =	vmul.f32 $1.131370830e+01, v0  }
0xa4: {  	v5 =	vld [tilespmem:s19+$0xFFFFFF10];
	p0 =	slt.u32 s17, $0x60;
	[tilespmem:s11+$0xA0] =	vst v6;
	v1 =	vmul.f32 $1.131370830e+01, v1  }
0xa5: {  	v6 =	vld [tilespmem:s19+$0xFFFFFF20];
	[tilespmem:s11+$0xB0] =	vst v0;
	v0 =	vmul.f32 $1.131370830e+01, v2  }
0xa6: {  	v2 =	vld [tilespmem:s19+$0xFFFFFF30];
	[tilespmem:s11+$0xC0] =	vst v1;
	v1 =	vmul.f32 $1.131370830e+01, v3  }
0xa7: {  	v3 =	vld [tilespmem:s19+$0xFFFFFF40];
	v4 =	vmul.f32 $1.131370830e+01, v4;
	[tilespmem:s11+$0xD0] =	vst v0  }
0xa8: {  	v0 =	vld [tilespmem:s19+$0xFFFFFF50];
	v7 =	vmul.f32 $1.131370830e+01, v7;
	[tilespmem:s11+$0xE0] =	vst v1  }
0xa9: {  	v1 =	vmul.f32 $1.131370830e+01, v5;
	v5 =	vld [tilespmem:s19+$0xFFFFFF60];
	[tilespmem:s11+$0xFFFFFF00] =	vst v4;
	s11 =	smov.u32 s19  }
0xaa: {  	v4 =	vmul.f32 $1.131370830e+01, v6;
	v6 =	vld [tilespmem:s19+$0xFFFFFF70];
	[tilespmem:s19+$0xF0] =	vst v7  }
0xab: {  	[tilespmem:s19+$0xFFFFFF10] =	vst v1;
	v1 =	vmul.f32 $1.131370830e+01, v2;
	v2 =	vld [tilespmem:s19+$0xFFFFFF80]  }
0xac: {  	[tilespmem:s19+$0xFFFFFF20] =	vst v4;
	v3 =	vmul.f32 $1.131370830e+01, v3;
	v4 =	vld [tilespmem:s19+$0xFFFFFF90]  }
0xad: {  	[tilespmem:s19+$0xFFFFFF30] =	vst v1;
	v0 =	vmul.f32 $1.131370830e+01, v0;
	v1 =	vld [tilespmem:s19+$0xFFFFFFA0]  }
0xae: {  	[tilespmem:s19+$0xFFFFFF40] =	vst v3;
	v3 =	vmul.f32 $1.131370830e+01, v5;
	v5 =	vld [tilespmem:s19+$0xFFFFFFB0]  }
0xaf: {  	[tilespmem:s19+$0xFFFFFF50] =	vst v0;
	v0 =	vmul.f32 $1.131370830e+01, v6;
	v6 =	vld [tilespmem:s19+$0xFFFFFFC0]  }
0xb0: {  	[tilespmem:s19+$0xFFFFFF60] =	vst v3;
	v2 =	vmul.f32 $1.131370830e+01, v2;
	v3 =	vld [tilespmem:s19+$0xFFFFFFD0]  }
0xb1: {  	[tilespmem:s19+$0xFFFFFF70] =	vst v0;
	v0 =	vmul.f32 $1.131370830e+01, v4;
	v4 =	vld [tilespmem:s19+$0xFFFFFFE0]  }
0xb2: {  	[tilespmem:s19+$0xFFFFFF80] =	vst v2;
	v1 =	vmul.f32 $1.131370830e+01, v1;
	v2 =	vld [tilespmem:s19+$0xFFFFFFF0]  }
0xb3: {  	[tilespmem:s19+$0xFFFFFF90] =	vst v0;
	v0 =	vmul.f32 $1.131370830e+01, v5;
	v5 =	vld [tilespmem:s19+$0x0]  }
0xb4: {  	[tilespmem:s19+$0xFFFFFFA0] =	vst v1;
	v1 =	vmul.f32 $1.131370830e+01, v6;
	v6 =	vld [tilespmem:s19+$0x10]  }
0xb5: {  	[tilespmem:s19+$0xFFFFFFB0] =	vst v0;
	v0 =	vmul.f32 $1.131370830e+01, v3;
	v3 =	vld [tilespmem:s19+$0x20]  }
0xb6: {  	[tilespmem:s19+$0xFFFFFFC0] =	vst v1;
	v1 =	vmul.f32 $1.131370830e+01, v4;
	v4 =	vld [tilespmem:s19+$0x30]  }
0xb7: {  	[tilespmem:s19+$0xFFFFFFD0] =	vst v0;
	v0 =	vmul.f32 $1.131370830e+01, v2;
	v2 =	vld [tilespmem:s19+$0x40]  }
0xb8: {  	[tilespmem:s19+$0xFFFFFFE0] =	vst v1;
	v1 =	vmul.f32 $1.131370830e+01, v5;
	v5 =	vld [tilespmem:s19+$0x50]  }
0xb9: {  	[tilespmem:s19+$0xFFFFFFF0] =	vst v0;
	v0 =	vmul.f32 $1.131370830e+01, v6;
	v6 =	vld [tilespmem:s19+$0x60]  }
0xba: {  	[tilespmem:s19+$0x0] =	vst v1;
	v1 =	vmul.f32 $1.131370830e+01, v3;
	v3 =	vld [tilespmem:s19+$0x70]  }
0xbb: {  	[tilespmem:s19+$0x10] =	vst v0;
	v0 =	vmul.f32 $1.131370830e+01, v4;
	v4 =	vld [tilespmem:s19+$0x80]  }
0xbc: {  	[tilespmem:s19+$0x20] =	vst v1;
	v1 =	vmul.f32 $1.131370830e+01, v2;
	v7 =	vld [tilespmem:s19+$0x90]  }
0xbd: {  	[tilespmem:s19+$0x30] =	vst v0;
	v2 =	vmul.f32 $1.131370830e+01, v5;
	v8 =	vld [tilespmem:s19+$0xA0]  }
.Ltmp1:
0xbe: {  	[tilespmem:s19+$0x40] =	vst v1;
	v5 =	vmul.f32 $1.131370830e+01, v6;
	v0 =	vld [tilespmem:s19+$0xB0];
	(pc) =	sbr.rel @p0 .LBB2_5-.Ltmp1, $4  }
0xbf: {  	[tilespmem:s19+$0x50] =	vst v2;
	v3 =	vmul.f32 $1.131370830e+01, v3;
	v1 =	vld [tilespmem:s19+$0xC0]  }
0xc0: {  	[tilespmem:s19+$0x60] =	vst v5;
	v6 =	vmul.f32 $1.131370830e+01, v4;
	v2 =	vld [tilespmem:s19+$0xD0]  }
0xc1: {  	[tilespmem:s19+$0x70] =	vst v3;
	v5 =	vmul.f32 $1.131370830e+01, v7;
	v3 =	vld [tilespmem:s19+$0xE0]  }
0xc2: {  	s19 =	sadd.s32 $0x200, s19;
	v4 =	vld [tilespmem:s11+$0xFFFFFF00];
	[tilespmem:s11+$0x80] =	vst v6;
	v6 =	vmul.f32 $1.131370830e+01, v8  }
0xc3: {  	[tilespmem:s11+$0x90] =	vst v5;
	v0 =	vmul.f32 $1.131370830e+01, v0  }
0xc4: {  	[tilespmem:s11+$0xA0] =	vst v6;
	v1 =	vmul.f32 $1.131370830e+01, v1  }
0xc5: {  	[tilespmem:s11+$0xB0] =	vst v0;
	v0 =	vmul.f32 $1.131370830e+01, v2  }
0xc6: {  	s17 =	sor.u32 $0x2, s13;
	[tilespmem:s11+$0xC0] =	vst v1;
	v1 =	vmul.f32 $1.131370830e+01, v3  }
0xc7: {  	s19 =	smul.u32 $0x380, s17;
	v2 =	vmul.f32 $1.131370830e+01, v4;
	[tilespmem:s11+$0xD0] =	vst v0  }
0xc8: {  	[tilespmem:s11+$0xE0] =	vst v1  }
0xc9: {  	s21 =	simm.s32 $0x5400;
	s17 =	smul.u32 $0x1C00, s17;
	s19 =	sadd.s32 s4, s19;
	[tilespmem:s11+$0xFFFFFF00] =	vst v2  }
0xca: {  	[hbm4b:s19+s3] =	stream.linear.scatter [tilespmem:s21], [sflag:$0xA], $0x1900, $0x38;
	[tilespmem:$0x1C000] =	vst v63  }
0xcb: {  	s19 =	sshrl.u32 s17, $0x3  }
0xcc: {  	s11 =	sadd.s32 s4, s19  }
0xcd: {  	s21 =	simm.s32 $0x6D00;
	s11 =	sadd.s32 $0x380, s11  }
0xce: {  	[hbm4b:s11+s3] =	stream.linear.scatter [tilespmem:s21], [sflag:$0xA], $0x1900, $0x38;
	[tilespmem:$0x1C000] =	vst v63  }
0xcf: {  	_ =	swait.ge [sflag:s29], $0x1900  }
0xd0: {  	[sflag:s29] =	ssyncset.done $0x0  }
0xd1: {  	p0 =	seq.s32 s8, $0x7;
	[sflag:s29] =	ssyncadd.s32 $0xFFFFE700  }
0xd2: {  	s11 =	sshll.u32 @!p0 s8, $0xA;
	_ =	swait.ge [sflag:s29], $0x1900  }
0xd3: {  	s19 =	simm.s32 @!p0 $0x64;
	s11 =	sand.u32 @!p0 $0x3FFFFC00, s11;
	[sflag:s29] =	ssyncset.done $0x0  }
0xd4: {  	s21 =	simm.s32 @!p0 $0x2000;
	s17 =	sadd.s32 @!p0 $0x400, s11;
	[sflag:s29] =	ssyncadd.s32 $0xFFFFE700  }
0xd5: {  	[tilespmem:s21], [sflag:$0x1] =	stream.indirect.gather @!p0 [hbm4b:s1+s19], $0x80, s17, s19, $0xb8;
	[tilespmem:$0x1C000] =	vst v63  }
0xd6: {  	_ =	swait.ge [sflag:s30], $0x3200  }
0xd7: {  	[sflag:s30] =	ssyncset.done $0x0  }
0xd8: {  	s17 =	simm.s32 $0x8900;
	[sflag:s30] =	ssyncadd.s32 $0xFFFFCE00  }
0xd9: {  	v0 =	vld [tilespmem:s17+$0xFFFFFF10]  }
0xda: {  	v1 =	vld [tilespmem:s17+$0xFFFFFF20]  }
0xdb: {  	v2 =	vld [tilespmem:s17+$0xFFFFFF30]  }
0xdc: {  	v5 =	vld [tilespmem:s17+$0xFFFFFF60]  }
0xdd: {  	v3 =	vld [tilespmem:s17+$0xFFFFFF40]  }
0xde: {  	v4 =	vld [tilespmem:s17+$0xFFFFFF50]  }
0xdf: {  	v6 =	vld [tilespmem:s17+$0xFFFFFF70];
	v0 =	vmul.f32 $1.131370830e+01, v0  }
0xe0: {  	v7 =	vld [tilespmem:s17+$0xF0];
	v1 =	vmul.f32 $1.131370830e+01, v1  }
0xe1: {  	v8 =	vld [tilespmem:s17+$0x10];
	v5 =	vmul.f32 $1.131370830e+01, v5;
	[tilespmem:s17+$0xFFFFFF10] =	vst v0  }
0xe2: {  	v9 =	vld [tilespmem:s17+$0x20];
	v2 =	vmul.f32 $1.131370830e+01, v2;
	[tilespmem:s17+$0xFFFFFF20] =	vst v1  }
0xe3: {  	v3 =	vmul.f32 $1.131370830e+01, v3;
	[tilespmem:s17+$0xFFFFFF60] =	vst v5;
	v5 =	vld [tilespmem:s17+$0x0]  }
0xe4: {  	v4 =	vmul.f32 $1.131370830e+01, v4;
	v0 =	vld [tilespmem:s17+$0xFFFFFF80];
	[tilespmem:s17+$0xFFFFFF30] =	vst v2  }
0xe5: {  	v6 =	vmul.f32 $1.131370830e+01, v6;
	v1 =	vld [tilespmem:s17+$0xFFFFFF90];
	[tilespmem:s17+$0xFFFFFF40] =	vst v3  }
0xe6: {  	v8 =	vmul.f32 $1.131370830e+01, v8;
	v2 =	vld [tilespmem:s17+$0xFFFFFFA0];
	[tilespmem:s17+$0xFFFFFF50] =	vst v4  }
0xe7: {  	v10 =	vld [tilespmem:s17+$0x30];
	v4 =	vmul.f32 $1.131370830e+01, v7;
	[tilespmem:s17+$0xFFFFFF70] =	vst v6  }
0xe8: {  	v3 =	vld [tilespmem:s17+$0xFFFFFFB0];
	[tilespmem:s17+$0x10] =	vst v8;
	v5 =	vmul.f32 $1.131370830e+01, v5  }
0xe9: {  	v7 =	vld [tilespmem:s17+$0xFFFFFFC0];
	[tilespmem:s17+$0xF0] =	vst v4;
	v0 =	vmul.f32 $1.131370830e+01, v0  }
0xea: {  	v4 =	vld [tilespmem:s17+$0xFFFFFFD0];
	v1 =	vmul.f32 $1.131370830e+01, v1;
	[tilespmem:s17+$0x0] =	vst v5  }
0xeb: {  	v11 =	vld [tilespmem:s17+$0x40];
	v2 =	vmul.f32 $1.131370830e+01, v2;
	[tilespmem:s17+$0xFFFFFF80] =	vst v0  }
0xec: {  	v12 =	vld [tilespmem:s17+$0x50];
	v0 =	vmul.f32 $1.131370830e+01, v9;
	[tilespmem:s17+$0xFFFFFF90] =	vst v1  }
0xed: {  	v6 =	vld [tilespmem:s17+$0x60];
	v1 =	vmul.f32 $1.131370830e+01, v3;
	[tilespmem:s17+$0xFFFFFFA0] =	vst v2  }
0xee: {  	v13 =	vld [tilespmem:s17+$0x70];
	v2 =	vmul.f32 $1.131370830e+01, v7;
	[tilespmem:s17+$0x20] =	vst v0  }
0xef: {  	v62 =	vld [tilespmem:s17+$0x80];
	v3 =	vmul.f32 $1.131370830e+01, v4;
	[tilespmem:s17+$0xFFFFFFB0] =	vst v1  }
0xf0: {  	v8 =	vld [tilespmem:s17+$0xFFFFFFF0];
	v0 =	vmul.f32 $1.131370830e+01, v10;
	[tilespmem:s17+$0xFFFFFFC0] =	vst v2  }
0xf1: {  	v5 =	vld [tilespmem:s17+$0xFFFFFFE0];
	v1 =	vmul.f32 $1.131370830e+01, v12;
	[tilespmem:s17+$0xFFFFFFD0] =	vst v3  }
0xf2: {  	v2 =	vmul.f32 $1.131370830e+01, v6;
	[tilespmem:s17+$0x30] =	vst v0  }
0xf3: {  	v63 =	vld [tilespmem:s17+$0x90];
	v0 =	vmul.f32 $1.131370830e+01, v11;
	[tilespmem:s17+$0x50] =	vst v1  }
0xf4: {  	v7 =	vld [tilespmem:s17+$0xA0];
	v3 =	vmul.f32 $1.131370830e+01, v13;
	[tilespmem:s17+$0x60] =	vst v2  }
0xf5: {  	v6 =	vmul.f32 $1.131370830e+01, v62;
	[tilespmem:s17+$0x40] =	vst v0;
	v0 =	vld [tilespmem:s17+$0xB0]  }
0xf6: {  	v1 =	vld [tilespmem:s17+$0xC0];
	[tilespmem:s17+$0x70] =	vst v3;
	v4 =	vmul.f32 $1.131370830e+01, v5;
	v5 =	vmul.f32 $1.131370830e+01, v8  }
0xf7: {  	v2 =	vld [tilespmem:s17+$0xD0];
	[tilespmem:s17+$0x80] =	vst v6  }
0xf8: {  	v3 =	vld [tilespmem:s17+$0xE0];
	[tilespmem:s17+$0xFFFFFFF0] =	vst v5;
	v5 =	vmul.f32 $1.131370830e+01, v63  }
0xf9: {  	s19 =	simm.s32 $0x0;
	s21 =	simm.s32 $0x8B00;
	v6 =	vmul.f32 $1.131370830e+01, v7;
	[tilespmem:s17+$0xFFFFFFE0] =	vst v4;
	v4 =	vld [tilespmem:s17+$0xFFFFFF00]  }
.LBB2_7:
0xfa: {  	v7 =	vld [tilespmem:s21+$0xF0];
	s19 =	sadd.s32 $0x4, s19;
	[tilespmem:s17+$0x90] =	vst v5;
	v0 =	vmul.f32 $1.131370830e+01, v0  }
0xfb: {  	v5 =	vld [tilespmem:s21+$0xFFFFFF10];
	p1 =	slt.u32 s19, $0x60;
	[tilespmem:s17+$0xA0] =	vst v6;
	v1 =	vmul.f32 $1.131370830e+01, v1  }
0xfc: {  	v6 =	vld [tilespmem:s21+$0xFFFFFF20];
	[tilespmem:s17+$0xB0] =	vst v0;
	v0 =	vmul.f32 $1.131370830e+01, v2  }
0xfd: {  	v2 =	vld [tilespmem:s21+$0xFFFFFF30];
	[tilespmem:s17+$0xC0] =	vst v1;
	v1 =	vmul.f32 $1.131370830e+01, v3  }
0xfe: {  	v3 =	vld [tilespmem:s21+$0xFFFFFF40];
	v4 =	vmul.f32 $1.131370830e+01, v4;
	[tilespmem:s17+$0xD0] =	vst v0  }
0xff: {  	v0 =	vld [tilespmem:s21+$0xFFFFFF50];
	v7 =	vmul.f32 $1.131370830e+01, v7;
	[tilespmem:s17+$0xE0] =	vst v1  }
0x100: {  	v1 =	vmul.f32 $1.131370830e+01, v5;
	v5 =	vld [tilespmem:s21+$0xFFFFFF60];
	[tilespmem:s17+$0xFFFFFF00] =	vst v4;
	s17 =	smov.u32 s21  }
0x101: {  	v4 =	vmul.f32 $1.131370830e+01, v6;
	v6 =	vld [tilespmem:s21+$0xFFFFFF70];
	[tilespmem:s21+$0xF0] =	vst v7  }
0x102: {  	[tilespmem:s21+$0xFFFFFF10] =	vst v1;
	v1 =	vmul.f32 $1.131370830e+01, v2;
	v2 =	vld [tilespmem:s21+$0xFFFFFF80]  }
0x103: {  	[tilespmem:s21+$0xFFFFFF20] =	vst v4;
	v3 =	vmul.f32 $1.131370830e+01, v3;
	v4 =	vld [tilespmem:s21+$0xFFFFFF90]  }
0x104: {  	[tilespmem:s21+$0xFFFFFF30] =	vst v1;
	v0 =	vmul.f32 $1.131370830e+01, v0;
	v1 =	vld [tilespmem:s21+$0xFFFFFFA0]  }
0x105: {  	[tilespmem:s21+$0xFFFFFF40] =	vst v3;
	v3 =	vmul.f32 $1.131370830e+01, v5;
	v5 =	vld [tilespmem:s21+$0xFFFFFFB0]  }
0x106: {  	[tilespmem:s21+$0xFFFFFF50] =	vst v0;
	v0 =	vmul.f32 $1.131370830e+01, v6;
	v6 =	vld [tilespmem:s21+$0xFFFFFFC0]  }
0x107: {  	[tilespmem:s21+$0xFFFFFF60] =	vst v3;
	v2 =	vmul.f32 $1.131370830e+01, v2;
	v3 =	vld [tilespmem:s21+$0xFFFFFFD0]  }
0x108: {  	[tilespmem:s21+$0xFFFFFF70] =	vst v0;
	v0 =	vmul.f32 $1.131370830e+01, v4;
	v4 =	vld [tilespmem:s21+$0xFFFFFFE0]  }
0x109: {  	[tilespmem:s21+$0xFFFFFF80] =	vst v2;
	v1 =	vmul.f32 $1.131370830e+01, v1;
	v2 =	vld [tilespmem:s21+$0xFFFFFFF0]  }
0x10a: {  	[tilespmem:s21+$0xFFFFFF90] =	vst v0;
	v0 =	vmul.f32 $1.131370830e+01, v5;
	v5 =	vld [tilespmem:s21+$0x0]  }
0x10b: {  	[tilespmem:s21+$0xFFFFFFA0] =	vst v1;
	v1 =	vmul.f32 $1.131370830e+01, v6;
	v6 =	vld [tilespmem:s21+$0x10]  }
0x10c: {  	[tilespmem:s21+$0xFFFFFFB0] =	vst v0;
	v0 =	vmul.f32 $1.131370830e+01, v3;
	v3 =	vld [tilespmem:s21+$0x20]  }
0x10d: {  	[tilespmem:s21+$0xFFFFFFC0] =	vst v1;
	v1 =	vmul.f32 $1.131370830e+01, v4;
	v4 =	vld [tilespmem:s21+$0x30]  }
0x10e: {  	[tilespmem:s21+$0xFFFFFFD0] =	vst v0;
	v0 =	vmul.f32 $1.131370830e+01, v2;
	v2 =	vld [tilespmem:s21+$0x40]  }
0x10f: {  	[tilespmem:s21+$0xFFFFFFE0] =	vst v1;
	v1 =	vmul.f32 $1.131370830e+01, v5;
	v5 =	vld [tilespmem:s21+$0x50]  }
0x110: {  	[tilespmem:s21+$0xFFFFFFF0] =	vst v0;
	v0 =	vmul.f32 $1.131370830e+01, v6;
	v6 =	vld [tilespmem:s21+$0x60]  }
0x111: {  	[tilespmem:s21+$0x0] =	vst v1;
	v1 =	vmul.f32 $1.131370830e+01, v3;
	v3 =	vld [tilespmem:s21+$0x70]  }
0x112: {  	[tilespmem:s21+$0x10] =	vst v0;
	v0 =	vmul.f32 $1.131370830e+01, v4;
	v4 =	vld [tilespmem:s21+$0x80]  }
0x113: {  	[tilespmem:s21+$0x20] =	vst v1;
	v1 =	vmul.f32 $1.131370830e+01, v2;
	v7 =	vld [tilespmem:s21+$0x90]  }
0x114: {  	[tilespmem:s21+$0x30] =	vst v0;
	v2 =	vmul.f32 $1.131370830e+01, v5;
	v8 =	vld [tilespmem:s21+$0xA0]  }
.Ltmp2:
0x115: {  	[tilespmem:s21+$0x40] =	vst v1;
	v5 =	vmul.f32 $1.131370830e+01, v6;
	v0 =	vld [tilespmem:s21+$0xB0];
	(pc) =	sbr.rel @p1 .LBB2_7-.Ltmp2, $4  }
0x116: {  	[tilespmem:s21+$0x50] =	vst v2;
	v3 =	vmul.f32 $1.131370830e+01, v3;
	v1 =	vld [tilespmem:s21+$0xC0]  }
0x117: {  	[tilespmem:s21+$0x60] =	vst v5;
	v6 =	vmul.f32 $1.131370830e+01, v4;
	v2 =	vld [tilespmem:s21+$0xD0]  }
0x118: {  	[tilespmem:s21+$0x70] =	vst v3;
	v5 =	vmul.f32 $1.131370830e+01, v7;
	v3 =	vld [tilespmem:s21+$0xE0]  }
0x119: {  	s21 =	sadd.s32 $0x200, s21;
	v4 =	vld [tilespmem:s17+$0xFFFFFF00];
	[tilespmem:s17+$0x80] =	vst v6;
	v6 =	vmul.f32 $1.131370830e+01, v8  }
0x11a: {  	[tilespmem:s17+$0x90] =	vst v5;
	v0 =	vmul.f32 $1.131370830e+01, v0  }
0x11b: {  	[tilespmem:s17+$0xA0] =	vst v6;
	v1 =	vmul.f32 $1.131370830e+01, v1  }
0x11c: {  	s19 =	sor.u32 $0x4, s13;
	[tilespmem:s17+$0xB0] =	vst v0;
	v0 =	vmul.f32 $1.131370830e+01, v2  }
0x11d: {  	s21 =	smul.u32 $0x380, s19;
	[tilespmem:s17+$0xC0] =	vst v1;
	v1 =	vmul.f32 $1.131370830e+01, v3  }
0x11e: {  	s19 =	smul.u32 $0x1C00, s19;
	v2 =	vmul.f32 $1.131370830e+01, v4;
	[tilespmem:s17+$0xD0] =	vst v0  }
0x11f: {  	[tilespmem:s17+$0xE0] =	vst v1  }
0x120: {  	s19 =	sshrl.u32 s19, $0x3;
	[tilespmem:s17+$0xFFFFFF00] =	vst v2;
	s17 =	sadd.s32 s4, s21;
	s21 =	simm.s32 $0x8800  }
0x121: {  	[hbm4b:s17+s3] =	stream.linear.scatter [tilespmem:s21], [sflag:$0xB], $0x1900, $0x38;
	[tilespmem:$0x1C000] =	vst v63  }
0x122: {  	s17 =	sadd.s32 s4, s19  }
0x123: {  	s21 =	simm.s32 $0xA100;
	s17 =	sadd.s32 $0x380, s17  }
0x124: {  	[hbm4b:s17+s3] =	stream.linear.scatter [tilespmem:s21], [sflag:$0xB], $0x1900, $0x38;
	[tilespmem:$0x1C000] =	vst v63  }
0x125: {  	_ =	swait.ge [sflag:s0], $0x1900  }
0x126: {  	[sflag:s0] =	ssyncset.done $0x0  }
0x127: {  	[sflag:s0] =	ssyncadd.s32 $0xFFFFE700  }
0x128: {  	_ =	swait.ge [sflag:s0], $0x1900  }
0x129: {  	s19 =	simm.s32 @!p0 $0x64;
	[sflag:s0] =	ssyncset.done $0x0  }
0x12a: {  	s17 =	sadd.s32 @!p0 $0x480, s11;
	s21 =	simm.s32 @!p0 $0x5400;
	[sflag:s0] =	ssyncadd.s32 $0xFFFFE700  }
0x12b: {  	[tilespmem:s21], [sflag:$0x2] =	stream.indirect.gather @!p0 [hbm4b:s1+s19], $0x80, s17, s19, $0xb8;
	[tilespmem:$0x1C000] =	vst v63  }
0x12c: {  	_ =	swait.ge [sflag:s2], $0x3200  }
0x12d: {  	[sflag:s2] =	ssyncset.done $0x0  }
0x12e: {  	s17 =	simm.s32 $0xBD00;
	[sflag:s2] =	ssyncadd.s32 $0xFFFFCE00  }
0x12f: {  	v0 =	vld [tilespmem:s17+$0xFFFFFF10]  }
0x130: {  	v1 =	vld [tilespmem:s17+$0xFFFFFF20]  }
0x131: {  	v2 =	vld [tilespmem:s17+$0xFFFFFF30]  }
0x132: {  	v5 =	vld [tilespmem:s17+$0xFFFFFF60]  }
0x133: {  	v3 =	vld [tilespmem:s17+$0xFFFFFF40]  }
0x134: {  	v4 =	vld [tilespmem:s17+$0xFFFFFF50]  }
0x135: {  	v6 =	vld [tilespmem:s17+$0xFFFFFF70];
	v0 =	vmul.f32 $1.131370830e+01, v0  }
0x136: {  	v7 =	vld [tilespmem:s17+$0xF0];
	v1 =	vmul.f32 $1.131370830e+01, v1  }
0x137: {  	v8 =	vld [tilespmem:s17+$0x10];
	v5 =	vmul.f32 $1.131370830e+01, v5;
	[tilespmem:s17+$0xFFFFFF10] =	vst v0  }
0x138: {  	v9 =	vld [tilespmem:s17+$0x20];
	v2 =	vmul.f32 $1.131370830e+01, v2;
	[tilespmem:s17+$0xFFFFFF20] =	vst v1  }
0x139: {  	v3 =	vmul.f32 $1.131370830e+01, v3;
	[tilespmem:s17+$0xFFFFFF60] =	vst v5;
	v5 =	vld [tilespmem:s17+$0x0]  }
0x13a: {  	v4 =	vmul.f32 $1.131370830e+01, v4;
	v0 =	vld [tilespmem:s17+$0xFFFFFF80];
	[tilespmem:s17+$0xFFFFFF30] =	vst v2  }
0x13b: {  	v6 =	vmul.f32 $1.131370830e+01, v6;
	v1 =	vld [tilespmem:s17+$0xFFFFFF90];
	[tilespmem:s17+$0xFFFFFF40] =	vst v3  }
0x13c: {  	v8 =	vmul.f32 $1.131370830e+01, v8;
	v2 =	vld [tilespmem:s17+$0xFFFFFFA0];
	[tilespmem:s17+$0xFFFFFF50] =	vst v4  }
0x13d: {  	v10 =	vld [tilespmem:s17+$0x30];
	v4 =	vmul.f32 $1.131370830e+01, v7;
	[tilespmem:s17+$0xFFFFFF70] =	vst v6  }
0x13e: {  	v3 =	vld [tilespmem:s17+$0xFFFFFFB0];
	[tilespmem:s17+$0x10] =	vst v8;
	v5 =	vmul.f32 $1.131370830e+01, v5  }
0x13f: {  	v7 =	vld [tilespmem:s17+$0xFFFFFFC0];
	[tilespmem:s17+$0xF0] =	vst v4;
	v0 =	vmul.f32 $1.131370830e+01, v0  }
0x140: {  	v4 =	vld [tilespmem:s17+$0xFFFFFFD0];
	v1 =	vmul.f32 $1.131370830e+01, v1;
	[tilespmem:s17+$0x0] =	vst v5  }
0x141: {  	v11 =	vld [tilespmem:s17+$0x40];
	v2 =	vmul.f32 $1.131370830e+01, v2;
	[tilespmem:s17+$0xFFFFFF80] =	vst v0  }
0x142: {  	v12 =	vld [tilespmem:s17+$0x50];
	v0 =	vmul.f32 $1.131370830e+01, v9;
	[tilespmem:s17+$0xFFFFFF90] =	vst v1  }
0x143: {  	v6 =	vld [tilespmem:s17+$0x60];
	v1 =	vmul.f32 $1.131370830e+01, v3;
	[tilespmem:s17+$0xFFFFFFA0] =	vst v2  }
0x144: {  	v13 =	vld [tilespmem:s17+$0x70];
	v2 =	vmul.f32 $1.131370830e+01, v7;
	[tilespmem:s17+$0x20] =	vst v0  }
0x145: {  	v62 =	vld [tilespmem:s17+$0x80];
	v3 =	vmul.f32 $1.131370830e+01, v4;
	[tilespmem:s17+$0xFFFFFFB0] =	vst v1  }
0x146: {  	v8 =	vld [tilespmem:s17+$0xFFFFFFF0];
	v0 =	vmul.f32 $1.131370830e+01, v10;
	[tilespmem:s17+$0xFFFFFFC0] =	vst v2  }
0x147: {  	v5 =	vld [tilespmem:s17+$0xFFFFFFE0];
	v1 =	vmul.f32 $1.131370830e+01, v12;
	[tilespmem:s17+$0xFFFFFFD0] =	vst v3  }
0x148: {  	v2 =	vmul.f32 $1.131370830e+01, v6;
	[tilespmem:s17+$0x30] =	vst v0  }
0x149: {  	v63 =	vld [tilespmem:s17+$0x90];
	v0 =	vmul.f32 $1.131370830e+01, v11;
	[tilespmem:s17+$0x50] =	vst v1  }
0x14a: {  	v7 =	vld [tilespmem:s17+$0xA0];
	v3 =	vmul.f32 $1.131370830e+01, v13;
	[tilespmem:s17+$0x60] =	vst v2  }
0x14b: {  	v6 =	vmul.f32 $1.131370830e+01, v62;
	[tilespmem:s17+$0x40] =	vst v0;
	v0 =	vld [tilespmem:s17+$0xB0]  }
0x14c: {  	v1 =	vld [tilespmem:s17+$0xC0];
	[tilespmem:s17+$0x70] =	vst v3;
	v4 =	vmul.f32 $1.131370830e+01, v5;
	v5 =	vmul.f32 $1.131370830e+01, v8  }
0x14d: {  	v2 =	vld [tilespmem:s17+$0xD0];
	[tilespmem:s17+$0x80] =	vst v6  }
0x14e: {  	v3 =	vld [tilespmem:s17+$0xE0];
	[tilespmem:s17+$0xFFFFFFF0] =	vst v5;
	v5 =	vmul.f32 $1.131370830e+01, v63  }
0x14f: {  	s19 =	simm.s32 $0x0;
	s21 =	simm.s32 $0xBF00;
	v6 =	vmul.f32 $1.131370830e+01, v7;
	[tilespmem:s17+$0xFFFFFFE0] =	vst v4;
	v4 =	vld [tilespmem:s17+$0xFFFFFF00]  }
.LBB2_9:
0x150: {  	v7 =	vld [tilespmem:s21+$0xF0];
	s19 =	sadd.s32 $0x4, s19;
	[tilespmem:s17+$0x90] =	vst v5;
	v0 =	vmul.f32 $1.131370830e+01, v0  }
0x151: {  	v5 =	vld [tilespmem:s21+$0xFFFFFF10];
	p1 =	slt.u32 s19, $0x60;
	[tilespmem:s17+$0xA0] =	vst v6;
	v1 =	vmul.f32 $1.131370830e+01, v1  }
0x152: {  	v6 =	vld [tilespmem:s21+$0xFFFFFF20];
	[tilespmem:s17+$0xB0] =	vst v0;
	v0 =	vmul.f32 $1.131370830e+01, v2  }
0x153: {  	v2 =	vld [tilespmem:s21+$0xFFFFFF30];
	[tilespmem:s17+$0xC0] =	vst v1;
	v1 =	vmul.f32 $1.131370830e+01, v3  }
0x154: {  	v3 =	vld [tilespmem:s21+$0xFFFFFF40];
	v4 =	vmul.f32 $1.131370830e+01, v4;
	[tilespmem:s17+$0xD0] =	vst v0  }
0x155: {  	v0 =	vld [tilespmem:s21+$0xFFFFFF50];
	v7 =	vmul.f32 $1.131370830e+01, v7;
	[tilespmem:s17+$0xE0] =	vst v1  }
0x156: {  	v1 =	vmul.f32 $1.131370830e+01, v5;
	v5 =	vld [tilespmem:s21+$0xFFFFFF60];
	[tilespmem:s17+$0xFFFFFF00] =	vst v4;
	s17 =	smov.u32 s21  }
0x157: {  	v4 =	vmul.f32 $1.131370830e+01, v6;
	v6 =	vld [tilespmem:s21+$0xFFFFFF70];
	[tilespmem:s21+$0xF0] =	vst v7  }
0x158: {  	[tilespmem:s21+$0xFFFFFF10] =	vst v1;
	v1 =	vmul.f32 $1.131370830e+01, v2;
	v2 =	vld [tilespmem:s21+$0xFFFFFF80]  }
0x159: {  	[tilespmem:s21+$0xFFFFFF20] =	vst v4;
	v3 =	vmul.f32 $1.131370830e+01, v3;
	v4 =	vld [tilespmem:s21+$0xFFFFFF90]  }
0x15a: {  	[tilespmem:s21+$0xFFFFFF30] =	vst v1;
	v0 =	vmul.f32 $1.131370830e+01, v0;
	v1 =	vld [tilespmem:s21+$0xFFFFFFA0]  }
0x15b: {  	[tilespmem:s21+$0xFFFFFF40] =	vst v3;
	v3 =	vmul.f32 $1.131370830e+01, v5;
	v5 =	vld [tilespmem:s21+$0xFFFFFFB0]  }
0x15c: {  	[tilespmem:s21+$0xFFFFFF50] =	vst v0;
	v0 =	vmul.f32 $1.131370830e+01, v6;
	v6 =	vld [tilespmem:s21+$0xFFFFFFC0]  }
0x15d: {  	[tilespmem:s21+$0xFFFFFF60] =	vst v3;
	v2 =	vmul.f32 $1.131370830e+01, v2;
	v3 =	vld [tilespmem:s21+$0xFFFFFFD0]  }
0x15e: {  	[tilespmem:s21+$0xFFFFFF70] =	vst v0;
	v0 =	vmul.f32 $1.131370830e+01, v4;
	v4 =	vld [tilespmem:s21+$0xFFFFFFE0]  }
0x15f: {  	[tilespmem:s21+$0xFFFFFF80] =	vst v2;
	v1 =	vmul.f32 $1.131370830e+01, v1;
	v2 =	vld [tilespmem:s21+$0xFFFFFFF0]  }
0x160: {  	[tilespmem:s21+$0xFFFFFF90] =	vst v0;
	v0 =	vmul.f32 $1.131370830e+01, v5;
	v5 =	vld [tilespmem:s21+$0x0]  }
0x161: {  	[tilespmem:s21+$0xFFFFFFA0] =	vst v1;
	v1 =	vmul.f32 $1.131370830e+01, v6;
	v6 =	vld [tilespmem:s21+$0x10]  }
0x162: {  	[tilespmem:s21+$0xFFFFFFB0] =	vst v0;
	v0 =	vmul.f32 $1.131370830e+01, v3;
	v3 =	vld [tilespmem:s21+$0x20]  }
0x163: {  	[tilespmem:s21+$0xFFFFFFC0] =	vst v1;
	v1 =	vmul.f32 $1.131370830e+01, v4;
	v4 =	vld [tilespmem:s21+$0x30]  }
0x164: {  	[tilespmem:s21+$0xFFFFFFD0] =	vst v0;
	v0 =	vmul.f32 $1.131370830e+01, v2;
	v2 =	vld [tilespmem:s21+$0x40]  }
0x165: {  	[tilespmem:s21+$0xFFFFFFE0] =	vst v1;
	v1 =	vmul.f32 $1.131370830e+01, v5;
	v5 =	vld [tilespmem:s21+$0x50]  }
0x166: {  	[tilespmem:s21+$0xFFFFFFF0] =	vst v0;
	v0 =	vmul.f32 $1.131370830e+01, v6;
	v6 =	vld [tilespmem:s21+$0x60]  }
0x167: {  	[tilespmem:s21+$0x0] =	vst v1;
	v1 =	vmul.f32 $1.131370830e+01, v3;
	v3 =	vld [tilespmem:s21+$0x70]  }
0x168: {  	[tilespmem:s21+$0x10] =	vst v0;
	v0 =	vmul.f32 $1.131370830e+01, v4;
	v4 =	vld [tilespmem:s21+$0x80]  }
0x169: {  	[tilespmem:s21+$0x20] =	vst v1;
	v1 =	vmul.f32 $1.131370830e+01, v2;
	v7 =	vld [tilespmem:s21+$0x90]  }
0x16a: {  	[tilespmem:s21+$0x30] =	vst v0;
	v2 =	vmul.f32 $1.131370830e+01, v5;
	v8 =	vld [tilespmem:s21+$0xA0]  }
.Ltmp3:
0x16b: {  	[tilespmem:s21+$0x40] =	vst v1;
	v5 =	vmul.f32 $1.131370830e+01, v6;
	v0 =	vld [tilespmem:s21+$0xB0];
	(pc) =	sbr.rel @p1 .LBB2_9-.Ltmp3, $4  }
0x16c: {  	[tilespmem:s21+$0x50] =	vst v2;
	v3 =	vmul.f32 $1.131370830e+01, v3;
	v1 =	vld [tilespmem:s21+$0xC0]  }
0x16d: {  	[tilespmem:s21+$0x60] =	vst v5;
	v6 =	vmul.f32 $1.131370830e+01, v4;
	v2 =	vld [tilespmem:s21+$0xD0]  }
0x16e: {  	[tilespmem:s21+$0x70] =	vst v3;
	v5 =	vmul.f32 $1.131370830e+01, v7;
	v3 =	vld [tilespmem:s21+$0xE0]  }
0x16f: {  	s21 =	sadd.s32 $0x200, s21;
	v4 =	vld [tilespmem:s17+$0xFFFFFF00];
	[tilespmem:s17+$0x80] =	vst v6;
	v6 =	vmul.f32 $1.131370830e+01, v8  }
0x170: {  	[tilespmem:s17+$0x90] =	vst v5;
	v0 =	vmul.f32 $1.131370830e+01, v0  }
0x171: {  	[tilespmem:s17+$0xA0] =	vst v6;
	v1 =	vmul.f32 $1.131370830e+01, v1  }
0x172: {  	s19 =	sor.u32 $0x6, s13;
	[tilespmem:s17+$0xB0] =	vst v0;
	v0 =	vmul.f32 $1.131370830e+01, v2  }
0x173: {  	s21 =	smul.u32 $0x380, s19;
	[tilespmem:s17+$0xC0] =	vst v1;
	v1 =	vmul.f32 $1.131370830e+01, v3  }
0x174: {  	s19 =	smul.u32 $0x1C00, s19;
	v2 =	vmul.f32 $1.131370830e+01, v4;
	[tilespmem:s17+$0xD0] =	vst v0  }
0x175: {  	[tilespmem:s17+$0xE0] =	vst v1  }
0x176: {  	s19 =	sshrl.u32 s19, $0x3;
	[tilespmem:s17+$0xFFFFFF00] =	vst v2;
	s17 =	sadd.s32 s4, s21;
	s21 =	simm.s32 $0xBC00  }
0x177: {  	[hbm4b:s17+s3] =	stream.linear.scatter [tilespmem:s21], [sflag:$0xC], $0x1900, $0x38;
	[tilespmem:$0x1C000] =	vst v63  }
0x178: {  	s17 =	sadd.s32 s4, s19  }
0x179: {  	s21 =	simm.s32 $0xD500;
	s17 =	sadd.s32 $0x380, s17  }
0x17a: {  	[hbm4b:s17+s3] =	stream.linear.scatter [tilespmem:s21], [sflag:$0xC], $0x1900, $0x38;
	[tilespmem:$0x1C000] =	vst v63  }
0x17b: {  	_ =	swait.ge [sflag:s14], $0x1900  }
0x17c: {  	[sflag:s14] =	ssyncset.done $0x0  }
0x17d: {  	[sflag:s14] =	ssyncadd.s32 $0xFFFFE700  }
0x17e: {  	_ =	swait.ge [sflag:s14], $0x1900  }
0x17f: {  	s19 =	simm.s32 @!p0 $0x64;
	[sflag:s14] =	ssyncset.done $0x0  }
0x180: {  	s17 =	sadd.s32 @!p0 $0x500, s11;
	s21 =	simm.s32 @!p0 $0x8800;
	[sflag:s14] =	ssyncadd.s32 $0xFFFFE700  }
0x181: {  	[tilespmem:s21], [sflag:$0x3] =	stream.indirect.gather @!p0 [hbm4b:s1+s19], $0x80, s17, s19, $0xb8;
	[tilespmem:$0x1C000] =	vst v63  }
0x182: {  	_ =	swait.ge [sflag:s16], $0x3200  }
0x183: {  	[sflag:s16] =	ssyncset.done $0x0  }
0x184: {  	s17 =	simm.s32 $0xF100;
	[sflag:s16] =	ssyncadd.s32 $0xFFFFCE00  }
0x185: {  	v0 =	vld [tilespmem:s17+$0xFFFFFF10]  }
0x186: {  	v1 =	vld [tilespmem:s17+$0xFFFFFF20]  }
0x187: {  	v2 =	vld [tilespmem:s17+$0xFFFFFF30]  }
0x188: {  	v5 =	vld [tilespmem:s17+$0xFFFFFF60]  }
0x189: {  	v3 =	vld [tilespmem:s17+$0xFFFFFF40]  }
0x18a: {  	v4 =	vld [tilespmem:s17+$0xFFFFFF50]  }
0x18b: {  	v6 =	vld [tilespmem:s17+$0xFFFFFF70];
	v0 =	vmul.f32 $1.131370830e+01, v0  }
0x18c: {  	v7 =	vld [tilespmem:s17+$0xF0];
	v1 =	vmul.f32 $1.131370830e+01, v1  }
0x18d: {  	v8 =	vld [tilespmem:s17+$0x10];
	v5 =	vmul.f32 $1.131370830e+01, v5;
	[tilespmem:s17+$0xFFFFFF10] =	vst v0  }
0x18e: {  	v9 =	vld [tilespmem:s17+$0x20];
	v2 =	vmul.f32 $1.131370830e+01, v2;
	[tilespmem:s17+$0xFFFFFF20] =	vst v1  }
0x18f: {  	v3 =	vmul.f32 $1.131370830e+01, v3;
	[tilespmem:s17+$0xFFFFFF60] =	vst v5;
	v5 =	vld [tilespmem:s17+$0x0]  }
0x190: {  	v4 =	vmul.f32 $1.131370830e+01, v4;
	v0 =	vld [tilespmem:s17+$0xFFFFFF80];
	[tilespmem:s17+$0xFFFFFF30] =	vst v2  }
0x191: {  	v6 =	vmul.f32 $1.131370830e+01, v6;
	v1 =	vld [tilespmem:s17+$0xFFFFFF90];
	[tilespmem:s17+$0xFFFFFF40] =	vst v3  }
0x192: {  	v8 =	vmul.f32 $1.131370830e+01, v8;
	v2 =	vld [tilespmem:s17+$0xFFFFFFA0];
	[tilespmem:s17+$0xFFFFFF50] =	vst v4  }
0x193: {  	v10 =	vld [tilespmem:s17+$0x30];
	v4 =	vmul.f32 $1.131370830e+01, v7;
	[tilespmem:s17+$0xFFFFFF70] =	vst v6  }
0x194: {  	v3 =	vld [tilespmem:s17+$0xFFFFFFB0];
	[tilespmem:s17+$0x10] =	vst v8;
	v5 =	vmul.f32 $1.131370830e+01, v5  }
0x195: {  	v7 =	vld [tilespmem:s17+$0xFFFFFFC0];
	[tilespmem:s17+$0xF0] =	vst v4;
	v0 =	vmul.f32 $1.131370830e+01, v0  }
0x196: {  	v4 =	vld [tilespmem:s17+$0xFFFFFFD0];
	v1 =	vmul.f32 $1.131370830e+01, v1;
	[tilespmem:s17+$0x0] =	vst v5  }
0x197: {  	v11 =	vld [tilespmem:s17+$0x40];
	v2 =	vmul.f32 $1.131370830e+01, v2;
	[tilespmem:s17+$0xFFFFFF80] =	vst v0  }
0x198: {  	v12 =	vld [tilespmem:s17+$0x50];
	v0 =	vmul.f32 $1.131370830e+01, v9;
	[tilespmem:s17+$0xFFFFFF90] =	vst v1  }
0x199: {  	v6 =	vld [tilespmem:s17+$0x60];
	v1 =	vmul.f32 $1.131370830e+01, v3;
	[tilespmem:s17+$0xFFFFFFA0] =	vst v2  }
0x19a: {  	v13 =	vld [tilespmem:s17+$0x70];
	v2 =	vmul.f32 $1.131370830e+01, v7;
	[tilespmem:s17+$0x20] =	vst v0  }
0x19b: {  	v62 =	vld [tilespmem:s17+$0x80];
	v3 =	vmul.f32 $1.131370830e+01, v4;
	[tilespmem:s17+$0xFFFFFFB0] =	vst v1  }
0x19c: {  	v8 =	vld [tilespmem:s17+$0xFFFFFFF0];
	v0 =	vmul.f32 $1.131370830e+01, v10;
	[tilespmem:s17+$0xFFFFFFC0] =	vst v2  }
0x19d: {  	v5 =	vld [tilespmem:s17+$0xFFFFFFE0];
	v1 =	vmul.f32 $1.131370830e+01, v12;
	[tilespmem:s17+$0xFFFFFFD0] =	vst v3  }
0x19e: {  	v2 =	vmul.f32 $1.131370830e+01, v6;
	[tilespmem:s17+$0x30] =	vst v0  }
0x19f: {  	v63 =	vld [tilespmem:s17+$0x90];
	v0 =	vmul.f32 $1.131370830e+01, v11;
	[tilespmem:s17+$0x50] =	vst v1  }
0x1a0: {  	v7 =	vld [tilespmem:s17+$0xA0];
	v3 =	vmul.f32 $1.131370830e+01, v13;
	[tilespmem:s17+$0x60] =	vst v2  }
0x1a1: {  	v6 =	vmul.f32 $1.131370830e+01, v62;
	[tilespmem:s17+$0x40] =	vst v0;
	v0 =	vld [tilespmem:s17+$0xB0]  }
0x1a2: {  	v1 =	vld [tilespmem:s17+$0xC0];
	[tilespmem:s17+$0x70] =	vst v3;
	v4 =	vmul.f32 $1.131370830e+01, v5;
	v5 =	vmul.f32 $1.131370830e+01, v8  }
0x1a3: {  	v2 =	vld [tilespmem:s17+$0xD0];
	[tilespmem:s17+$0x80] =	vst v6  }
0x1a4: {  	v3 =	vld [tilespmem:s17+$0xE0];
	[tilespmem:s17+$0xFFFFFFF0] =	vst v5;
	v5 =	vmul.f32 $1.131370830e+01, v63  }
0x1a5: {  	s19 =	simm.s32 $0x0;
	s21 =	simm.s32 $0xF300;
	v6 =	vmul.f32 $1.131370830e+01, v7;
	[tilespmem:s17+$0xFFFFFFE0] =	vst v4;
	v4 =	vld [tilespmem:s17+$0xFFFFFF00]  }
.LBB2_11:
0x1a6: {  	v7 =	vld [tilespmem:s21+$0xF0];
	s19 =	sadd.s32 $0x4, s19;
	[tilespmem:s17+$0x90] =	vst v5;
	v0 =	vmul.f32 $1.131370830e+01, v0  }
0x1a7: {  	v5 =	vld [tilespmem:s21+$0xFFFFFF10];
	p1 =	slt.u32 s19, $0x60;
	[tilespmem:s17+$0xA0] =	vst v6;
	v1 =	vmul.f32 $1.131370830e+01, v1  }
0x1a8: {  	v6 =	vld [tilespmem:s21+$0xFFFFFF20];
	[tilespmem:s17+$0xB0] =	vst v0;
	v0 =	vmul.f32 $1.131370830e+01, v2  }
0x1a9: {  	v2 =	vld [tilespmem:s21+$0xFFFFFF30];
	[tilespmem:s17+$0xC0] =	vst v1;
	v1 =	vmul.f32 $1.131370830e+01, v3  }
0x1aa: {  	v3 =	vld [tilespmem:s21+$0xFFFFFF40];
	v4 =	vmul.f32 $1.131370830e+01, v4;
	[tilespmem:s17+$0xD0] =	vst v0  }
0x1ab: {  	v0 =	vld [tilespmem:s21+$0xFFFFFF50];
	v7 =	vmul.f32 $1.131370830e+01, v7;
	[tilespmem:s17+$0xE0] =	vst v1  }
0x1ac: {  	v1 =	vmul.f32 $1.131370830e+01, v5;
	v5 =	vld [tilespmem:s21+$0xFFFFFF60];
	[tilespmem:s17+$0xFFFFFF00] =	vst v4;
	s17 =	smov.u32 s21  }
0x1ad: {  	v4 =	vmul.f32 $1.131370830e+01, v6;
	v6 =	vld [tilespmem:s21+$0xFFFFFF70];
	[tilespmem:s21+$0xF0] =	vst v7  }
0x1ae: {  	[tilespmem:s21+$0xFFFFFF10] =	vst v1;
	v1 =	vmul.f32 $1.131370830e+01, v2;
	v2 =	vld [tilespmem:s21+$0xFFFFFF80]  }
0x1af: {  	[tilespmem:s21+$0xFFFFFF20] =	vst v4;
	v3 =	vmul.f32 $1.131370830e+01, v3;
	v4 =	vld [tilespmem:s21+$0xFFFFFF90]  }
0x1b0: {  	[tilespmem:s21+$0xFFFFFF30] =	vst v1;
	v0 =	vmul.f32 $1.131370830e+01, v0;
	v1 =	vld [tilespmem:s21+$0xFFFFFFA0]  }
0x1b1: {  	[tilespmem:s21+$0xFFFFFF40] =	vst v3;
	v3 =	vmul.f32 $1.131370830e+01, v5;
	v5 =	vld [tilespmem:s21+$0xFFFFFFB0]  }
0x1b2: {  	[tilespmem:s21+$0xFFFFFF50] =	vst v0;
	v0 =	vmul.f32 $1.131370830e+01, v6;
	v6 =	vld [tilespmem:s21+$0xFFFFFFC0]  }
0x1b3: {  	[tilespmem:s21+$0xFFFFFF60] =	vst v3;
	v2 =	vmul.f32 $1.131370830e+01, v2;
	v3 =	vld [tilespmem:s21+$0xFFFFFFD0]  }
0x1b4: {  	[tilespmem:s21+$0xFFFFFF70] =	vst v0;
	v0 =	vmul.f32 $1.131370830e+01, v4;
	v4 =	vld [tilespmem:s21+$0xFFFFFFE0]  }
0x1b5: {  	[tilespmem:s21+$0xFFFFFF80] =	vst v2;
	v1 =	vmul.f32 $1.131370830e+01, v1;
	v2 =	vld [tilespmem:s21+$0xFFFFFFF0]  }
0x1b6: {  	[tilespmem:s21+$0xFFFFFF90] =	vst v0;
	v0 =	vmul.f32 $1.131370830e+01, v5;
	v5 =	vld [tilespmem:s21+$0x0]  }
0x1b7: {  	[tilespmem:s21+$0xFFFFFFA0] =	vst v1;
	v1 =	vmul.f32 $1.131370830e+01, v6;
	v6 =	vld [tilespmem:s21+$0x10]  }
0x1b8: {  	[tilespmem:s21+$0xFFFFFFB0] =	vst v0;
	v0 =	vmul.f32 $1.131370830e+01, v3;
	v3 =	vld [tilespmem:s21+$0x20]  }
0x1b9: {  	[tilespmem:s21+$0xFFFFFFC0] =	vst v1;
	v1 =	vmul.f32 $1.131370830e+01, v4;
	v4 =	vld [tilespmem:s21+$0x30]  }
0x1ba: {  	[tilespmem:s21+$0xFFFFFFD0] =	vst v0;
	v0 =	vmul.f32 $1.131370830e+01, v2;
	v2 =	vld [tilespmem:s21+$0x40]  }
0x1bb: {  	[tilespmem:s21+$0xFFFFFFE0] =	vst v1;
	v1 =	vmul.f32 $1.131370830e+01, v5;
	v5 =	vld [tilespmem:s21+$0x50]  }
0x1bc: {  	[tilespmem:s21+$0xFFFFFFF0] =	vst v0;
	v0 =	vmul.f32 $1.131370830e+01, v6;
	v6 =	vld [tilespmem:s21+$0x60]  }
0x1bd: {  	[tilespmem:s21+$0x0] =	vst v1;
	v1 =	vmul.f32 $1.131370830e+01, v3;
	v3 =	vld [tilespmem:s21+$0x70]  }
0x1be: {  	[tilespmem:s21+$0x10] =	vst v0;
	v0 =	vmul.f32 $1.131370830e+01, v4;
	v4 =	vld [tilespmem:s21+$0x80]  }
0x1bf: {  	[tilespmem:s21+$0x20] =	vst v1;
	v1 =	vmul.f32 $1.131370830e+01, v2;
	v7 =	vld [tilespmem:s21+$0x90]  }
0x1c0: {  	[tilespmem:s21+$0x30] =	vst v0;
	v2 =	vmul.f32 $1.131370830e+01, v5;
	v8 =	vld [tilespmem:s21+$0xA0]  }
.Ltmp4:
0x1c1: {  	[tilespmem:s21+$0x40] =	vst v1;
	v5 =	vmul.f32 $1.131370830e+01, v6;
	v0 =	vld [tilespmem:s21+$0xB0];
	(pc) =	sbr.rel @p1 .LBB2_11-.Ltmp4, $4  }
0x1c2: {  	[tilespmem:s21+$0x50] =	vst v2;
	v3 =	vmul.f32 $1.131370830e+01, v3;
	v1 =	vld [tilespmem:s21+$0xC0]  }
0x1c3: {  	[tilespmem:s21+$0x60] =	vst v5;
	v6 =	vmul.f32 $1.131370830e+01, v4;
	v2 =	vld [tilespmem:s21+$0xD0]  }
0x1c4: {  	[tilespmem:s21+$0x70] =	vst v3;
	v5 =	vmul.f32 $1.131370830e+01, v7;
	v3 =	vld [tilespmem:s21+$0xE0]  }
0x1c5: {  	s21 =	sadd.s32 $0x200, s21;
	v4 =	vld [tilespmem:s17+$0xFFFFFF00];
	[tilespmem:s17+$0x80] =	vst v6;
	v6 =	vmul.f32 $1.131370830e+01, v8  }
0x1c6: {  	[tilespmem:s17+$0x90] =	vst v5;
	v0 =	vmul.f32 $1.131370830e+01, v0  }
0x1c7: {  	[tilespmem:s17+$0xA0] =	vst v6;
	v1 =	vmul.f32 $1.131370830e+01, v1  }
0x1c8: {  	[tilespmem:s17+$0xB0] =	vst v0;
	v0 =	vmul.f32 $1.131370830e+01, v2  }
0x1c9: {  	[tilespmem:s17+$0xC0] =	vst v1;
	v1 =	vmul.f32 $1.131370830e+01, v3  }
0x1ca: {  	v2 =	vmul.f32 $1.131370830e+01, v4;
	[tilespmem:s17+$0xD0] =	vst v0  }
0x1cb: {  	s15 =	sadd.s32 $0x1C00, s15;
	[tilespmem:s17+$0xE0] =	vst v1  }
0x1cc: {  	s19 =	simm.s32 $0xF000;
	s21 =	sadd.s32 s4, s15;
	[tilespmem:s17+$0xFFFFFF00] =	vst v2  }
0x1cd: {  	[hbm4b:s21+s3] =	stream.linear.scatter [tilespmem:s19], [sflag:$0xD], $0x1900, $0x38;
	[tilespmem:$0x1C000] =	vst v63  }
0x1ce: {  	s15 =	sadd.s32 s15, s7;
	s21 =	simm.s32 $0x10900  }
0x1cf: {  	[hbm4b:s15+s3] =	stream.linear.scatter [tilespmem:s21], [sflag:$0xD], $0x1900, $0x38;
	[tilespmem:$0x1C000] =	vst v63  }
0x1d0: {  	_ =	swait.ge [sflag:s20], $0x1900  }
0x1d1: {  	[sflag:s20] =	ssyncset.done $0x0  }
0x1d2: {  	[sflag:s20] =	ssyncadd.s32 $0xFFFFE700  }
0x1d3: {  	_ =	swait.ge [sflag:s20], $0x1900  }
0x1d4: {  	s17 =	simm.s32 @!p0 $0x64;
	[sflag:s20] =	ssyncset.done $0x0  }
0x1d5: {  	s19 =	simm.s32 @!p0 $0xBC00;
	s15 =	sadd.s32 @!p0 $0x580, s11;
	[sflag:s20] =	ssyncadd.s32 $0xFFFFE700  }
0x1d6: {  	[tilespmem:s19], [sflag:$0x4] =	stream.indirect.gather @!p0 [hbm4b:s1+s17], $0x80, s15, s17, $0xb8;
	[tilespmem:$0x1C000] =	vst v63  }
0x1d7: {  	_ =	swait.ge [sflag:s6], $0x3200  }
0x1d8: {  	[sflag:s6] =	ssyncset.done $0x0  }
0x1d9: {  	s15 =	simm.s32 $0x12500;
	[sflag:s6] =	ssyncadd.s32 $0xFFFFCE00  }
0x1da: {  	v0 =	vld [tilespmem:s15+$0xFFFFFF10]  }
0x1db: {  	v1 =	vld [tilespmem:s15+$0xFFFFFF20]  }
0x1dc: {  	v2 =	vld [tilespmem:s15+$0xFFFFFF30]  }
0x1dd: {  	v5 =	vld [tilespmem:s15+$0xFFFFFF60]  }
0x1de: {  	v3 =	vld [tilespmem:s15+$0xFFFFFF40]  }
0x1df: {  	v4 =	vld [tilespmem:s15+$0xFFFFFF50]  }
0x1e0: {  	v6 =	vld [tilespmem:s15+$0xFFFFFF70];
	v0 =	vmul.f32 $1.131370830e+01, v0  }
0x1e1: {  	v7 =	vld [tilespmem:s15+$0xF0];
	v1 =	vmul.f32 $1.131370830e+01, v1  }
0x1e2: {  	v8 =	vld [tilespmem:s15+$0x10];
	v5 =	vmul.f32 $1.131370830e+01, v5;
	[tilespmem:s15+$0xFFFFFF10] =	vst v0  }
0x1e3: {  	v9 =	vld [tilespmem:s15+$0x20];
	v2 =	vmul.f32 $1.131370830e+01, v2;
	[tilespmem:s15+$0xFFFFFF20] =	vst v1  }
0x1e4: {  	v3 =	vmul.f32 $1.131370830e+01, v3;
	[tilespmem:s15+$0xFFFFFF60] =	vst v5;
	v5 =	vld [tilespmem:s15+$0x0]  }
0x1e5: {  	v4 =	vmul.f32 $1.131370830e+01, v4;
	v0 =	vld [tilespmem:s15+$0xFFFFFF80];
	[tilespmem:s15+$0xFFFFFF30] =	vst v2  }
0x1e6: {  	v6 =	vmul.f32 $1.131370830e+01, v6;
	v1 =	vld [tilespmem:s15+$0xFFFFFF90];
	[tilespmem:s15+$0xFFFFFF40] =	vst v3  }
0x1e7: {  	v8 =	vmul.f32 $1.131370830e+01, v8;
	v2 =	vld [tilespmem:s15+$0xFFFFFFA0];
	[tilespmem:s15+$0xFFFFFF50] =	vst v4  }
0x1e8: {  	v10 =	vld [tilespmem:s15+$0x30];
	v4 =	vmul.f32 $1.131370830e+01, v7;
	[tilespmem:s15+$0xFFFFFF70] =	vst v6  }
0x1e9: {  	v3 =	vld [tilespmem:s15+$0xFFFFFFB0];
	[tilespmem:s15+$0x10] =	vst v8;
	v5 =	vmul.f32 $1.131370830e+01, v5  }
0x1ea: {  	v7 =	vld [tilespmem:s15+$0xFFFFFFC0];
	[tilespmem:s15+$0xF0] =	vst v4;
	v0 =	vmul.f32 $1.131370830e+01, v0  }
0x1eb: {  	v4 =	vld [tilespmem:s15+$0xFFFFFFD0];
	v1 =	vmul.f32 $1.131370830e+01, v1;
	[tilespmem:s15+$0x0] =	vst v5  }
0x1ec: {  	v11 =	vld [tilespmem:s15+$0x40];
	v2 =	vmul.f32 $1.131370830e+01, v2;
	[tilespmem:s15+$0xFFFFFF80] =	vst v0  }
0x1ed: {  	v12 =	vld [tilespmem:s15+$0x50];
	v0 =	vmul.f32 $1.131370830e+01, v9;
	[tilespmem:s15+$0xFFFFFF90] =	vst v1  }
0x1ee: {  	v6 =	vld [tilespmem:s15+$0x60];
	v1 =	vmul.f32 $1.131370830e+01, v3;
	[tilespmem:s15+$0xFFFFFFA0] =	vst v2  }
0x1ef: {  	v13 =	vld [tilespmem:s15+$0x70];
	v2 =	vmul.f32 $1.131370830e+01, v7;
	[tilespmem:s15+$0x20] =	vst v0  }
0x1f0: {  	v62 =	vld [tilespmem:s15+$0x80];
	v3 =	vmul.f32 $1.131370830e+01, v4;
	[tilespmem:s15+$0xFFFFFFB0] =	vst v1  }
0x1f1: {  	v8 =	vld [tilespmem:s15+$0xFFFFFFF0];
	v0 =	vmul.f32 $1.131370830e+01, v10;
	[tilespmem:s15+$0xFFFFFFC0] =	vst v2  }
0x1f2: {  	v5 =	vld [tilespmem:s15+$0xFFFFFFE0];
	v1 =	vmul.f32 $1.131370830e+01, v12;
	[tilespmem:s15+$0xFFFFFFD0] =	vst v3  }
0x1f3: {  	v2 =	vmul.f32 $1.131370830e+01, v6;
	[tilespmem:s15+$0x30] =	vst v0  }
0x1f4: {  	v63 =	vld [tilespmem:s15+$0x90];
	v0 =	vmul.f32 $1.131370830e+01, v11;
	[tilespmem:s15+$0x50] =	vst v1  }
0x1f5: {  	v7 =	vld [tilespmem:s15+$0xA0];
	v3 =	vmul.f32 $1.131370830e+01, v13;
	[tilespmem:s15+$0x60] =	vst v2  }
0x1f6: {  	v6 =	vmul.f32 $1.131370830e+01, v62;
	[tilespmem:s15+$0x40] =	vst v0;
	v0 =	vld [tilespmem:s15+$0xB0]  }
0x1f7: {  	v1 =	vld [tilespmem:s15+$0xC0];
	[tilespmem:s15+$0x70] =	vst v3;
	v4 =	vmul.f32 $1.131370830e+01, v5;
	v5 =	vmul.f32 $1.131370830e+01, v8  }
0x1f8: {  	v2 =	vld [tilespmem:s15+$0xD0];
	[tilespmem:s15+$0x80] =	vst v6  }
0x1f9: {  	v3 =	vld [tilespmem:s15+$0xE0];
	[tilespmem:s15+$0xFFFFFFF0] =	vst v5;
	v5 =	vmul.f32 $1.131370830e+01, v63  }
0x1fa: {  	s17 =	simm.s32 $0x0;
	s19 =	simm.s32 $0x12700;
	v6 =	vmul.f32 $1.131370830e+01, v7;
	[tilespmem:s15+$0xFFFFFFE0] =	vst v4;
	v4 =	vld [tilespmem:s15+$0xFFFFFF00]  }
.LBB2_13:
0x1fb: {  	v7 =	vld [tilespmem:s19+$0xF0];
	s17 =	sadd.s32 $0x4, s17;
	[tilespmem:s15+$0x90] =	vst v5;
	v0 =	vmul.f32 $1.131370830e+01, v0  }
0x1fc: {  	v5 =	vld [tilespmem:s19+$0xFFFFFF10];
	p1 =	slt.u32 s17, $0x60;
	[tilespmem:s15+$0xA0] =	vst v6;
	v1 =	vmul.f32 $1.131370830e+01, v1  }
0x1fd: {  	v6 =	vld [tilespmem:s19+$0xFFFFFF20];
	[tilespmem:s15+$0xB0] =	vst v0;
	v0 =	vmul.f32 $1.131370830e+01, v2  }
0x1fe: {  	v2 =	vld [tilespmem:s19+$0xFFFFFF30];
	[tilespmem:s15+$0xC0] =	vst v1;
	v1 =	vmul.f32 $1.131370830e+01, v3  }
0x1ff: {  	v3 =	vld [tilespmem:s19+$0xFFFFFF40];
	v4 =	vmul.f32 $1.131370830e+01, v4;
	[tilespmem:s15+$0xD0] =	vst v0  }
0x200: {  	v0 =	vld [tilespmem:s19+$0xFFFFFF50];
	v7 =	vmul.f32 $1.131370830e+01, v7;
	[tilespmem:s15+$0xE0] =	vst v1  }
0x201: {  	v1 =	vmul.f32 $1.131370830e+01, v5;
	v5 =	vld [tilespmem:s19+$0xFFFFFF60];
	[tilespmem:s15+$0xFFFFFF00] =	vst v4;
	s15 =	smov.u32 s19  }
0x202: {  	v4 =	vmul.f32 $1.131370830e+01, v6;
	v6 =	vld [tilespmem:s19+$0xFFFFFF70];
	[tilespmem:s19+$0xF0] =	vst v7  }
0x203: {  	[tilespmem:s19+$0xFFFFFF10] =	vst v1;
	v1 =	vmul.f32 $1.131370830e+01, v2;
	v2 =	vld [tilespmem:s19+$0xFFFFFF80]  }
0x204: {  	[tilespmem:s19+$0xFFFFFF20] =	vst v4;
	v3 =	vmul.f32 $1.131370830e+01, v3;
	v4 =	vld [tilespmem:s19+$0xFFFFFF90]  }
0x205: {  	[tilespmem:s19+$0xFFFFFF30] =	vst v1;
	v0 =	vmul.f32 $1.131370830e+01, v0;
	v1 =	vld [tilespmem:s19+$0xFFFFFFA0]  }
0x206: {  	[tilespmem:s19+$0xFFFFFF40] =	vst v3;
	v3 =	vmul.f32 $1.131370830e+01, v5;
	v5 =	vld [tilespmem:s19+$0xFFFFFFB0]  }
0x207: {  	[tilespmem:s19+$0xFFFFFF50] =	vst v0;
	v0 =	vmul.f32 $1.131370830e+01, v6;
	v6 =	vld [tilespmem:s19+$0xFFFFFFC0]  }
0x208: {  	[tilespmem:s19+$0xFFFFFF60] =	vst v3;
	v2 =	vmul.f32 $1.131370830e+01, v2;
	v3 =	vld [tilespmem:s19+$0xFFFFFFD0]  }
0x209: {  	[tilespmem:s19+$0xFFFFFF70] =	vst v0;
	v0 =	vmul.f32 $1.131370830e+01, v4;
	v4 =	vld [tilespmem:s19+$0xFFFFFFE0]  }
0x20a: {  	[tilespmem:s19+$0xFFFFFF80] =	vst v2;
	v1 =	vmul.f32 $1.131370830e+01, v1;
	v2 =	vld [tilespmem:s19+$0xFFFFFFF0]  }
0x20b: {  	[tilespmem:s19+$0xFFFFFF90] =	vst v0;
	v0 =	vmul.f32 $1.131370830e+01, v5;
	v5 =	vld [tilespmem:s19+$0x0]  }
0x20c: {  	[tilespmem:s19+$0xFFFFFFA0] =	vst v1;
	v1 =	vmul.f32 $1.131370830e+01, v6;
	v6 =	vld [tilespmem:s19+$0x10]  }
0x20d: {  	[tilespmem:s19+$0xFFFFFFB0] =	vst v0;
	v0 =	vmul.f32 $1.131370830e+01, v3;
	v3 =	vld [tilespmem:s19+$0x20]  }
0x20e: {  	[tilespmem:s19+$0xFFFFFFC0] =	vst v1;
	v1 =	vmul.f32 $1.131370830e+01, v4;
	v4 =	vld [tilespmem:s19+$0x30]  }
0x20f: {  	[tilespmem:s19+$0xFFFFFFD0] =	vst v0;
	v0 =	vmul.f32 $1.131370830e+01, v2;
	v2 =	vld [tilespmem:s19+$0x40]  }
0x210: {  	[tilespmem:s19+$0xFFFFFFE0] =	vst v1;
	v1 =	vmul.f32 $1.131370830e+01, v5;
	v5 =	vld [tilespmem:s19+$0x50]  }
0x211: {  	[tilespmem:s19+$0xFFFFFFF0] =	vst v0;
	v0 =	vmul.f32 $1.131370830e+01, v6;
	v6 =	vld [tilespmem:s19+$0x60]  }
0x212: {  	[tilespmem:s19+$0x0] =	vst v1;
	v1 =	vmul.f32 $1.131370830e+01, v3;
	v3 =	vld [tilespmem:s19+$0x70]  }
0x213: {  	[tilespmem:s19+$0x10] =	vst v0;
	v0 =	vmul.f32 $1.131370830e+01, v4;
	v4 =	vld [tilespmem:s19+$0x80]  }
0x214: {  	[tilespmem:s19+$0x20] =	vst v1;
	v1 =	vmul.f32 $1.131370830e+01, v2;
	v7 =	vld [tilespmem:s19+$0x90]  }
0x215: {  	[tilespmem:s19+$0x30] =	vst v0;
	v2 =	vmul.f32 $1.131370830e+01, v5;
	v8 =	vld [tilespmem:s19+$0xA0]  }
.Ltmp5:
0x216: {  	[tilespmem:s19+$0x40] =	vst v1;
	v5 =	vmul.f32 $1.131370830e+01, v6;
	v0 =	vld [tilespmem:s19+$0xB0];
	(pc) =	sbr.rel @p1 .LBB2_13-.Ltmp5, $4  }
0x217: {  	[tilespmem:s19+$0x50] =	vst v2;
	v3 =	vmul.f32 $1.131370830e+01, v3;
	v1 =	vld [tilespmem:s19+$0xC0]  }
0x218: {  	[tilespmem:s19+$0x60] =	vst v5;
	v6 =	vmul.f32 $1.131370830e+01, v4;
	v2 =	vld [tilespmem:s19+$0xD0]  }
0x219: {  	[tilespmem:s19+$0x70] =	vst v3;
	v5 =	vmul.f32 $1.131370830e+01, v7;
	v3 =	vld [tilespmem:s19+$0xE0]  }
0x21a: {  	s19 =	sadd.s32 $0x200, s19;
	v4 =	vld [tilespmem:s15+$0xFFFFFF00];
	[tilespmem:s15+$0x80] =	vst v6;
	v6 =	vmul.f32 $1.131370830e+01, v8  }
0x21b: {  	[tilespmem:s15+$0x90] =	vst v5;
	v0 =	vmul.f32 $1.131370830e+01, v0  }
0x21c: {  	s13 =	sor.u32 $0xA, s13;
	[tilespmem:s15+$0xA0] =	vst v6;
	v1 =	vmul.f32 $1.131370830e+01, v1  }
0x21d: {  	s17 =	smul.u32 $0x380, s13;
	[tilespmem:s15+$0xB0] =	vst v0;
	v0 =	vmul.f32 $1.131370830e+01, v2  }
0x21e: {  	s13 =	smul.u32 $0x1C00, s13;
	[tilespmem:s15+$0xC0] =	vst v1;
	v1 =	vmul.f32 $1.131370830e+01, v3  }
0x21f: {  	v2 =	vmul.f32 $1.131370830e+01, v4;
	[tilespmem:s15+$0xD0] =	vst v0  }
0x220: {  	s13 =	sshrl.u32 s13, $0x3;
	[tilespmem:s15+$0xE0] =	vst v1  }
0x221: {  	s19 =	simm.s32 $0x12400;
	s17 =	sadd.s32 s4, s17;
	s13 =	sadd.s32 s4, s13;
	[tilespmem:s15+$0xFFFFFF00] =	vst v2  }
0x222: {  	[hbm4b:s17+s3] =	stream.linear.scatter [tilespmem:s19], [sflag:$0xE], $0x1900, $0x38;
	[tilespmem:$0x1C000] =	vst v63  }
0x223: {  	s21 =	simm.s32 $0x13D00;
	s13 =	sadd.s32 $0x380, s13  }
0x224: {  	[hbm4b:s13+s3] =	stream.linear.scatter [tilespmem:s21], [sflag:$0xE], $0x1900, $0x38;
	[tilespmem:$0x1C000] =	vst v63  }
0x225: {  	_ =	swait.ge [sflag:s9], $0x1900  }
0x226: {  	[sflag:s9] =	ssyncset.done $0x0  }
0x227: {  	[sflag:s9] =	ssyncadd.s32 $0xFFFFE700  }
0x228: {  	_ =	swait.ge [sflag:s9], $0x1900  }
0x229: {  	s15 =	simm.s32 @!p0 $0x64;
	[sflag:s9] =	ssyncset.done $0x0  }
0x22a: {  	s17 =	simm.s32 @!p0 $0xF000;
	s13 =	sadd.s32 @!p0 $0x600, s11;
	[sflag:s9] =	ssyncadd.s32 $0xFFFFE700  }
0x22b: {  	[tilespmem:s17], [sflag:$0x5] =	stream.indirect.gather @!p0 [hbm4b:s1+s15], $0x80, s13, s15, $0xb8;
	[tilespmem:$0x1C000] =	vst v63  }
0x22c: {  	_ =	swait.ge [sflag:s24], $0x3200  }
0x22d: {  	[sflag:s24] =	ssyncset.done $0x0  }
0x22e: {  	s13 =	simm.s32 $0x15900;
	[sflag:s24] =	ssyncadd.s32 $0xFFFFCE00  }
0x22f: {  	v0 =	vld [tilespmem:s13+$0xFFFFFF10]  }
0x230: {  	v1 =	vld [tilespmem:s13+$0xFFFFFF20]  }
0x231: {  	v2 =	vld [tilespmem:s13+$0xFFFFFF30]  }
0x232: {  	v5 =	vld [tilespmem:s13+$0xFFFFFF60]  }
0x233: {  	v3 =	vld [tilespmem:s13+$0xFFFFFF40]  }
0x234: {  	v4 =	vld [tilespmem:s13+$0xFFFFFF50]  }
0x235: {  	v6 =	vld [tilespmem:s13+$0xFFFFFF70];
	v0 =	vmul.f32 $1.131370830e+01, v0  }
0x236: {  	v7 =	vld [tilespmem:s13+$0xF0];
	v1 =	vmul.f32 $1.131370830e+01, v1  }
0x237: {  	v8 =	vld [tilespmem:s13+$0x10];
	v5 =	vmul.f32 $1.131370830e+01, v5;
	[tilespmem:s13+$0xFFFFFF10] =	vst v0  }
0x238: {  	v9 =	vld [tilespmem:s13+$0x20];
	v2 =	vmul.f32 $1.131370830e+01, v2;
	[tilespmem:s13+$0xFFFFFF20] =	vst v1  }
0x239: {  	v3 =	vmul.f32 $1.131370830e+01, v3;
	[tilespmem:s13+$0xFFFFFF60] =	vst v5;
	v5 =	vld [tilespmem:s13+$0x0]  }
0x23a: {  	v4 =	vmul.f32 $1.131370830e+01, v4;
	v0 =	vld [tilespmem:s13+$0xFFFFFF80];
	[tilespmem:s13+$0xFFFFFF30] =	vst v2  }
0x23b: {  	v6 =	vmul.f32 $1.131370830e+01, v6;
	v1 =	vld [tilespmem:s13+$0xFFFFFF90];
	[tilespmem:s13+$0xFFFFFF40] =	vst v3  }
0x23c: {  	v8 =	vmul.f32 $1.131370830e+01, v8;
	v2 =	vld [tilespmem:s13+$0xFFFFFFA0];
	[tilespmem:s13+$0xFFFFFF50] =	vst v4  }
0x23d: {  	v10 =	vld [tilespmem:s13+$0x30];
	v4 =	vmul.f32 $1.131370830e+01, v7;
	[tilespmem:s13+$0xFFFFFF70] =	vst v6  }
0x23e: {  	v3 =	vld [tilespmem:s13+$0xFFFFFFB0];
	[tilespmem:s13+$0x10] =	vst v8;
	v5 =	vmul.f32 $1.131370830e+01, v5  }
0x23f: {  	v7 =	vld [tilespmem:s13+$0xFFFFFFC0];
	[tilespmem:s13+$0xF0] =	vst v4;
	v0 =	vmul.f32 $1.131370830e+01, v0  }
0x240: {  	v4 =	vld [tilespmem:s13+$0xFFFFFFD0];
	v1 =	vmul.f32 $1.131370830e+01, v1;
	[tilespmem:s13+$0x0] =	vst v5  }
0x241: {  	v11 =	vld [tilespmem:s13+$0x40];
	v2 =	vmul.f32 $1.131370830e+01, v2;
	[tilespmem:s13+$0xFFFFFF80] =	vst v0  }
0x242: {  	v12 =	vld [tilespmem:s13+$0x50];
	v0 =	vmul.f32 $1.131370830e+01, v9;
	[tilespmem:s13+$0xFFFFFF90] =	vst v1  }
0x243: {  	v6 =	vld [tilespmem:s13+$0x60];
	v1 =	vmul.f32 $1.131370830e+01, v3;
	[tilespmem:s13+$0xFFFFFFA0] =	vst v2  }
0x244: {  	v13 =	vld [tilespmem:s13+$0x70];
	v2 =	vmul.f32 $1.131370830e+01, v7;
	[tilespmem:s13+$0x20] =	vst v0  }
0x245: {  	v62 =	vld [tilespmem:s13+$0x80];
	v3 =	vmul.f32 $1.131370830e+01, v4;
	[tilespmem:s13+$0xFFFFFFB0] =	vst v1  }
0x246: {  	v8 =	vld [tilespmem:s13+$0xFFFFFFF0];
	v0 =	vmul.f32 $1.131370830e+01, v10;
	[tilespmem:s13+$0xFFFFFFC0] =	vst v2  }
0x247: {  	v5 =	vld [tilespmem:s13+$0xFFFFFFE0];
	v1 =	vmul.f32 $1.131370830e+01, v12;
	[tilespmem:s13+$0xFFFFFFD0] =	vst v3  }
0x248: {  	v2 =	vmul.f32 $1.131370830e+01, v6;
	[tilespmem:s13+$0x30] =	vst v0  }
0x249: {  	v63 =	vld [tilespmem:s13+$0x90];
	v0 =	vmul.f32 $1.131370830e+01, v11;
	[tilespmem:s13+$0x50] =	vst v1  }
0x24a: {  	v7 =	vld [tilespmem:s13+$0xA0];
	v3 =	vmul.f32 $1.131370830e+01, v13;
	[tilespmem:s13+$0x60] =	vst v2  }
0x24b: {  	v6 =	vmul.f32 $1.131370830e+01, v62;
	[tilespmem:s13+$0x40] =	vst v0;
	v0 =	vld [tilespmem:s13+$0xB0]  }
0x24c: {  	v1 =	vld [tilespmem:s13+$0xC0];
	[tilespmem:s13+$0x70] =	vst v3;
	v4 =	vmul.f32 $1.131370830e+01, v5;
	v5 =	vmul.f32 $1.131370830e+01, v8  }
0x24d: {  	v2 =	vld [tilespmem:s13+$0xD0];
	[tilespmem:s13+$0x80] =	vst v6  }
0x24e: {  	v3 =	vld [tilespmem:s13+$0xE0];
	[tilespmem:s13+$0xFFFFFFF0] =	vst v5;
	v5 =	vmul.f32 $1.131370830e+01, v63  }
0x24f: {  	s15 =	simm.s32 $0x0;
	s17 =	simm.s32 $0x15B00;
	v6 =	vmul.f32 $1.131370830e+01, v7;
	[tilespmem:s13+$0xFFFFFFE0] =	vst v4;
	v4 =	vld [tilespmem:s13+$0xFFFFFF00]  }
.LBB2_15:
0x250: {  	v7 =	vld [tilespmem:s17+$0xF0];
	s15 =	sadd.s32 $0x4, s15;
	[tilespmem:s13+$0x90] =	vst v5;
	v0 =	vmul.f32 $1.131370830e+01, v0  }
0x251: {  	v5 =	vld [tilespmem:s17+$0xFFFFFF10];
	p1 =	slt.u32 s15, $0x60;
	[tilespmem:s13+$0xA0] =	vst v6;
	v1 =	vmul.f32 $1.131370830e+01, v1  }
0x252: {  	v6 =	vld [tilespmem:s17+$0xFFFFFF20];
	[tilespmem:s13+$0xB0] =	vst v0;
	v0 =	vmul.f32 $1.131370830e+01, v2  }
0x253: {  	v2 =	vld [tilespmem:s17+$0xFFFFFF30];
	[tilespmem:s13+$0xC0] =	vst v1;
	v1 =	vmul.f32 $1.131370830e+01, v3  }
0x254: {  	v3 =	vld [tilespmem:s17+$0xFFFFFF40];
	v4 =	vmul.f32 $1.131370830e+01, v4;
	[tilespmem:s13+$0xD0] =	vst v0  }
0x255: {  	v0 =	vld [tilespmem:s17+$0xFFFFFF50];
	v7 =	vmul.f32 $1.131370830e+01, v7;
	[tilespmem:s13+$0xE0] =	vst v1  }
0x256: {  	v1 =	vmul.f32 $1.131370830e+01, v5;
	v5 =	vld [tilespmem:s17+$0xFFFFFF60];
	[tilespmem:s13+$0xFFFFFF00] =	vst v4;
	s13 =	smov.u32 s17  }
0x257: {  	v4 =	vmul.f32 $1.131370830e+01, v6;
	v6 =	vld [tilespmem:s17+$0xFFFFFF70];
	[tilespmem:s17+$0xF0] =	vst v7  }
0x258: {  	[tilespmem:s17+$0xFFFFFF10] =	vst v1;
	v1 =	vmul.f32 $1.131370830e+01, v2;
	v2 =	vld [tilespmem:s17+$0xFFFFFF80]  }
0x259: {  	[tilespmem:s17+$0xFFFFFF20] =	vst v4;
	v3 =	vmul.f32 $1.131370830e+01, v3;
	v4 =	vld [tilespmem:s17+$0xFFFFFF90]  }
0x25a: {  	[tilespmem:s17+$0xFFFFFF30] =	vst v1;
	v0 =	vmul.f32 $1.131370830e+01, v0;
	v1 =	vld [tilespmem:s17+$0xFFFFFFA0]  }
0x25b: {  	[tilespmem:s17+$0xFFFFFF40] =	vst v3;
	v3 =	vmul.f32 $1.131370830e+01, v5;
	v5 =	vld [tilespmem:s17+$0xFFFFFFB0]  }
0x25c: {  	[tilespmem:s17+$0xFFFFFF50] =	vst v0;
	v0 =	vmul.f32 $1.131370830e+01, v6;
	v6 =	vld [tilespmem:s17+$0xFFFFFFC0]  }
0x25d: {  	[tilespmem:s17+$0xFFFFFF60] =	vst v3;
	v2 =	vmul.f32 $1.131370830e+01, v2;
	v3 =	vld [tilespmem:s17+$0xFFFFFFD0]  }
0x25e: {  	[tilespmem:s17+$0xFFFFFF70] =	vst v0;
	v0 =	vmul.f32 $1.131370830e+01, v4;
	v4 =	vld [tilespmem:s17+$0xFFFFFFE0]  }
0x25f: {  	[tilespmem:s17+$0xFFFFFF80] =	vst v2;
	v1 =	vmul.f32 $1.131370830e+01, v1;
	v2 =	vld [tilespmem:s17+$0xFFFFFFF0]  }
0x260: {  	[tilespmem:s17+$0xFFFFFF90] =	vst v0;
	v0 =	vmul.f32 $1.131370830e+01, v5;
	v5 =	vld [tilespmem:s17+$0x0]  }
0x261: {  	[tilespmem:s17+$0xFFFFFFA0] =	vst v1;
	v1 =	vmul.f32 $1.131370830e+01, v6;
	v6 =	vld [tilespmem:s17+$0x10]  }
0x262: {  	[tilespmem:s17+$0xFFFFFFB0] =	vst v0;
	v0 =	vmul.f32 $1.131370830e+01, v3;
	v3 =	vld [tilespmem:s17+$0x20]  }
0x263: {  	[tilespmem:s17+$0xFFFFFFC0] =	vst v1;
	v1 =	vmul.f32 $1.131370830e+01, v4;
	v4 =	vld [tilespmem:s17+$0x30]  }
0x264: {  	[tilespmem:s17+$0xFFFFFFD0] =	vst v0;
	v0 =	vmul.f32 $1.131370830e+01, v2;
	v2 =	vld [tilespmem:s17+$0x40]  }
0x265: {  	[tilespmem:s17+$0xFFFFFFE0] =	vst v1;
	v1 =	vmul.f32 $1.131370830e+01, v5;
	v5 =	vld [tilespmem:s17+$0x50]  }
0x266: {  	[tilespmem:s17+$0xFFFFFFF0] =	vst v0;
	v0 =	vmul.f32 $1.131370830e+01, v6;
	v6 =	vld [tilespmem:s17+$0x60]  }
0x267: {  	[tilespmem:s17+$0x0] =	vst v1;
	v1 =	vmul.f32 $1.131370830e+01, v3;
	v3 =	vld [tilespmem:s17+$0x70]  }
0x268: {  	[tilespmem:s17+$0x10] =	vst v0;
	v0 =	vmul.f32 $1.131370830e+01, v4;
	v4 =	vld [tilespmem:s17+$0x80]  }
0x269: {  	[tilespmem:s17+$0x20] =	vst v1;
	v1 =	vmul.f32 $1.131370830e+01, v2;
	v7 =	vld [tilespmem:s17+$0x90]  }
0x26a: {  	[tilespmem:s17+$0x30] =	vst v0;
	v2 =	vmul.f32 $1.131370830e+01, v5;
	v8 =	vld [tilespmem:s17+$0xA0]  }
.Ltmp6:
0x26b: {  	[tilespmem:s17+$0x40] =	vst v1;
	v5 =	vmul.f32 $1.131370830e+01, v6;
	v0 =	vld [tilespmem:s17+$0xB0];
	(pc) =	sbr.rel @p1 .LBB2_15-.Ltmp6, $4  }
0x26c: {  	[tilespmem:s17+$0x50] =	vst v2;
	v3 =	vmul.f32 $1.131370830e+01, v3;
	v1 =	vld [tilespmem:s17+$0xC0]  }
0x26d: {  	[tilespmem:s17+$0x60] =	vst v5;
	v6 =	vmul.f32 $1.131370830e+01, v4;
	v2 =	vld [tilespmem:s17+$0xD0]  }
0x26e: {  	[tilespmem:s17+$0x70] =	vst v3;
	v5 =	vmul.f32 $1.131370830e+01, v7;
	v3 =	vld [tilespmem:s17+$0xE0]  }
0x26f: {  	s17 =	sadd.s32 $0x200, s17;
	v4 =	vld [tilespmem:s13+$0xFFFFFF00];
	[tilespmem:s13+$0x80] =	vst v6;
	v6 =	vmul.f32 $1.131370830e+01, v8  }
0x270: {  	[tilespmem:s13+$0x90] =	vst v5;
	v0 =	vmul.f32 $1.131370830e+01, v0;
	s15 =	sshll.u32 s18, $0x1  }
0x271: {  	[tilespmem:s13+$0xA0] =	vst v6;
	v1 =	vmul.f32 $1.131370830e+01, v1;
	s15 =	sadd.s32 s5, s15  }
0x272: {  	[tilespmem:s13+$0xB0] =	vst v0;
	v0 =	vmul.f32 $1.131370830e+01, v2;
	s17 =	smul.u32 $0x380, s15  }
0x273: {  	s15 =	smul.u32 $0x1C00, s15;
	[tilespmem:s13+$0xC0] =	vst v1;
	v1 =	vmul.f32 $1.131370830e+01, v3  }
0x274: {  	v2 =	vmul.f32 $1.131370830e+01, v4;
	[tilespmem:s13+$0xD0] =	vst v0  }
0x275: {  	s19 =	sshrl.u32 s15, $0x3;
	[tilespmem:s13+$0xE0] =	vst v1  }
0x276: {  	s18 =	sadd.s32 s4, s17;
	[tilespmem:s13+$0xFFFFFF00] =	vst v2;
	s13 =	sadd.s32 s4, s19  }
0x277: {  	[hbm4b:s18+s3] =	stream.linear.scatter [tilespmem:s22], [sflag:$0xF], $0x1900, $0x38;
	[tilespmem:$0x1C000] =	vst v63  }
0x278: {  	s21 =	simm.s32 $0x17100;
	s13 =	sadd.s32 $0x380, s13  }
0x279: {  	[hbm4b:s13+s3] =	stream.linear.scatter [tilespmem:s21], [sflag:$0xF], $0x1900, $0x38;
	[tilespmem:$0x1C000] =	vst v63  }
0x27a: {  	_ =	swait.ge [sflag:s31], $0x1900  }
0x27b: {  	[sflag:s31] =	ssyncset.done $0x0  }
0x27c: {  	[sflag:s31] =	ssyncadd.s32 $0xFFFFE700  }
0x27d: {  	_ =	swait.ge [sflag:s31], $0x1900  }
0x27e: {  	s11 =	sadd.s32 @!p0 $0x680, s11;
	[sflag:s31] =	ssyncset.done $0x0  }
0x27f: {  	s15 =	simm.s32 @!p0 $0x12400;
	s13 =	simm.s32 @!p0 $0x64;
	[sflag:s31] =	ssyncadd.s32 $0xFFFFE700  }
0x280: {  	[tilespmem:s15], [sflag:$0x6] =	stream.indirect.gather @!p0 [hbm4b:s1+s13], $0x80, s11, s13, $0xb8;
	[tilespmem:$0x1C000] =	vst v63  }
0x281: {  	_ =	swait.ge [sflag:s12], $0x3200  }
0x282: {  	[sflag:s12] =	ssyncset.done $0x0  }
0x283: {  	s11 =	simm.s32 $0x18D00;
	[sflag:s12] =	ssyncadd.s32 $0xFFFFCE00  }
0x284: {  	v0 =	vld [tilespmem:s11+$0xFFFFFF10]  }
0x285: {  	v1 =	vld [tilespmem:s11+$0xFFFFFF20]  }
0x286: {  	v2 =	vld [tilespmem:s11+$0xFFFFFF30]  }
0x287: {  	v5 =	vld [tilespmem:s11+$0xFFFFFF60]  }
0x288: {  	v3 =	vld [tilespmem:s11+$0xFFFFFF40]  }
0x289: {  	v4 =	vld [tilespmem:s11+$0xFFFFFF50]  }
0x28a: {  	v6 =	vld [tilespmem:s11+$0xFFFFFF70];
	v0 =	vmul.f32 $1.131370830e+01, v0  }
0x28b: {  	v7 =	vld [tilespmem:s11+$0xF0];
	v1 =	vmul.f32 $1.131370830e+01, v1  }
0x28c: {  	v8 =	vld [tilespmem:s11+$0x10];
	v5 =	vmul.f32 $1.131370830e+01, v5;
	[tilespmem:s11+$0xFFFFFF10] =	vst v0  }
0x28d: {  	v9 =	vld [tilespmem:s11+$0x20];
	v2 =	vmul.f32 $1.131370830e+01, v2;
	[tilespmem:s11+$0xFFFFFF20] =	vst v1  }
0x28e: {  	v3 =	vmul.f32 $1.131370830e+01, v3;
	[tilespmem:s11+$0xFFFFFF60] =	vst v5;
	v5 =	vld [tilespmem:s11+$0x0]  }
0x28f: {  	v4 =	vmul.f32 $1.131370830e+01, v4;
	v0 =	vld [tilespmem:s11+$0xFFFFFF80];
	[tilespmem:s11+$0xFFFFFF30] =	vst v2  }
0x290: {  	v6 =	vmul.f32 $1.131370830e+01, v6;
	v1 =	vld [tilespmem:s11+$0xFFFFFF90];
	[tilespmem:s11+$0xFFFFFF40] =	vst v3  }
0x291: {  	v8 =	vmul.f32 $1.131370830e+01, v8;
	v2 =	vld [tilespmem:s11+$0xFFFFFFA0];
	[tilespmem:s11+$0xFFFFFF50] =	vst v4  }
0x292: {  	v10 =	vld [tilespmem:s11+$0x30];
	v4 =	vmul.f32 $1.131370830e+01, v7;
	[tilespmem:s11+$0xFFFFFF70] =	vst v6  }
0x293: {  	v3 =	vld [tilespmem:s11+$0xFFFFFFB0];
	[tilespmem:s11+$0x10] =	vst v8;
	v5 =	vmul.f32 $1.131370830e+01, v5  }
0x294: {  	v7 =	vld [tilespmem:s11+$0xFFFFFFC0];
	[tilespmem:s11+$0xF0] =	vst v4;
	v0 =	vmul.f32 $1.131370830e+01, v0  }
0x295: {  	v4 =	vld [tilespmem:s11+$0xFFFFFFD0];
	v1 =	vmul.f32 $1.131370830e+01, v1;
	[tilespmem:s11+$0x0] =	vst v5  }
0x296: {  	v11 =	vld [tilespmem:s11+$0x40];
	v2 =	vmul.f32 $1.131370830e+01, v2;
	[tilespmem:s11+$0xFFFFFF80] =	vst v0  }
0x297: {  	v12 =	vld [tilespmem:s11+$0x50];
	v0 =	vmul.f32 $1.131370830e+01, v9;
	[tilespmem:s11+$0xFFFFFF90] =	vst v1  }
0x298: {  	v6 =	vld [tilespmem:s11+$0x60];
	v1 =	vmul.f32 $1.131370830e+01, v3;
	[tilespmem:s11+$0xFFFFFFA0] =	vst v2  }
0x299: {  	v13 =	vld [tilespmem:s11+$0x70];
	v2 =	vmul.f32 $1.131370830e+01, v7;
	[tilespmem:s11+$0x20] =	vst v0  }
0x29a: {  	v62 =	vld [tilespmem:s11+$0x80];
	v3 =	vmul.f32 $1.131370830e+01, v4;
	[tilespmem:s11+$0xFFFFFFB0] =	vst v1  }
0x29b: {  	v8 =	vld [tilespmem:s11+$0xFFFFFFF0];
	v0 =	vmul.f32 $1.131370830e+01, v10;
	[tilespmem:s11+$0xFFFFFFC0] =	vst v2  }
0x29c: {  	v5 =	vld [tilespmem:s11+$0xFFFFFFE0];
	v1 =	vmul.f32 $1.131370830e+01, v12;
	[tilespmem:s11+$0xFFFFFFD0] =	vst v3  }
0x29d: {  	v2 =	vmul.f32 $1.131370830e+01, v6;
	[tilespmem:s11+$0x30] =	vst v0  }
0x29e: {  	v63 =	vld [tilespmem:s11+$0x90];
	v0 =	vmul.f32 $1.131370830e+01, v11;
	[tilespmem:s11+$0x50] =	vst v1  }
0x29f: {  	v7 =	vld [tilespmem:s11+$0xA0];
	v3 =	vmul.f32 $1.131370830e+01, v13;
	[tilespmem:s11+$0x60] =	vst v2  }
0x2a0: {  	v6 =	vmul.f32 $1.131370830e+01, v62;
	[tilespmem:s11+$0x40] =	vst v0;
	v0 =	vld [tilespmem:s11+$0xB0]  }
0x2a1: {  	v1 =	vld [tilespmem:s11+$0xC0];
	[tilespmem:s11+$0x70] =	vst v3;
	v4 =	vmul.f32 $1.131370830e+01, v5;
	v5 =	vmul.f32 $1.131370830e+01, v8  }
0x2a2: {  	v2 =	vld [tilespmem:s11+$0xD0];
	[tilespmem:s11+$0x80] =	vst v6  }
0x2a3: {  	v3 =	vld [tilespmem:s11+$0xE0];
	[tilespmem:s11+$0xFFFFFFF0] =	vst v5;
	v5 =	vmul.f32 $1.131370830e+01, v63  }
0x2a4: {  	s13 =	simm.s32 $0x0;
	s15 =	simm.s32 $0x18F00;
	v6 =	vmul.f32 $1.131370830e+01, v7;
	[tilespmem:s11+$0xFFFFFFE0] =	vst v4;
	v4 =	vld [tilespmem:s11+$0xFFFFFF00]  }
.LBB2_17:
0x2a5: {  	v7 =	vld [tilespmem:s15+$0xF0];
	s13 =	sadd.s32 $0x4, s13;
	[tilespmem:s11+$0x90] =	vst v5;
	v0 =	vmul.f32 $1.131370830e+01, v0  }
0x2a6: {  	v5 =	vld [tilespmem:s15+$0xFFFFFF10];
	p0 =	slt.u32 s13, $0x60;
	[tilespmem:s11+$0xA0] =	vst v6;
	v1 =	vmul.f32 $1.131370830e+01, v1  }
0x2a7: {  	v6 =	vld [tilespmem:s15+$0xFFFFFF20];
	[tilespmem:s11+$0xB0] =	vst v0;
	v0 =	vmul.f32 $1.131370830e+01, v2  }
0x2a8: {  	v2 =	vld [tilespmem:s15+$0xFFFFFF30];
	[tilespmem:s11+$0xC0] =	vst v1;
	v1 =	vmul.f32 $1.131370830e+01, v3  }
0x2a9: {  	v3 =	vld [tilespmem:s15+$0xFFFFFF40];
	v4 =	vmul.f32 $1.131370830e+01, v4;
	[tilespmem:s11+$0xD0] =	vst v0  }
0x2aa: {  	v0 =	vld [tilespmem:s15+$0xFFFFFF50];
	v7 =	vmul.f32 $1.131370830e+01, v7;
	[tilespmem:s11+$0xE0] =	vst v1  }
0x2ab: {  	v1 =	vmul.f32 $1.131370830e+01, v5;
	v5 =	vld [tilespmem:s15+$0xFFFFFF60];
	[tilespmem:s11+$0xFFFFFF00] =	vst v4;
	s11 =	smov.u32 s15  }
0x2ac: {  	v4 =	vmul.f32 $1.131370830e+01, v6;
	v6 =	vld [tilespmem:s15+$0xFFFFFF70];
	[tilespmem:s15+$0xF0] =	vst v7  }
0x2ad: {  	[tilespmem:s15+$0xFFFFFF10] =	vst v1;
	v1 =	vmul.f32 $1.131370830e+01, v2;
	v2 =	vld [tilespmem:s15+$0xFFFFFF80]  }
0x2ae: {  	[tilespmem:s15+$0xFFFFFF20] =	vst v4;
	v3 =	vmul.f32 $1.131370830e+01, v3;
	v4 =	vld [tilespmem:s15+$0xFFFFFF90]  }
0x2af: {  	[tilespmem:s15+$0xFFFFFF30] =	vst v1;
	v0 =	vmul.f32 $1.131370830e+01, v0;
	v1 =	vld [tilespmem:s15+$0xFFFFFFA0]  }
0x2b0: {  	[tilespmem:s15+$0xFFFFFF40] =	vst v3;
	v3 =	vmul.f32 $1.131370830e+01, v5;
	v5 =	vld [tilespmem:s15+$0xFFFFFFB0]  }
0x2b1: {  	[tilespmem:s15+$0xFFFFFF50] =	vst v0;
	v0 =	vmul.f32 $1.131370830e+01, v6;
	v6 =	vld [tilespmem:s15+$0xFFFFFFC0]  }
0x2b2: {  	[tilespmem:s15+$0xFFFFFF60] =	vst v3;
	v2 =	vmul.f32 $1.131370830e+01, v2;
	v3 =	vld [tilespmem:s15+$0xFFFFFFD0]  }
0x2b3: {  	[tilespmem:s15+$0xFFFFFF70] =	vst v0;
	v0 =	vmul.f32 $1.131370830e+01, v4;
	v4 =	vld [tilespmem:s15+$0xFFFFFFE0]  }
0x2b4: {  	[tilespmem:s15+$0xFFFFFF80] =	vst v2;
	v1 =	vmul.f32 $1.131370830e+01, v1;
	v2 =	vld [tilespmem:s15+$0xFFFFFFF0]  }
0x2b5: {  	[tilespmem:s15+$0xFFFFFF90] =	vst v0;
	v0 =	vmul.f32 $1.131370830e+01, v5;
	v5 =	vld [tilespmem:s15+$0x0]  }
0x2b6: {  	[tilespmem:s15+$0xFFFFFFA0] =	vst v1;
	v1 =	vmul.f32 $1.131370830e+01, v6;
	v6 =	vld [tilespmem:s15+$0x10]  }
0x2b7: {  	[tilespmem:s15+$0xFFFFFFB0] =	vst v0;
	v0 =	vmul.f32 $1.131370830e+01, v3;
	v3 =	vld [tilespmem:s15+$0x20]  }
0x2b8: {  	[tilespmem:s15+$0xFFFFFFC0] =	vst v1;
	v1 =	vmul.f32 $1.131370830e+01, v4;
	v4 =	vld [tilespmem:s15+$0x30]  }
0x2b9: {  	[tilespmem:s15+$0xFFFFFFD0] =	vst v0;
	v0 =	vmul.f32 $1.131370830e+01, v2;
	v2 =	vld [tilespmem:s15+$0x40]  }
0x2ba: {  	[tilespmem:s15+$0xFFFFFFE0] =	vst v1;
	v1 =	vmul.f32 $1.131370830e+01, v5;
	v5 =	vld [tilespmem:s15+$0x50]  }
0x2bb: {  	[tilespmem:s15+$0xFFFFFFF0] =	vst v0;
	v0 =	vmul.f32 $1.131370830e+01, v6;
	v6 =	vld [tilespmem:s15+$0x60]  }
0x2bc: {  	[tilespmem:s15+$0x0] =	vst v1;
	v1 =	vmul.f32 $1.131370830e+01, v3;
	v3 =	vld [tilespmem:s15+$0x70]  }
0x2bd: {  	[tilespmem:s15+$0x10] =	vst v0;
	v0 =	vmul.f32 $1.131370830e+01, v4;
	v4 =	vld [tilespmem:s15+$0x80]  }
0x2be: {  	[tilespmem:s15+$0x20] =	vst v1;
	v1 =	vmul.f32 $1.131370830e+01, v2;
	v7 =	vld [tilespmem:s15+$0x90]  }
0x2bf: {  	[tilespmem:s15+$0x30] =	vst v0;
	v2 =	vmul.f32 $1.131370830e+01, v5;
	v8 =	vld [tilespmem:s15+$0xA0]  }
.Ltmp7:
0x2c0: {  	[tilespmem:s15+$0x40] =	vst v1;
	v5 =	vmul.f32 $1.131370830e+01, v6;
	v0 =	vld [tilespmem:s15+$0xB0];
	(pc) =	sbr.rel @p0 .LBB2_17-.Ltmp7, $4  }
0x2c1: {  	[tilespmem:s15+$0x50] =	vst v2;
	v3 =	vmul.f32 $1.131370830e+01, v3;
	v1 =	vld [tilespmem:s15+$0xC0]  }
0x2c2: {  	[tilespmem:s15+$0x60] =	vst v5;
	v6 =	vmul.f32 $1.131370830e+01, v4;
	v2 =	vld [tilespmem:s15+$0xD0]  }
0x2c3: {  	[tilespmem:s15+$0x70] =	vst v3;
	v5 =	vmul.f32 $1.131370830e+01, v7;
	v3 =	vld [tilespmem:s15+$0xE0]  }
0x2c4: {  	s15 =	sadd.s32 $0x200, s15;
	v4 =	vld [tilespmem:s11+$0xFFFFFF00];
	[tilespmem:s11+$0x80] =	vst v6;
	v6 =	vmul.f32 $1.131370830e+01, v8  }
0x2c5: {  	[tilespmem:s11+$0x90] =	vst v5;
	v0 =	vmul.f32 $1.131370830e+01, v0;
	s13 =	sshll.u32 s28, $0x1  }
0x2c6: {  	[tilespmem:s11+$0xA0] =	vst v6;
	v1 =	vmul.f32 $1.131370830e+01, v1;
	s13 =	sadd.s32 s5, s13  }
0x2c7: {  	[tilespmem:s11+$0xB0] =	vst v0;
	v61 =	vmul.f32 $1.131370830e+01, v2;
	s15 =	smul.u32 $0x380, s13  }
0x2c8: {  	s8 =	sadd.s32 $0x1, s8;
	s13 =	smul.u32 $0x1C00, s13;
	[tilespmem:s11+$0xC0] =	vst v1;
	v62 =	vmul.f32 $1.131370830e+01, v3  }
0x2c9: {  	p0 =	sne.s32 s8, $0x8;
	v63 =	vmul.f32 $1.131370830e+01, v4;
	[tilespmem:s11+$0xD0] =	vst v61  }
.Ltmp8:
0x2ca: {  	s21 =	sshrl.u32 s13, $0x3;
	[tilespmem:s11+$0xE0] =	vst v62;
	(pc) =	sbr.rel @p0 .LBB2_2-.Ltmp8, $4  }
0x2cb: {  	s19 =	sadd.s32 s4, s15;
	[tilespmem:s11+$0xFFFFFF00] =	vst v63;
	s11 =	sadd.s32 s4, s21  }
0x2cc: {  	[hbm4b:s19+s3] =	stream.linear.scatter [tilespmem:s25], [sflag:$0x10], $0x1900, $0x38;
	[tilespmem:$0x1C000] =	vst v63  }
0x2cd: {  	s28 =	simm.s32 $0x1A500;
	s11 =	sadd.s32 $0x380, s11  }
0x2ce: {  	[hbm4b:s11+s3] =	stream.linear.scatter [tilespmem:s28], [sflag:$0x10], $0x1900, $0x38;
	[tilespmem:$0x1C000] =	vst v63  }
0x2cf: {  	s8 =	simm.s32 $0xF  }
0x2d0: {  	_ =	swait.ge [sflag:s8], $0x1900  }
0x2d1: {  	[sflag:s8] =	ssyncset.done $0x0  }
0x2d2: {  	[sflag:s8] =	ssyncadd.s32 $0xFFFFE700  }
0x2d3: {  	_ =	swait.ge [sflag:s8], $0x1900  }
0x2d4: {  	[sflag:s8] =	ssyncset.done $0x0  }
0x2d5: {  	s11 =	simm.s32 $0x10;
	[sflag:s8] =	ssyncadd.s32 $0xFFFFE700  }
0x2d6: {  	_ =	swait.ge [sflag:s11], $0x1900  }
0x2d7: {  	[sflag:s11] =	ssyncset.done $0x0  }
0x2d8: {  	[sflag:s11] =	ssyncadd.s32 $0xFFFFE700  }
0x2d9: {  	_ =	swait.ge [sflag:s11], $0x1900  }
0x2da: {  	s13 =	rddreg [dreg:$0x6]  }
0x2db: {  	s28 =	rddreg [dreg:$0x5];
	s13 =	sadd.s32 $0x1, s13  }
0x2dc: {  	p0 =	sne.s32 s13, s28  }
.Ltmp9:
0x2dd: {  	_ = 	snop;
	(pc) =	sbr.rel @p0 .LBB2_1-.Ltmp9, $3  }
0x2de: {  	_ =	sdelay $0x1  }
0x2df: {  	[sflag:s11] =	ssyncset.done $0x0  }
0x2e0: {  	[sflag:s11] =	ssyncadd.s32 $0xFFFFE700  }
0x2e1: {  	_ =	sfence.sel $0x180000  }
0x2e2: {  	[bflag:$0x0] =	sbarrier.arrive $0xFFFF  }
0x2e3: {  	_ =	strace $0x90000047  }
0x2e4: {  	s0 =	stileid.u32;
	[bflag:$0x2] =	sbarrier.arrive $0xFFFF  }
0x2e5: {  	p0 =	sne.s32 s0, $0x0;
	s0 =	rddreg [dreg:$0x3]  }
0x2e6: {  	s0 =	sadd.s32 @!p0 $0x100000, s0  }
0x2e7: {  	[sflag:s0] =	ssyncadd.tile.s32 @!p0 $0x1;
	_ =	shalt  }
.Lfunc_end2:
_tile_overlayer_lowered:
.L_overlay_start_2:
0x2e8: {  	(tag) =	ssettag $0x2  }
0x2e9: {  	s0 =	rddreg [dreg:$0x0];
	s2 =	stileid.u32  }
0x2ea: {  	s1 =	rddreg [dreg:$0x1];
	p0 =	sne.s32 s2, $0x0  }
0x2eb: {  	s3 =	rddreg [dreg:$0x2];
	[bflag:$0x3] =	sbarrier.arrive $0xFFFF;
	s2 =	simm.s32 @!p0 $0x1C11  }
0x2ec: {  	[timem:s3], [sflag:s2] =	dma.local @!p0 [hbm:s0], s1  }
0x2ed: {  	s0 =	simm.s32 @!p0 $0x11  }
0x2ee: {  	_ =	swait.ge @!p0 [sflag:s0], s1  }
0x2ef: {  	s1 =	ssub.s32 @!p0 $0x0, s1;
	[sflag:s0] =	ssyncset.done @!p0 $0x0  }
0x2f0: {  	[sflag:s0] =	ssyncadd.s32 @!p0 s1  }
0x2f1: {  	[bflag:$0x3] =	sbarrier.arrive $0xFFFF  }
0x2f2: {  	_ =	shalt  }

</sc_bundles>
